<compile_context>
chip_gen: v7x
topology: tpu7x:2x2x1
jax: 0.10.2.dev20260603
libtpu: 0.0.44.dev20260713+nightly
codegen_flags: <defaults>
</compile_context>

<pallas_src>
import jax
import jax.numpy as jnp
from jax import lax
from jax.experimental import pallas as pl
from jax.experimental.pallas import tpu as pltpu
from jax.experimental.pallas import tpu_sc as plsc

N = 10000
E = 160000
D = 256
EDIM = 7
H = 128
NSUB = 16
EPS = E // NSUB
B = 80
NCH = 124
TAIL = EPS - NCH * B
RPS = 624
RTAIL = N - NSUB * RPS



def _tc_node_body(nfeat_ref, wl_ref, bl_ref, be_ref, root_ref, degs_ref,
                  hb_ref, rst0_ref):
    h = jnp.dot(nfeat_ref[...], wl_ref[...], preferred_element_type=jnp.float32)
    h = h + bl_ref[...]
    hb_ref[...] = h + be_ref[...]
    rst0_ref[...] = jnp.maximum(h + root_ref[...], 0.0) / degs_ref[...]


def _tc_node(nfeat, Wl, bl2, be2, root_emb, degs):
    R = 2000
    grid = (2, N // R)
    return pl.pallas_call(
        _tc_node_body,
        grid=grid,
        in_specs=[
            pl.BlockSpec((R, D), lambda j, i: (i, 0)),
            pl.BlockSpec((D, H), lambda j, i: (0, j)),
            pl.BlockSpec((1, H), lambda j, i: (0, j)),
            pl.BlockSpec((1, H), lambda j, i: (0, j)),
            pl.BlockSpec((1, H), lambda j, i: (0, j)),
            pl.BlockSpec((R, 1), lambda j, i: (i, 0)),
        ],
        out_specs=[
            pl.BlockSpec((R, H), lambda j, i: (j * (N // R) + i, 0)),
            pl.BlockSpec((R, H), lambda j, i: (j * (N // R) + i, 0)),
        ],
        out_shape=[
            jax.ShapeDtypeStruct((2 * N, H), jnp.float32),
            jax.ShapeDtypeStruct((2 * N, H), jnp.float32),
        ],
    )(nfeat, Wl, bl2, be2, root_emb, degs)



def _sc_body(hb, weh, rst0, efp, srci, dsti, out,
             acc,
             srcv0, srcv1, dstv0, dstv1,
             hrows0, hrows1, efv0, efv1,
             sbuf0, sbuf1, wvm,
             sl0, sl1, sg0, sg1, st):
    c = lax.axis_index("c")
    s = lax.axis_index("s")
    cN = c * N
    cE = c * E
    r0 = s * RPS
    e0 = s * EPS

    srcv = (srcv0, srcv1)
    dstv = (dstv0, dstv1)
    hrows = (hrows0, hrows1)
    efv = (efv0, efv1)
    sbuf = (sbuf0, sbuf1)
    sl = (sl0, sl1)
    sg = (sg0, sg1)

    pltpu.sync_copy(weh.at[pl.ds(c * 8, 8)], wvm)

    pltpu.sync_copy(rst0.at[pl.ds(cN + r0, RPS)], acc.at[pl.ds(r0, RPS)])

    @pl.when(s == 0)
    def _():
        pltpu.sync_copy(rst0.at[pl.ds(cN + NSUB * RPS, RTAIL)],
                        acc.at[pl.ds(NSUB * RPS, RTAIL)])

    plsc.subcore_barrier()

    def issue_loads(t, b):
        base = e0 + t * B
        pltpu.async_copy(srci.at[pl.ds(cE + base, B)], srcv[b], sl[b])
        pltpu.async_copy(dsti.at[pl.ds(base, B)], dstv[b], sl[b])
        pltpu.async_copy(efp.at[pl.ds(base * 8, B * 8)], efv[b], sl[b])

    def wait_loads(t, b):
        base = e0 + t * B
        pltpu.make_async_copy(srci.at[pl.ds(cE + base, B)], srcv[b], sl[b]).wait()
        pltpu.make_async_copy(dsti.at[pl.ds(base, B)], dstv[b], sl[b]).wait()
        pltpu.make_async_copy(efp.at[pl.ds(base * 8, B * 8)], efv[b], sl[b]).wait()

    def compute_chunk(hr, ef, sb):
        for p in range(2):
            wv = [[wvm[k, pl.ds((p * 4 + q) * 16, 16)] for q in range(4)]
                  for k in range(EDIM)]

            def edge_pair(j2, c2):
                fv = ef[pl.ds(j2 * 16, 16)]
                for half in range(2):
                    e = 2 * j2 + half
                    lane = 8 * half
                    nsc = fv[lane + 7]
                    sk = [nsc * fv[lane + k] for k in range(EDIM)]
                    for q in range(4):
                        col = (p * 4 + q) * 16
                        acc_v = nsc * hr[e, pl.ds(col, 16)]
                        for k in range(EDIM):
                            acc_v = acc_v + sk[k] * wv[k][q]
                        sb[e, pl.ds(col, 16)] = jnp.maximum(acc_v, 0.0)
                return c2

            lax.fori_loop(0, B // 2, edge_pair, 0)

    issue_loads(0, 0)
    issue_loads(1, 1)
    wait_loads(0, 0)
    pltpu.async_copy(hb.at[srcv[0]], hrows[0], sg[0])

    def outer(o, carry):
        for b in (0, 1):
            t = 2 * o + b
            nb = 1 - b

            @pl.when(t + 1 < NCH)
            def _():
                wait_loads(t + 1, nb)
                pltpu.async_copy(hb.at[srcv[nb]], hrows[nb], sg[nb])

            pltpu.make_async_copy(hb.at[srcv[b]], hrows[b], sg[b]).wait()
            compute_chunk(hrows[b], efv[b], sbuf[b])
            pltpu.sync_copy(sbuf[b], acc.at[dstv[b]], add=True)

            @pl.when(t + 2 < NCH)
            def _():
                issue_loads(t + 2, b)
        return carry

    lax.fori_loop(0, NCH // 2, outer, 0)

    tb = e0 + NCH * B
    pltpu.sync_copy(srci.at[pl.ds(cE + tb, B)], srcv0)
    pltpu.sync_copy(dsti.at[pl.ds(tb, B)], dstv0)
    pltpu.sync_copy(efp.at[pl.ds(tb * 8, B * 8)], efv0)
    pltpu.async_copy(hb.at[srcv0], hrows0, st).wait()
    compute_chunk(hrows0, efv0, sbuf0)
    pltpu.sync_copy(sbuf0, acc.at[dstv0], add=True)

    plsc.subcore_barrier()
    pltpu.sync_copy(acc.at[pl.ds(r0, RPS)], out.at[pl.ds(cN + r0, RPS)])

    @pl.when(s == 0)
    def _():
        pltpu.sync_copy(acc.at[pl.ds(NSUB * RPS, RTAIL)],
                        out.at[pl.ds(cN + NSUB * RPS, RTAIL)])


def _sc_edge_aggregate(hb, weh, rst0, efp, srcN2, dst):
    mesh = plsc.VectorSubcoreMesh(core_axis_name="c", subcore_axis_name="s")
    return pl.kernel(
        _sc_body,
        out_type=jax.ShapeDtypeStruct((2 * N, H), jnp.float32),
        mesh=mesh,
        scratch_types=[
            pltpu.VMEM_SHARED((N, H), jnp.float32),
            pltpu.VMEM((B,), jnp.int32), pltpu.VMEM((B,), jnp.int32),
            pltpu.VMEM((B,), jnp.int32), pltpu.VMEM((B,), jnp.int32),
            pltpu.VMEM((B, H), jnp.float32), pltpu.VMEM((B, H), jnp.float32),
            pltpu.VMEM((B * 8,), jnp.float32), pltpu.VMEM((B * 8,), jnp.float32),
            pltpu.VMEM((B, H), jnp.float32), pltpu.VMEM((B, H), jnp.float32),
            pltpu.VMEM((8, H), jnp.float32),
            pltpu.SemaphoreType.DMA, pltpu.SemaphoreType.DMA,
            pltpu.SemaphoreType.DMA, pltpu.SemaphoreType.DMA,
            pltpu.SemaphoreType.DMA,
        ],
    )(hb, weh, rst0, efp, srcN2, dst)



def kernel(nfeat, efeat, degs, norm, edge_index, Wl, bl, We, be, root_emb):
    hb, rst0 = _tc_node(nfeat, Wl, bl.reshape(1, D), be.reshape(1, D),
                        root_emb, degs)
    zrow = jnp.zeros((1, H), jnp.float32)
    weh = jnp.concatenate([We[:, :H], zrow, We[:, H:], zrow])
    efp = jnp.concatenate([efeat, norm], axis=1).reshape(E * 8)
    src = edge_index[0]
    srcN2 = jnp.concatenate([src, src + N])
    out = _sc_edge_aggregate(hb, weh, rst0, efp, srcN2, edge_index[1])
    out2 = out.reshape(2, N, H)
    return jnp.concatenate([out2[0], out2[1]], axis=1)

# --- scband reference (transcript-rebuilt; emitter-appended) ---
"""Pipeline reference for scband-graph-conv-ogbppa-64338610094505 (READ-ONLY COPY).

The authoritative reference and input builder live on the scoring server;
editing this copy changes nothing except your own understanding.
"""

import jax, jax.numpy as jnp
import numpy as np

N = 10000
E = 160000
D = 256
EDIM = 7


def setup_inputs(seed: int = 0) -> dict:
    key = jax.random.key(seed)
    k1, k2, k3, k4, k5, k6 = jax.random.split(key, 6)
    edge_index = jax.random.randint(k1, (2, E), 0, N, dtype=jnp.int32)
    nfeat = jax.random.normal(k2, (N, D), dtype=jnp.float32)
    efeat = jax.random.normal(k3, (E, EDIM), dtype=jnp.float32)
    src = edge_index[0]
    dst = edge_index[1]
    # realistic degrees (in-degree + 1, as in OGB GCN) and symmetric norm
    deg = jax.ops.segment_sum(jnp.ones((E,), dtype=jnp.float32), dst, num_segments=N) + 1.0
    degs = deg[:, None]
    dinv = deg ** -0.5
    norm = (dinv[src] * dinv[dst])[:, None]
    # learned parameters
    Wl = jax.random.normal(k4, (D, D), dtype=jnp.float32) * (1.0 / np.sqrt(D))
    bl = jnp.zeros((D,), dtype=jnp.float32)
    We = jax.random.normal(k5, (EDIM, D), dtype=jnp.float32) * (1.0 / np.sqrt(EDIM))
    be = jnp.zeros((D,), dtype=jnp.float32)
    root_emb = jax.random.normal(k6, (1, D), dtype=jnp.float32) * 0.02
    return {
        "nfeat": nfeat,
        "efeat": efeat,
        "degs": degs,
        "norm": norm,
        "edge_index": edge_index,
        "Wl": Wl,
        "bl": bl,
        "We": We,
        "be": be,
        "root_emb": root_emb,
    }


def reference(nfeat, efeat, degs, norm, edge_index, Wl, bl, We, be, root_emb):
    # nfeat = self.linear(nfeat)
    h = nfeat @ Wl + bl
    # edge_embedding = self.edge_encoder(efeat)
    edge_embedding = efeat @ We + be
    src = edge_index[0]
    dst = edge_index[1]
    # apply_edges(copy_src('h','e')): e = h[src]
    # edata['e'] = norm * relu(e + edge_embedding)
    e = norm * jax.nn.relu(h[src] + edge_embedding)
    # update_all(copy_edge('e','m'), sum('m','ft')): scatter-add to dst
    ft = jax.ops.segment_sum(e, dst, num_segments=N)
    # rst = ft + relu(h + root_emb) * 1.0 / degs
    rst = ft + jax.nn.relu(h + root_emb) * (1.0 / degs)
    # activation is None
    return rst

if __name__ == "__main__":
    import jax
    _d = setup_inputs()
    print(jax.jit(kernel)(*tuple(_d.values())))

</pallas_src>

<mosaic_0001>
#map = affine_map<(d0, d1) -> (0, 0)>
#map1 = affine_map<(d0, d1) -> (0)>
module attributes {stable_mosaic.version = 14 : i64} {
  func.func @_sc_body(%arg0: i32, %arg1: i32, %arg2: memref<20000x128xf32, #tpu.memory_space<hbm>>, %arg3: memref<16x128xf32, #tpu.memory_space<hbm>>, %arg4: memref<20000x128xf32, #tpu.memory_space<hbm>>, %arg5: memref<1280000xf32, #tpu.memory_space<hbm>>, %arg6: memref<320000xi32, #tpu.memory_space<hbm>>, %arg7: memref<160000xi32, #tpu.memory_space<hbm>>, %arg8: memref<20000x128xf32, #tpu.memory_space<hbm>>, %arg9: memref<10000x128xf32, #tpu.memory_space<vmem_shared>>, %arg10: memref<80xi32, #tpu.memory_space<vmem>>, %arg11: memref<80xi32, #tpu.memory_space<vmem>>, %arg12: memref<80xi32, #tpu.memory_space<vmem>>, %arg13: memref<80xi32, #tpu.memory_space<vmem>>, %arg14: memref<80x128xf32, #tpu.memory_space<vmem>>, %arg15: memref<80x128xf32, #tpu.memory_space<vmem>>, %arg16: memref<640xf32, #tpu.memory_space<vmem>>, %arg17: memref<640xf32, #tpu.memory_space<vmem>>, %arg18: memref<80x128xf32, #tpu.memory_space<vmem>>, %arg19: memref<80x128xf32, #tpu.memory_space<vmem>>, %arg20: memref<8x128xf32, #tpu.memory_space<vmem>>, %arg21: memref<!tpu.dma_semaphore, #tpu.memory_space<semaphore_mem>>, %arg22: memref<!tpu.dma_semaphore, #tpu.memory_space<semaphore_mem>>, %arg23: memref<!tpu.dma_semaphore, #tpu.memory_space<semaphore_mem>>, %arg24: memref<!tpu.dma_semaphore, #tpu.memory_space<semaphore_mem>>, %arg25: memref<!tpu.dma_semaphore, #tpu.memory_space<semaphore_mem>>) attributes {dimension_semantics = [#tpu.dimension_semantics<core_parallel>, #tpu.dimension_semantics<subcore_parallel>], iteration_bounds = array<i64: 2, 16>, scalar_prefetch = 0 : i64, scratch_operands = 17 : i64, tpu.core_type = #tpu.core_type<sc_vector_subcore>, window_params = [{transform_indices = #map}, {transform_indices = #map}, {transform_indices = #map}, {transform_indices = #map1}, {transform_indices = #map1}, {transform_indices = #map1}, {transform_indices = #map}]} {
    %mul3A = arith.constant 10000 : i32
    %mul3A_0 = arith.muli %arg0, %mul3A : i32
    %mul3A_1 = arith.constant 160000 : i32
    %mul3A_2 = arith.muli %arg0, %mul3A_1 : i32
    %mul3A_3 = arith.constant 624 : i32
    %mul3A_4 = arith.muli %arg1, %mul3A_3 : i32
    %mul3A_5 = arith.constant 10000 : i32
    %mul3A_6 = arith.muli %arg1, %mul3A_5 : i32
    %mul3A_7 = arith.constant 8 : i32
    %mul3A_8 = arith.muli %arg0, %mul3A_7 : i32
    "tpu.region"() ({
      %run_scoped3A = tpu.sem_alloc : memref<!tpu.dma_semaphore, #tpu.memory_space<semaphore_mem>>
      %dma_start3A_359 = arith.constant 0 : i32
      %dma_start3A_360 = tpu.memref_slice %arg3[%mul3A_8, %dma_start3A_359] : memref<16x128xf32, #tpu.memory_space<hbm>> -> memref<8x128xf32, #tpu.memory_space<hbm>>
      %dma_start3A_361 = arith.constant 0 : i32
      %dma_start3A_362 = tpu.memref_slice %arg3[%mul3A_8, %dma_start3A_361] : memref<16x128xf32, #tpu.memory_space<hbm>> -> memref<8x128xf32, #tpu.memory_space<hbm>>
      tpu.enqueue_dma source(%dma_start3A_362 : memref<8x128xf32, #tpu.memory_space<hbm>>) target(%arg20 : memref<8x128xf32, #tpu.memory_space<vmem>>) target_semaphore(%run_scoped3A : memref<!tpu.dma_semaphore, #tpu.memory_space<semaphore_mem>>)
      %dma_wait3A_363 = arith.constant 0 : i32
      %dma_wait3A_364 = tpu.memref_slice %arg3[%mul3A_8, %dma_wait3A_363] : memref<16x128xf32, #tpu.memory_space<hbm>> -> memref<8x128xf32, #tpu.memory_space<hbm>>
      %dma_wait3A_365 = arith.constant 0 : i32
      %dma_wait3A_366 = tpu.memref_slice %arg3[%mul3A_8, %dma_wait3A_365] : memref<16x128xf32, #tpu.memory_space<hbm>> -> memref<8x128xf32, #tpu.memory_space<hbm>>
      tpu.wait_dma2 semaphore(%run_scoped3A : memref<!tpu.dma_semaphore, #tpu.memory_space<semaphore_mem>>) src(%dma_wait3A_366 : memref<8x128xf32, #tpu.memory_space<hbm>>) dst(%arg20 : memref<8x128xf32, #tpu.memory_space<vmem>>)
      tpu.yield
    }) : () -> ()
    %add3A = arith.addi %mul3A_0, %mul3A_4 : i32
    "tpu.region"() ({
      %run_scoped3A = tpu.sem_alloc : memref<!tpu.dma_semaphore, #tpu.memory_space<semaphore_mem>>
      %dma_start3A_359 = arith.constant 0 : i32
      %dma_start3A_360 = tpu.memref_slice %arg9[%mul3A_4, %dma_start3A_359] : memref<10000x128xf32, #tpu.memory_space<vmem_shared>> -> memref<624x128xf32, #tpu.memory_space<vmem_shared>>
      %dma_start3A_361 = arith.constant 0 : i32
      %dma_start3A_362 = tpu.memref_slice %arg4[%add3A, %dma_start3A_361] : memref<20000x128xf32, #tpu.memory_space<hbm>> -> memref<624x128xf32, #tpu.memory_space<hbm>>
      tpu.enqueue_dma source(%dma_start3A_362 : memref<624x128xf32, #tpu.memory_space<hbm>>) target(%dma_start3A_360 : memref<624x128xf32, #tpu.memory_space<vmem_shared>>) target_semaphore(%run_scoped3A : memref<!tpu.dma_semaphore, #tpu.memory_space<semaphore_mem>>)
      %dma_wait3A_363 = arith.constant 0 : i32
      %dma_wait3A_364 = tpu.memref_slice %arg9[%mul3A_4, %dma_wait3A_363] : memref<10000x128xf32, #tpu.memory_space<vmem_shared>> -> memref<624x128xf32, #tpu.memory_space<vmem_shared>>
      %dma_wait3A_365 = arith.constant 0 : i32
      %dma_wait3A_366 = tpu.memref_slice %arg4[%add3A, %dma_wait3A_365] : memref<20000x128xf32, #tpu.memory_space<hbm>> -> memref<624x128xf32, #tpu.memory_space<hbm>>
      tpu.wait_dma2 semaphore(%run_scoped3A : memref<!tpu.dma_semaphore, #tpu.memory_space<semaphore_mem>>) src(%dma_wait3A_366 : memref<624x128xf32, #tpu.memory_space<hbm>>) dst(%dma_wait3A_364 : memref<624x128xf32, #tpu.memory_space<vmem_shared>>)
      tpu.yield
    }) : () -> ()
    %eq3A = arith.constant 0 : i32
    %eq3A_9 = arith.cmpi eq, %arg1, %eq3A : i32
    %convert_element_type3A = arith.extui %eq3A_9 : i1 to i32
    %cond3A = arith.constant 0 : i32
    %cond3A_10 = arith.cmpi ne, %convert_element_type3A, %cond3A : i32
    scf.if %cond3A_10 {
      %add3A_359 = arith.constant 9984 : i32
      %add3A_360 = arith.addi %mul3A_0, %add3A_359 : i32
      "tpu.region"() ({
        %run_scoped3A = tpu.sem_alloc : memref<!tpu.dma_semaphore, #tpu.memory_space<semaphore_mem>>
        %dma_start3A_361 = arith.constant 9984 : i32
        %dma_start3A_362 = arith.constant 0 : i32
        %dma_start3A_363 = tpu.memref_slice %arg9[%dma_start3A_361, %dma_start3A_362] : memref<10000x128xf32, #tpu.memory_space<vmem_shared>> -> memref<16x128xf32, #tpu.memory_space<vmem_shared>>
        %dma_start3A_364 = arith.constant 0 : i32
        %dma_start3A_365 = tpu.memref_slice %arg4[%add3A_360, %dma_start3A_364] : memref<20000x128xf32, #tpu.memory_space<hbm>> -> memref<16x128xf32, #tpu.memory_space<hbm>>
        tpu.enqueue_dma source(%dma_start3A_365 : memref<16x128xf32, #tpu.memory_space<hbm>>) target(%dma_start3A_363 : memref<16x128xf32, #tpu.memory_space<vmem_shared>>) target_semaphore(%run_scoped3A : memref<!tpu.dma_semaphore, #tpu.memory_space<semaphore_mem>>)
        %dma_wait3A_366 = arith.constant 9984 : i32
        %dma_wait3A_367 = arith.constant 0 : i32
        %dma_wait3A_368 = tpu.memref_slice %arg9[%dma_wait3A_366, %dma_wait3A_367] : memref<10000x128xf32, #tpu.memory_space<vmem_shared>> -> memref<16x128xf32, #tpu.memory_space<vmem_shared>>
        %dma_wait3A_369 = arith.constant 0 : i32
        %dma_wait3A_370 = tpu.memref_slice %arg4[%add3A_360, %dma_wait3A_369] : memref<20000x128xf32, #tpu.memory_space<hbm>> -> memref<16x128xf32, #tpu.memory_space<hbm>>
        tpu.wait_dma2 semaphore(%run_scoped3A : memref<!tpu.dma_semaphore, #tpu.memory_space<semaphore_mem>>) src(%dma_wait3A_370 : memref<16x128xf32, #tpu.memory_space<hbm>>) dst(%dma_wait3A_368 : memref<16x128xf32, #tpu.memory_space<vmem_shared>>)
        tpu.yield
      }) : () -> ()
    } else {
    }
    %barrier3A = arith.constant 0 : index
    tpu.barrier barrier_id(%barrier3A)
    %add3A_11 = arith.constant 0 : i32
    %add3A_12 = arith.addi %mul3A_6, %add3A_11 : i32
    %add3A_13 = arith.addi %mul3A_2, %add3A_12 : i32
    %dma_start3A = tpu.memref_slice %arg6[%add3A_13] : memref<320000xi32, #tpu.memory_space<hbm>> -> memref<80xi32, #tpu.memory_space<hbm>>
    %dma_start3A_14 = tpu.memref_slice %arg6[%add3A_13] : memref<320000xi32, #tpu.memory_space<hbm>> -> memref<80xi32, #tpu.memory_space<hbm>>
    tpu.enqueue_dma source(%dma_start3A_14 : memref<80xi32, #tpu.memory_space<hbm>>) target(%arg10 : memref<80xi32, #tpu.memory_space<vmem>>) target_semaphore(%arg21 : memref<!tpu.dma_semaphore, #tpu.memory_space<semaphore_mem>>)
    %dma_start3A_15 = tpu.memref_slice %arg7[%add3A_12] : memref<160000xi32, #tpu.memory_space<hbm>> -> memref<80xi32, #tpu.memory_space<hbm>>
    %dma_start3A_16 = tpu.memref_slice %arg7[%add3A_12] : memref<160000xi32, #tpu.memory_space<hbm>> -> memref<80xi32, #tpu.memory_space<hbm>>
    tpu.enqueue_dma source(%dma_start3A_16 : memref<80xi32, #tpu.memory_space<hbm>>) target(%arg12 : memref<80xi32, #tpu.memory_space<vmem>>) target_semaphore(%arg21 : memref<!tpu.dma_semaphore, #tpu.memory_space<semaphore_mem>>)
    %mul3A_17 = arith.constant 8 : i32
    %mul3A_18 = arith.muli %add3A_12, %mul3A_17 : i32
    %dma_start3A_19 = tpu.memref_slice %arg5[%mul3A_18] : memref<1280000xf32, #tpu.memory_space<hbm>> -> memref<640xf32, #tpu.memory_space<hbm>>
    %dma_start3A_20 = tpu.memref_slice %arg5[%mul3A_18] : memref<1280000xf32, #tpu.memory_space<hbm>> -> memref<640xf32, #tpu.memory_space<hbm>>
    tpu.enqueue_dma source(%dma_start3A_20 : memref<640xf32, #tpu.memory_space<hbm>>) target(%arg16 : memref<640xf32, #tpu.memory_space<vmem>>) target_semaphore(%arg21 : memref<!tpu.dma_semaphore, #tpu.memory_space<semaphore_mem>>)
    %add3A_21 = arith.constant 80 : i32
    %add3A_22 = arith.addi %mul3A_6, %add3A_21 : i32
    %add3A_23 = arith.addi %mul3A_2, %add3A_22 : i32
    %dma_start3A_24 = tpu.memref_slice %arg6[%add3A_23] : memref<320000xi32, #tpu.memory_space<hbm>> -> memref<80xi32, #tpu.memory_space<hbm>>
    %dma_start3A_25 = tpu.memref_slice %arg6[%add3A_23] : memref<320000xi32, #tpu.memory_space<hbm>> -> memref<80xi32, #tpu.memory_space<hbm>>
    tpu.enqueue_dma source(%dma_start3A_25 : memref<80xi32, #tpu.memory_space<hbm>>) target(%arg11 : memref<80xi32, #tpu.memory_space<vmem>>) target_semaphore(%arg22 : memref<!tpu.dma_semaphore, #tpu.memory_space<semaphore_mem>>)
    %dma_start3A_26 = tpu.memref_slice %arg7[%add3A_22] : memref<160000xi32, #tpu.memory_space<hbm>> -> memref<80xi32, #tpu.memory_space<hbm>>
    %dma_start3A_27 = tpu.memref_slice %arg7[%add3A_22] : memref<160000xi32, #tpu.memory_space<hbm>> -> memref<80xi32, #tpu.memory_space<hbm>>
    tpu.enqueue_dma source(%dma_start3A_27 : memref<80xi32, #tpu.memory_space<hbm>>) target(%arg13 : memref<80xi32, #tpu.memory_space<vmem>>) target_semaphore(%arg22 : memref<!tpu.dma_semaphore, #tpu.memory_space<semaphore_mem>>)
    %mul3A_28 = arith.constant 8 : i32
    %mul3A_29 = arith.muli %add3A_22, %mul3A_28 : i32
    %dma_start3A_30 = tpu.memref_slice %arg5[%mul3A_29] : memref<1280000xf32, #tpu.memory_space<hbm>> -> memref<640xf32, #tpu.memory_space<hbm>>
    %dma_start3A_31 = tpu.memref_slice %arg5[%mul3A_29] : memref<1280000xf32, #tpu.memory_space<hbm>> -> memref<640xf32, #tpu.memory_space<hbm>>
    tpu.enqueue_dma source(%dma_start3A_31 : memref<640xf32, #tpu.memory_space<hbm>>) target(%arg17 : memref<640xf32, #tpu.memory_space<vmem>>) target_semaphore(%arg22 : memref<!tpu.dma_semaphore, #tpu.memory_space<semaphore_mem>>)
    %add3A_32 = arith.constant 0 : i32
    %add3A_33 = arith.addi %mul3A_6, %add3A_32 : i32
    %add3A_34 = arith.addi %mul3A_2, %add3A_33 : i32
    %dma_wait3A = tpu.memref_slice %arg6[%add3A_34] : memref<320000xi32, #tpu.memory_space<hbm>> -> memref<80xi32, #tpu.memory_space<hbm>>
    %dma_wait3A_35 = tpu.memref_slice %arg6[%add3A_34] : memref<320000xi32, #tpu.memory_space<hbm>> -> memref<80xi32, #tpu.memory_space<hbm>>
    tpu.wait_dma2 semaphore(%arg21 : memref<!tpu.dma_semaphore, #tpu.memory_space<semaphore_mem>>) src(%dma_wait3A_35 : memref<80xi32, #tpu.memory_space<hbm>>) dst(%arg10 : memref<80xi32, #tpu.memory_space<vmem>>)
    %dma_wait3A_36 = tpu.memref_slice %arg7[%add3A_33] : memref<160000xi32, #tpu.memory_space<hbm>> -> memref<80xi32, #tpu.memory_space<hbm>>
    %dma_wait3A_37 = tpu.memref_slice %arg7[%add3A_33] : memref<160000xi32, #tpu.memory_space<hbm>> -> memref<80xi32, #tpu.memory_space<hbm>>
    tpu.wait_dma2 semaphore(%arg21 : memref<!tpu.dma_semaphore, #tpu.memory_space<semaphore_mem>>) src(%dma_wait3A_37 : memref<80xi32, #tpu.memory_space<hbm>>) dst(%arg12 : memref<80xi32, #tpu.memory_space<vmem>>)
    %mul3A_38 = arith.constant 8 : i32
    %mul3A_39 = arith.muli %add3A_33, %mul3A_38 : i32
    %dma_wait3A_40 = tpu.memref_slice %arg5[%mul3A_39] : memref<1280000xf32, #tpu.memory_space<hbm>> -> memref<640xf32, #tpu.memory_space<hbm>>
    %dma_wait3A_41 = tpu.memref_slice %arg5[%mul3A_39] : memref<1280000xf32, #tpu.memory_space<hbm>> -> memref<640xf32, #tpu.memory_space<hbm>>
    tpu.wait_dma2 semaphore(%arg21 : memref<!tpu.dma_semaphore, #tpu.memory_space<semaphore_mem>>) src(%dma_wait3A_41 : memref<640xf32, #tpu.memory_space<hbm>>) dst(%arg16 : memref<640xf32, #tpu.memory_space<vmem>>)
    %dma_start3A_42 = arith.constant 0 : i32
    %dma_start3A_43 = arith.constant 0 : i32
    %dma_start3A_44 = tpu.memref_slice %arg2[%dma_start3A_42, %dma_start3A_43] : memref<20000x128xf32, #tpu.memory_space<hbm>> -> memref<20000x128xf32, #tpu.memory_space<hbm>>
    tpu.enqueue_indirect_dma source(%dma_start3A_44 : memref<20000x128xf32, #tpu.memory_space<hbm>>) target(%arg14 : memref<80x128xf32, #tpu.memory_space<vmem>>) offsets(%arg10 : memref<80xi32, #tpu.memory_space<vmem>>) semaphore(%arg23 : memref<!tpu.dma_semaphore, #tpu.memory_space<semaphore_mem>>)
    %scan3A = arith.constant 0 : i32
    %scan3A_45 = arith.constant 0 : i32
    %scan3A_46 = arith.constant 62 : i32
    %scan3A_47 = arith.addi %scan3A_45, %scan3A_46 : i32
    %scan3A_48 = arith.constant 1 : i32
    scf.for %scan3A_359 = %scan3A_45 to %scan3A_47 step %scan3A_48  : i32 {
      %mul3A_360 = arith.constant 2 : i32
      %mul3A_361 = arith.muli %mul3A_360, %scan3A_359 : i32
      %add3A_362 = arith.constant 0 : i32
      %add3A_363 = arith.addi %mul3A_361, %add3A_362 : i32
      %add3A_364 = arith.constant 1 : i32
      %add3A_365 = arith.addi %add3A_363, %add3A_364 : i32
      %lt3A = arith.constant 124 : i32
      %lt3A_366 = arith.cmpi slt, %add3A_365, %lt3A : i32
      %convert_element_type3A_367 = arith.extui %lt3A_366 : i1 to i32
      %cond3A_368 = arith.constant 0 : i32
      %cond3A_369 = arith.cmpi ne, %convert_element_type3A_367, %cond3A_368 : i32
      scf.if %cond3A_369 {
        %add3A_985 = arith.constant 1 : i32
        %add3A_986 = arith.addi %add3A_363, %add3A_985 : i32
        %mul3A_987 = arith.constant 80 : i32
        %mul3A_988 = arith.muli %add3A_986, %mul3A_987 : i32
        %add3A_989 = arith.addi %mul3A_6, %mul3A_988 : i32
        %add3A_990 = arith.addi %mul3A_2, %add3A_989 : i32
        %dma_wait3A_991 = tpu.memref_slice %arg6[%add3A_990] : memref<320000xi32, #tpu.memory_space<hbm>> -> memref<80xi32, #tpu.memory_space<hbm>>
        %dma_wait3A_992 = tpu.memref_slice %arg6[%add3A_990] : memref<320000xi32, #tpu.memory_space<hbm>> -> memref<80xi32, #tpu.memory_space<hbm>>
        tpu.wait_dma2 semaphore(%arg22 : memref<!tpu.dma_semaphore, #tpu.memory_space<semaphore_mem>>) src(%dma_wait3A_992 : memref<80xi32, #tpu.memory_space<hbm>>) dst(%arg11 : memref<80xi32, #tpu.memory_space<vmem>>)
        %dma_wait3A_993 = tpu.memref_slice %arg7[%add3A_989] : memref<160000xi32, #tpu.memory_space<hbm>> -> memref<80xi32, #tpu.memory_space<hbm>>
        %dma_wait3A_994 = tpu.memref_slice %arg7[%add3A_989] : memref<160000xi32, #tpu.memory_space<hbm>> -> memref<80xi32, #tpu.memory_space<hbm>>
        tpu.wait_dma2 semaphore(%arg22 : memref<!tpu.dma_semaphore, #tpu.memory_space<semaphore_mem>>) src(%dma_wait3A_994 : memref<80xi32, #tpu.memory_space<hbm>>) dst(%arg13 : memref<80xi32, #tpu.memory_space<vmem>>)
        %mul3A_995 = arith.constant 8 : i32
        %mul3A_996 = arith.muli %add3A_989, %mul3A_995 : i32
        %dma_wait3A_997 = tpu.memref_slice %arg5[%mul3A_996] : memref<1280000xf32, #tpu.memory_space<hbm>> -> memref<640xf32, #tpu.memory_space<hbm>>
        %dma_wait3A_998 = tpu.memref_slice %arg5[%mul3A_996] : memref<1280000xf32, #tpu.memory_space<hbm>> -> memref<640xf32, #tpu.memory_space<hbm>>
        tpu.wait_dma2 semaphore(%arg22 : memref<!tpu.dma_semaphore, #tpu.memory_space<semaphore_mem>>) src(%dma_wait3A_998 : memref<640xf32, #tpu.memory_space<hbm>>) dst(%arg17 : memref<640xf32, #tpu.memory_space<vmem>>)
        %dma_start3A_999 = arith.constant 0 : i32
        %dma_start3A_1000 = arith.constant 0 : i32
        %dma_start3A_1001 = tpu.memref_slice %arg2[%dma_start3A_999, %dma_start3A_1000] : memref<20000x128xf32, #tpu.memory_space<hbm>> -> memref<20000x128xf32, #tpu.memory_space<hbm>>
        tpu.enqueue_indirect_dma source(%dma_start3A_1001 : memref<20000x128xf32, #tpu.memory_space<hbm>>) target(%arg15 : memref<80x128xf32, #tpu.memory_space<vmem>>) offsets(%arg11 : memref<80xi32, #tpu.memory_space<vmem>>) semaphore(%arg24 : memref<!tpu.dma_semaphore, #tpu.memory_space<semaphore_mem>>)
      } else {
      }
      %dma_wait3A_370 = arith.constant 0 : i32
      %dma_wait3A_371 = arith.constant 0 : i32
      %dma_wait3A_372 = tpu.memref_slice %arg2[%dma_wait3A_370, %dma_wait3A_371] : memref<20000x128xf32, #tpu.memory_space<hbm>> -> memref<20000x128xf32, #tpu.memory_space<hbm>>
      tpu.wait_indirect_dma semaphore(%arg23 : memref<!tpu.dma_semaphore, #tpu.memory_space<semaphore_mem>>) src(%dma_wait3A_372 : memref<20000x128xf32, #tpu.memory_space<hbm>>) dst(%arg14 : memref<80x128xf32, #tpu.memory_space<vmem>>)
      %get3A_373 = arith.constant 0 : i32
      %get3A_374 = arith.index_cast %get3A_373 : i32 to index
      %get3A_375 = arith.constant 0 : index
      %get3A_376 = tpu.vector_load %arg20[%get3A_374, %get3A_375] {strides = array<i32>} : memref<8x128xf32, #tpu.memory_space<vmem>>, vector<1x16xf32>,
      %get3A_377 = vector.shape_cast %get3A_376 : vector<1x16xf32> to vector<16xf32>
      %get3A_378 = arith.constant 0 : i32
      %get3A_379 = arith.index_cast %get3A_378 : i32 to index
      %get3A_380 = arith.constant 16 : index
      %get3A_381 = tpu.vector_load %arg20[%get3A_379, %get3A_380] {strides = array<i32>} : memref<8x128xf32, #tpu.memory_space<vmem>>, vector<1x16xf32>,
      %get3A_382 = vector.shape_cast %get3A_381 : vector<1x16xf32> to vector<16xf32>
      %get3A_383 = arith.constant 0 : i32
      %get3A_384 = arith.index_cast %get3A_383 : i32 to index
      %get3A_385 = arith.constant 32 : index
      %get3A_386 = tpu.vector_load %arg20[%get3A_384, %get3A_385] {strides = array<i32>} : memref<8x128xf32, #tpu.memory_space<vmem>>, vector<1x16xf32>,
      %get3A_387 = vector.shape_cast %get3A_386 : vector<1x16xf32> to vector<16xf32>
      %get3A_388 = arith.constant 0 : i32
      %get3A_389 = arith.index_cast %get3A_388 : i32 to index
      %get3A_390 = arith.constant 48 : index
      %get3A_391 = tpu.vector_load %arg20[%get3A_389, %get3A_390] {strides = array<i32>} : memref<8x128xf32, #tpu.memory_space<vmem>>, vector<1x16xf32>,
      %get3A_392 = vector.shape_cast %get3A_391 : vector<1x16xf32> to vector<16xf32>
      %get3A_393 = arith.constant 1 : i32
      %get3A_394 = arith.index_cast %get3A_393 : i32 to index
      %get3A_395 = arith.constant 0 : index
      %get3A_396 = tpu.vector_load %arg20[%get3A_394, %get3A_395] {strides = array<i32>} : memref<8x128xf32, #tpu.memory_space<vmem>>, vector<1x16xf32>,
      %get3A_397 = vector.shape_cast %get3A_396 : vector<1x16xf32> to vector<16xf32>
      %get3A_398 = arith.constant 1 : i32
      %get3A_399 = arith.index_cast %get3A_398 : i32 to index
      %get3A_400 = arith.constant 16 : index
      %get3A_401 = tpu.vector_load %arg20[%get3A_399, %get3A_400] {strides = array<i32>} : memref<8x128xf32, #tpu.memory_space<vmem>>, vector<1x16xf32>,
      %get3A_402 = vector.shape_cast %get3A_401 : vector<1x16xf32> to vector<16xf32>
      %get3A_403 = arith.constant 1 : i32
      %get3A_404 = arith.index_cast %get3A_403 : i32 to index
      %get3A_405 = arith.constant 32 : index
      %get3A_406 = tpu.vector_load %arg20[%get3A_404, %get3A_405] {strides = array<i32>} : memref<8x128xf32, #tpu.memory_space<vmem>>, vector<1x16xf32>,
      %get3A_407 = vector.shape_cast %get3A_406 : vector<1x16xf32> to vector<16xf32>
      %get3A_408 = arith.constant 1 : i32
      %get3A_409 = arith.index_cast %get3A_408 : i32 to index
      %get3A_410 = arith.constant 48 : index
      %get3A_411 = tpu.vector_load %arg20[%get3A_409, %get3A_410] {strides = array<i32>} : memref<8x128xf32, #tpu.memory_space<vmem>>, vector<1x16xf32>,
      %get3A_412 = vector.shape_cast %get3A_411 : vector<1x16xf32> to vector<16xf32>
      %get3A_413 = arith.constant 2 : i32
      %get3A_414 = arith.index_cast %get3A_413 : i32 to index
      %get3A_415 = arith.constant 0 : index
      %get3A_416 = tpu.vector_load %arg20[%get3A_414, %get3A_415] {strides = array<i32>} : memref<8x128xf32, #tpu.memory_space<vmem>>, vector<1x16xf32>,
      %get3A_417 = vector.shape_cast %get3A_416 : vector<1x16xf32> to vector<16xf32>
      %get3A_418 = arith.constant 2 : i32
      %get3A_419 = arith.index_cast %get3A_418 : i32 to index
      %get3A_420 = arith.constant 16 : index
      %get3A_421 = tpu.vector_load %arg20[%get3A_419, %get3A_420] {strides = array<i32>} : memref<8x128xf32, #tpu.memory_space<vmem>>, vector<1x16xf32>,
      %get3A_422 = vector.shape_cast %get3A_421 : vector<1x16xf32> to vector<16xf32>
      %get3A_423 = arith.constant 2 : i32
      %get3A_424 = arith.index_cast %get3A_423 : i32 to index
      %get3A_425 = arith.constant 32 : index
      %get3A_426 = tpu.vector_load %arg20[%get3A_424, %get3A_425] {strides = array<i32>} : memref<8x128xf32, #tpu.memory_space<vmem>>, vector<1x16xf32>,
      %get3A_427 = vector.shape_cast %get3A_426 : vector<1x16xf32> to vector<16xf32>
      %get3A_428 = arith.constant 2 : i32
      %get3A_429 = arith.index_cast %get3A_428 : i32 to index
      %get3A_430 = arith.constant 48 : index
      %get3A_431 = tpu.vector_load %arg20[%get3A_429, %get3A_430] {strides = array<i32>} : memref<8x128xf32, #tpu.memory_space<vmem>>, vector<1x16xf32>,
      %get3A_432 = vector.shape_cast %get3A_431 : vector<1x16xf32> to vector<16xf32>
      %get3A_433 = arith.constant 3 : i32
      %get3A_434 = arith.index_cast %get3A_433 : i32 to index
      %get3A_435 = arith.constant 0 : index
      %get3A_436 = tpu.vector_load %arg20[%get3A_434, %get3A_435] {strides = array<i32>} : memref<8x128xf32, #tpu.memory_space<vmem>>, vector<1x16xf32>,
      %get3A_437 = vector.shape_cast %get3A_436 : vector<1x16xf32> to vector<16xf32>
      %get3A_438 = arith.constant 3 : i32
      %get3A_439 = arith.index_cast %get3A_438 : i32 to index
      %get3A_440 = arith.constant 16 : index
      %get3A_441 = tpu.vector_load %arg20[%get3A_439, %get3A_440] {strides = array<i32>} : memref<8x128xf32, #tpu.memory_space<vmem>>, vector<1x16xf32>,
      %get3A_442 = vector.shape_cast %get3A_441 : vector<1x16xf32> to vector<16xf32>
      %get3A_443 = arith.constant 3 : i32
      %get3A_444 = arith.index_cast %get3A_443 : i32 to index
      %get3A_445 = arith.constant 32 : index
      %get3A_446 = tpu.vector_load %arg20[%get3A_444, %get3A_445] {strides = array<i32>} : memref<8x128xf32, #tpu.memory_space<vmem>>, vector<1x16xf32>,
      %get3A_447 = vector.shape_cast %get3A_446 : vector<1x16xf32> to vector<16xf32>
      %get3A_448 = arith.constant 3 : i32
      %get3A_449 = arith.index_cast %get3A_448 : i32 to index
      %get3A_450 = arith.constant 48 : index
      %get3A_451 = tpu.vector_load %arg20[%get3A_449, %get3A_450] {strides = array<i32>} : memref<8x128xf32, #tpu.memory_space<vmem>>, vector<1x16xf32>,
      %get3A_452 = vector.shape_cast %get3A_451 : vector<1x16xf32> to vector<16xf32>
      %get3A_453 = arith.constant 4 : i32
      %get3A_454 = arith.index_cast %get3A_453 : i32 to index
      %get3A_455 = arith.constant 0 : index
      %get3A_456 = tpu.vector_load %arg20[%get3A_454, %get3A_455] {strides = array<i32>} : memref<8x128xf32, #tpu.memory_space<vmem>>, vector<1x16xf32>,
      %get3A_457 = vector.shape_cast %get3A_456 : vector<1x16xf32> to vector<16xf32>
      %get3A_458 = arith.constant 4 : i32
      %get3A_459 = arith.index_cast %get3A_458 : i32 to index
      %get3A_460 = arith.constant 16 : index
      %get3A_461 = tpu.vector_load %arg20[%get3A_459, %get3A_460] {strides = array<i32>} : memref<8x128xf32, #tpu.memory_space<vmem>>, vector<1x16xf32>,
      %get3A_462 = vector.shape_cast %get3A_461 : vector<1x16xf32> to vector<16xf32>
      %get3A_463 = arith.constant 4 : i32
      %get3A_464 = arith.index_cast %get3A_463 : i32 to index
      %get3A_465 = arith.constant 32 : index
      %get3A_466 = tpu.vector_load %arg20[%get3A_464, %get3A_465] {strides = array<i32>} : memref<8x128xf32, #tpu.memory_space<vmem>>, vector<1x16xf32>,
      %get3A_467 = vector.shape_cast %get3A_466 : vector<1x16xf32> to vector<16xf32>
      %get3A_468 = arith.constant 4 : i32
      %get3A_469 = arith.index_cast %get3A_468 : i32 to index
      %get3A_470 = arith.constant 48 : index
      %get3A_471 = tpu.vector_load %arg20[%get3A_469, %get3A_470] {strides = array<i32>} : memref<8x128xf32, #tpu.memory_space<vmem>>, vector<1x16xf32>,
      %get3A_472 = vector.shape_cast %get3A_471 : vector<1x16xf32> to vector<16xf32>
      %get3A_473 = arith.constant 5 : i32
      %get3A_474 = arith.index_cast %get3A_473 : i32 to index
      %get3A_475 = arith.constant 0 : index
      %get3A_476 = tpu.vector_load %arg20[%get3A_474, %get3A_475] {strides = array<i32>} : memref<8x128xf32, #tpu.memory_space<vmem>>, vector<1x16xf32>,
      %get3A_477 = vector.shape_cast %get3A_476 : vector<1x16xf32> to vector<16xf32>
      %get3A_478 = arith.constant 5 : i32
      %get3A_479 = arith.index_cast %get3A_478 : i32 to index
      %get3A_480 = arith.constant 16 : index
      %get3A_481 = tpu.vector_load %arg20[%get3A_479, %get3A_480] {strides = array<i32>} : memref<8x128xf32, #tpu.memory_space<vmem>>, vector<1x16xf32>,
      %get3A_482 = vector.shape_cast %get3A_481 : vector<1x16xf32> to vector<16xf32>
      %get3A_483 = arith.constant 5 : i32
      %get3A_484 = arith.index_cast %get3A_483 : i32 to index
      %get3A_485 = arith.constant 32 : index
      %get3A_486 = tpu.vector_load %arg20[%get3A_484, %get3A_485] {strides = array<i32>} : memref<8x128xf32, #tpu.memory_space<vmem>>, vector<1x16xf32>,
      %get3A_487 = vector.shape_cast %get3A_486 : vector<1x16xf32> to vector<16xf32>
      %get3A_488 = arith.constant 5 : i32
      %get3A_489 = arith.index_cast %get3A_488 : i32 to index
      %get3A_490 = arith.constant 48 : index
      %get3A_491 = tpu.vector_load %arg20[%get3A_489, %get3A_490] {strides = array<i32>} : memref<8x128xf32, #tpu.memory_space<vmem>>, vector<1x16xf32>,
      %get3A_492 = vector.shape_cast %get3A_491 : vector<1x16xf32> to vector<16xf32>
      %get3A_493 = arith.constant 6 : i32
      %get3A_494 = arith.index_cast %get3A_493 : i32 to index
      %get3A_495 = arith.constant 0 : index
      %get3A_496 = tpu.vector_load %arg20[%get3A_494, %get3A_495] {strides = array<i32>} : memref<8x128xf32, #tpu.memory_space<vmem>>, vector<1x16xf32>,
      %get3A_497 = vector.shape_cast %get3A_496 : vector<1x16xf32> to vector<16xf32>
      %get3A_498 = arith.constant 6 : i32
      %get3A_499 = arith.index_cast %get3A_498 : i32 to index
      %get3A_500 = arith.constant 16 : index
      %get3A_501 = tpu.vector_load %arg20[%get3A_499, %get3A_500] {strides = array<i32>} : memref<8x128xf32, #tpu.memory_space<vmem>>, vector<1x16xf32>,
      %get3A_502 = vector.shape_cast %get3A_501 : vector<1x16xf32> to vector<16xf32>
      %get3A_503 = arith.constant 6 : i32
      %get3A_504 = arith.index_cast %get3A_503 : i32 to index
      %get3A_505 = arith.constant 32 : index
      %get3A_506 = tpu.vector_load %arg20[%get3A_504, %get3A_505] {strides = array<i32>} : memref<8x128xf32, #tpu.memory_space<vmem>>, vector<1x16xf32>,
      %get3A_507 = vector.shape_cast %get3A_506 : vector<1x16xf32> to vector<16xf32>
      %get3A_508 = arith.constant 6 : i32
      %get3A_509 = arith.index_cast %get3A_508 : i32 to index
      %get3A_510 = arith.constant 48 : index
      %get3A_511 = tpu.vector_load %arg20[%get3A_509, %get3A_510] {strides = array<i32>} : memref<8x128xf32, #tpu.memory_space<vmem>>, vector<1x16xf32>,
      %get3A_512 = vector.shape_cast %get3A_511 : vector<1x16xf32> to vector<16xf32>
      %scan3A_513 = arith.constant 0 : i32
      %scan3A_514 = arith.constant 0 : i32
      %scan3A_515 = arith.constant 40 : i32
      %scan3A_516 = arith.addi %scan3A_514, %scan3A_515 : i32
      %scan3A_517 = arith.constant 1 : i32
      scf.for %scan3A_985 = %scan3A_514 to %scan3A_516 step %scan3A_517  : i32 {
        %mul3A_986 = arith.constant 16 : i32
        %mul3A_987 = arith.muli %scan3A_985, %mul3A_986 : i32
        %get3A_988 = arith.index_cast %mul3A_987 : i32 to index
        %get3A_989 = tpu.vector_load %arg16[%get3A_988] {strides = array<i32>} : memref<640xf32, #tpu.memory_space<vmem>>, vector<16xf32>,
        %get3A_990 = vector.shape_cast %get3A_989 : vector<16xf32> to vector<16xf32>
        %mul3A_991 = arith.constant 2 : i32
        %mul3A_992 = arith.muli %mul3A_991, %scan3A_985 : i32
        %add3A_993 = arith.constant 0 : i32
        %add3A_994 = arith.addi %mul3A_992, %add3A_993 : i32
        %slice3A = vector.extract_strided_slice %get3A_990 {offsets = [7], sizes = [1], strides = [1]} : vector<16xf32> to vector<1xf32>
        %squeeze3A = vector.extract %slice3A[0] : f32 from vector<1xf32>
        %slice3A_995 = vector.extract_strided_slice %get3A_990 {offsets = [0], sizes = [1], strides = [1]} : vector<16xf32> to vector<1xf32>
        %squeeze3A_996 = vector.extract %slice3A_995[0] : f32 from vector<1xf32>
        %mul3A_997 = arith.mulf %squeeze3A, %squeeze3A_996 : f32
        %slice3A_998 = vector.extract_strided_slice %get3A_990 {offsets = [1], sizes = [1], strides = [1]} : vector<16xf32> to vector<1xf32>
        %squeeze3A_999 = vector.extract %slice3A_998[0] : f32 from vector<1xf32>
        %mul3A_1000 = arith.mulf %squeeze3A, %squeeze3A_999 : f32
        %slice3A_1001 = vector.extract_strided_slice %get3A_990 {offsets = [2], sizes = [1], strides = [1]} : vector<16xf32> to vector<1xf32>
        %squeeze3A_1002 = vector.extract %slice3A_1001[0] : f32 from vector<1xf32>
        %mul3A_1003 = arith.mulf %squeeze3A, %squeeze3A_1002 : f32
        %slice3A_1004 = vector.extract_strided_slice %get3A_990 {offsets = [3], sizes = [1], strides = [1]} : vector<16xf32> to vector<1xf32>
        %squeeze3A_1005 = vector.extract %slice3A_1004[0] : f32 from vector<1xf32>
        %mul3A_1006 = arith.mulf %squeeze3A, %squeeze3A_1005 : f32
        %slice3A_1007 = vector.extract_strided_slice %get3A_990 {offsets = [4], sizes = [1], strides = [1]} : vector<16xf32> to vector<1xf32>
        %squeeze3A_1008 = vector.extract %slice3A_1007[0] : f32 from vector<1xf32>
        %mul3A_1009 = arith.mulf %squeeze3A, %squeeze3A_1008 : f32
        %slice3A_1010 = vector.extract_strided_slice %get3A_990 {offsets = [5], sizes = [1], strides = [1]} : vector<16xf32> to vector<1xf32>
        %squeeze3A_1011 = vector.extract %slice3A_1010[0] : f32 from vector<1xf32>
        %mul3A_1012 = arith.mulf %squeeze3A, %squeeze3A_1011 : f32
        %slice3A_1013 = vector.extract_strided_slice %get3A_990 {offsets = [6], sizes = [1], strides = [1]} : vector<16xf32> to vector<1xf32>
        %squeeze3A_1014 = vector.extract %slice3A_1013[0] : f32 from vector<1xf32>
        %mul3A_1015 = arith.mulf %squeeze3A, %squeeze3A_1014 : f32
        %get3A_1016 = arith.index_cast %add3A_994 : i32 to index
        %get3A_1017 = arith.constant 0 : index
        %get3A_1018 = tpu.vector_load %arg14[%get3A_1016, %get3A_1017] {strides = array<i32>} : memref<80x128xf32, #tpu.memory_space<vmem>>, vector<1x16xf32>,
        %get3A_1019 = vector.shape_cast %get3A_1018 : vector<1x16xf32> to vector<16xf32>
        %mul3A_1020 = vector.broadcast %squeeze3A : f32 to vector<16xf32>
        %mul3A_1021 = arith.mulf %mul3A_1020, %get3A_1019 : vector<16xf32>
        %mul3A_1022 = vector.broadcast %mul3A_997 : f32 to vector<16xf32>
        %mul3A_1023 = arith.mulf %mul3A_1022, %get3A_377 : vector<16xf32>
        %add3A_1024 = arith.addf %mul3A_1021, %mul3A_1023 : vector<16xf32>
        %mul3A_1025 = vector.broadcast %mul3A_1000 : f32 to vector<16xf32>
        %mul3A_1026 = arith.mulf %mul3A_1025, %get3A_397 : vector<16xf32>
        %add3A_1027 = arith.addf %add3A_1024, %mul3A_1026 : vector<16xf32>
        %mul3A_1028 = vector.broadcast %mul3A_1003 : f32 to vector<16xf32>
        %mul3A_1029 = arith.mulf %mul3A_1028, %get3A_417 : vector<16xf32>
        %add3A_1030 = arith.addf %add3A_1027, %mul3A_1029 : vector<16xf32>
        %mul3A_1031 = vector.broadcast %mul3A_1006 : f32 to vector<16xf32>
        %mul3A_1032 = arith.mulf %mul3A_1031, %get3A_437 : vector<16xf32>
        %add3A_1033 = arith.addf %add3A_1030, %mul3A_1032 : vector<16xf32>
        %mul3A_1034 = vector.broadcast %mul3A_1009 : f32 to vector<16xf32>
        %mul3A_1035 = arith.mulf %mul3A_1034, %get3A_457 : vector<16xf32>
        %add3A_1036 = arith.addf %add3A_1033, %mul3A_1035 : vector<16xf32>
        %mul3A_1037 = vector.broadcast %mul3A_1012 : f32 to vector<16xf32>
        %mul3A_1038 = arith.mulf %mul3A_1037, %get3A_477 : vector<16xf32>
        %add3A_1039 = arith.addf %add3A_1036, %mul3A_1038 : vector<16xf32>
        %mul3A_1040 = vector.broadcast %mul3A_1015 : f32 to vector<16xf32>
        %mul3A_1041 = arith.mulf %mul3A_1040, %get3A_497 : vector<16xf32>
        %add3A_1042 = arith.addf %add3A_1039, %mul3A_1041 : vector<16xf32>
        %max3A = arith.constant 0.000000e+00 : f32
        %max3A_1043 = vector.broadcast %max3A : f32 to vector<16xf32>
        %max3A_1044 = arith.maximumf %add3A_1042, %max3A_1043 : vector<16xf32>
        %swap3A = arith.index_cast %add3A_994 : i32 to index
        %swap3A_1045 = arith.constant 0 : index
        %swap3A_1046 = tpu.vector_load %arg18[%swap3A, %swap3A_1045] {strides = array<i32>} : memref<80x128xf32, #tpu.memory_space<vmem>>, vector<1x16xf32>,
        %swap3A_1047 = vector.shape_cast %swap3A_1046 : vector<1x16xf32> to vector<16xf32>
        %swap3A_1048 = vector.shape_cast %max3A_1044 : vector<16xf32> to vector<1x16xf32>
        tpu.vector_store %arg18[%swap3A, %swap3A_1045], %swap3A_1048 {strides = array<i32>} : memref<80x128xf32, #tpu.memory_space<vmem>>, vector<1x16xf32>,
        %get3A_1049 = arith.index_cast %add3A_994 : i32 to index
        %get3A_1050 = arith.constant 16 : index
        %get3A_1051 = tpu.vector_load %arg14[%get3A_1049, %get3A_1050] {strides = array<i32>} : memref<80x128xf32, #tpu.memory_space<vmem>>, vector<1x16xf32>,
        %get3A_1052 = vector.shape_cast %get3A_1051 : vector<1x16xf32> to vector<16xf32>
        %mul3A_1053 = vector.broadcast %squeeze3A : f32 to vector<16xf32>
        %mul3A_1054 = arith.mulf %mul3A_1053, %get3A_1052 : vector<16xf32>
        %mul3A_1055 = vector.broadcast %mul3A_997 : f32 to vector<16xf32>
        %mul3A_1056 = arith.mulf %mul3A_1055, %get3A_382 : vector<16xf32>
        %add3A_1057 = arith.addf %mul3A_1054, %mul3A_1056 : vector<16xf32>
        %mul3A_1058 = vector.broadcast %mul3A_1000 : f32 to vector<16xf32>
        %mul3A_1059 = arith.mulf %mul3A_1058, %get3A_402 : vector<16xf32>
        %add3A_1060 = arith.addf %add3A_1057, %mul3A_1059 : vector<16xf32>
        %mul3A_1061 = vector.broadcast %mul3A_1003 : f32 to vector<16xf32>
        %mul3A_1062 = arith.mulf %mul3A_1061, %get3A_422 : vector<16xf32>
        %add3A_1063 = arith.addf %add3A_1060, %mul3A_1062 : vector<16xf32>
        %mul3A_1064 = vector.broadcast %mul3A_1006 : f32 to vector<16xf32>
        %mul3A_1065 = arith.mulf %mul3A_1064, %get3A_442 : vector<16xf32>
        %add3A_1066 = arith.addf %add3A_1063, %mul3A_1065 : vector<16xf32>
        %mul3A_1067 = vector.broadcast %mul3A_1009 : f32 to vector<16xf32>
        %mul3A_1068 = arith.mulf %mul3A_1067, %get3A_462 : vector<16xf32>
        %add3A_1069 = arith.addf %add3A_1066, %mul3A_1068 : vector<16xf32>
        %mul3A_1070 = vector.broadcast %mul3A_1012 : f32 to vector<16xf32>
        %mul3A_1071 = arith.mulf %mul3A_1070, %get3A_482 : vector<16xf32>
        %add3A_1072 = arith.addf %add3A_1069, %mul3A_1071 : vector<16xf32>
        %mul3A_1073 = vector.broadcast %mul3A_1015 : f32 to vector<16xf32>
        %mul3A_1074 = arith.mulf %mul3A_1073, %get3A_502 : vector<16xf32>
        %add3A_1075 = arith.addf %add3A_1072, %mul3A_1074 : vector<16xf32>
        %max3A_1076 = arith.constant 0.000000e+00 : f32
        %max3A_1077 = vector.broadcast %max3A_1076 : f32 to vector<16xf32>
        %max3A_1078 = arith.maximumf %add3A_1075, %max3A_1077 : vector<16xf32>
        %swap3A_1079 = arith.index_cast %add3A_994 : i32 to index
        %swap3A_1080 = arith.constant 16 : index
        %swap3A_1081 = tpu.vector_load %arg18[%swap3A_1079, %swap3A_1080] {strides = array<i32>} : memref<80x128xf32, #tpu.memory_space<vmem>>, vector<1x16xf32>,
        %swap3A_1082 = vector.shape_cast %swap3A_1081 : vector<1x16xf32> to vector<16xf32>
        %swap3A_1083 = vector.shape_cast %max3A_1078 : vector<16xf32> to vector<1x16xf32>
        tpu.vector_store %arg18[%swap3A_1079, %swap3A_1080], %swap3A_1083 {strides = array<i32>} : memref<80x128xf32, #tpu.memory_space<vmem>>, vector<1x16xf32>,
        %get3A_1084 = arith.index_cast %add3A_994 : i32 to index
        %get3A_1085 = arith.constant 32 : index
        %get3A_1086 = tpu.vector_load %arg14[%get3A_1084, %get3A_1085] {strides = array<i32>} : memref<80x128xf32, #tpu.memory_space<vmem>>, vector<1x16xf32>,
        %get3A_1087 = vector.shape_cast %get3A_1086 : vector<1x16xf32> to vector<16xf32>
        %mul3A_1088 = vector.broadcast %squeeze3A : f32 to vector<16xf32>
        %mul3A_1089 = arith.mulf %mul3A_1088, %get3A_1087 : vector<16xf32>
        %mul3A_1090 = vector.broadcast %mul3A_997 : f32 to vector<16xf32>
        %mul3A_1091 = arith.mulf %mul3A_1090, %get3A_387 : vector<16xf32>
        %add3A_1092 = arith.addf %mul3A_1089, %mul3A_1091 : vector<16xf32>
        %mul3A_1093 = vector.broadcast %mul3A_1000 : f32 to vector<16xf32>
        %mul3A_1094 = arith.mulf %mul3A_1093, %get3A_407 : vector<16xf32>
        %add3A_1095 = arith.addf %add3A_1092, %mul3A_1094 : vector<16xf32>
        %mul3A_1096 = vector.broadcast %mul3A_1003 : f32 to vector<16xf32>
        %mul3A_1097 = arith.mulf %mul3A_1096, %get3A_427 : vector<16xf32>
        %add3A_1098 = arith.addf %add3A_1095, %mul3A_1097 : vector<16xf32>
        %mul3A_1099 = vector.broadcast %mul3A_1006 : f32 to vector<16xf32>
        %mul3A_1100 = arith.mulf %mul3A_1099, %get3A_447 : vector<16xf32>
        %add3A_1101 = arith.addf %add3A_1098, %mul3A_1100 : vector<16xf32>
        %mul3A_1102 = vector.broadcast %mul3A_1009 : f32 to vector<16xf32>
        %mul3A_1103 = arith.mulf %mul3A_1102, %get3A_467 : vector<16xf32>
        %add3A_1104 = arith.addf %add3A_1101, %mul3A_1103 : vector<16xf32>
        %mul3A_1105 = vector.broadcast %mul3A_1012 : f32 to vector<16xf32>
        %mul3A_1106 = arith.mulf %mul3A_1105, %get3A_487 : vector<16xf32>
        %add3A_1107 = arith.addf %add3A_1104, %mul3A_1106 : vector<16xf32>
        %mul3A_1108 = vector.broadcast %mul3A_1015 : f32 to vector<16xf32>
        %mul3A_1109 = arith.mulf %mul3A_1108, %get3A_507 : vector<16xf32>
        %add3A_1110 = arith.addf %add3A_1107, %mul3A_1109 : vector<16xf32>
        %max3A_1111 = arith.constant 0.000000e+00 : f32
        %max3A_1112 = vector.broadcast %max3A_1111 : f32 to vector<16xf32>
        %max3A_1113 = arith.maximumf %add3A_1110, %max3A_1112 : vector<16xf32>
        %swap3A_1114 = arith.index_cast %add3A_994 : i32 to index
        %swap3A_1115 = arith.constant 32 : index
        %swap3A_1116 = tpu.vector_load %arg18[%swap3A_1114, %swap3A_1115] {strides = array<i32>} : memref<80x128xf32, #tpu.memory_space<vmem>>, vector<1x16xf32>,
        %swap3A_1117 = vector.shape_cast %swap3A_1116 : vector<1x16xf32> to vector<16xf32>
        %swap3A_1118 = vector.shape_cast %max3A_1113 : vector<16xf32> to vector<1x16xf32>
        tpu.vector_store %arg18[%swap3A_1114, %swap3A_1115], %swap3A_1118 {strides = array<i32>} : memref<80x128xf32, #tpu.memory_space<vmem>>, vector<1x16xf32>,
        %get3A_1119 = arith.index_cast %add3A_994 : i32 to index
        %get3A_1120 = arith.constant 48 : index
        %get3A_1121 = tpu.vector_load %arg14[%get3A_1119, %get3A_1120] {strides = array<i32>} : memref<80x128xf32, #tpu.memory_space<vmem>>, vector<1x16xf32>,
        %get3A_1122 = vector.shape_cast %get3A_1121 : vector<1x16xf32> to vector<16xf32>
        %mul3A_1123 = vector.broadcast %squeeze3A : f32 to vector<16xf32>
        %mul3A_1124 = arith.mulf %mul3A_1123, %get3A_1122 : vector<16xf32>
        %mul3A_1125 = vector.broadcast %mul3A_997 : f32 to vector<16xf32>
        %mul3A_1126 = arith.mulf %mul3A_1125, %get3A_392 : vector<16xf32>
        %add3A_1127 = arith.addf %mul3A_1124, %mul3A_1126 : vector<16xf32>
        %mul3A_1128 = vector.broadcast %mul3A_1000 : f32 to vector<16xf32>
        %mul3A_1129 = arith.mulf %mul3A_1128, %get3A_412 : vector<16xf32>
        %add3A_1130 = arith.addf %add3A_1127, %mul3A_1129 : vector<16xf32>
        %mul3A_1131 = vector.broadcast %mul3A_1003 : f32 to vector<16xf32>
        %mul3A_1132 = arith.mulf %mul3A_1131, %get3A_432 : vector<16xf32>
        %add3A_1133 = arith.addf %add3A_1130, %mul3A_1132 : vector<16xf32>
        %mul3A_1134 = vector.broadcast %mul3A_1006 : f32 to vector<16xf32>
        %mul3A_1135 = arith.mulf %mul3A_1134, %get3A_452 : vector<16xf32>
        %add3A_1136 = arith.addf %add3A_1133, %mul3A_1135 : vector<16xf32>
        %mul3A_1137 = vector.broadcast %mul3A_1009 : f32 to vector<16xf32>
        %mul3A_1138 = arith.mulf %mul3A_1137, %get3A_472 : vector<16xf32>
        %add3A_1139 = arith.addf %add3A_1136, %mul3A_1138 : vector<16xf32>
        %mul3A_1140 = vector.broadcast %mul3A_1012 : f32 to vector<16xf32>
        %mul3A_1141 = arith.mulf %mul3A_1140, %get3A_492 : vector<16xf32>
        %add3A_1142 = arith.addf %add3A_1139, %mul3A_1141 : vector<16xf32>
        %mul3A_1143 = vector.broadcast %mul3A_1015 : f32 to vector<16xf32>
        %mul3A_1144 = arith.mulf %mul3A_1143, %get3A_512 : vector<16xf32>
        %add3A_1145 = arith.addf %add3A_1142, %mul3A_1144 : vector<16xf32>
        %max3A_1146 = arith.constant 0.000000e+00 : f32
        %max3A_1147 = vector.broadcast %max3A_1146 : f32 to vector<16xf32>
        %max3A_1148 = arith.maximumf %add3A_1145, %max3A_1147 : vector<16xf32>
        %swap3A_1149 = arith.index_cast %add3A_994 : i32 to index
        %swap3A_1150 = arith.constant 48 : index
        %swap3A_1151 = tpu.vector_load %arg18[%swap3A_1149, %swap3A_1150] {strides = array<i32>} : memref<80x128xf32, #tpu.memory_space<vmem>>, vector<1x16xf32>,
        %swap3A_1152 = vector.shape_cast %swap3A_1151 : vector<1x16xf32> to vector<16xf32>
        %swap3A_1153 = vector.shape_cast %max3A_1148 : vector<16xf32> to vector<1x16xf32>
        tpu.vector_store %arg18[%swap3A_1149, %swap3A_1150], %swap3A_1153 {strides = array<i32>} : memref<80x128xf32, #tpu.memory_space<vmem>>, vector<1x16xf32>,
        %mul3A_1154 = arith.constant 2 : i32
        %mul3A_1155 = arith.muli %mul3A_1154, %scan3A_985 : i32
        %add3A_1156 = arith.constant 1 : i32
        %add3A_1157 = arith.addi %mul3A_1155, %add3A_1156 : i32
        %slice3A_1158 = vector.extract_strided_slice %get3A_990 {offsets = [15], sizes = [1], strides = [1]} : vector<16xf32> to vector<1xf32>
        %squeeze3A_1159 = vector.extract %slice3A_1158[0] : f32 from vector<1xf32>
        %slice3A_1160 = vector.extract_strided_slice %get3A_990 {offsets = [8], sizes = [1], strides = [1]} : vector<16xf32> to vector<1xf32>
        %squeeze3A_1161 = vector.extract %slice3A_1160[0] : f32 from vector<1xf32>
        %mul3A_1162 = arith.mulf %squeeze3A_1159, %squeeze3A_1161 : f32
        %slice3A_1163 = vector.extract_strided_slice %get3A_990 {offsets = [9], sizes = [1], strides = [1]} : vector<16xf32> to vector<1xf32>
        %squeeze3A_1164 = vector.extract %slice3A_1163[0] : f32 from vector<1xf32>
        %mul3A_1165 = arith.mulf %squeeze3A_1159, %squeeze3A_1164 : f32
        %slice3A_1166 = vector.extract_strided_slice %get3A_990 {offsets = [10], sizes = [1], strides = [1]} : vector<16xf32> to vector<1xf32>
        %squeeze3A_1167 = vector.extract %slice3A_1166[0] : f32 from vector<1xf32>
        %mul3A_1168 = arith.mulf %squeeze3A_1159, %squeeze3A_1167 : f32
        %slice3A_1169 = vector.extract_strided_slice %get3A_990 {offsets = [11], sizes = [1], strides = [1]} : vector<16xf32> to vector<1xf32>
        %squeeze3A_1170 = vector.extract %slice3A_1169[0] : f32 from vector<1xf32>
        %mul3A_1171 = arith.mulf %squeeze3A_1159, %squeeze3A_1170 : f32
        %slice3A_1172 = vector.extract_strided_slice %get3A_990 {offsets = [12], sizes = [1], strides = [1]} : vector<16xf32> to vector<1xf32>
        %squeeze3A_1173 = vector.extract %slice3A_1172[0] : f32 from vector<1xf32>
        %mul3A_1174 = arith.mulf %squeeze3A_1159, %squeeze3A_1173 : f32
        %slice3A_1175 = vector.extract_strided_slice %get3A_990 {offsets = [13], sizes = [1], strides = [1]} : vector<16xf32> to vector<1xf32>
        %squeeze3A_1176 = vector.extract %slice3A_1175[0] : f32 from vector<1xf32>
        %mul3A_1177 = arith.mulf %squeeze3A_1159, %squeeze3A_1176 : f32
        %slice3A_1178 = vector.extract_strided_slice %get3A_990 {offsets = [14], sizes = [1], strides = [1]} : vector<16xf32> to vector<1xf32>
        %squeeze3A_1179 = vector.extract %slice3A_1178[0] : f32 from vector<1xf32>
        %mul3A_1180 = arith.mulf %squeeze3A_1159, %squeeze3A_1179 : f32
        %get3A_1181 = arith.index_cast %add3A_1157 : i32 to index
        %get3A_1182 = arith.constant 0 : index
        %get3A_1183 = tpu.vector_load %arg14[%get3A_1181, %get3A_1182] {strides = array<i32>} : memref<80x128xf32, #tpu.memory_space<vmem>>, vector<1x16xf32>,
        %get3A_1184 = vector.shape_cast %get3A_1183 : vector<1x16xf32> to vector<16xf32>
        %mul3A_1185 = vector.broadcast %squeeze3A_1159 : f32 to vector<16xf32>
        %mul3A_1186 = arith.mulf %mul3A_1185, %get3A_1184 : vector<16xf32>
        %mul3A_1187 = vector.broadcast %mul3A_1162 : f32 to vector<16xf32>
        %mul3A_1188 = arith.mulf %mul3A_1187, %get3A_377 : vector<16xf32>
        %add3A_1189 = arith.addf %mul3A_1186, %mul3A_1188 : vector<16xf32>
        %mul3A_1190 = vector.broadcast %mul3A_1165 : f32 to vector<16xf32>
        %mul3A_1191 = arith.mulf %mul3A_1190, %get3A_397 : vector<16xf32>
        %add3A_1192 = arith.addf %add3A_1189, %mul3A_1191 : vector<16xf32>
        %mul3A_1193 = vector.broadcast %mul3A_1168 : f32 to vector<16xf32>
        %mul3A_1194 = arith.mulf %mul3A_1193, %get3A_417 : vector<16xf32>
        %add3A_1195 = arith.addf %add3A_1192, %mul3A_1194 : vector<16xf32>
        %mul3A_1196 = vector.broadcast %mul3A_1171 : f32 to vector<16xf32>
        %mul3A_1197 = arith.mulf %mul3A_1196, %get3A_437 : vector<16xf32>
        %add3A_1198 = arith.addf %add3A_1195, %mul3A_1197 : vector<16xf32>
        %mul3A_1199 = vector.broadcast %mul3A_1174 : f32 to vector<16xf32>
        %mul3A_1200 = arith.mulf %mul3A_1199, %get3A_457 : vector<16xf32>
        %add3A_1201 = arith.addf %add3A_1198, %mul3A_1200 : vector<16xf32>
        %mul3A_1202 = vector.broadcast %mul3A_1177 : f32 to vector<16xf32>
        %mul3A_1203 = arith.mulf %mul3A_1202, %get3A_477 : vector<16xf32>
        %add3A_1204 = arith.addf %add3A_1201, %mul3A_1203 : vector<16xf32>
        %mul3A_1205 = vector.broadcast %mul3A_1180 : f32 to vector<16xf32>
        %mul3A_1206 = arith.mulf %mul3A_1205, %get3A_497 : vector<16xf32>
        %add3A_1207 = arith.addf %add3A_1204, %mul3A_1206 : vector<16xf32>
        %max3A_1208 = arith.constant 0.000000e+00 : f32
        %max3A_1209 = vector.broadcast %max3A_1208 : f32 to vector<16xf32>
        %max3A_1210 = arith.maximumf %add3A_1207, %max3A_1209 : vector<16xf32>
        %swap3A_1211 = arith.index_cast %add3A_1157 : i32 to index
        %swap3A_1212 = arith.constant 0 : index
        %swap3A_1213 = tpu.vector_load %arg18[%swap3A_1211, %swap3A_1212] {strides = array<i32>} : memref<80x128xf32, #tpu.memory_space<vmem>>, vector<1x16xf32>,
        %swap3A_1214 = vector.shape_cast %swap3A_1213 : vector<1x16xf32> to vector<16xf32>
        %swap3A_1215 = vector.shape_cast %max3A_1210 : vector<16xf32> to vector<1x16xf32>
        tpu.vector_store %arg18[%swap3A_1211, %swap3A_1212], %swap3A_1215 {strides = array<i32>} : memref<80x128xf32, #tpu.memory_space<vmem>>, vector<1x16xf32>,
        %get3A_1216 = arith.index_cast %add3A_1157 : i32 to index
        %get3A_1217 = arith.constant 16 : index
        %get3A_1218 = tpu.vector_load %arg14[%get3A_1216, %get3A_1217] {strides = array<i32>} : memref<80x128xf32, #tpu.memory_space<vmem>>, vector<1x16xf32>,
        %get3A_1219 = vector.shape_cast %get3A_1218 : vector<1x16xf32> to vector<16xf32>
        %mul3A_1220 = vector.broadcast %squeeze3A_1159 : f32 to vector<16xf32>
        %mul3A_1221 = arith.mulf %mul3A_1220, %get3A_1219 : vector<16xf32>
        %mul3A_1222 = vector.broadcast %mul3A_1162 : f32 to vector<16xf32>
        %mul3A_1223 = arith.mulf %mul3A_1222, %get3A_382 : vector<16xf32>
        %add3A_1224 = arith.addf %mul3A_1221, %mul3A_1223 : vector<16xf32>
        %mul3A_1225 = vector.broadcast %mul3A_1165 : f32 to vector<16xf32>
        %mul3A_1226 = arith.mulf %mul3A_1225, %get3A_402 : vector<16xf32>
        %add3A_1227 = arith.addf %add3A_1224, %mul3A_1226 : vector<16xf32>
        %mul3A_1228 = vector.broadcast %mul3A_1168 : f32 to vector<16xf32>
        %mul3A_1229 = arith.mulf %mul3A_1228, %get3A_422 : vector<16xf32>
        %add3A_1230 = arith.addf %add3A_1227, %mul3A_1229 : vector<16xf32>
        %mul3A_1231 = vector.broadcast %mul3A_1171 : f32 to vector<16xf32>
        %mul3A_1232 = arith.mulf %mul3A_1231, %get3A_442 : vector<16xf32>
        %add3A_1233 = arith.addf %add3A_1230, %mul3A_1232 : vector<16xf32>
        %mul3A_1234 = vector.broadcast %mul3A_1174 : f32 to vector<16xf32>
        %mul3A_1235 = arith.mulf %mul3A_1234, %get3A_462 : vector<16xf32>
        %add3A_1236 = arith.addf %add3A_1233, %mul3A_1235 : vector<16xf32>
        %mul3A_1237 = vector.broadcast %mul3A_1177 : f32 to vector<16xf32>
        %mul3A_1238 = arith.mulf %mul3A_1237, %get3A_482 : vector<16xf32>
        %add3A_1239 = arith.addf %add3A_1236, %mul3A_1238 : vector<16xf32>
        %mul3A_1240 = vector.broadcast %mul3A_1180 : f32 to vector<16xf32>
        %mul3A_1241 = arith.mulf %mul3A_1240, %get3A_502 : vector<16xf32>
        %add3A_1242 = arith.addf %add3A_1239, %mul3A_1241 : vector<16xf32>
        %max3A_1243 = arith.constant 0.000000e+00 : f32
        %max3A_1244 = vector.broadcast %max3A_1243 : f32 to vector<16xf32>
        %max3A_1245 = arith.maximumf %add3A_1242, %max3A_1244 : vector<16xf32>
        %swap3A_1246 = arith.index_cast %add3A_1157 : i32 to index
        %swap3A_1247 = arith.constant 16 : index
        %swap3A_1248 = tpu.vector_load %arg18[%swap3A_1246, %swap3A_1247] {strides = array<i32>} : memref<80x128xf32, #tpu.memory_space<vmem>>, vector<1x16xf32>,
        %swap3A_1249 = vector.shape_cast %swap3A_1248 : vector<1x16xf32> to vector<16xf32>
        %swap3A_1250 = vector.shape_cast %max3A_1245 : vector<16xf32> to vector<1x16xf32>
        tpu.vector_store %arg18[%swap3A_1246, %swap3A_1247], %swap3A_1250 {strides = array<i32>} : memref<80x128xf32, #tpu.memory_space<vmem>>, vector<1x16xf32>,
        %get3A_1251 = arith.index_cast %add3A_1157 : i32 to index
        %get3A_1252 = arith.constant 32 : index
        %get3A_1253 = tpu.vector_load %arg14[%get3A_1251, %get3A_1252] {strides = array<i32>} : memref<80x128xf32, #tpu.memory_space<vmem>>, vector<1x16xf32>,
        %get3A_1254 = vector.shape_cast %get3A_1253 : vector<1x16xf32> to vector<16xf32>
        %mul3A_1255 = vector.broadcast %squeeze3A_1159 : f32 to vector<16xf32>
        %mul3A_1256 = arith.mulf %mul3A_1255, %get3A_1254 : vector<16xf32>
        %mul3A_1257 = vector.broadcast %mul3A_1162 : f32 to vector<16xf32>
        %mul3A_1258 = arith.mulf %mul3A_1257, %get3A_387 : vector<16xf32>
        %add3A_1259 = arith.addf %mul3A_1256, %mul3A_1258 : vector<16xf32>
        %mul3A_1260 = vector.broadcast %mul3A_1165 : f32 to vector<16xf32>
        %mul3A_1261 = arith.mulf %mul3A_1260, %get3A_407 : vector<16xf32>
        %add3A_1262 = arith.addf %add3A_1259, %mul3A_1261 : vector<16xf32>
        %mul3A_1263 = vector.broadcast %mul3A_1168 : f32 to vector<16xf32>
        %mul3A_1264 = arith.mulf %mul3A_1263, %get3A_427 : vector<16xf32>
        %add3A_1265 = arith.addf %add3A_1262, %mul3A_1264 : vector<16xf32>
        %mul3A_1266 = vector.broadcast %mul3A_1171 : f32 to vector<16xf32>
        %mul3A_1267 = arith.mulf %mul3A_1266, %get3A_447 : vector<16xf32>
        %add3A_1268 = arith.addf %add3A_1265, %mul3A_1267 : vector<16xf32>
        %mul3A_1269 = vector.broadcast %mul3A_1174 : f32 to vector<16xf32>
        %mul3A_1270 = arith.mulf %mul3A_1269, %get3A_467 : vector<16xf32>
        %add3A_1271 = arith.addf %add3A_1268, %mul3A_1270 : vector<16xf32>
        %mul3A_1272 = vector.broadcast %mul3A_1177 : f32 to vector<16xf32>
        %mul3A_1273 = arith.mulf %mul3A_1272, %get3A_487 : vector<16xf32>
        %add3A_1274 = arith.addf %add3A_1271, %mul3A_1273 : vector<16xf32>
        %mul3A_1275 = vector.broadcast %mul3A_1180 : f32 to vector<16xf32>
        %mul3A_1276 = arith.mulf %mul3A_1275, %get3A_507 : vector<16xf32>
        %add3A_1277 = arith.addf %add3A_1274, %mul3A_1276 : vector<16xf32>
        %max3A_1278 = arith.constant 0.000000e+00 : f32
        %max3A_1279 = vector.broadcast %max3A_1278 : f32 to vector<16xf32>
        %max3A_1280 = arith.maximumf %add3A_1277, %max3A_1279 : vector<16xf32>
        %swap3A_1281 = arith.index_cast %add3A_1157 : i32 to index
        %swap3A_1282 = arith.constant 32 : index
        %swap3A_1283 = tpu.vector_load %arg18[%swap3A_1281, %swap3A_1282] {strides = array<i32>} : memref<80x128xf32, #tpu.memory_space<vmem>>, vector<1x16xf32>,
        %swap3A_1284 = vector.shape_cast %swap3A_1283 : vector<1x16xf32> to vector<16xf32>
        %swap3A_1285 = vector.shape_cast %max3A_1280 : vector<16xf32> to vector<1x16xf32>
        tpu.vector_store %arg18[%swap3A_1281, %swap3A_1282], %swap3A_1285 {strides = array<i32>} : memref<80x128xf32, #tpu.memory_space<vmem>>, vector<1x16xf32>,
        %get3A_1286 = arith.index_cast %add3A_1157 : i32 to index
        %get3A_1287 = arith.constant 48 : index
        %get3A_1288 = tpu.vector_load %arg14[%get3A_1286, %get3A_1287] {strides = array<i32>} : memref<80x128xf32, #tpu.memory_space<vmem>>, vector<1x16xf32>,
        %get3A_1289 = vector.shape_cast %get3A_1288 : vector<1x16xf32> to vector<16xf32>
        %mul3A_1290 = vector.broadcast %squeeze3A_1159 : f32 to vector<16xf32>
        %mul3A_1291 = arith.mulf %mul3A_1290, %get3A_1289 : vector<16xf32>
        %mul3A_1292 = vector.broadcast %mul3A_1162 : f32 to vector<16xf32>
        %mul3A_1293 = arith.mulf %mul3A_1292, %get3A_392 : vector<16xf32>
        %add3A_1294 = arith.addf %mul3A_1291, %mul3A_1293 : vector<16xf32>
        %mul3A_1295 = vector.broadcast %mul3A_1165 : f32 to vector<16xf32>
        %mul3A_1296 = arith.mulf %mul3A_1295, %get3A_412 : vector<16xf32>
        %add3A_1297 = arith.addf %add3A_1294, %mul3A_1296 : vector<16xf32>
        %mul3A_1298 = vector.broadcast %mul3A_1168 : f32 to vector<16xf32>
        %mul3A_1299 = arith.mulf %mul3A_1298, %get3A_432 : vector<16xf32>
        %add3A_1300 = arith.addf %add3A_1297, %mul3A_1299 : vector<16xf32>
        %mul3A_1301 = vector.broadcast %mul3A_1171 : f32 to vector<16xf32>
        %mul3A_1302 = arith.mulf %mul3A_1301, %get3A_452 : vector<16xf32>
        %add3A_1303 = arith.addf %add3A_1300, %mul3A_1302 : vector<16xf32>
        %mul3A_1304 = vector.broadcast %mul3A_1174 : f32 to vector<16xf32>
        %mul3A_1305 = arith.mulf %mul3A_1304, %get3A_472 : vector<16xf32>
        %add3A_1306 = arith.addf %add3A_1303, %mul3A_1305 : vector<16xf32>
        %mul3A_1307 = vector.broadcast %mul3A_1177 : f32 to vector<16xf32>
        %mul3A_1308 = arith.mulf %mul3A_1307, %get3A_492 : vector<16xf32>
        %add3A_1309 = arith.addf %add3A_1306, %mul3A_1308 : vector<16xf32>
        %mul3A_1310 = vector.broadcast %mul3A_1180 : f32 to vector<16xf32>
        %mul3A_1311 = arith.mulf %mul3A_1310, %get3A_512 : vector<16xf32>
        %add3A_1312 = arith.addf %add3A_1309, %mul3A_1311 : vector<16xf32>
        %max3A_1313 = arith.constant 0.000000e+00 : f32
        %max3A_1314 = vector.broadcast %max3A_1313 : f32 to vector<16xf32>
        %max3A_1315 = arith.maximumf %add3A_1312, %max3A_1314 : vector<16xf32>
        %swap3A_1316 = arith.index_cast %add3A_1157 : i32 to index
        %swap3A_1317 = arith.constant 48 : index
        %swap3A_1318 = tpu.vector_load %arg18[%swap3A_1316, %swap3A_1317] {strides = array<i32>} : memref<80x128xf32, #tpu.memory_space<vmem>>, vector<1x16xf32>,
        %swap3A_1319 = vector.shape_cast %swap3A_1318 : vector<1x16xf32> to vector<16xf32>
        %swap3A_1320 = vector.shape_cast %max3A_1315 : vector<16xf32> to vector<1x16xf32>
        tpu.vector_store %arg18[%swap3A_1316, %swap3A_1317], %swap3A_1320 {strides = array<i32>} : memref<80x128xf32, #tpu.memory_space<vmem>>, vector<1x16xf32>,
      }
      %scan3A_518 = arith.constant 40 : i32
      %get3A_519 = arith.constant 0 : i32
      %get3A_520 = arith.index_cast %get3A_519 : i32 to index
      %get3A_521 = arith.constant 64 : index
      %get3A_522 = tpu.vector_load %arg20[%get3A_520, %get3A_521] {strides = array<i32>} : memref<8x128xf32, #tpu.memory_space<vmem>>, vector<1x16xf32>,
      %get3A_523 = vector.shape_cast %get3A_522 : vector<1x16xf32> to vector<16xf32>
      %get3A_524 = arith.constant 0 : i32
      %get3A_525 = arith.index_cast %get3A_524 : i32 to index
      %get3A_526 = arith.constant 80 : index
      %get3A_527 = tpu.vector_load %arg20[%get3A_525, %get3A_526] {strides = array<i32>} : memref<8x128xf32, #tpu.memory_space<vmem>>, vector<1x16xf32>,
      %get3A_528 = vector.shape_cast %get3A_527 : vector<1x16xf32> to vector<16xf32>
      %get3A_529 = arith.constant 0 : i32
      %get3A_530 = arith.index_cast %get3A_529 : i32 to index
      %get3A_531 = arith.constant 96 : index
      %get3A_532 = tpu.vector_load %arg20[%get3A_530, %get3A_531] {strides = array<i32>} : memref<8x128xf32, #tpu.memory_space<vmem>>, vector<1x16xf32>,
      %get3A_533 = vector.shape_cast %get3A_532 : vector<1x16xf32> to vector<16xf32>
      %get3A_534 = arith.constant 0 : i32
      %get3A_535 = arith.index_cast %get3A_534 : i32 to index
      %get3A_536 = arith.constant 112 : index
      %get3A_537 = tpu.vector_load %arg20[%get3A_535, %get3A_536] {strides = array<i32>} : memref<8x128xf32, #tpu.memory_space<vmem>>, vector<1x16xf32>,
      %get3A_538 = vector.shape_cast %get3A_537 : vector<1x16xf32> to vector<16xf32>
      %get3A_539 = arith.constant 1 : i32
      %get3A_540 = arith.index_cast %get3A_539 : i32 to index
      %get3A_541 = arith.constant 64 : index
      %get3A_542 = tpu.vector_load %arg20[%get3A_540, %get3A_541] {strides = array<i32>} : memref<8x128xf32, #tpu.memory_space<vmem>>, vector<1x16xf32>,
      %get3A_543 = vector.shape_cast %get3A_542 : vector<1x16xf32> to vector<16xf32>
      %get3A_544 = arith.constant 1 : i32
      %get3A_545 = arith.index_cast %get3A_544 : i32 to index
      %get3A_546 = arith.constant 80 : index
      %get3A_547 = tpu.vector_load %arg20[%get3A_545, %get3A_546] {strides = array<i32>} : memref<8x128xf32, #tpu.memory_space<vmem>>, vector<1x16xf32>,
      %get3A_548 = vector.shape_cast %get3A_547 : vector<1x16xf32> to vector<16xf32>
      %get3A_549 = arith.constant 1 : i32
      %get3A_550 = arith.index_cast %get3A_549 : i32 to index
      %get3A_551 = arith.constant 96 : index
      %get3A_552 = tpu.vector_load %arg20[%get3A_550, %get3A_551] {strides = array<i32>} : memref<8x128xf32, #tpu.memory_space<vmem>>, vector<1x16xf32>,
      %get3A_553 = vector.shape_cast %get3A_552 : vector<1x16xf32> to vector<16xf32>
      %get3A_554 = arith.constant 1 : i32
      %get3A_555 = arith.index_cast %get3A_554 : i32 to index
      %get3A_556 = arith.constant 112 : index
      %get3A_557 = tpu.vector_load %arg20[%get3A_555, %get3A_556] {strides = array<i32>} : memref<8x128xf32, #tpu.memory_space<vmem>>, vector<1x16xf32>,
      %get3A_558 = vector.shape_cast %get3A_557 : vector<1x16xf32> to vector<16xf32>
      %get3A_559 = arith.constant 2 : i32
      %get3A_560 = arith.index_cast %get3A_559 : i32 to index
      %get3A_561 = arith.constant 64 : index
      %get3A_562 = tpu.vector_load %arg20[%get3A_560, %get3A_561] {strides = array<i32>} : memref<8x128xf32, #tpu.memory_space<vmem>>, vector<1x16xf32>,
      %get3A_563 = vector.shape_cast %get3A_562 : vector<1x16xf32> to vector<16xf32>
      %get3A_564 = arith.constant 2 : i32
      %get3A_565 = arith.index_cast %get3A_564 : i32 to index
      %get3A_566 = arith.constant 80 : index
      %get3A_567 = tpu.vector_load %arg20[%get3A_565, %get3A_566] {strides = array<i32>} : memref<8x128xf32, #tpu.memory_space<vmem>>, vector<1x16xf32>,
      %get3A_568 = vector.shape_cast %get3A_567 : vector<1x16xf32> to vector<16xf32>
      %get3A_569 = arith.constant 2 : i32
      %get3A_570 = arith.index_cast %get3A_569 : i32 to index
      %get3A_571 = arith.constant 96 : index
      %get3A_572 = tpu.vector_load %arg20[%get3A_570, %get3A_571] {strides = array<i32>} : memref<8x128xf32, #tpu.memory_space<vmem>>, vector<1x16xf32>,
      %get3A_573 = vector.shape_cast %get3A_572 : vector<1x16xf32> to vector<16xf32>
      %get3A_574 = arith.constant 2 : i32
      %get3A_575 = arith.index_cast %get3A_574 : i32 to index
      %get3A_576 = arith.constant 112 : index
      %get3A_577 = tpu.vector_load %arg20[%get3A_575, %get3A_576] {strides = array<i32>} : memref<8x128xf32, #tpu.memory_space<vmem>>, vector<1x16xf32>,
      %get3A_578 = vector.shape_cast %get3A_577 : vector<1x16xf32> to vector<16xf32>
      %get3A_579 = arith.constant 3 : i32
      %get3A_580 = arith.index_cast %get3A_579 : i32 to index
      %get3A_581 = arith.constant 64 : index
      %get3A_582 = tpu.vector_load %arg20[%get3A_580, %get3A_581] {strides = array<i32>} : memref<8x128xf32, #tpu.memory_space<vmem>>, vector<1x16xf32>,
      %get3A_583 = vector.shape_cast %get3A_582 : vector<1x16xf32> to vector<16xf32>
      %get3A_584 = arith.constant 3 : i32
      %get3A_585 = arith.index_cast %get3A_584 : i32 to index
      %get3A_586 = arith.constant 80 : index
      %get3A_587 = tpu.vector_load %arg20[%get3A_585, %get3A_586] {strides = array<i32>} : memref<8x128xf32, #tpu.memory_space<vmem>>, vector<1x16xf32>,
      %get3A_588 = vector.shape_cast %get3A_587 : vector<1x16xf32> to vector<16xf32>
      %get3A_589 = arith.constant 3 : i32
      %get3A_590 = arith.index_cast %get3A_589 : i32 to index
      %get3A_591 = arith.constant 96 : index
      %get3A_592 = tpu.vector_load %arg20[%get3A_590, %get3A_591] {strides = array<i32>} : memref<8x128xf32, #tpu.memory_space<vmem>>, vector<1x16xf32>,
      %get3A_593 = vector.shape_cast %get3A_592 : vector<1x16xf32> to vector<16xf32>
      %get3A_594 = arith.constant 3 : i32
      %get3A_595 = arith.index_cast %get3A_594 : i32 to index
      %get3A_596 = arith.constant 112 : index
      %get3A_597 = tpu.vector_load %arg20[%get3A_595, %get3A_596] {strides = array<i32>} : memref<8x128xf32, #tpu.memory_space<vmem>>, vector<1x16xf32>,
      %get3A_598 = vector.shape_cast %get3A_597 : vector<1x16xf32> to vector<16xf32>
      %get3A_599 = arith.constant 4 : i32
      %get3A_600 = arith.index_cast %get3A_599 : i32 to index
      %get3A_601 = arith.constant 64 : index
      %get3A_602 = tpu.vector_load %arg20[%get3A_600, %get3A_601] {strides = array<i32>} : memref<8x128xf32, #tpu.memory_space<vmem>>, vector<1x16xf32>,
      %get3A_603 = vector.shape_cast %get3A_602 : vector<1x16xf32> to vector<16xf32>
      %get3A_604 = arith.constant 4 : i32
      %get3A_605 = arith.index_cast %get3A_604 : i32 to index
      %get3A_606 = arith.constant 80 : index
      %get3A_607 = tpu.vector_load %arg20[%get3A_605, %get3A_606] {strides = array<i32>} : memref<8x128xf32, #tpu.memory_space<vmem>>, vector<1x16xf32>,
      %get3A_608 = vector.shape_cast %get3A_607 : vector<1x16xf32> to vector<16xf32>
      %get3A_609 = arith.constant 4 : i32
      %get3A_610 = arith.index_cast %get3A_609 : i32 to index
      %get3A_611 = arith.constant 96 : index
      %get3A_612 = tpu.vector_load %arg20[%get3A_610, %get3A_611] {strides = array<i32>} : memref<8x128xf32, #tpu.memory_space<vmem>>, vector<1x16xf32>,
      %get3A_613 = vector.shape_cast %get3A_612 : vector<1x16xf32> to vector<16xf32>
      %get3A_614 = arith.constant 4 : i32
      %get3A_615 = arith.index_cast %get3A_614 : i32 to index
      %get3A_616 = arith.constant 112 : index
      %get3A_617 = tpu.vector_load %arg20[%get3A_615, %get3A_616] {strides = array<i32>} : memref<8x128xf32, #tpu.memory_space<vmem>>, vector<1x16xf32>,
      %get3A_618 = vector.shape_cast %get3A_617 : vector<1x16xf32> to vector<16xf32>
      %get3A_619 = arith.constant 5 : i32
      %get3A_620 = arith.index_cast %get3A_619 : i32 to index
      %get3A_621 = arith.constant 64 : index
      %get3A_622 = tpu.vector_load %arg20[%get3A_620, %get3A_621] {strides = array<i32>} : memref<8x128xf32, #tpu.memory_space<vmem>>, vector<1x16xf32>,
      %get3A_623 = vector.shape_cast %get3A_622 : vector<1x16xf32> to vector<16xf32>
      %get3A_624 = arith.constant 5 : i32
      %get3A_625 = arith.index_cast %get3A_624 : i32 to index
      %get3A_626 = arith.constant 80 : index
      %get3A_627 = tpu.vector_load %arg20[%get3A_625, %get3A_626] {strides = array<i32>} : memref<8x128xf32, #tpu.memory_space<vmem>>, vector<1x16xf32>,
      %get3A_628 = vector.shape_cast %get3A_627 : vector<1x16xf32> to vector<16xf32>
      %get3A_629 = arith.constant 5 : i32
      %get3A_630 = arith.index_cast %get3A_629 : i32 to index
      %get3A_631 = arith.constant 96 : index
      %get3A_632 = tpu.vector_load %arg20[%get3A_630, %get3A_631] {strides = array<i32>} : memref<8x128xf32, #tpu.memory_space<vmem>>, vector<1x16xf32>,
      %get3A_633 = vector.shape_cast %get3A_632 : vector<1x16xf32> to vector<16xf32>
      %get3A_634 = arith.constant 5 : i32
      %get3A_635 = arith.index_cast %get3A_634 : i32 to index
      %get3A_636 = arith.constant 112 : index
      %get3A_637 = tpu.vector_load %arg20[%get3A_635, %get3A_636] {strides = array<i32>} : memref<8x128xf32, #tpu.memory_space<vmem>>, vector<1x16xf32>,
      %get3A_638 = vector.shape_cast %get3A_637 : vector<1x16xf32> to vector<16xf32>
      %get3A_639 = arith.constant 6 : i32
      %get3A_640 = arith.index_cast %get3A_639 : i32 to index
      %get3A_641 = arith.constant 64 : index
      %get3A_642 = tpu.vector_load %arg20[%get3A_640, %get3A_641] {strides = array<i32>} : memref<8x128xf32, #tpu.memory_space<vmem>>, vector<1x16xf32>,
      %get3A_643 = vector.shape_cast %get3A_642 : vector<1x16xf32> to vector<16xf32>
      %get3A_644 = arith.constant 6 : i32
      %get3A_645 = arith.index_cast %get3A_644 : i32 to index
      %get3A_646 = arith.constant 80 : index
      %get3A_647 = tpu.vector_load %arg20[%get3A_645, %get3A_646] {strides = array<i32>} : memref<8x128xf32, #tpu.memory_space<vmem>>, vector<1x16xf32>,
      %get3A_648 = vector.shape_cast %get3A_647 : vector<1x16xf32> to vector<16xf32>
      %get3A_649 = arith.constant 6 : i32
      %get3A_650 = arith.index_cast %get3A_649 : i32 to index
      %get3A_651 = arith.constant 96 : index
      %get3A_652 = tpu.vector_load %arg20[%get3A_650, %get3A_651] {strides = array<i32>} : memref<8x128xf32, #tpu.memory_space<vmem>>, vector<1x16xf32>,
      %get3A_653 = vector.shape_cast %get3A_652 : vector<1x16xf32> to vector<16xf32>
      %get3A_654 = arith.constant 6 : i32
      %get3A_655 = arith.index_cast %get3A_654 : i32 to index
      %get3A_656 = arith.constant 112 : index
      %get3A_657 = tpu.vector_load %arg20[%get3A_655, %get3A_656] {strides = array<i32>} : memref<8x128xf32, #tpu.memory_space<vmem>>, vector<1x16xf32>,
      %get3A_658 = vector.shape_cast %get3A_657 : vector<1x16xf32> to vector<16xf32>
      %scan3A_659 = arith.constant 0 : i32
      %scan3A_660 = arith.constant 0 : i32
      %scan3A_661 = arith.constant 40 : i32
      %scan3A_662 = arith.addi %scan3A_660, %scan3A_661 : i32
      %scan3A_663 = arith.constant 1 : i32
      scf.for %scan3A_985 = %scan3A_660 to %scan3A_662 step %scan3A_663  : i32 {
        %mul3A_986 = arith.constant 16 : i32
        %mul3A_987 = arith.muli %scan3A_985, %mul3A_986 : i32
        %get3A_988 = arith.index_cast %mul3A_987 : i32 to index
        %get3A_989 = tpu.vector_load %arg16[%get3A_988] {strides = array<i32>} : memref<640xf32, #tpu.memory_space<vmem>>, vector<16xf32>,
        %get3A_990 = vector.shape_cast %get3A_989 : vector<16xf32> to vector<16xf32>
        %mul3A_991 = arith.constant 2 : i32
        %mul3A_992 = arith.muli %mul3A_991, %scan3A_985 : i32
        %add3A_993 = arith.constant 0 : i32
        %add3A_994 = arith.addi %mul3A_992, %add3A_993 : i32
        %slice3A = vector.extract_strided_slice %get3A_990 {offsets = [7], sizes = [1], strides = [1]} : vector<16xf32> to vector<1xf32>
        %squeeze3A = vector.extract %slice3A[0] : f32 from vector<1xf32>
        %slice3A_995 = vector.extract_strided_slice %get3A_990 {offsets = [0], sizes = [1], strides = [1]} : vector<16xf32> to vector<1xf32>
        %squeeze3A_996 = vector.extract %slice3A_995[0] : f32 from vector<1xf32>
        %mul3A_997 = arith.mulf %squeeze3A, %squeeze3A_996 : f32
        %slice3A_998 = vector.extract_strided_slice %get3A_990 {offsets = [1], sizes = [1], strides = [1]} : vector<16xf32> to vector<1xf32>
        %squeeze3A_999 = vector.extract %slice3A_998[0] : f32 from vector<1xf32>
        %mul3A_1000 = arith.mulf %squeeze3A, %squeeze3A_999 : f32
        %slice3A_1001 = vector.extract_strided_slice %get3A_990 {offsets = [2], sizes = [1], strides = [1]} : vector<16xf32> to vector<1xf32>
        %squeeze3A_1002 = vector.extract %slice3A_1001[0] : f32 from vector<1xf32>
        %mul3A_1003 = arith.mulf %squeeze3A, %squeeze3A_1002 : f32
        %slice3A_1004 = vector.extract_strided_slice %get3A_990 {offsets = [3], sizes = [1], strides = [1]} : vector<16xf32> to vector<1xf32>
        %squeeze3A_1005 = vector.extract %slice3A_1004[0] : f32 from vector<1xf32>
        %mul3A_1006 = arith.mulf %squeeze3A, %squeeze3A_1005 : f32
        %slice3A_1007 = vector.extract_strided_slice %get3A_990 {offsets = [4], sizes = [1], strides = [1]} : vector<16xf32> to vector<1xf32>
        %squeeze3A_1008 = vector.extract %slice3A_1007[0] : f32 from vector<1xf32>
        %mul3A_1009 = arith.mulf %squeeze3A, %squeeze3A_1008 : f32
        %slice3A_1010 = vector.extract_strided_slice %get3A_990 {offsets = [5], sizes = [1], strides = [1]} : vector<16xf32> to vector<1xf32>
        %squeeze3A_1011 = vector.extract %slice3A_1010[0] : f32 from vector<1xf32>
        %mul3A_1012 = arith.mulf %squeeze3A, %squeeze3A_1011 : f32
        %slice3A_1013 = vector.extract_strided_slice %get3A_990 {offsets = [6], sizes = [1], strides = [1]} : vector<16xf32> to vector<1xf32>
        %squeeze3A_1014 = vector.extract %slice3A_1013[0] : f32 from vector<1xf32>
        %mul3A_1015 = arith.mulf %squeeze3A, %squeeze3A_1014 : f32
        %get3A_1016 = arith.index_cast %add3A_994 : i32 to index
        %get3A_1017 = arith.constant 64 : index
        %get3A_1018 = tpu.vector_load %arg14[%get3A_1016, %get3A_1017] {strides = array<i32>} : memref<80x128xf32, #tpu.memory_space<vmem>>, vector<1x16xf32>,
        %get3A_1019 = vector.shape_cast %get3A_1018 : vector<1x16xf32> to vector<16xf32>
        %mul3A_1020 = vector.broadcast %squeeze3A : f32 to vector<16xf32>
        %mul3A_1021 = arith.mulf %mul3A_1020, %get3A_1019 : vector<16xf32>
        %mul3A_1022 = vector.broadcast %mul3A_997 : f32 to vector<16xf32>
        %mul3A_1023 = arith.mulf %mul3A_1022, %get3A_523 : vector<16xf32>
        %add3A_1024 = arith.addf %mul3A_1021, %mul3A_1023 : vector<16xf32>
        %mul3A_1025 = vector.broadcast %mul3A_1000 : f32 to vector<16xf32>
        %mul3A_1026 = arith.mulf %mul3A_1025, %get3A_543 : vector<16xf32>
        %add3A_1027 = arith.addf %add3A_1024, %mul3A_1026 : vector<16xf32>
        %mul3A_1028 = vector.broadcast %mul3A_1003 : f32 to vector<16xf32>
        %mul3A_1029 = arith.mulf %mul3A_1028, %get3A_563 : vector<16xf32>
        %add3A_1030 = arith.addf %add3A_1027, %mul3A_1029 : vector<16xf32>
        %mul3A_1031 = vector.broadcast %mul3A_1006 : f32 to vector<16xf32>
        %mul3A_1032 = arith.mulf %mul3A_1031, %get3A_583 : vector<16xf32>
        %add3A_1033 = arith.addf %add3A_1030, %mul3A_1032 : vector<16xf32>
        %mul3A_1034 = vector.broadcast %mul3A_1009 : f32 to vector<16xf32>
        %mul3A_1035 = arith.mulf %mul3A_1034, %get3A_603 : vector<16xf32>
        %add3A_1036 = arith.addf %add3A_1033, %mul3A_1035 : vector<16xf32>
        %mul3A_1037 = vector.broadcast %mul3A_1012 : f32 to vector<16xf32>
        %mul3A_1038 = arith.mulf %mul3A_1037, %get3A_623 : vector<16xf32>
        %add3A_1039 = arith.addf %add3A_1036, %mul3A_1038 : vector<16xf32>
        %mul3A_1040 = vector.broadcast %mul3A_1015 : f32 to vector<16xf32>
        %mul3A_1041 = arith.mulf %mul3A_1040, %get3A_643 : vector<16xf32>
        %add3A_1042 = arith.addf %add3A_1039, %mul3A_1041 : vector<16xf32>
        %max3A = arith.constant 0.000000e+00 : f32
        %max3A_1043 = vector.broadcast %max3A : f32 to vector<16xf32>
        %max3A_1044 = arith.maximumf %add3A_1042, %max3A_1043 : vector<16xf32>
        %swap3A = arith.index_cast %add3A_994 : i32 to index
        %swap3A_1045 = arith.constant 64 : index
        %swap3A_1046 = tpu.vector_load %arg18[%swap3A, %swap3A_1045] {strides = array<i32>} : memref<80x128xf32, #tpu.memory_space<vmem>>, vector<1x16xf32>,
        %swap3A_1047 = vector.shape_cast %swap3A_1046 : vector<1x16xf32> to vector<16xf32>
        %swap3A_1048 = vector.shape_cast %max3A_1044 : vector<16xf32> to vector<1x16xf32>
        tpu.vector_store %arg18[%swap3A, %swap3A_1045], %swap3A_1048 {strides = array<i32>} : memref<80x128xf32, #tpu.memory_space<vmem>>, vector<1x16xf32>,
        %get3A_1049 = arith.index_cast %add3A_994 : i32 to index
        %get3A_1050 = arith.constant 80 : index
        %get3A_1051 = tpu.vector_load %arg14[%get3A_1049, %get3A_1050] {strides = array<i32>} : memref<80x128xf32, #tpu.memory_space<vmem>>, vector<1x16xf32>,
        %get3A_1052 = vector.shape_cast %get3A_1051 : vector<1x16xf32> to vector<16xf32>
        %mul3A_1053 = vector.broadcast %squeeze3A : f32 to vector<16xf32>
        %mul3A_1054 = arith.mulf %mul3A_1053, %get3A_1052 : vector<16xf32>
        %mul3A_1055 = vector.broadcast %mul3A_997 : f32 to vector<16xf32>
        %mul3A_1056 = arith.mulf %mul3A_1055, %get3A_528 : vector<16xf32>
        %add3A_1057 = arith.addf %mul3A_1054, %mul3A_1056 : vector<16xf32>
        %mul3A_1058 = vector.broadcast %mul3A_1000 : f32 to vector<16xf32>
        %mul3A_1059 = arith.mulf %mul3A_1058, %get3A_548 : vector<16xf32>
        %add3A_1060 = arith.addf %add3A_1057, %mul3A_1059 : vector<16xf32>
        %mul3A_1061 = vector.broadcast %mul3A_1003 : f32 to vector<16xf32>
        %mul3A_1062 = arith.mulf %mul3A_1061, %get3A_568 : vector<16xf32>
        %add3A_1063 = arith.addf %add3A_1060, %mul3A_1062 : vector<16xf32>
        %mul3A_1064 = vector.broadcast %mul3A_1006 : f32 to vector<16xf32>
        %mul3A_1065 = arith.mulf %mul3A_1064, %get3A_588 : vector<16xf32>
        %add3A_1066 = arith.addf %add3A_1063, %mul3A_1065 : vector<16xf32>
        %mul3A_1067 = vector.broadcast %mul3A_1009 : f32 to vector<16xf32>
        %mul3A_1068 = arith.mulf %mul3A_1067, %get3A_608 : vector<16xf32>
        %add3A_1069 = arith.addf %add3A_1066, %mul3A_1068 : vector<16xf32>
        %mul3A_1070 = vector.broadcast %mul3A_1012 : f32 to vector<16xf32>
        %mul3A_1071 = arith.mulf %mul3A_1070, %get3A_628 : vector<16xf32>
        %add3A_1072 = arith.addf %add3A_1069, %mul3A_1071 : vector<16xf32>
        %mul3A_1073 = vector.broadcast %mul3A_1015 : f32 to vector<16xf32>
        %mul3A_1074 = arith.mulf %mul3A_1073, %get3A_648 : vector<16xf32>
        %add3A_1075 = arith.addf %add3A_1072, %mul3A_1074 : vector<16xf32>
        %max3A_1076 = arith.constant 0.000000e+00 : f32
        %max3A_1077 = vector.broadcast %max3A_1076 : f32 to vector<16xf32>
        %max3A_1078 = arith.maximumf %add3A_1075, %max3A_1077 : vector<16xf32>
        %swap3A_1079 = arith.index_cast %add3A_994 : i32 to index
        %swap3A_1080 = arith.constant 80 : index
        %swap3A_1081 = tpu.vector_load %arg18[%swap3A_1079, %swap3A_1080] {strides = array<i32>} : memref<80x128xf32, #tpu.memory_space<vmem>>, vector<1x16xf32>,
        %swap3A_1082 = vector.shape_cast %swap3A_1081 : vector<1x16xf32> to vector<16xf32>
        %swap3A_1083 = vector.shape_cast %max3A_1078 : vector<16xf32> to vector<1x16xf32>
        tpu.vector_store %arg18[%swap3A_1079, %swap3A_1080], %swap3A_1083 {strides = array<i32>} : memref<80x128xf32, #tpu.memory_space<vmem>>, vector<1x16xf32>,
        %get3A_1084 = arith.index_cast %add3A_994 : i32 to index
        %get3A_1085 = arith.constant 96 : index
        %get3A_1086 = tpu.vector_load %arg14[%get3A_1084, %get3A_1085] {strides = array<i32>} : memref<80x128xf32, #tpu.memory_space<vmem>>, vector<1x16xf32>,
        %get3A_1087 = vector.shape_cast %get3A_1086 : vector<1x16xf32> to vector<16xf32>
        %mul3A_1088 = vector.broadcast %squeeze3A : f32 to vector<16xf32>
        %mul3A_1089 = arith.mulf %mul3A_1088, %get3A_1087 : vector<16xf32>
        %mul3A_1090 = vector.broadcast %mul3A_997 : f32 to vector<16xf32>
        %mul3A_1091 = arith.mulf %mul3A_1090, %get3A_533 : vector<16xf32>
        %add3A_1092 = arith.addf %mul3A_1089, %mul3A_1091 : vector<16xf32>
        %mul3A_1093 = vector.broadcast %mul3A_1000 : f32 to vector<16xf32>
        %mul3A_1094 = arith.mulf %mul3A_1093, %get3A_553 : vector<16xf32>
        %add3A_1095 = arith.addf %add3A_1092, %mul3A_1094 : vector<16xf32>
        %mul3A_1096 = vector.broadcast %mul3A_1003 : f32 to vector<16xf32>
        %mul3A_1097 = arith.mulf %mul3A_1096, %get3A_573 : vector<16xf32>
        %add3A_1098 = arith.addf %add3A_1095, %mul3A_1097 : vector<16xf32>
        %mul3A_1099 = vector.broadcast %mul3A_1006 : f32 to vector<16xf32>
        %mul3A_1100 = arith.mulf %mul3A_1099, %get3A_593 : vector<16xf32>
        %add3A_1101 = arith.addf %add3A_1098, %mul3A_1100 : vector<16xf32>
        %mul3A_1102 = vector.broadcast %mul3A_1009 : f32 to vector<16xf32>
        %mul3A_1103 = arith.mulf %mul3A_1102, %get3A_613 : vector<16xf32>
        %add3A_1104 = arith.addf %add3A_1101, %mul3A_1103 : vector<16xf32>
        %mul3A_1105 = vector.broadcast %mul3A_1012 : f32 to vector<16xf32>
        %mul3A_1106 = arith.mulf %mul3A_1105, %get3A_633 : vector<16xf32>
        %add3A_1107 = arith.addf %add3A_1104, %mul3A_1106 : vector<16xf32>
        %mul3A_1108 = vector.broadcast %mul3A_1015 : f32 to vector<16xf32>
        %mul3A_1109 = arith.mulf %mul3A_1108, %get3A_653 : vector<16xf32>
        %add3A_1110 = arith.addf %add3A_1107, %mul3A_1109 : vector<16xf32>
        %max3A_1111 = arith.constant 0.000000e+00 : f32
        %max3A_1112 = vector.broadcast %max3A_1111 : f32 to vector<16xf32>
        %max3A_1113 = arith.maximumf %add3A_1110, %max3A_1112 : vector<16xf32>
        %swap3A_1114 = arith.index_cast %add3A_994 : i32 to index
        %swap3A_1115 = arith.constant 96 : index
        %swap3A_1116 = tpu.vector_load %arg18[%swap3A_1114, %swap3A_1115] {strides = array<i32>} : memref<80x128xf32, #tpu.memory_space<vmem>>, vector<1x16xf32>,
        %swap3A_1117 = vector.shape_cast %swap3A_1116 : vector<1x16xf32> to vector<16xf32>
        %swap3A_1118 = vector.shape_cast %max3A_1113 : vector<16xf32> to vector<1x16xf32>
        tpu.vector_store %arg18[%swap3A_1114, %swap3A_1115], %swap3A_1118 {strides = array<i32>} : memref<80x128xf32, #tpu.memory_space<vmem>>, vector<1x16xf32>,
        %get3A_1119 = arith.index_cast %add3A_994 : i32 to index
        %get3A_1120 = arith.constant 112 : index
        %get3A_1121 = tpu.vector_load %arg14[%get3A_1119, %get3A_1120] {strides = array<i32>} : memref<80x128xf32, #tpu.memory_space<vmem>>, vector<1x16xf32>,
        %get3A_1122 = vector.shape_cast %get3A_1121 : vector<1x16xf32> to vector<16xf32>
        %mul3A_1123 = vector.broadcast %squeeze3A : f32 to vector<16xf32>
        %mul3A_1124 = arith.mulf %mul3A_1123, %get3A_1122 : vector<16xf32>
        %mul3A_1125 = vector.broadcast %mul3A_997 : f32 to vector<16xf32>
        %mul3A_1126 = arith.mulf %mul3A_1125, %get3A_538 : vector<16xf32>
        %add3A_1127 = arith.addf %mul3A_1124, %mul3A_1126 : vector<16xf32>
        %mul3A_1128 = vector.broadcast %mul3A_1000 : f32 to vector<16xf32>
        %mul3A_1129 = arith.mulf %mul3A_1128, %get3A_558 : vector<16xf32>
        %add3A_1130 = arith.addf %add3A_1127, %mul3A_1129 : vector<16xf32>
        %mul3A_1131 = vector.broadcast %mul3A_1003 : f32 to vector<16xf32>
        %mul3A_1132 = arith.mulf %mul3A_1131, %get3A_578 : vector<16xf32>
        %add3A_1133 = arith.addf %add3A_1130, %mul3A_1132 : vector<16xf32>
        %mul3A_1134 = vector.broadcast %mul3A_1006 : f32 to vector<16xf32>
        %mul3A_1135 = arith.mulf %mul3A_1134, %get3A_598 : vector<16xf32>
        %add3A_1136 = arith.addf %add3A_1133, %mul3A_1135 : vector<16xf32>
        %mul3A_1137 = vector.broadcast %mul3A_1009 : f32 to vector<16xf32>
        %mul3A_1138 = arith.mulf %mul3A_1137, %get3A_618 : vector<16xf32>
        %add3A_1139 = arith.addf %add3A_1136, %mul3A_1138 : vector<16xf32>
        %mul3A_1140 = vector.broadcast %mul3A_1012 : f32 to vector<16xf32>
        %mul3A_1141 = arith.mulf %mul3A_1140, %get3A_638 : vector<16xf32>
        %add3A_1142 = arith.addf %add3A_1139, %mul3A_1141 : vector<16xf32>
        %mul3A_1143 = vector.broadcast %mul3A_1015 : f32 to vector<16xf32>
        %mul3A_1144 = arith.mulf %mul3A_1143, %get3A_658 : vector<16xf32>
        %add3A_1145 = arith.addf %add3A_1142, %mul3A_1144 : vector<16xf32>
        %max3A_1146 = arith.constant 0.000000e+00 : f32
        %max3A_1147 = vector.broadcast %max3A_1146 : f32 to vector<16xf32>
        %max3A_1148 = arith.maximumf %add3A_1145, %max3A_1147 : vector<16xf32>
        %swap3A_1149 = arith.index_cast %add3A_994 : i32 to index
        %swap3A_1150 = arith.constant 112 : index
        %swap3A_1151 = tpu.vector_load %arg18[%swap3A_1149, %swap3A_1150] {strides = array<i32>} : memref<80x128xf32, #tpu.memory_space<vmem>>, vector<1x16xf32>,
        %swap3A_1152 = vector.shape_cast %swap3A_1151 : vector<1x16xf32> to vector<16xf32>
        %swap3A_1153 = vector.shape_cast %max3A_1148 : vector<16xf32> to vector<1x16xf32>
        tpu.vector_store %arg18[%swap3A_1149, %swap3A_1150], %swap3A_1153 {strides = array<i32>} : memref<80x128xf32, #tpu.memory_space<vmem>>, vector<1x16xf32>,
        %mul3A_1154 = arith.constant 2 : i32
        %mul3A_1155 = arith.muli %mul3A_1154, %scan3A_985 : i32
        %add3A_1156 = arith.constant 1 : i32
        %add3A_1157 = arith.addi %mul3A_1155, %add3A_1156 : i32
        %slice3A_1158 = vector.extract_strided_slice %get3A_990 {offsets = [15], sizes = [1], strides = [1]} : vector<16xf32> to vector<1xf32>
        %squeeze3A_1159 = vector.extract %slice3A_1158[0] : f32 from vector<1xf32>
        %slice3A_1160 = vector.extract_strided_slice %get3A_990 {offsets = [8], sizes = [1], strides = [1]} : vector<16xf32> to vector<1xf32>
        %squeeze3A_1161 = vector.extract %slice3A_1160[0] : f32 from vector<1xf32>
        %mul3A_1162 = arith.mulf %squeeze3A_1159, %squeeze3A_1161 : f32
        %slice3A_1163 = vector.extract_strided_slice %get3A_990 {offsets = [9], sizes = [1], strides = [1]} : vector<16xf32> to vector<1xf32>
        %squeeze3A_1164 = vector.extract %slice3A_1163[0] : f32 from vector<1xf32>
        %mul3A_1165 = arith.mulf %squeeze3A_1159, %squeeze3A_1164 : f32
        %slice3A_1166 = vector.extract_strided_slice %get3A_990 {offsets = [10], sizes = [1], strides = [1]} : vector<16xf32> to vector<1xf32>
        %squeeze3A_1167 = vector.extract %slice3A_1166[0] : f32 from vector<1xf32>
        %mul3A_1168 = arith.mulf %squeeze3A_1159, %squeeze3A_1167 : f32
        %slice3A_1169 = vector.extract_strided_slice %get3A_990 {offsets = [11], sizes = [1], strides = [1]} : vector<16xf32> to vector<1xf32>
        %squeeze3A_1170 = vector.extract %slice3A_1169[0] : f32 from vector<1xf32>
        %mul3A_1171 = arith.mulf %squeeze3A_1159, %squeeze3A_1170 : f32
        %slice3A_1172 = vector.extract_strided_slice %get3A_990 {offsets = [12], sizes = [1], strides = [1]} : vector<16xf32> to vector<1xf32>
        %squeeze3A_1173 = vector.extract %slice3A_1172[0] : f32 from vector<1xf32>
        %mul3A_1174 = arith.mulf %squeeze3A_1159, %squeeze3A_1173 : f32
        %slice3A_1175 = vector.extract_strided_slice %get3A_990 {offsets = [13], sizes = [1], strides = [1]} : vector<16xf32> to vector<1xf32>
        %squeeze3A_1176 = vector.extract %slice3A_1175[0] : f32 from vector<1xf32>
        %mul3A_1177 = arith.mulf %squeeze3A_1159, %squeeze3A_1176 : f32
        %slice3A_1178 = vector.extract_strided_slice %get3A_990 {offsets = [14], sizes = [1], strides = [1]} : vector<16xf32> to vector<1xf32>
        %squeeze3A_1179 = vector.extract %slice3A_1178[0] : f32 from vector<1xf32>
        %mul3A_1180 = arith.mulf %squeeze3A_1159, %squeeze3A_1179 : f32
        %get3A_1181 = arith.index_cast %add3A_1157 : i32 to index
        %get3A_1182 = arith.constant 64 : index
        %get3A_1183 = tpu.vector_load %arg14[%get3A_1181, %get3A_1182] {strides = array<i32>} : memref<80x128xf32, #tpu.memory_space<vmem>>, vector<1x16xf32>,
        %get3A_1184 = vector.shape_cast %get3A_1183 : vector<1x16xf32> to vector<16xf32>
        %mul3A_1185 = vector.broadcast %squeeze3A_1159 : f32 to vector<16xf32>
        %mul3A_1186 = arith.mulf %mul3A_1185, %get3A_1184 : vector<16xf32>
        %mul3A_1187 = vector.broadcast %mul3A_1162 : f32 to vector<16xf32>
        %mul3A_1188 = arith.mulf %mul3A_1187, %get3A_523 : vector<16xf32>
        %add3A_1189 = arith.addf %mul3A_1186, %mul3A_1188 : vector<16xf32>
        %mul3A_1190 = vector.broadcast %mul3A_1165 : f32 to vector<16xf32>
        %mul3A_1191 = arith.mulf %mul3A_1190, %get3A_543 : vector<16xf32>
        %add3A_1192 = arith.addf %add3A_1189, %mul3A_1191 : vector<16xf32>
        %mul3A_1193 = vector.broadcast %mul3A_1168 : f32 to vector<16xf32>
        %mul3A_1194 = arith.mulf %mul3A_1193, %get3A_563 : vector<16xf32>
        %add3A_1195 = arith.addf %add3A_1192, %mul3A_1194 : vector<16xf32>
        %mul3A_1196 = vector.broadcast %mul3A_1171 : f32 to vector<16xf32>
        %mul3A_1197 = arith.mulf %mul3A_1196, %get3A_583 : vector<16xf32>
        %add3A_1198 = arith.addf %add3A_1195, %mul3A_1197 : vector<16xf32>
        %mul3A_1199 = vector.broadcast %mul3A_1174 : f32 to vector<16xf32>
        %mul3A_1200 = arith.mulf %mul3A_1199, %get3A_603 : vector<16xf32>
        %add3A_1201 = arith.addf %add3A_1198, %mul3A_1200 : vector<16xf32>
        %mul3A_1202 = vector.broadcast %mul3A_1177 : f32 to vector<16xf32>
        %mul3A_1203 = arith.mulf %mul3A_1202, %get3A_623 : vector<16xf32>
        %add3A_1204 = arith.addf %add3A_1201, %mul3A_1203 : vector<16xf32>
        %mul3A_1205 = vector.broadcast %mul3A_1180 : f32 to vector<16xf32>
        %mul3A_1206 = arith.mulf %mul3A_1205, %get3A_643 : vector<16xf32>
        %add3A_1207 = arith.addf %add3A_1204, %mul3A_1206 : vector<16xf32>
        %max3A_1208 = arith.constant 0.000000e+00 : f32
        %max3A_1209 = vector.broadcast %max3A_1208 : f32 to vector<16xf32>
        %max3A_1210 = arith.maximumf %add3A_1207, %max3A_1209 : vector<16xf32>
        %swap3A_1211 = arith.index_cast %add3A_1157 : i32 to index
        %swap3A_1212 = arith.constant 64 : index
        %swap3A_1213 = tpu.vector_load %arg18[%swap3A_1211, %swap3A_1212] {strides = array<i32>} : memref<80x128xf32, #tpu.memory_space<vmem>>, vector<1x16xf32>,
        %swap3A_1214 = vector.shape_cast %swap3A_1213 : vector<1x16xf32> to vector<16xf32>
        %swap3A_1215 = vector.shape_cast %max3A_1210 : vector<16xf32> to vector<1x16xf32>
        tpu.vector_store %arg18[%swap3A_1211, %swap3A_1212], %swap3A_1215 {strides = array<i32>} : memref<80x128xf32, #tpu.memory_space<vmem>>, vector<1x16xf32>,
        %get3A_1216 = arith.index_cast %add3A_1157 : i32 to index
        %get3A_1217 = arith.constant 80 : index
        %get3A_1218 = tpu.vector_load %arg14[%get3A_1216, %get3A_1217] {strides = array<i32>} : memref<80x128xf32, #tpu.memory_space<vmem>>, vector<1x16xf32>,
        %get3A_1219 = vector.shape_cast %get3A_1218 : vector<1x16xf32> to vector<16xf32>
        %mul3A_1220 = vector.broadcast %squeeze3A_1159 : f32 to vector<16xf32>
        %mul3A_1221 = arith.mulf %mul3A_1220, %get3A_1219 : vector<16xf32>
        %mul3A_1222 = vector.broadcast %mul3A_1162 : f32 to vector<16xf32>
        %mul3A_1223 = arith.mulf %mul3A_1222, %get3A_528 : vector<16xf32>
        %add3A_1224 = arith.addf %mul3A_1221, %mul3A_1223 : vector<16xf32>
        %mul3A_1225 = vector.broadcast %mul3A_1165 : f32 to vector<16xf32>
        %mul3A_1226 = arith.mulf %mul3A_1225, %get3A_548 : vector<16xf32>
        %add3A_1227 = arith.addf %add3A_1224, %mul3A_1226 : vector<16xf32>
        %mul3A_1228 = vector.broadcast %mul3A_1168 : f32 to vector<16xf32>
        %mul3A_1229 = arith.mulf %mul3A_1228, %get3A_568 : vector<16xf32>
        %add3A_1230 = arith.addf %add3A_1227, %mul3A_1229 : vector<16xf32>
        %mul3A_1231 = vector.broadcast %mul3A_1171 : f32 to vector<16xf32>
        %mul3A_1232 = arith.mulf %mul3A_1231, %get3A_588 : vector<16xf32>
        %add3A_1233 = arith.addf %add3A_1230, %mul3A_1232 : vector<16xf32>
        %mul3A_1234 = vector.broadcast %mul3A_1174 : f32 to vector<16xf32>
        %mul3A_1235 = arith.mulf %mul3A_1234, %get3A_608 : vector<16xf32>
        %add3A_1236 = arith.addf %add3A_1233, %mul3A_1235 : vector<16xf32>
        %mul3A_1237 = vector.broadcast %mul3A_1177 : f32 to vector<16xf32>
        %mul3A_1238 = arith.mulf %mul3A_1237, %get3A_628 : vector<16xf32>
        %add3A_1239 = arith.addf %add3A_1236, %mul3A_1238 : vector<16xf32>
        %mul3A_1240 = vector.broadcast %mul3A_1180 : f32 to vector<16xf32>
        %mul3A_1241 = arith.mulf %mul3A_1240, %get3A_648 : vector<16xf32>
        %add3A_1242 = arith.addf %add3A_1239, %mul3A_1241 : vector<16xf32>
        %max3A_1243 = arith.constant 0.000000e+00 : f32
        %max3A_1244 = vector.broadcast %max3A_1243 : f32 to vector<16xf32>
        %max3A_1245 = arith.maximumf %add3A_1242, %max3A_1244 : vector<16xf32>
        %swap3A_1246 = arith.index_cast %add3A_1157 : i32 to index
        %swap3A_1247 = arith.constant 80 : index
        %swap3A_1248 = tpu.vector_load %arg18[%swap3A_1246, %swap3A_1247] {strides = array<i32>} : memref<80x128xf32, #tpu.memory_space<vmem>>, vector<1x16xf32>,
        %swap3A_1249 = vector.shape_cast %swap3A_1248 : vector<1x16xf32> to vector<16xf32>
        %swap3A_1250 = vector.shape_cast %max3A_1245 : vector<16xf32> to vector<1x16xf32>
        tpu.vector_store %arg18[%swap3A_1246, %swap3A_1247], %swap3A_1250 {strides = array<i32>} : memref<80x128xf32, #tpu.memory_space<vmem>>, vector<1x16xf32>,
        %get3A_1251 = arith.index_cast %add3A_1157 : i32 to index
        %get3A_1252 = arith.constant 96 : index
        %get3A_1253 = tpu.vector_load %arg14[%get3A_1251, %get3A_1252] {strides = array<i32>} : memref<80x128xf32, #tpu.memory_space<vmem>>, vector<1x16xf32>,
        %get3A_1254 = vector.shape_cast %get3A_1253 : vector<1x16xf32> to vector<16xf32>
        %mul3A_1255 = vector.broadcast %squeeze3A_1159 : f32 to vector<16xf32>
        %mul3A_1256 = arith.mulf %mul3A_1255, %get3A_1254 : vector<16xf32>
        %mul3A_1257 = vector.broadcast %mul3A_1162 : f32 to vector<16xf32>
        %mul3A_1258 = arith.mulf %mul3A_1257, %get3A_533 : vector<16xf32>
        %add3A_1259 = arith.addf %mul3A_1256, %mul3A_1258 : vector<16xf32>
        %mul3A_1260 = vector.broadcast %mul3A_1165 : f32 to vector<16xf32>
        %mul3A_1261 = arith.mulf %mul3A_1260, %get3A_553 : vector<16xf32>
        %add3A_1262 = arith.addf %add3A_1259, %mul3A_1261 : vector<16xf32>
        %mul3A_1263 = vector.broadcast %mul3A_1168 : f32 to vector<16xf32>
        %mul3A_1264 = arith.mulf %mul3A_1263, %get3A_573 : vector<16xf32>
        %add3A_1265 = arith.addf %add3A_1262, %mul3A_1264 : vector<16xf32>
        %mul3A_1266 = vector.broadcast %mul3A_1171 : f32 to vector<16xf32>
        %mul3A_1267 = arith.mulf %mul3A_1266, %get3A_593 : vector<16xf32>
        %add3A_1268 = arith.addf %add3A_1265, %mul3A_1267 : vector<16xf32>
        %mul3A_1269 = vector.broadcast %mul3A_1174 : f32 to vector<16xf32>
        %mul3A_1270 = arith.mulf %mul3A_1269, %get3A_613 : vector<16xf32>
        %add3A_1271 = arith.addf %add3A_1268, %mul3A_1270 : vector<16xf32>
        %mul3A_1272 = vector.broadcast %mul3A_1177 : f32 to vector<16xf32>
        %mul3A_1273 = arith.mulf %mul3A_1272, %get3A_633 : vector<16xf32>
        %add3A_1274 = arith.addf %add3A_1271, %mul3A_1273 : vector<16xf32>
        %mul3A_1275 = vector.broadcast %mul3A_1180 : f32 to vector<16xf32>
        %mul3A_1276 = arith.mulf %mul3A_1275, %get3A_653 : vector<16xf32>
        %add3A_1277 = arith.addf %add3A_1274, %mul3A_1276 : vector<16xf32>
        %max3A_1278 = arith.constant 0.000000e+00 : f32
        %max3A_1279 = vector.broadcast %max3A_1278 : f32 to vector<16xf32>
        %max3A_1280 = arith.maximumf %add3A_1277, %max3A_1279 : vector<16xf32>
        %swap3A_1281 = arith.index_cast %add3A_1157 : i32 to index
        %swap3A_1282 = arith.constant 96 : index
        %swap3A_1283 = tpu.vector_load %arg18[%swap3A_1281, %swap3A_1282] {strides = array<i32>} : memref<80x128xf32, #tpu.memory_space<vmem>>, vector<1x16xf32>,
        %swap3A_1284 = vector.shape_cast %swap3A_1283 : vector<1x16xf32> to vector<16xf32>
        %swap3A_1285 = vector.shape_cast %max3A_1280 : vector<16xf32> to vector<1x16xf32>
        tpu.vector_store %arg18[%swap3A_1281, %swap3A_1282], %swap3A_1285 {strides = array<i32>} : memref<80x128xf32, #tpu.memory_space<vmem>>, vector<1x16xf32>,
        %get3A_1286 = arith.index_cast %add3A_1157 : i32 to index
        %get3A_1287 = arith.constant 112 : index
        %get3A_1288 = tpu.vector_load %arg14[%get3A_1286, %get3A_1287] {strides = array<i32>} : memref<80x128xf32, #tpu.memory_space<vmem>>, vector<1x16xf32>,
        %get3A_1289 = vector.shape_cast %get3A_1288 : vector<1x16xf32> to vector<16xf32>
        %mul3A_1290 = vector.broadcast %squeeze3A_1159 : f32 to vector<16xf32>
        %mul3A_1291 = arith.mulf %mul3A_1290, %get3A_1289 : vector<16xf32>
        %mul3A_1292 = vector.broadcast %mul3A_1162 : f32 to vector<16xf32>
        %mul3A_1293 = arith.mulf %mul3A_1292, %get3A_538 : vector<16xf32>
        %add3A_1294 = arith.addf %mul3A_1291, %mul3A_1293 : vector<16xf32>
        %mul3A_1295 = vector.broadcast %mul3A_1165 : f32 to vector<16xf32>
        %mul3A_1296 = arith.mulf %mul3A_1295, %get3A_558 : vector<16xf32>
        %add3A_1297 = arith.addf %add3A_1294, %mul3A_1296 : vector<16xf32>
        %mul3A_1298 = vector.broadcast %mul3A_1168 : f32 to vector<16xf32>
        %mul3A_1299 = arith.mulf %mul3A_1298, %get3A_578 : vector<16xf32>
        %add3A_1300 = arith.addf %add3A_1297, %mul3A_1299 : vector<16xf32>
        %mul3A_1301 = vector.broadcast %mul3A_1171 : f32 to vector<16xf32>
        %mul3A_1302 = arith.mulf %mul3A_1301, %get3A_598 : vector<16xf32>
        %add3A_1303 = arith.addf %add3A_1300, %mul3A_1302 : vector<16xf32>
        %mul3A_1304 = vector.broadcast %mul3A_1174 : f32 to vector<16xf32>
        %mul3A_1305 = arith.mulf %mul3A_1304, %get3A_618 : vector<16xf32>
        %add3A_1306 = arith.addf %add3A_1303, %mul3A_1305 : vector<16xf32>
        %mul3A_1307 = vector.broadcast %mul3A_1177 : f32 to vector<16xf32>
        %mul3A_1308 = arith.mulf %mul3A_1307, %get3A_638 : vector<16xf32>
        %add3A_1309 = arith.addf %add3A_1306, %mul3A_1308 : vector<16xf32>
        %mul3A_1310 = vector.broadcast %mul3A_1180 : f32 to vector<16xf32>
        %mul3A_1311 = arith.mulf %mul3A_1310, %get3A_658 : vector<16xf32>
        %add3A_1312 = arith.addf %add3A_1309, %mul3A_1311 : vector<16xf32>
        %max3A_1313 = arith.constant 0.000000e+00 : f32
        %max3A_1314 = vector.broadcast %max3A_1313 : f32 to vector<16xf32>
        %max3A_1315 = arith.maximumf %add3A_1312, %max3A_1314 : vector<16xf32>
        %swap3A_1316 = arith.index_cast %add3A_1157 : i32 to index
        %swap3A_1317 = arith.constant 112 : index
        %swap3A_1318 = tpu.vector_load %arg18[%swap3A_1316, %swap3A_1317] {strides = array<i32>} : memref<80x128xf32, #tpu.memory_space<vmem>>, vector<1x16xf32>,
        %swap3A_1319 = vector.shape_cast %swap3A_1318 : vector<1x16xf32> to vector<16xf32>
        %swap3A_1320 = vector.shape_cast %max3A_1315 : vector<16xf32> to vector<1x16xf32>
        tpu.vector_store %arg18[%swap3A_1316, %swap3A_1317], %swap3A_1320 {strides = array<i32>} : memref<80x128xf32, #tpu.memory_space<vmem>>, vector<1x16xf32>,
      }
      %scan3A_664 = arith.constant 40 : i32
      "tpu.region"() ({
        %run_scoped3A = tpu.sem_alloc : memref<!tpu.dma_semaphore, #tpu.memory_space<semaphore_mem>>
        %dma_start3A_985 = arith.constant 0 : i32
        %dma_start3A_986 = arith.constant 0 : i32
        %dma_start3A_987 = tpu.memref_slice %arg9[%dma_start3A_985, %dma_start3A_986] : memref<10000x128xf32, #tpu.memory_space<vmem_shared>> -> memref<10000x128xf32, #tpu.memory_space<vmem_shared>>
        tpu.enqueue_indirect_dma source(%arg18 : memref<80x128xf32, #tpu.memory_space<vmem>>) target(%dma_start3A_987 : memref<10000x128xf32, #tpu.memory_space<vmem_shared>>) offsets(%arg12 : memref<80xi32, #tpu.memory_space<vmem>>) semaphore(%run_scoped3A : memref<!tpu.dma_semaphore, #tpu.memory_space<semaphore_mem>>) {add = true}
        %dma_wait3A_988 = arith.constant 0 : i32
        %dma_wait3A_989 = arith.constant 0 : i32
        %dma_wait3A_990 = tpu.memref_slice %arg9[%dma_wait3A_988, %dma_wait3A_989] : memref<10000x128xf32, #tpu.memory_space<vmem_shared>> -> memref<10000x128xf32, #tpu.memory_space<vmem_shared>>
        tpu.wait_indirect_dma semaphore(%run_scoped3A : memref<!tpu.dma_semaphore, #tpu.memory_space<semaphore_mem>>) src(%arg18 : memref<80x128xf32, #tpu.memory_space<vmem>>) dst(%dma_wait3A_990 : memref<10000x128xf32, #tpu.memory_space<vmem_shared>>)
        tpu.yield
      }) : () -> ()
      %add3A_665 = arith.constant 2 : i32
      %add3A_666 = arith.addi %add3A_363, %add3A_665 : i32
      %lt3A_667 = arith.constant 124 : i32
      %lt3A_668 = arith.cmpi slt, %add3A_666, %lt3A_667 : i32
      %convert_element_type3A_669 = arith.extui %lt3A_668 : i1 to i32
      %cond3A_670 = arith.constant 0 : i32
      %cond3A_671 = arith.cmpi ne, %convert_element_type3A_669, %cond3A_670 : i32
      scf.if %cond3A_671 {
        %add3A_985 = arith.constant 2 : i32
        %add3A_986 = arith.addi %add3A_363, %add3A_985 : i32
        %mul3A_987 = arith.constant 80 : i32
        %mul3A_988 = arith.muli %add3A_986, %mul3A_987 : i32
        %add3A_989 = arith.addi %mul3A_6, %mul3A_988 : i32
        %add3A_990 = arith.addi %mul3A_2, %add3A_989 : i32
        %dma_start3A_991 = tpu.memref_slice %arg6[%add3A_990] : memref<320000xi32, #tpu.memory_space<hbm>> -> memref<80xi32, #tpu.memory_space<hbm>>
        %dma_start3A_992 = tpu.memref_slice %arg6[%add3A_990] : memref<320000xi32, #tpu.memory_space<hbm>> -> memref<80xi32, #tpu.memory_space<hbm>>
        tpu.enqueue_dma source(%dma_start3A_992 : memref<80xi32, #tpu.memory_space<hbm>>) target(%arg10 : memref<80xi32, #tpu.memory_space<vmem>>) target_semaphore(%arg21 : memref<!tpu.dma_semaphore, #tpu.memory_space<semaphore_mem>>)
        %dma_start3A_993 = tpu.memref_slice %arg7[%add3A_989] : memref<160000xi32, #tpu.memory_space<hbm>> -> memref<80xi32, #tpu.memory_space<hbm>>
        %dma_start3A_994 = tpu.memref_slice %arg7[%add3A_989] : memref<160000xi32, #tpu.memory_space<hbm>> -> memref<80xi32, #tpu.memory_space<hbm>>
        tpu.enqueue_dma source(%dma_start3A_994 : memref<80xi32, #tpu.memory_space<hbm>>) target(%arg12 : memref<80xi32, #tpu.memory_space<vmem>>) target_semaphore(%arg21 : memref<!tpu.dma_semaphore, #tpu.memory_space<semaphore_mem>>)
        %mul3A_995 = arith.constant 8 : i32
        %mul3A_996 = arith.muli %add3A_989, %mul3A_995 : i32
        %dma_start3A_997 = tpu.memref_slice %arg5[%mul3A_996] : memref<1280000xf32, #tpu.memory_space<hbm>> -> memref<640xf32, #tpu.memory_space<hbm>>
        %dma_start3A_998 = tpu.memref_slice %arg5[%mul3A_996] : memref<1280000xf32, #tpu.memory_space<hbm>> -> memref<640xf32, #tpu.memory_space<hbm>>
        tpu.enqueue_dma source(%dma_start3A_998 : memref<640xf32, #tpu.memory_space<hbm>>) target(%arg16 : memref<640xf32, #tpu.memory_space<vmem>>) target_semaphore(%arg21 : memref<!tpu.dma_semaphore, #tpu.memory_space<semaphore_mem>>)
      } else {
      }
      %mul3A_672 = arith.constant 2 : i32
      %mul3A_673 = arith.muli %mul3A_672, %scan3A_359 : i32
      %add3A_674 = arith.constant 1 : i32
      %add3A_675 = arith.addi %mul3A_673, %add3A_674 : i32
      %add3A_676 = arith.constant 1 : i32
      %add3A_677 = arith.addi %add3A_675, %add3A_676 : i32
      %lt3A_678 = arith.constant 124 : i32
      %lt3A_679 = arith.cmpi slt, %add3A_677, %lt3A_678 : i32
      %convert_element_type3A_680 = arith.extui %lt3A_679 : i1 to i32
      %cond3A_681 = arith.constant 0 : i32
      %cond3A_682 = arith.cmpi ne, %convert_element_type3A_680, %cond3A_681 : i32
      scf.if %cond3A_682 {
        %add3A_985 = arith.constant 1 : i32
        %add3A_986 = arith.addi %add3A_675, %add3A_985 : i32
        %mul3A_987 = arith.constant 80 : i32
        %mul3A_988 = arith.muli %add3A_986, %mul3A_987 : i32
        %add3A_989 = arith.addi %mul3A_6, %mul3A_988 : i32
        %add3A_990 = arith.addi %mul3A_2, %add3A_989 : i32
        %dma_wait3A_991 = tpu.memref_slice %arg6[%add3A_990] : memref<320000xi32, #tpu.memory_space<hbm>> -> memref<80xi32, #tpu.memory_space<hbm>>
        %dma_wait3A_992 = tpu.memref_slice %arg6[%add3A_990] : memref<320000xi32, #tpu.memory_space<hbm>> -> memref<80xi32, #tpu.memory_space<hbm>>
        tpu.wait_dma2 semaphore(%arg21 : memref<!tpu.dma_semaphore, #tpu.memory_space<semaphore_mem>>) src(%dma_wait3A_992 : memref<80xi32, #tpu.memory_space<hbm>>) dst(%arg10 : memref<80xi32, #tpu.memory_space<vmem>>)
        %dma_wait3A_993 = tpu.memref_slice %arg7[%add3A_989] : memref<160000xi32, #tpu.memory_space<hbm>> -> memref<80xi32, #tpu.memory_space<hbm>>
        %dma_wait3A_994 = tpu.memref_slice %arg7[%add3A_989] : memref<160000xi32, #tpu.memory_space<hbm>> -> memref<80xi32, #tpu.memory_space<hbm>>
        tpu.wait_dma2 semaphore(%arg21 : memref<!tpu.dma_semaphore, #tpu.memory_space<semaphore_mem>>) src(%dma_wait3A_994 : memref<80xi32, #tpu.memory_space<hbm>>) dst(%arg12 : memref<80xi32, #tpu.memory_space<vmem>>)
        %mul3A_995 = arith.constant 8 : i32
        %mul3A_996 = arith.muli %add3A_989, %mul3A_995 : i32
        %dma_wait3A_997 = tpu.memref_slice %arg5[%mul3A_996] : memref<1280000xf32, #tpu.memory_space<hbm>> -> memref<640xf32, #tpu.memory_space<hbm>>
        %dma_wait3A_998 = tpu.memref_slice %arg5[%mul3A_996] : memref<1280000xf32, #tpu.memory_space<hbm>> -> memref<640xf32, #tpu.memory_space<hbm>>
        tpu.wait_dma2 semaphore(%arg21 : memref<!tpu.dma_semaphore, #tpu.memory_space<semaphore_mem>>) src(%dma_wait3A_998 : memref<640xf32, #tpu.memory_space<hbm>>) dst(%arg16 : memref<640xf32, #tpu.memory_space<vmem>>)
        %dma_start3A_999 = arith.constant 0 : i32
        %dma_start3A_1000 = arith.constant 0 : i32
        %dma_start3A_1001 = tpu.memref_slice %arg2[%dma_start3A_999, %dma_start3A_1000] : memref<20000x128xf32, #tpu.memory_space<hbm>> -> memref<20000x128xf32, #tpu.memory_space<hbm>>
        tpu.enqueue_indirect_dma source(%dma_start3A_1001 : memref<20000x128xf32, #tpu.memory_space<hbm>>) target(%arg14 : memref<80x128xf32, #tpu.memory_space<vmem>>) offsets(%arg10 : memref<80xi32, #tpu.memory_space<vmem>>) semaphore(%arg23 : memref<!tpu.dma_semaphore, #tpu.memory_space<semaphore_mem>>)
      } else {
      }
      %dma_wait3A_683 = arith.constant 0 : i32
      %dma_wait3A_684 = arith.constant 0 : i32
      %dma_wait3A_685 = tpu.memref_slice %arg2[%dma_wait3A_683, %dma_wait3A_684] : memref<20000x128xf32, #tpu.memory_space<hbm>> -> memref<20000x128xf32, #tpu.memory_space<hbm>>
      tpu.wait_indirect_dma semaphore(%arg24 : memref<!tpu.dma_semaphore, #tpu.memory_space<semaphore_mem>>) src(%dma_wait3A_685 : memref<20000x128xf32, #tpu.memory_space<hbm>>) dst(%arg15 : memref<80x128xf32, #tpu.memory_space<vmem>>)
      %get3A_686 = arith.constant 0 : i32
      %get3A_687 = arith.index_cast %get3A_686 : i32 to index
      %get3A_688 = arith.constant 0 : index
      %get3A_689 = tpu.vector_load %arg20[%get3A_687, %get3A_688] {strides = array<i32>} : memref<8x128xf32, #tpu.memory_space<vmem>>, vector<1x16xf32>,
      %get3A_690 = vector.shape_cast %get3A_689 : vector<1x16xf32> to vector<16xf32>
      %get3A_691 = arith.constant 0 : i32
      %get3A_692 = arith.index_cast %get3A_691 : i32 to index
      %get3A_693 = arith.constant 16 : index
      %get3A_694 = tpu.vector_load %arg20[%get3A_692, %get3A_693] {strides = array<i32>} : memref<8x128xf32, #tpu.memory_space<vmem>>, vector<1x16xf32>,
      %get3A_695 = vector.shape_cast %get3A_694 : vector<1x16xf32> to vector<16xf32>
      %get3A_696 = arith.constant 0 : i32
      %get3A_697 = arith.index_cast %get3A_696 : i32 to index
      %get3A_698 = arith.constant 32 : index
      %get3A_699 = tpu.vector_load %arg20[%get3A_697, %get3A_698] {strides = array<i32>} : memref<8x128xf32, #tpu.memory_space<vmem>>, vector<1x16xf32>,
      %get3A_700 = vector.shape_cast %get3A_699 : vector<1x16xf32> to vector<16xf32>
      %get3A_701 = arith.constant 0 : i32
      %get3A_702 = arith.index_cast %get3A_701 : i32 to index
      %get3A_703 = arith.constant 48 : index
      %get3A_704 = tpu.vector_load %arg20[%get3A_702, %get3A_703] {strides = array<i32>} : memref<8x128xf32, #tpu.memory_space<vmem>>, vector<1x16xf32>,
      %get3A_705 = vector.shape_cast %get3A_704 : vector<1x16xf32> to vector<16xf32>
      %get3A_706 = arith.constant 1 : i32
      %get3A_707 = arith.index_cast %get3A_706 : i32 to index
      %get3A_708 = arith.constant 0 : index
      %get3A_709 = tpu.vector_load %arg20[%get3A_707, %get3A_708] {strides = array<i32>} : memref<8x128xf32, #tpu.memory_space<vmem>>, vector<1x16xf32>,
      %get3A_710 = vector.shape_cast %get3A_709 : vector<1x16xf32> to vector<16xf32>
      %get3A_711 = arith.constant 1 : i32
      %get3A_712 = arith.index_cast %get3A_711 : i32 to index
      %get3A_713 = arith.constant 16 : index
      %get3A_714 = tpu.vector_load %arg20[%get3A_712, %get3A_713] {strides = array<i32>} : memref<8x128xf32, #tpu.memory_space<vmem>>, vector<1x16xf32>,
      %get3A_715 = vector.shape_cast %get3A_714 : vector<1x16xf32> to vector<16xf32>
      %get3A_716 = arith.constant 1 : i32
      %get3A_717 = arith.index_cast %get3A_716 : i32 to index
      %get3A_718 = arith.constant 32 : index
      %get3A_719 = tpu.vector_load %arg20[%get3A_717, %get3A_718] {strides = array<i32>} : memref<8x128xf32, #tpu.memory_space<vmem>>, vector<1x16xf32>,
      %get3A_720 = vector.shape_cast %get3A_719 : vector<1x16xf32> to vector<16xf32>
      %get3A_721 = arith.constant 1 : i32
      %get3A_722 = arith.index_cast %get3A_721 : i32 to index
      %get3A_723 = arith.constant 48 : index
      %get3A_724 = tpu.vector_load %arg20[%get3A_722, %get3A_723] {strides = array<i32>} : memref<8x128xf32, #tpu.memory_space<vmem>>, vector<1x16xf32>,
      %get3A_725 = vector.shape_cast %get3A_724 : vector<1x16xf32> to vector<16xf32>
      %get3A_726 = arith.constant 2 : i32
      %get3A_727 = arith.index_cast %get3A_726 : i32 to index
      %get3A_728 = arith.constant 0 : index
      %get3A_729 = tpu.vector_load %arg20[%get3A_727, %get3A_728] {strides = array<i32>} : memref<8x128xf32, #tpu.memory_space<vmem>>, vector<1x16xf32>,
      %get3A_730 = vector.shape_cast %get3A_729 : vector<1x16xf32> to vector<16xf32>
      %get3A_731 = arith.constant 2 : i32
      %get3A_732 = arith.index_cast %get3A_731 : i32 to index
      %get3A_733 = arith.constant 16 : index
      %get3A_734 = tpu.vector_load %arg20[%get3A_732, %get3A_733] {strides = array<i32>} : memref<8x128xf32, #tpu.memory_space<vmem>>, vector<1x16xf32>,
      %get3A_735 = vector.shape_cast %get3A_734 : vector<1x16xf32> to vector<16xf32>
      %get3A_736 = arith.constant 2 : i32
      %get3A_737 = arith.index_cast %get3A_736 : i32 to index
      %get3A_738 = arith.constant 32 : index
      %get3A_739 = tpu.vector_load %arg20[%get3A_737, %get3A_738] {strides = array<i32>} : memref<8x128xf32, #tpu.memory_space<vmem>>, vector<1x16xf32>,
      %get3A_740 = vector.shape_cast %get3A_739 : vector<1x16xf32> to vector<16xf32>
      %get3A_741 = arith.constant 2 : i32
      %get3A_742 = arith.index_cast %get3A_741 : i32 to index
      %get3A_743 = arith.constant 48 : index
      %get3A_744 = tpu.vector_load %arg20[%get3A_742, %get3A_743] {strides = array<i32>} : memref<8x128xf32, #tpu.memory_space<vmem>>, vector<1x16xf32>,
      %get3A_745 = vector.shape_cast %get3A_744 : vector<1x16xf32> to vector<16xf32>
      %get3A_746 = arith.constant 3 : i32
      %get3A_747 = arith.index_cast %get3A_746 : i32 to index
      %get3A_748 = arith.constant 0 : index
      %get3A_749 = tpu.vector_load %arg20[%get3A_747, %get3A_748] {strides = array<i32>} : memref<8x128xf32, #tpu.memory_space<vmem>>, vector<1x16xf32>,
      %get3A_750 = vector.shape_cast %get3A_749 : vector<1x16xf32> to vector<16xf32>
      %get3A_751 = arith.constant 3 : i32
      %get3A_752 = arith.index_cast %get3A_751 : i32 to index
      %get3A_753 = arith.constant 16 : index
      %get3A_754 = tpu.vector_load %arg20[%get3A_752, %get3A_753] {strides = array<i32>} : memref<8x128xf32, #tpu.memory_space<vmem>>, vector<1x16xf32>,
      %get3A_755 = vector.shape_cast %get3A_754 : vector<1x16xf32> to vector<16xf32>
      %get3A_756 = arith.constant 3 : i32
      %get3A_757 = arith.index_cast %get3A_756 : i32 to index
      %get3A_758 = arith.constant 32 : index
      %get3A_759 = tpu.vector_load %arg20[%get3A_757, %get3A_758] {strides = array<i32>} : memref<8x128xf32, #tpu.memory_space<vmem>>, vector<1x16xf32>,
      %get3A_760 = vector.shape_cast %get3A_759 : vector<1x16xf32> to vector<16xf32>
      %get3A_761 = arith.constant 3 : i32
      %get3A_762 = arith.index_cast %get3A_761 : i32 to index
      %get3A_763 = arith.constant 48 : index
      %get3A_764 = tpu.vector_load %arg20[%get3A_762, %get3A_763] {strides = array<i32>} : memref<8x128xf32, #tpu.memory_space<vmem>>, vector<1x16xf32>,
      %get3A_765 = vector.shape_cast %get3A_764 : vector<1x16xf32> to vector<16xf32>
      %get3A_766 = arith.constant 4 : i32
      %get3A_767 = arith.index_cast %get3A_766 : i32 to index
      %get3A_768 = arith.constant 0 : index
      %get3A_769 = tpu.vector_load %arg20[%get3A_767, %get3A_768] {strides = array<i32>} : memref<8x128xf32, #tpu.memory_space<vmem>>, vector<1x16xf32>,
      %get3A_770 = vector.shape_cast %get3A_769 : vector<1x16xf32> to vector<16xf32>
      %get3A_771 = arith.constant 4 : i32
      %get3A_772 = arith.index_cast %get3A_771 : i32 to index
      %get3A_773 = arith.constant 16 : index
      %get3A_774 = tpu.vector_load %arg20[%get3A_772, %get3A_773] {strides = array<i32>} : memref<8x128xf32, #tpu.memory_space<vmem>>, vector<1x16xf32>,
      %get3A_775 = vector.shape_cast %get3A_774 : vector<1x16xf32> to vector<16xf32>
      %get3A_776 = arith.constant 4 : i32
      %get3A_777 = arith.index_cast %get3A_776 : i32 to index
      %get3A_778 = arith.constant 32 : index
      %get3A_779 = tpu.vector_load %arg20[%get3A_777, %get3A_778] {strides = array<i32>} : memref<8x128xf32, #tpu.memory_space<vmem>>, vector<1x16xf32>,
      %get3A_780 = vector.shape_cast %get3A_779 : vector<1x16xf32> to vector<16xf32>
      %get3A_781 = arith.constant 4 : i32
      %get3A_782 = arith.index_cast %get3A_781 : i32 to index
      %get3A_783 = arith.constant 48 : index
      %get3A_784 = tpu.vector_load %arg20[%get3A_782, %get3A_783] {strides = array<i32>} : memref<8x128xf32, #tpu.memory_space<vmem>>, vector<1x16xf32>,
      %get3A_785 = vector.shape_cast %get3A_784 : vector<1x16xf32> to vector<16xf32>
      %get3A_786 = arith.constant 5 : i32
      %get3A_787 = arith.index_cast %get3A_786 : i32 to index
      %get3A_788 = arith.constant 0 : index
      %get3A_789 = tpu.vector_load %arg20[%get3A_787, %get3A_788] {strides = array<i32>} : memref<8x128xf32, #tpu.memory_space<vmem>>, vector<1x16xf32>,
      %get3A_790 = vector.shape_cast %get3A_789 : vector<1x16xf32> to vector<16xf32>
      %get3A_791 = arith.constant 5 : i32
      %get3A_792 = arith.index_cast %get3A_791 : i32 to index
      %get3A_793 = arith.constant 16 : index
      %get3A_794 = tpu.vector_load %arg20[%get3A_792, %get3A_793] {strides = array<i32>} : memref<8x128xf32, #tpu.memory_space<vmem>>, vector<1x16xf32>,
      %get3A_795 = vector.shape_cast %get3A_794 : vector<1x16xf32> to vector<16xf32>
      %get3A_796 = arith.constant 5 : i32
      %get3A_797 = arith.index_cast %get3A_796 : i32 to index
      %get3A_798 = arith.constant 32 : index
      %get3A_799 = tpu.vector_load %arg20[%get3A_797, %get3A_798] {strides = array<i32>} : memref<8x128xf32, #tpu.memory_space<vmem>>, vector<1x16xf32>,
      %get3A_800 = vector.shape_cast %get3A_799 : vector<1x16xf32> to vector<16xf32>
      %get3A_801 = arith.constant 5 : i32
      %get3A_802 = arith.index_cast %get3A_801 : i32 to index
      %get3A_803 = arith.constant 48 : index
      %get3A_804 = tpu.vector_load %arg20[%get3A_802, %get3A_803] {strides = array<i32>} : memref<8x128xf32, #tpu.memory_space<vmem>>, vector<1x16xf32>,
      %get3A_805 = vector.shape_cast %get3A_804 : vector<1x16xf32> to vector<16xf32>
      %get3A_806 = arith.constant 6 : i32
      %get3A_807 = arith.index_cast %get3A_806 : i32 to index
      %get3A_808 = arith.constant 0 : index
      %get3A_809 = tpu.vector_load %arg20[%get3A_807, %get3A_808] {strides = array<i32>} : memref<8x128xf32, #tpu.memory_space<vmem>>, vector<1x16xf32>,
      %get3A_810 = vector.shape_cast %get3A_809 : vector<1x16xf32> to vector<16xf32>
      %get3A_811 = arith.constant 6 : i32
      %get3A_812 = arith.index_cast %get3A_811 : i32 to index
      %get3A_813 = arith.constant 16 : index
      %get3A_814 = tpu.vector_load %arg20[%get3A_812, %get3A_813] {strides = array<i32>} : memref<8x128xf32, #tpu.memory_space<vmem>>, vector<1x16xf32>,
      %get3A_815 = vector.shape_cast %get3A_814 : vector<1x16xf32> to vector<16xf32>
      %get3A_816 = arith.constant 6 : i32
      %get3A_817 = arith.index_cast %get3A_816 : i32 to index
      %get3A_818 = arith.constant 32 : index
      %get3A_819 = tpu.vector_load %arg20[%get3A_817, %get3A_818] {strides = array<i32>} : memref<8x128xf32, #tpu.memory_space<vmem>>, vector<1x16xf32>,
      %get3A_820 = vector.shape_cast %get3A_819 : vector<1x16xf32> to vector<16xf32>
      %get3A_821 = arith.constant 6 : i32
      %get3A_822 = arith.index_cast %get3A_821 : i32 to index
      %get3A_823 = arith.constant 48 : index
      %get3A_824 = tpu.vector_load %arg20[%get3A_822, %get3A_823] {strides = array<i32>} : memref<8x128xf32, #tpu.memory_space<vmem>>, vector<1x16xf32>,
      %get3A_825 = vector.shape_cast %get3A_824 : vector<1x16xf32> to vector<16xf32>
      %scan3A_826 = arith.constant 0 : i32
      %scan3A_827 = arith.constant 0 : i32
      %scan3A_828 = arith.constant 40 : i32
      %scan3A_829 = arith.addi %scan3A_827, %scan3A_828 : i32
      %scan3A_830 = arith.constant 1 : i32
      scf.for %scan3A_985 = %scan3A_827 to %scan3A_829 step %scan3A_830  : i32 {
        %mul3A_986 = arith.constant 16 : i32
        %mul3A_987 = arith.muli %scan3A_985, %mul3A_986 : i32
        %get3A_988 = arith.index_cast %mul3A_987 : i32 to index
        %get3A_989 = tpu.vector_load %arg17[%get3A_988] {strides = array<i32>} : memref<640xf32, #tpu.memory_space<vmem>>, vector<16xf32>,
        %get3A_990 = vector.shape_cast %get3A_989 : vector<16xf32> to vector<16xf32>
        %mul3A_991 = arith.constant 2 : i32
        %mul3A_992 = arith.muli %mul3A_991, %scan3A_985 : i32
        %add3A_993 = arith.constant 0 : i32
        %add3A_994 = arith.addi %mul3A_992, %add3A_993 : i32
        %slice3A = vector.extract_strided_slice %get3A_990 {offsets = [7], sizes = [1], strides = [1]} : vector<16xf32> to vector<1xf32>
        %squeeze3A = vector.extract %slice3A[0] : f32 from vector<1xf32>
        %slice3A_995 = vector.extract_strided_slice %get3A_990 {offsets = [0], sizes = [1], strides = [1]} : vector<16xf32> to vector<1xf32>
        %squeeze3A_996 = vector.extract %slice3A_995[0] : f32 from vector<1xf32>
        %mul3A_997 = arith.mulf %squeeze3A, %squeeze3A_996 : f32
        %slice3A_998 = vector.extract_strided_slice %get3A_990 {offsets = [1], sizes = [1], strides = [1]} : vector<16xf32> to vector<1xf32>
        %squeeze3A_999 = vector.extract %slice3A_998[0] : f32 from vector<1xf32>
        %mul3A_1000 = arith.mulf %squeeze3A, %squeeze3A_999 : f32
        %slice3A_1001 = vector.extract_strided_slice %get3A_990 {offsets = [2], sizes = [1], strides = [1]} : vector<16xf32> to vector<1xf32>
        %squeeze3A_1002 = vector.extract %slice3A_1001[0] : f32 from vector<1xf32>
        %mul3A_1003 = arith.mulf %squeeze3A, %squeeze3A_1002 : f32
        %slice3A_1004 = vector.extract_strided_slice %get3A_990 {offsets = [3], sizes = [1], strides = [1]} : vector<16xf32> to vector<1xf32>
        %squeeze3A_1005 = vector.extract %slice3A_1004[0] : f32 from vector<1xf32>
        %mul3A_1006 = arith.mulf %squeeze3A, %squeeze3A_1005 : f32
        %slice3A_1007 = vector.extract_strided_slice %get3A_990 {offsets = [4], sizes = [1], strides = [1]} : vector<16xf32> to vector<1xf32>
        %squeeze3A_1008 = vector.extract %slice3A_1007[0] : f32 from vector<1xf32>
        %mul3A_1009 = arith.mulf %squeeze3A, %squeeze3A_1008 : f32
        %slice3A_1010 = vector.extract_strided_slice %get3A_990 {offsets = [5], sizes = [1], strides = [1]} : vector<16xf32> to vector<1xf32>
        %squeeze3A_1011 = vector.extract %slice3A_1010[0] : f32 from vector<1xf32>
        %mul3A_1012 = arith.mulf %squeeze3A, %squeeze3A_1011 : f32
        %slice3A_1013 = vector.extract_strided_slice %get3A_990 {offsets = [6], sizes = [1], strides = [1]} : vector<16xf32> to vector<1xf32>
        %squeeze3A_1014 = vector.extract %slice3A_1013[0] : f32 from vector<1xf32>
        %mul3A_1015 = arith.mulf %squeeze3A, %squeeze3A_1014 : f32
        %get3A_1016 = arith.index_cast %add3A_994 : i32 to index
        %get3A_1017 = arith.constant 0 : index
        %get3A_1018 = tpu.vector_load %arg15[%get3A_1016, %get3A_1017] {strides = array<i32>} : memref<80x128xf32, #tpu.memory_space<vmem>>, vector<1x16xf32>,
        %get3A_1019 = vector.shape_cast %get3A_1018 : vector<1x16xf32> to vector<16xf32>
        %mul3A_1020 = vector.broadcast %squeeze3A : f32 to vector<16xf32>
        %mul3A_1021 = arith.mulf %mul3A_1020, %get3A_1019 : vector<16xf32>
        %mul3A_1022 = vector.broadcast %mul3A_997 : f32 to vector<16xf32>
        %mul3A_1023 = arith.mulf %mul3A_1022, %get3A_690 : vector<16xf32>
        %add3A_1024 = arith.addf %mul3A_1021, %mul3A_1023 : vector<16xf32>
        %mul3A_1025 = vector.broadcast %mul3A_1000 : f32 to vector<16xf32>
        %mul3A_1026 = arith.mulf %mul3A_1025, %get3A_710 : vector<16xf32>
        %add3A_1027 = arith.addf %add3A_1024, %mul3A_1026 : vector<16xf32>
        %mul3A_1028 = vector.broadcast %mul3A_1003 : f32 to vector<16xf32>
        %mul3A_1029 = arith.mulf %mul3A_1028, %get3A_730 : vector<16xf32>
        %add3A_1030 = arith.addf %add3A_1027, %mul3A_1029 : vector<16xf32>
        %mul3A_1031 = vector.broadcast %mul3A_1006 : f32 to vector<16xf32>
        %mul3A_1032 = arith.mulf %mul3A_1031, %get3A_750 : vector<16xf32>
        %add3A_1033 = arith.addf %add3A_1030, %mul3A_1032 : vector<16xf32>
        %mul3A_1034 = vector.broadcast %mul3A_1009 : f32 to vector<16xf32>
        %mul3A_1035 = arith.mulf %mul3A_1034, %get3A_770 : vector<16xf32>
        %add3A_1036 = arith.addf %add3A_1033, %mul3A_1035 : vector<16xf32>
        %mul3A_1037 = vector.broadcast %mul3A_1012 : f32 to vector<16xf32>
        %mul3A_1038 = arith.mulf %mul3A_1037, %get3A_790 : vector<16xf32>
        %add3A_1039 = arith.addf %add3A_1036, %mul3A_1038 : vector<16xf32>
        %mul3A_1040 = vector.broadcast %mul3A_1015 : f32 to vector<16xf32>
        %mul3A_1041 = arith.mulf %mul3A_1040, %get3A_810 : vector<16xf32>
        %add3A_1042 = arith.addf %add3A_1039, %mul3A_1041 : vector<16xf32>
        %max3A = arith.constant 0.000000e+00 : f32
        %max3A_1043 = vector.broadcast %max3A : f32 to vector<16xf32>
        %max3A_1044 = arith.maximumf %add3A_1042, %max3A_1043 : vector<16xf32>
        %swap3A = arith.index_cast %add3A_994 : i32 to index
        %swap3A_1045 = arith.constant 0 : index
        %swap3A_1046 = tpu.vector_load %arg19[%swap3A, %swap3A_1045] {strides = array<i32>} : memref<80x128xf32, #tpu.memory_space<vmem>>, vector<1x16xf32>,
        %swap3A_1047 = vector.shape_cast %swap3A_1046 : vector<1x16xf32> to vector<16xf32>
        %swap3A_1048 = vector.shape_cast %max3A_1044 : vector<16xf32> to vector<1x16xf32>
        tpu.vector_store %arg19[%swap3A, %swap3A_1045], %swap3A_1048 {strides = array<i32>} : memref<80x128xf32, #tpu.memory_space<vmem>>, vector<1x16xf32>,
        %get3A_1049 = arith.index_cast %add3A_994 : i32 to index
        %get3A_1050 = arith.constant 16 : index
        %get3A_1051 = tpu.vector_load %arg15[%get3A_1049, %get3A_1050] {strides = array<i32>} : memref<80x128xf32, #tpu.memory_space<vmem>>, vector<1x16xf32>,
        %get3A_1052 = vector.shape_cast %get3A_1051 : vector<1x16xf32> to vector<16xf32>
        %mul3A_1053 = vector.broadcast %squeeze3A : f32 to vector<16xf32>
        %mul3A_1054 = arith.mulf %mul3A_1053, %get3A_1052 : vector<16xf32>
        %mul3A_1055 = vector.broadcast %mul3A_997 : f32 to vector<16xf32>
        %mul3A_1056 = arith.mulf %mul3A_1055, %get3A_695 : vector<16xf32>
        %add3A_1057 = arith.addf %mul3A_1054, %mul3A_1056 : vector<16xf32>
        %mul3A_1058 = vector.broadcast %mul3A_1000 : f32 to vector<16xf32>
        %mul3A_1059 = arith.mulf %mul3A_1058, %get3A_715 : vector<16xf32>
        %add3A_1060 = arith.addf %add3A_1057, %mul3A_1059 : vector<16xf32>
        %mul3A_1061 = vector.broadcast %mul3A_1003 : f32 to vector<16xf32>
        %mul3A_1062 = arith.mulf %mul3A_1061, %get3A_735 : vector<16xf32>
        %add3A_1063 = arith.addf %add3A_1060, %mul3A_1062 : vector<16xf32>
        %mul3A_1064 = vector.broadcast %mul3A_1006 : f32 to vector<16xf32>
        %mul3A_1065 = arith.mulf %mul3A_1064, %get3A_755 : vector<16xf32>
        %add3A_1066 = arith.addf %add3A_1063, %mul3A_1065 : vector<16xf32>
        %mul3A_1067 = vector.broadcast %mul3A_1009 : f32 to vector<16xf32>
        %mul3A_1068 = arith.mulf %mul3A_1067, %get3A_775 : vector<16xf32>
        %add3A_1069 = arith.addf %add3A_1066, %mul3A_1068 : vector<16xf32>
        %mul3A_1070 = vector.broadcast %mul3A_1012 : f32 to vector<16xf32>
        %mul3A_1071 = arith.mulf %mul3A_1070, %get3A_795 : vector<16xf32>
        %add3A_1072 = arith.addf %add3A_1069, %mul3A_1071 : vector<16xf32>
        %mul3A_1073 = vector.broadcast %mul3A_1015 : f32 to vector<16xf32>
        %mul3A_1074 = arith.mulf %mul3A_1073, %get3A_815 : vector<16xf32>
        %add3A_1075 = arith.addf %add3A_1072, %mul3A_1074 : vector<16xf32>
        %max3A_1076 = arith.constant 0.000000e+00 : f32
        %max3A_1077 = vector.broadcast %max3A_1076 : f32 to vector<16xf32>
        %max3A_1078 = arith.maximumf %add3A_1075, %max3A_1077 : vector<16xf32>
        %swap3A_1079 = arith.index_cast %add3A_994 : i32 to index
        %swap3A_1080 = arith.constant 16 : index
        %swap3A_1081 = tpu.vector_load %arg19[%swap3A_1079, %swap3A_1080] {strides = array<i32>} : memref<80x128xf32, #tpu.memory_space<vmem>>, vector<1x16xf32>,
        %swap3A_1082 = vector.shape_cast %swap3A_1081 : vector<1x16xf32> to vector<16xf32>
        %swap3A_1083 = vector.shape_cast %max3A_1078 : vector<16xf32> to vector<1x16xf32>
        tpu.vector_store %arg19[%swap3A_1079, %swap3A_1080], %swap3A_1083 {strides = array<i32>} : memref<80x128xf32, #tpu.memory_space<vmem>>, vector<1x16xf32>,
        %get3A_1084 = arith.index_cast %add3A_994 : i32 to index
        %get3A_1085 = arith.constant 32 : index
        %get3A_1086 = tpu.vector_load %arg15[%get3A_1084, %get3A_1085] {strides = array<i32>} : memref<80x128xf32, #tpu.memory_space<vmem>>, vector<1x16xf32>,
        %get3A_1087 = vector.shape_cast %get3A_1086 : vector<1x16xf32> to vector<16xf32>
        %mul3A_1088 = vector.broadcast %squeeze3A : f32 to vector<16xf32>
        %mul3A_1089 = arith.mulf %mul3A_1088, %get3A_1087 : vector<16xf32>
        %mul3A_1090 = vector.broadcast %mul3A_997 : f32 to vector<16xf32>
        %mul3A_1091 = arith.mulf %mul3A_1090, %get3A_700 : vector<16xf32>
        %add3A_1092 = arith.addf %mul3A_1089, %mul3A_1091 : vector<16xf32>
        %mul3A_1093 = vector.broadcast %mul3A_1000 : f32 to vector<16xf32>
        %mul3A_1094 = arith.mulf %mul3A_1093, %get3A_720 : vector<16xf32>
        %add3A_1095 = arith.addf %add3A_1092, %mul3A_1094 : vector<16xf32>
        %mul3A_1096 = vector.broadcast %mul3A_1003 : f32 to vector<16xf32>
        %mul3A_1097 = arith.mulf %mul3A_1096, %get3A_740 : vector<16xf32>
        %add3A_1098 = arith.addf %add3A_1095, %mul3A_1097 : vector<16xf32>
        %mul3A_1099 = vector.broadcast %mul3A_1006 : f32 to vector<16xf32>
        %mul3A_1100 = arith.mulf %mul3A_1099, %get3A_760 : vector<16xf32>
        %add3A_1101 = arith.addf %add3A_1098, %mul3A_1100 : vector<16xf32>
        %mul3A_1102 = vector.broadcast %mul3A_1009 : f32 to vector<16xf32>
        %mul3A_1103 = arith.mulf %mul3A_1102, %get3A_780 : vector<16xf32>
        %add3A_1104 = arith.addf %add3A_1101, %mul3A_1103 : vector<16xf32>
        %mul3A_1105 = vector.broadcast %mul3A_1012 : f32 to vector<16xf32>
        %mul3A_1106 = arith.mulf %mul3A_1105, %get3A_800 : vector<16xf32>
        %add3A_1107 = arith.addf %add3A_1104, %mul3A_1106 : vector<16xf32>
        %mul3A_1108 = vector.broadcast %mul3A_1015 : f32 to vector<16xf32>
        %mul3A_1109 = arith.mulf %mul3A_1108, %get3A_820 : vector<16xf32>
        %add3A_1110 = arith.addf %add3A_1107, %mul3A_1109 : vector<16xf32>
        %max3A_1111 = arith.constant 0.000000e+00 : f32
        %max3A_1112 = vector.broadcast %max3A_1111 : f32 to vector<16xf32>
        %max3A_1113 = arith.maximumf %add3A_1110, %max3A_1112 : vector<16xf32>
        %swap3A_1114 = arith.index_cast %add3A_994 : i32 to index
        %swap3A_1115 = arith.constant 32 : index
        %swap3A_1116 = tpu.vector_load %arg19[%swap3A_1114, %swap3A_1115] {strides = array<i32>} : memref<80x128xf32, #tpu.memory_space<vmem>>, vector<1x16xf32>,
        %swap3A_1117 = vector.shape_cast %swap3A_1116 : vector<1x16xf32> to vector<16xf32>
        %swap3A_1118 = vector.shape_cast %max3A_1113 : vector<16xf32> to vector<1x16xf32>
        tpu.vector_store %arg19[%swap3A_1114, %swap3A_1115], %swap3A_1118 {strides = array<i32>} : memref<80x128xf32, #tpu.memory_space<vmem>>, vector<1x16xf32>,
        %get3A_1119 = arith.index_cast %add3A_994 : i32 to index
        %get3A_1120 = arith.constant 48 : index
        %get3A_1121 = tpu.vector_load %arg15[%get3A_1119, %get3A_1120] {strides = array<i32>} : memref<80x128xf32, #tpu.memory_space<vmem>>, vector<1x16xf32>,
        %get3A_1122 = vector.shape_cast %get3A_1121 : vector<1x16xf32> to vector<16xf32>
        %mul3A_1123 = vector.broadcast %squeeze3A : f32 to vector<16xf32>
        %mul3A_1124 = arith.mulf %mul3A_1123, %get3A_1122 : vector<16xf32>
        %mul3A_1125 = vector.broadcast %mul3A_997 : f32 to vector<16xf32>
        %mul3A_1126 = arith.mulf %mul3A_1125, %get3A_705 : vector<16xf32>
        %add3A_1127 = arith.addf %mul3A_1124, %mul3A_1126 : vector<16xf32>
        %mul3A_1128 = vector.broadcast %mul3A_1000 : f32 to vector<16xf32>
        %mul3A_1129 = arith.mulf %mul3A_1128, %get3A_725 : vector<16xf32>
        %add3A_1130 = arith.addf %add3A_1127, %mul3A_1129 : vector<16xf32>
        %mul3A_1131 = vector.broadcast %mul3A_1003 : f32 to vector<16xf32>
        %mul3A_1132 = arith.mulf %mul3A_1131, %get3A_745 : vector<16xf32>
        %add3A_1133 = arith.addf %add3A_1130, %mul3A_1132 : vector<16xf32>
        %mul3A_1134 = vector.broadcast %mul3A_1006 : f32 to vector<16xf32>
        %mul3A_1135 = arith.mulf %mul3A_1134, %get3A_765 : vector<16xf32>
        %add3A_1136 = arith.addf %add3A_1133, %mul3A_1135 : vector<16xf32>
        %mul3A_1137 = vector.broadcast %mul3A_1009 : f32 to vector<16xf32>
        %mul3A_1138 = arith.mulf %mul3A_1137, %get3A_785 : vector<16xf32>
        %add3A_1139 = arith.addf %add3A_1136, %mul3A_1138 : vector<16xf32>
        %mul3A_1140 = vector.broadcast %mul3A_1012 : f32 to vector<16xf32>
        %mul3A_1141 = arith.mulf %mul3A_1140, %get3A_805 : vector<16xf32>
        %add3A_1142 = arith.addf %add3A_1139, %mul3A_1141 : vector<16xf32>
        %mul3A_1143 = vector.broadcast %mul3A_1015 : f32 to vector<16xf32>
        %mul3A_1144 = arith.mulf %mul3A_1143, %get3A_825 : vector<16xf32>
        %add3A_1145 = arith.addf %add3A_1142, %mul3A_1144 : vector<16xf32>
        %max3A_1146 = arith.constant 0.000000e+00 : f32
        %max3A_1147 = vector.broadcast %max3A_1146 : f32 to vector<16xf32>
        %max3A_1148 = arith.maximumf %add3A_1145, %max3A_1147 : vector<16xf32>
        %swap3A_1149 = arith.index_cast %add3A_994 : i32 to index
        %swap3A_1150 = arith.constant 48 : index
        %swap3A_1151 = tpu.vector_load %arg19[%swap3A_1149, %swap3A_1150] {strides = array<i32>} : memref<80x128xf32, #tpu.memory_space<vmem>>, vector<1x16xf32>,
        %swap3A_1152 = vector.shape_cast %swap3A_1151 : vector<1x16xf32> to vector<16xf32>
        %swap3A_1153 = vector.shape_cast %max3A_1148 : vector<16xf32> to vector<1x16xf32>
        tpu.vector_store %arg19[%swap3A_1149, %swap3A_1150], %swap3A_1153 {strides = array<i32>} : memref<80x128xf32, #tpu.memory_space<vmem>>, vector<1x16xf32>,
        %mul3A_1154 = arith.constant 2 : i32
        %mul3A_1155 = arith.muli %mul3A_1154, %scan3A_985 : i32
        %add3A_1156 = arith.constant 1 : i32
        %add3A_1157 = arith.addi %mul3A_1155, %add3A_1156 : i32
        %slice3A_1158 = vector.extract_strided_slice %get3A_990 {offsets = [15], sizes = [1], strides = [1]} : vector<16xf32> to vector<1xf32>
        %squeeze3A_1159 = vector.extract %slice3A_1158[0] : f32 from vector<1xf32>
        %slice3A_1160 = vector.extract_strided_slice %get3A_990 {offsets = [8], sizes = [1], strides = [1]} : vector<16xf32> to vector<1xf32>
        %squeeze3A_1161 = vector.extract %slice3A_1160[0] : f32 from vector<1xf32>
        %mul3A_1162 = arith.mulf %squeeze3A_1159, %squeeze3A_1161 : f32
        %slice3A_1163 = vector.extract_strided_slice %get3A_990 {offsets = [9], sizes = [1], strides = [1]} : vector<16xf32> to vector<1xf32>
        %squeeze3A_1164 = vector.extract %slice3A_1163[0] : f32 from vector<1xf32>
        %mul3A_1165 = arith.mulf %squeeze3A_1159, %squeeze3A_1164 : f32
        %slice3A_1166 = vector.extract_strided_slice %get3A_990 {offsets = [10], sizes = [1], strides = [1]} : vector<16xf32> to vector<1xf32>
        %squeeze3A_1167 = vector.extract %slice3A_1166[0] : f32 from vector<1xf32>
        %mul3A_1168 = arith.mulf %squeeze3A_1159, %squeeze3A_1167 : f32
        %slice3A_1169 = vector.extract_strided_slice %get3A_990 {offsets = [11], sizes = [1], strides = [1]} : vector<16xf32> to vector<1xf32>
        %squeeze3A_1170 = vector.extract %slice3A_1169[0] : f32 from vector<1xf32>
        %mul3A_1171 = arith.mulf %squeeze3A_1159, %squeeze3A_1170 : f32
        %slice3A_1172 = vector.extract_strided_slice %get3A_990 {offsets = [12], sizes = [1], strides = [1]} : vector<16xf32> to vector<1xf32>
        %squeeze3A_1173 = vector.extract %slice3A_1172[0] : f32 from vector<1xf32>
        %mul3A_1174 = arith.mulf %squeeze3A_1159, %squeeze3A_1173 : f32
        %slice3A_1175 = vector.extract_strided_slice %get3A_990 {offsets = [13], sizes = [1], strides = [1]} : vector<16xf32> to vector<1xf32>
        %squeeze3A_1176 = vector.extract %slice3A_1175[0] : f32 from vector<1xf32>
        %mul3A_1177 = arith.mulf %squeeze3A_1159, %squeeze3A_1176 : f32
        %slice3A_1178 = vector.extract_strided_slice %get3A_990 {offsets = [14], sizes = [1], strides = [1]} : vector<16xf32> to vector<1xf32>
        %squeeze3A_1179 = vector.extract %slice3A_1178[0] : f32 from vector<1xf32>
        %mul3A_1180 = arith.mulf %squeeze3A_1159, %squeeze3A_1179 : f32
        %get3A_1181 = arith.index_cast %add3A_1157 : i32 to index
        %get3A_1182 = arith.constant 0 : index
        %get3A_1183 = tpu.vector_load %arg15[%get3A_1181, %get3A_1182] {strides = array<i32>} : memref<80x128xf32, #tpu.memory_space<vmem>>, vector<1x16xf32>,
        %get3A_1184 = vector.shape_cast %get3A_1183 : vector<1x16xf32> to vector<16xf32>
        %mul3A_1185 = vector.broadcast %squeeze3A_1159 : f32 to vector<16xf32>
        %mul3A_1186 = arith.mulf %mul3A_1185, %get3A_1184 : vector<16xf32>
        %mul3A_1187 = vector.broadcast %mul3A_1162 : f32 to vector<16xf32>
        %mul3A_1188 = arith.mulf %mul3A_1187, %get3A_690 : vector<16xf32>
        %add3A_1189 = arith.addf %mul3A_1186, %mul3A_1188 : vector<16xf32>
        %mul3A_1190 = vector.broadcast %mul3A_1165 : f32 to vector<16xf32>
        %mul3A_1191 = arith.mulf %mul3A_1190, %get3A_710 : vector<16xf32>
        %add3A_1192 = arith.addf %add3A_1189, %mul3A_1191 : vector<16xf32>
        %mul3A_1193 = vector.broadcast %mul3A_1168 : f32 to vector<16xf32>
        %mul3A_1194 = arith.mulf %mul3A_1193, %get3A_730 : vector<16xf32>
        %add3A_1195 = arith.addf %add3A_1192, %mul3A_1194 : vector<16xf32>
        %mul3A_1196 = vector.broadcast %mul3A_1171 : f32 to vector<16xf32>
        %mul3A_1197 = arith.mulf %mul3A_1196, %get3A_750 : vector<16xf32>
        %add3A_1198 = arith.addf %add3A_1195, %mul3A_1197 : vector<16xf32>
        %mul3A_1199 = vector.broadcast %mul3A_1174 : f32 to vector<16xf32>
        %mul3A_1200 = arith.mulf %mul3A_1199, %get3A_770 : vector<16xf32>
        %add3A_1201 = arith.addf %add3A_1198, %mul3A_1200 : vector<16xf32>
        %mul3A_1202 = vector.broadcast %mul3A_1177 : f32 to vector<16xf32>
        %mul3A_1203 = arith.mulf %mul3A_1202, %get3A_790 : vector<16xf32>
        %add3A_1204 = arith.addf %add3A_1201, %mul3A_1203 : vector<16xf32>
        %mul3A_1205 = vector.broadcast %mul3A_1180 : f32 to vector<16xf32>
        %mul3A_1206 = arith.mulf %mul3A_1205, %get3A_810 : vector<16xf32>
        %add3A_1207 = arith.addf %add3A_1204, %mul3A_1206 : vector<16xf32>
        %max3A_1208 = arith.constant 0.000000e+00 : f32
        %max3A_1209 = vector.broadcast %max3A_1208 : f32 to vector<16xf32>
        %max3A_1210 = arith.maximumf %add3A_1207, %max3A_1209 : vector<16xf32>
        %swap3A_1211 = arith.index_cast %add3A_1157 : i32 to index
        %swap3A_1212 = arith.constant 0 : index
        %swap3A_1213 = tpu.vector_load %arg19[%swap3A_1211, %swap3A_1212] {strides = array<i32>} : memref<80x128xf32, #tpu.memory_space<vmem>>, vector<1x16xf32>,
        %swap3A_1214 = vector.shape_cast %swap3A_1213 : vector<1x16xf32> to vector<16xf32>
        %swap3A_1215 = vector.shape_cast %max3A_1210 : vector<16xf32> to vector<1x16xf32>
        tpu.vector_store %arg19[%swap3A_1211, %swap3A_1212], %swap3A_1215 {strides = array<i32>} : memref<80x128xf32, #tpu.memory_space<vmem>>, vector<1x16xf32>,
        %get3A_1216 = arith.index_cast %add3A_1157 : i32 to index
        %get3A_1217 = arith.constant 16 : index
        %get3A_1218 = tpu.vector_load %arg15[%get3A_1216, %get3A_1217] {strides = array<i32>} : memref<80x128xf32, #tpu.memory_space<vmem>>, vector<1x16xf32>,
        %get3A_1219 = vector.shape_cast %get3A_1218 : vector<1x16xf32> to vector<16xf32>
        %mul3A_1220 = vector.broadcast %squeeze3A_1159 : f32 to vector<16xf32>
        %mul3A_1221 = arith.mulf %mul3A_1220, %get3A_1219 : vector<16xf32>
        %mul3A_1222 = vector.broadcast %mul3A_1162 : f32 to vector<16xf32>
        %mul3A_1223 = arith.mulf %mul3A_1222, %get3A_695 : vector<16xf32>
        %add3A_1224 = arith.addf %mul3A_1221, %mul3A_1223 : vector<16xf32>
        %mul3A_1225 = vector.broadcast %mul3A_1165 : f32 to vector<16xf32>
        %mul3A_1226 = arith.mulf %mul3A_1225, %get3A_715 : vector<16xf32>
        %add3A_1227 = arith.addf %add3A_1224, %mul3A_1226 : vector<16xf32>
        %mul3A_1228 = vector.broadcast %mul3A_1168 : f32 to vector<16xf32>
        %mul3A_1229 = arith.mulf %mul3A_1228, %get3A_735 : vector<16xf32>
        %add3A_1230 = arith.addf %add3A_1227, %mul3A_1229 : vector<16xf32>
        %mul3A_1231 = vector.broadcast %mul3A_1171 : f32 to vector<16xf32>
        %mul3A_1232 = arith.mulf %mul3A_1231, %get3A_755 : vector<16xf32>
        %add3A_1233 = arith.addf %add3A_1230, %mul3A_1232 : vector<16xf32>
        %mul3A_1234 = vector.broadcast %mul3A_1174 : f32 to vector<16xf32>
        %mul3A_1235 = arith.mulf %mul3A_1234, %get3A_775 : vector<16xf32>
        %add3A_1236 = arith.addf %add3A_1233, %mul3A_1235 : vector<16xf32>
        %mul3A_1237 = vector.broadcast %mul3A_1177 : f32 to vector<16xf32>
        %mul3A_1238 = arith.mulf %mul3A_1237, %get3A_795 : vector<16xf32>
        %add3A_1239 = arith.addf %add3A_1236, %mul3A_1238 : vector<16xf32>
        %mul3A_1240 = vector.broadcast %mul3A_1180 : f32 to vector<16xf32>
        %mul3A_1241 = arith.mulf %mul3A_1240, %get3A_815 : vector<16xf32>
        %add3A_1242 = arith.addf %add3A_1239, %mul3A_1241 : vector<16xf32>
        %max3A_1243 = arith.constant 0.000000e+00 : f32
        %max3A_1244 = vector.broadcast %max3A_1243 : f32 to vector<16xf32>
        %max3A_1245 = arith.maximumf %add3A_1242, %max3A_1244 : vector<16xf32>
        %swap3A_1246 = arith.index_cast %add3A_1157 : i32 to index
        %swap3A_1247 = arith.constant 16 : index
        %swap3A_1248 = tpu.vector_load %arg19[%swap3A_1246, %swap3A_1247] {strides = array<i32>} : memref<80x128xf32, #tpu.memory_space<vmem>>, vector<1x16xf32>,
        %swap3A_1249 = vector.shape_cast %swap3A_1248 : vector<1x16xf32> to vector<16xf32>
        %swap3A_1250 = vector.shape_cast %max3A_1245 : vector<16xf32> to vector<1x16xf32>
        tpu.vector_store %arg19[%swap3A_1246, %swap3A_1247], %swap3A_1250 {strides = array<i32>} : memref<80x128xf32, #tpu.memory_space<vmem>>, vector<1x16xf32>,
        %get3A_1251 = arith.index_cast %add3A_1157 : i32 to index
        %get3A_1252 = arith.constant 32 : index
        %get3A_1253 = tpu.vector_load %arg15[%get3A_1251, %get3A_1252] {strides = array<i32>} : memref<80x128xf32, #tpu.memory_space<vmem>>, vector<1x16xf32>,
        %get3A_1254 = vector.shape_cast %get3A_1253 : vector<1x16xf32> to vector<16xf32>
        %mul3A_1255 = vector.broadcast %squeeze3A_1159 : f32 to vector<16xf32>
        %mul3A_1256 = arith.mulf %mul3A_1255, %get3A_1254 : vector<16xf32>
        %mul3A_1257 = vector.broadcast %mul3A_1162 : f32 to vector<16xf32>
        %mul3A_1258 = arith.mulf %mul3A_1257, %get3A_700 : vector<16xf32>
        %add3A_1259 = arith.addf %mul3A_1256, %mul3A_1258 : vector<16xf32>
        %mul3A_1260 = vector.broadcast %mul3A_1165 : f32 to vector<16xf32>
        %mul3A_1261 = arith.mulf %mul3A_1260, %get3A_720 : vector<16xf32>
        %add3A_1262 = arith.addf %add3A_1259, %mul3A_1261 : vector<16xf32>
        %mul3A_1263 = vector.broadcast %mul3A_1168 : f32 to vector<16xf32>
        %mul3A_1264 = arith.mulf %mul3A_1263, %get3A_740 : vector<16xf32>
        %add3A_1265 = arith.addf %add3A_1262, %mul3A_1264 : vector<16xf32>
        %mul3A_1266 = vector.broadcast %mul3A_1171 : f32 to vector<16xf32>
        %mul3A_1267 = arith.mulf %mul3A_1266, %get3A_760 : vector<16xf32>
        %add3A_1268 = arith.addf %add3A_1265, %mul3A_1267 : vector<16xf32>
        %mul3A_1269 = vector.broadcast %mul3A_1174 : f32 to vector<16xf32>
        %mul3A_1270 = arith.mulf %mul3A_1269, %get3A_780 : vector<16xf32>
        %add3A_1271 = arith.addf %add3A_1268, %mul3A_1270 : vector<16xf32>
        %mul3A_1272 = vector.broadcast %mul3A_1177 : f32 to vector<16xf32>
        %mul3A_1273 = arith.mulf %mul3A_1272, %get3A_800 : vector<16xf32>
        %add3A_1274 = arith.addf %add3A_1271, %mul3A_1273 : vector<16xf32>
        %mul3A_1275 = vector.broadcast %mul3A_1180 : f32 to vector<16xf32>
        %mul3A_1276 = arith.mulf %mul3A_1275, %get3A_820 : vector<16xf32>
        %add3A_1277 = arith.addf %add3A_1274, %mul3A_1276 : vector<16xf32>
        %max3A_1278 = arith.constant 0.000000e+00 : f32
        %max3A_1279 = vector.broadcast %max3A_1278 : f32 to vector<16xf32>
        %max3A_1280 = arith.maximumf %add3A_1277, %max3A_1279 : vector<16xf32>
        %swap3A_1281 = arith.index_cast %add3A_1157 : i32 to index
        %swap3A_1282 = arith.constant 32 : index
        %swap3A_1283 = tpu.vector_load %arg19[%swap3A_1281, %swap3A_1282] {strides = array<i32>} : memref<80x128xf32, #tpu.memory_space<vmem>>, vector<1x16xf32>,
        %swap3A_1284 = vector.shape_cast %swap3A_1283 : vector<1x16xf32> to vector<16xf32>
        %swap3A_1285 = vector.shape_cast %max3A_1280 : vector<16xf32> to vector<1x16xf32>
        tpu.vector_store %arg19[%swap3A_1281, %swap3A_1282], %swap3A_1285 {strides = array<i32>} : memref<80x128xf32, #tpu.memory_space<vmem>>, vector<1x16xf32>,
        %get3A_1286 = arith.index_cast %add3A_1157 : i32 to index
        %get3A_1287 = arith.constant 48 : index
        %get3A_1288 = tpu.vector_load %arg15[%get3A_1286, %get3A_1287] {strides = array<i32>} : memref<80x128xf32, #tpu.memory_space<vmem>>, vector<1x16xf32>,
        %get3A_1289 = vector.shape_cast %get3A_1288 : vector<1x16xf32> to vector<16xf32>
        %mul3A_1290 = vector.broadcast %squeeze3A_1159 : f32 to vector<16xf32>
        %mul3A_1291 = arith.mulf %mul3A_1290, %get3A_1289 : vector<16xf32>
        %mul3A_1292 = vector.broadcast %mul3A_1162 : f32 to vector<16xf32>
        %mul3A_1293 = arith.mulf %mul3A_1292, %get3A_705 : vector<16xf32>
        %add3A_1294 = arith.addf %mul3A_1291, %mul3A_1293 : vector<16xf32>
        %mul3A_1295 = vector.broadcast %mul3A_1165 : f32 to vector<16xf32>
        %mul3A_1296 = arith.mulf %mul3A_1295, %get3A_725 : vector<16xf32>
        %add3A_1297 = arith.addf %add3A_1294, %mul3A_1296 : vector<16xf32>
        %mul3A_1298 = vector.broadcast %mul3A_1168 : f32 to vector<16xf32>
        %mul3A_1299 = arith.mulf %mul3A_1298, %get3A_745 : vector<16xf32>
        %add3A_1300 = arith.addf %add3A_1297, %mul3A_1299 : vector<16xf32>
        %mul3A_1301 = vector.broadcast %mul3A_1171 : f32 to vector<16xf32>
        %mul3A_1302 = arith.mulf %mul3A_1301, %get3A_765 : vector<16xf32>
        %add3A_1303 = arith.addf %add3A_1300, %mul3A_1302 : vector<16xf32>
        %mul3A_1304 = vector.broadcast %mul3A_1174 : f32 to vector<16xf32>
        %mul3A_1305 = arith.mulf %mul3A_1304, %get3A_785 : vector<16xf32>
        %add3A_1306 = arith.addf %add3A_1303, %mul3A_1305 : vector<16xf32>
        %mul3A_1307 = vector.broadcast %mul3A_1177 : f32 to vector<16xf32>
        %mul3A_1308 = arith.mulf %mul3A_1307, %get3A_805 : vector<16xf32>
        %add3A_1309 = arith.addf %add3A_1306, %mul3A_1308 : vector<16xf32>
        %mul3A_1310 = vector.broadcast %mul3A_1180 : f32 to vector<16xf32>
        %mul3A_1311 = arith.mulf %mul3A_1310, %get3A_825 : vector<16xf32>
        %add3A_1312 = arith.addf %add3A_1309, %mul3A_1311 : vector<16xf32>
        %max3A_1313 = arith.constant 0.000000e+00 : f32
        %max3A_1314 = vector.broadcast %max3A_1313 : f32 to vector<16xf32>
        %max3A_1315 = arith.maximumf %add3A_1312, %max3A_1314 : vector<16xf32>
        %swap3A_1316 = arith.index_cast %add3A_1157 : i32 to index
        %swap3A_1317 = arith.constant 48 : index
        %swap3A_1318 = tpu.vector_load %arg19[%swap3A_1316, %swap3A_1317] {strides = array<i32>} : memref<80x128xf32, #tpu.memory_space<vmem>>, vector<1x16xf32>,
        %swap3A_1319 = vector.shape_cast %swap3A_1318 : vector<1x16xf32> to vector<16xf32>
        %swap3A_1320 = vector.shape_cast %max3A_1315 : vector<16xf32> to vector<1x16xf32>
        tpu.vector_store %arg19[%swap3A_1316, %swap3A_1317], %swap3A_1320 {strides = array<i32>} : memref<80x128xf32, #tpu.memory_space<vmem>>, vector<1x16xf32>,
      }
      %scan3A_831 = arith.constant 40 : i32
      %get3A_832 = arith.constant 0 : i32
      %get3A_833 = arith.index_cast %get3A_832 : i32 to index
      %get3A_834 = arith.constant 64 : index
      %get3A_835 = tpu.vector_load %arg20[%get3A_833, %get3A_834] {strides = array<i32>} : memref<8x128xf32, #tpu.memory_space<vmem>>, vector<1x16xf32>,
      %get3A_836 = vector.shape_cast %get3A_835 : vector<1x16xf32> to vector<16xf32>
      %get3A_837 = arith.constant 0 : i32
      %get3A_838 = arith.index_cast %get3A_837 : i32 to index
      %get3A_839 = arith.constant 80 : index
      %get3A_840 = tpu.vector_load %arg20[%get3A_838, %get3A_839] {strides = array<i32>} : memref<8x128xf32, #tpu.memory_space<vmem>>, vector<1x16xf32>,
      %get3A_841 = vector.shape_cast %get3A_840 : vector<1x16xf32> to vector<16xf32>
      %get3A_842 = arith.constant 0 : i32
      %get3A_843 = arith.index_cast %get3A_842 : i32 to index
      %get3A_844 = arith.constant 96 : index
      %get3A_845 = tpu.vector_load %arg20[%get3A_843, %get3A_844] {strides = array<i32>} : memref<8x128xf32, #tpu.memory_space<vmem>>, vector<1x16xf32>,
      %get3A_846 = vector.shape_cast %get3A_845 : vector<1x16xf32> to vector<16xf32>
      %get3A_847 = arith.constant 0 : i32
      %get3A_848 = arith.index_cast %get3A_847 : i32 to index
      %get3A_849 = arith.constant 112 : index
      %get3A_850 = tpu.vector_load %arg20[%get3A_848, %get3A_849] {strides = array<i32>} : memref<8x128xf32, #tpu.memory_space<vmem>>, vector<1x16xf32>,
      %get3A_851 = vector.shape_cast %get3A_850 : vector<1x16xf32> to vector<16xf32>
      %get3A_852 = arith.constant 1 : i32
      %get3A_853 = arith.index_cast %get3A_852 : i32 to index
      %get3A_854 = arith.constant 64 : index
      %get3A_855 = tpu.vector_load %arg20[%get3A_853, %get3A_854] {strides = array<i32>} : memref<8x128xf32, #tpu.memory_space<vmem>>, vector<1x16xf32>,
      %get3A_856 = vector.shape_cast %get3A_855 : vector<1x16xf32> to vector<16xf32>
      %get3A_857 = arith.constant 1 : i32
      %get3A_858 = arith.index_cast %get3A_857 : i32 to index
      %get3A_859 = arith.constant 80 : index
      %get3A_860 = tpu.vector_load %arg20[%get3A_858, %get3A_859] {strides = array<i32>} : memref<8x128xf32, #tpu.memory_space<vmem>>, vector<1x16xf32>,
      %get3A_861 = vector.shape_cast %get3A_860 : vector<1x16xf32> to vector<16xf32>
      %get3A_862 = arith.constant 1 : i32
      %get3A_863 = arith.index_cast %get3A_862 : i32 to index
      %get3A_864 = arith.constant 96 : index
      %get3A_865 = tpu.vector_load %arg20[%get3A_863, %get3A_864] {strides = array<i32>} : memref<8x128xf32, #tpu.memory_space<vmem>>, vector<1x16xf32>,
      %get3A_866 = vector.shape_cast %get3A_865 : vector<1x16xf32> to vector<16xf32>
      %get3A_867 = arith.constant 1 : i32
      %get3A_868 = arith.index_cast %get3A_867 : i32 to index
      %get3A_869 = arith.constant 112 : index
      %get3A_870 = tpu.vector_load %arg20[%get3A_868, %get3A_869] {strides = array<i32>} : memref<8x128xf32, #tpu.memory_space<vmem>>, vector<1x16xf32>,
      %get3A_871 = vector.shape_cast %get3A_870 : vector<1x16xf32> to vector<16xf32>
      %get3A_872 = arith.constant 2 : i32
      %get3A_873 = arith.index_cast %get3A_872 : i32 to index
      %get3A_874 = arith.constant 64 : index
      %get3A_875 = tpu.vector_load %arg20[%get3A_873, %get3A_874] {strides = array<i32>} : memref<8x128xf32, #tpu.memory_space<vmem>>, vector<1x16xf32>,
      %get3A_876 = vector.shape_cast %get3A_875 : vector<1x16xf32> to vector<16xf32>
      %get3A_877 = arith.constant 2 : i32
      %get3A_878 = arith.index_cast %get3A_877 : i32 to index
      %get3A_879 = arith.constant 80 : index
      %get3A_880 = tpu.vector_load %arg20[%get3A_878, %get3A_879] {strides = array<i32>} : memref<8x128xf32, #tpu.memory_space<vmem>>, vector<1x16xf32>,
      %get3A_881 = vector.shape_cast %get3A_880 : vector<1x16xf32> to vector<16xf32>
      %get3A_882 = arith.constant 2 : i32
      %get3A_883 = arith.index_cast %get3A_882 : i32 to index
      %get3A_884 = arith.constant 96 : index
      %get3A_885 = tpu.vector_load %arg20[%get3A_883, %get3A_884] {strides = array<i32>} : memref<8x128xf32, #tpu.memory_space<vmem>>, vector<1x16xf32>,
      %get3A_886 = vector.shape_cast %get3A_885 : vector<1x16xf32> to vector<16xf32>
      %get3A_887 = arith.constant 2 : i32
      %get3A_888 = arith.index_cast %get3A_887 : i32 to index
      %get3A_889 = arith.constant 112 : index
      %get3A_890 = tpu.vector_load %arg20[%get3A_888, %get3A_889] {strides = array<i32>} : memref<8x128xf32, #tpu.memory_space<vmem>>, vector<1x16xf32>,
      %get3A_891 = vector.shape_cast %get3A_890 : vector<1x16xf32> to vector<16xf32>
      %get3A_892 = arith.constant 3 : i32
      %get3A_893 = arith.index_cast %get3A_892 : i32 to index
      %get3A_894 = arith.constant 64 : index
      %get3A_895 = tpu.vector_load %arg20[%get3A_893, %get3A_894] {strides = array<i32>} : memref<8x128xf32, #tpu.memory_space<vmem>>, vector<1x16xf32>,
      %get3A_896 = vector.shape_cast %get3A_895 : vector<1x16xf32> to vector<16xf32>
      %get3A_897 = arith.constant 3 : i32
      %get3A_898 = arith.index_cast %get3A_897 : i32 to index
      %get3A_899 = arith.constant 80 : index
      %get3A_900 = tpu.vector_load %arg20[%get3A_898, %get3A_899] {strides = array<i32>} : memref<8x128xf32, #tpu.memory_space<vmem>>, vector<1x16xf32>,
      %get3A_901 = vector.shape_cast %get3A_900 : vector<1x16xf32> to vector<16xf32>
      %get3A_902 = arith.constant 3 : i32
      %get3A_903 = arith.index_cast %get3A_902 : i32 to index
      %get3A_904 = arith.constant 96 : index
      %get3A_905 = tpu.vector_load %arg20[%get3A_903, %get3A_904] {strides = array<i32>} : memref<8x128xf32, #tpu.memory_space<vmem>>, vector<1x16xf32>,
      %get3A_906 = vector.shape_cast %get3A_905 : vector<1x16xf32> to vector<16xf32>
      %get3A_907 = arith.constant 3 : i32
      %get3A_908 = arith.index_cast %get3A_907 : i32 to index
      %get3A_909 = arith.constant 112 : index
      %get3A_910 = tpu.vector_load %arg20[%get3A_908, %get3A_909] {strides = array<i32>} : memref<8x128xf32, #tpu.memory_space<vmem>>, vector<1x16xf32>,
      %get3A_911 = vector.shape_cast %get3A_910 : vector<1x16xf32> to vector<16xf32>
      %get3A_912 = arith.constant 4 : i32
      %get3A_913 = arith.index_cast %get3A_912 : i32 to index
      %get3A_914 = arith.constant 64 : index
      %get3A_915 = tpu.vector_load %arg20[%get3A_913, %get3A_914] {strides = array<i32>} : memref<8x128xf32, #tpu.memory_space<vmem>>, vector<1x16xf32>,
      %get3A_916 = vector.shape_cast %get3A_915 : vector<1x16xf32> to vector<16xf32>
      %get3A_917 = arith.constant 4 : i32
      %get3A_918 = arith.index_cast %get3A_917 : i32 to index
      %get3A_919 = arith.constant 80 : index
      %get3A_920 = tpu.vector_load %arg20[%get3A_918, %get3A_919] {strides = array<i32>} : memref<8x128xf32, #tpu.memory_space<vmem>>, vector<1x16xf32>,
      %get3A_921 = vector.shape_cast %get3A_920 : vector<1x16xf32> to vector<16xf32>
      %get3A_922 = arith.constant 4 : i32
      %get3A_923 = arith.index_cast %get3A_922 : i32 to index
      %get3A_924 = arith.constant 96 : index
      %get3A_925 = tpu.vector_load %arg20[%get3A_923, %get3A_924] {strides = array<i32>} : memref<8x128xf32, #tpu.memory_space<vmem>>, vector<1x16xf32>,
      %get3A_926 = vector.shape_cast %get3A_925 : vector<1x16xf32> to vector<16xf32>
      %get3A_927 = arith.constant 4 : i32
      %get3A_928 = arith.index_cast %get3A_927 : i32 to index
      %get3A_929 = arith.constant 112 : index
      %get3A_930 = tpu.vector_load %arg20[%get3A_928, %get3A_929] {strides = array<i32>} : memref<8x128xf32, #tpu.memory_space<vmem>>, vector<1x16xf32>,
      %get3A_931 = vector.shape_cast %get3A_930 : vector<1x16xf32> to vector<16xf32>
      %get3A_932 = arith.constant 5 : i32
      %get3A_933 = arith.index_cast %get3A_932 : i32 to index
      %get3A_934 = arith.constant 64 : index
      %get3A_935 = tpu.vector_load %arg20[%get3A_933, %get3A_934] {strides = array<i32>} : memref<8x128xf32, #tpu.memory_space<vmem>>, vector<1x16xf32>,
      %get3A_936 = vector.shape_cast %get3A_935 : vector<1x16xf32> to vector<16xf32>
      %get3A_937 = arith.constant 5 : i32
      %get3A_938 = arith.index_cast %get3A_937 : i32 to index
      %get3A_939 = arith.constant 80 : index
      %get3A_940 = tpu.vector_load %arg20[%get3A_938, %get3A_939] {strides = array<i32>} : memref<8x128xf32, #tpu.memory_space<vmem>>, vector<1x16xf32>,
      %get3A_941 = vector.shape_cast %get3A_940 : vector<1x16xf32> to vector<16xf32>
      %get3A_942 = arith.constant 5 : i32
      %get3A_943 = arith.index_cast %get3A_942 : i32 to index
      %get3A_944 = arith.constant 96 : index
      %get3A_945 = tpu.vector_load %arg20[%get3A_943, %get3A_944] {strides = array<i32>} : memref<8x128xf32, #tpu.memory_space<vmem>>, vector<1x16xf32>,
      %get3A_946 = vector.shape_cast %get3A_945 : vector<1x16xf32> to vector<16xf32>
      %get3A_947 = arith.constant 5 : i32
      %get3A_948 = arith.index_cast %get3A_947 : i32 to index
      %get3A_949 = arith.constant 112 : index
      %get3A_950 = tpu.vector_load %arg20[%get3A_948, %get3A_949] {strides = array<i32>} : memref<8x128xf32, #tpu.memory_space<vmem>>, vector<1x16xf32>,
      %get3A_951 = vector.shape_cast %get3A_950 : vector<1x16xf32> to vector<16xf32>
      %get3A_952 = arith.constant 6 : i32
      %get3A_953 = arith.index_cast %get3A_952 : i32 to index
      %get3A_954 = arith.constant 64 : index
      %get3A_955 = tpu.vector_load %arg20[%get3A_953, %get3A_954] {strides = array<i32>} : memref<8x128xf32, #tpu.memory_space<vmem>>, vector<1x16xf32>,
      %get3A_956 = vector.shape_cast %get3A_955 : vector<1x16xf32> to vector<16xf32>
      %get3A_957 = arith.constant 6 : i32
      %get3A_958 = arith.index_cast %get3A_957 : i32 to index
      %get3A_959 = arith.constant 80 : index
      %get3A_960 = tpu.vector_load %arg20[%get3A_958, %get3A_959] {strides = array<i32>} : memref<8x128xf32, #tpu.memory_space<vmem>>, vector<1x16xf32>,
      %get3A_961 = vector.shape_cast %get3A_960 : vector<1x16xf32> to vector<16xf32>
      %get3A_962 = arith.constant 6 : i32
      %get3A_963 = arith.index_cast %get3A_962 : i32 to index
      %get3A_964 = arith.constant 96 : index
      %get3A_965 = tpu.vector_load %arg20[%get3A_963, %get3A_964] {strides = array<i32>} : memref<8x128xf32, #tpu.memory_space<vmem>>, vector<1x16xf32>,
      %get3A_966 = vector.shape_cast %get3A_965 : vector<1x16xf32> to vector<16xf32>
      %get3A_967 = arith.constant 6 : i32
      %get3A_968 = arith.index_cast %get3A_967 : i32 to index
      %get3A_969 = arith.constant 112 : index
      %get3A_970 = tpu.vector_load %arg20[%get3A_968, %get3A_969] {strides = array<i32>} : memref<8x128xf32, #tpu.memory_space<vmem>>, vector<1x16xf32>,
      %get3A_971 = vector.shape_cast %get3A_970 : vector<1x16xf32> to vector<16xf32>
      %scan3A_972 = arith.constant 0 : i32
      %scan3A_973 = arith.constant 0 : i32
      %scan3A_974 = arith.constant 40 : i32
      %scan3A_975 = arith.addi %scan3A_973, %scan3A_974 : i32
      %scan3A_976 = arith.constant 1 : i32
      scf.for %scan3A_985 = %scan3A_973 to %scan3A_975 step %scan3A_976  : i32 {
        %mul3A_986 = arith.constant 16 : i32
        %mul3A_987 = arith.muli %scan3A_985, %mul3A_986 : i32
        %get3A_988 = arith.index_cast %mul3A_987 : i32 to index
        %get3A_989 = tpu.vector_load %arg17[%get3A_988] {strides = array<i32>} : memref<640xf32, #tpu.memory_space<vmem>>, vector<16xf32>,
        %get3A_990 = vector.shape_cast %get3A_989 : vector<16xf32> to vector<16xf32>
        %mul3A_991 = arith.constant 2 : i32
        %mul3A_992 = arith.muli %mul3A_991, %scan3A_985 : i32
        %add3A_993 = arith.constant 0 : i32
        %add3A_994 = arith.addi %mul3A_992, %add3A_993 : i32
        %slice3A = vector.extract_strided_slice %get3A_990 {offsets = [7], sizes = [1], strides = [1]} : vector<16xf32> to vector<1xf32>
        %squeeze3A = vector.extract %slice3A[0] : f32 from vector<1xf32>
        %slice3A_995 = vector.extract_strided_slice %get3A_990 {offsets = [0], sizes = [1], strides = [1]} : vector<16xf32> to vector<1xf32>
        %squeeze3A_996 = vector.extract %slice3A_995[0] : f32 from vector<1xf32>
        %mul3A_997 = arith.mulf %squeeze3A, %squeeze3A_996 : f32
        %slice3A_998 = vector.extract_strided_slice %get3A_990 {offsets = [1], sizes = [1], strides = [1]} : vector<16xf32> to vector<1xf32>
        %squeeze3A_999 = vector.extract %slice3A_998[0] : f32 from vector<1xf32>
        %mul3A_1000 = arith.mulf %squeeze3A, %squeeze3A_999 : f32
        %slice3A_1001 = vector.extract_strided_slice %get3A_990 {offsets = [2], sizes = [1], strides = [1]} : vector<16xf32> to vector<1xf32>
        %squeeze3A_1002 = vector.extract %slice3A_1001[0] : f32 from vector<1xf32>
        %mul3A_1003 = arith.mulf %squeeze3A, %squeeze3A_1002 : f32
        %slice3A_1004 = vector.extract_strided_slice %get3A_990 {offsets = [3], sizes = [1], strides = [1]} : vector<16xf32> to vector<1xf32>
        %squeeze3A_1005 = vector.extract %slice3A_1004[0] : f32 from vector<1xf32>
        %mul3A_1006 = arith.mulf %squeeze3A, %squeeze3A_1005 : f32
        %slice3A_1007 = vector.extract_strided_slice %get3A_990 {offsets = [4], sizes = [1], strides = [1]} : vector<16xf32> to vector<1xf32>
        %squeeze3A_1008 = vector.extract %slice3A_1007[0] : f32 from vector<1xf32>
        %mul3A_1009 = arith.mulf %squeeze3A, %squeeze3A_1008 : f32
        %slice3A_1010 = vector.extract_strided_slice %get3A_990 {offsets = [5], sizes = [1], strides = [1]} : vector<16xf32> to vector<1xf32>
        %squeeze3A_1011 = vector.extract %slice3A_1010[0] : f32 from vector<1xf32>
        %mul3A_1012 = arith.mulf %squeeze3A, %squeeze3A_1011 : f32
        %slice3A_1013 = vector.extract_strided_slice %get3A_990 {offsets = [6], sizes = [1], strides = [1]} : vector<16xf32> to vector<1xf32>
        %squeeze3A_1014 = vector.extract %slice3A_1013[0] : f32 from vector<1xf32>
        %mul3A_1015 = arith.mulf %squeeze3A, %squeeze3A_1014 : f32
        %get3A_1016 = arith.index_cast %add3A_994 : i32 to index
        %get3A_1017 = arith.constant 64 : index
        %get3A_1018 = tpu.vector_load %arg15[%get3A_1016, %get3A_1017] {strides = array<i32>} : memref<80x128xf32, #tpu.memory_space<vmem>>, vector<1x16xf32>,
        %get3A_1019 = vector.shape_cast %get3A_1018 : vector<1x16xf32> to vector<16xf32>
        %mul3A_1020 = vector.broadcast %squeeze3A : f32 to vector<16xf32>
        %mul3A_1021 = arith.mulf %mul3A_1020, %get3A_1019 : vector<16xf32>
        %mul3A_1022 = vector.broadcast %mul3A_997 : f32 to vector<16xf32>
        %mul3A_1023 = arith.mulf %mul3A_1022, %get3A_836 : vector<16xf32>
        %add3A_1024 = arith.addf %mul3A_1021, %mul3A_1023 : vector<16xf32>
        %mul3A_1025 = vector.broadcast %mul3A_1000 : f32 to vector<16xf32>
        %mul3A_1026 = arith.mulf %mul3A_1025, %get3A_856 : vector<16xf32>
        %add3A_1027 = arith.addf %add3A_1024, %mul3A_1026 : vector<16xf32>
        %mul3A_1028 = vector.broadcast %mul3A_1003 : f32 to vector<16xf32>
        %mul3A_1029 = arith.mulf %mul3A_1028, %get3A_876 : vector<16xf32>
        %add3A_1030 = arith.addf %add3A_1027, %mul3A_1029 : vector<16xf32>
        %mul3A_1031 = vector.broadcast %mul3A_1006 : f32 to vector<16xf32>
        %mul3A_1032 = arith.mulf %mul3A_1031, %get3A_896 : vector<16xf32>
        %add3A_1033 = arith.addf %add3A_1030, %mul3A_1032 : vector<16xf32>
        %mul3A_1034 = vector.broadcast %mul3A_1009 : f32 to vector<16xf32>
        %mul3A_1035 = arith.mulf %mul3A_1034, %get3A_916 : vector<16xf32>
        %add3A_1036 = arith.addf %add3A_1033, %mul3A_1035 : vector<16xf32>
        %mul3A_1037 = vector.broadcast %mul3A_1012 : f32 to vector<16xf32>
        %mul3A_1038 = arith.mulf %mul3A_1037, %get3A_936 : vector<16xf32>
        %add3A_1039 = arith.addf %add3A_1036, %mul3A_1038 : vector<16xf32>
        %mul3A_1040 = vector.broadcast %mul3A_1015 : f32 to vector<16xf32>
        %mul3A_1041 = arith.mulf %mul3A_1040, %get3A_956 : vector<16xf32>
        %add3A_1042 = arith.addf %add3A_1039, %mul3A_1041 : vector<16xf32>
        %max3A = arith.constant 0.000000e+00 : f32
        %max3A_1043 = vector.broadcast %max3A : f32 to vector<16xf32>
        %max3A_1044 = arith.maximumf %add3A_1042, %max3A_1043 : vector<16xf32>
        %swap3A = arith.index_cast %add3A_994 : i32 to index
        %swap3A_1045 = arith.constant 64 : index
        %swap3A_1046 = tpu.vector_load %arg19[%swap3A, %swap3A_1045] {strides = array<i32>} : memref<80x128xf32, #tpu.memory_space<vmem>>, vector<1x16xf32>,
        %swap3A_1047 = vector.shape_cast %swap3A_1046 : vector<1x16xf32> to vector<16xf32>
        %swap3A_1048 = vector.shape_cast %max3A_1044 : vector<16xf32> to vector<1x16xf32>
        tpu.vector_store %arg19[%swap3A, %swap3A_1045], %swap3A_1048 {strides = array<i32>} : memref<80x128xf32, #tpu.memory_space<vmem>>, vector<1x16xf32>,
        %get3A_1049 = arith.index_cast %add3A_994 : i32 to index
        %get3A_1050 = arith.constant 80 : index
        %get3A_1051 = tpu.vector_load %arg15[%get3A_1049, %get3A_1050] {strides = array<i32>} : memref<80x128xf32, #tpu.memory_space<vmem>>, vector<1x16xf32>,
        %get3A_1052 = vector.shape_cast %get3A_1051 : vector<1x16xf32> to vector<16xf32>
        %mul3A_1053 = vector.broadcast %squeeze3A : f32 to vector<16xf32>
        %mul3A_1054 = arith.mulf %mul3A_1053, %get3A_1052 : vector<16xf32>
        %mul3A_1055 = vector.broadcast %mul3A_997 : f32 to vector<16xf32>
        %mul3A_1056 = arith.mulf %mul3A_1055, %get3A_841 : vector<16xf32>
        %add3A_1057 = arith.addf %mul3A_1054, %mul3A_1056 : vector<16xf32>
        %mul3A_1058 = vector.broadcast %mul3A_1000 : f32 to vector<16xf32>
        %mul3A_1059 = arith.mulf %mul3A_1058, %get3A_861 : vector<16xf32>
        %add3A_1060 = arith.addf %add3A_1057, %mul3A_1059 : vector<16xf32>
        %mul3A_1061 = vector.broadcast %mul3A_1003 : f32 to vector<16xf32>
        %mul3A_1062 = arith.mulf %mul3A_1061, %get3A_881 : vector<16xf32>
        %add3A_1063 = arith.addf %add3A_1060, %mul3A_1062 : vector<16xf32>
        %mul3A_1064 = vector.broadcast %mul3A_1006 : f32 to vector<16xf32>
        %mul3A_1065 = arith.mulf %mul3A_1064, %get3A_901 : vector<16xf32>
        %add3A_1066 = arith.addf %add3A_1063, %mul3A_1065 : vector<16xf32>
        %mul3A_1067 = vector.broadcast %mul3A_1009 : f32 to vector<16xf32>
        %mul3A_1068 = arith.mulf %mul3A_1067, %get3A_921 : vector<16xf32>
        %add3A_1069 = arith.addf %add3A_1066, %mul3A_1068 : vector<16xf32>
        %mul3A_1070 = vector.broadcast %mul3A_1012 : f32 to vector<16xf32>
        %mul3A_1071 = arith.mulf %mul3A_1070, %get3A_941 : vector<16xf32>
        %add3A_1072 = arith.addf %add3A_1069, %mul3A_1071 : vector<16xf32>
        %mul3A_1073 = vector.broadcast %mul3A_1015 : f32 to vector<16xf32>
        %mul3A_1074 = arith.mulf %mul3A_1073, %get3A_961 : vector<16xf32>
        %add3A_1075 = arith.addf %add3A_1072, %mul3A_1074 : vector<16xf32>
        %max3A_1076 = arith.constant 0.000000e+00 : f32
        %max3A_1077 = vector.broadcast %max3A_1076 : f32 to vector<16xf32>
        %max3A_1078 = arith.maximumf %add3A_1075, %max3A_1077 : vector<16xf32>
        %swap3A_1079 = arith.index_cast %add3A_994 : i32 to index
        %swap3A_1080 = arith.constant 80 : index
        %swap3A_1081 = tpu.vector_load %arg19[%swap3A_1079, %swap3A_1080] {strides = array<i32>} : memref<80x128xf32, #tpu.memory_space<vmem>>, vector<1x16xf32>,
        %swap3A_1082 = vector.shape_cast %swap3A_1081 : vector<1x16xf32> to vector<16xf32>
        %swap3A_1083 = vector.shape_cast %max3A_1078 : vector<16xf32> to vector<1x16xf32>
        tpu.vector_store %arg19[%swap3A_1079, %swap3A_1080], %swap3A_1083 {strides = array<i32>} : memref<80x128xf32, #tpu.memory_space<vmem>>, vector<1x16xf32>,
        %get3A_1084 = arith.index_cast %add3A_994 : i32 to index
        %get3A_1085 = arith.constant 96 : index
        %get3A_1086 = tpu.vector_load %arg15[%get3A_1084, %get3A_1085] {strides = array<i32>} : memref<80x128xf32, #tpu.memory_space<vmem>>, vector<1x16xf32>,
        %get3A_1087 = vector.shape_cast %get3A_1086 : vector<1x16xf32> to vector<16xf32>
        %mul3A_1088 = vector.broadcast %squeeze3A : f32 to vector<16xf32>
        %mul3A_1089 = arith.mulf %mul3A_1088, %get3A_1087 : vector<16xf32>
        %mul3A_1090 = vector.broadcast %mul3A_997 : f32 to vector<16xf32>
        %mul3A_1091 = arith.mulf %mul3A_1090, %get3A_846 : vector<16xf32>
        %add3A_1092 = arith.addf %mul3A_1089, %mul3A_1091 : vector<16xf32>
        %mul3A_1093 = vector.broadcast %mul3A_1000 : f32 to vector<16xf32>
        %mul3A_1094 = arith.mulf %mul3A_1093, %get3A_866 : vector<16xf32>
        %add3A_1095 = arith.addf %add3A_1092, %mul3A_1094 : vector<16xf32>
        %mul3A_1096 = vector.broadcast %mul3A_1003 : f32 to vector<16xf32>
        %mul3A_1097 = arith.mulf %mul3A_1096, %get3A_886 : vector<16xf32>
        %add3A_1098 = arith.addf %add3A_1095, %mul3A_1097 : vector<16xf32>
        %mul3A_1099 = vector.broadcast %mul3A_1006 : f32 to vector<16xf32>
        %mul3A_1100 = arith.mulf %mul3A_1099, %get3A_906 : vector<16xf32>
        %add3A_1101 = arith.addf %add3A_1098, %mul3A_1100 : vector<16xf32>
        %mul3A_1102 = vector.broadcast %mul3A_1009 : f32 to vector<16xf32>
        %mul3A_1103 = arith.mulf %mul3A_1102, %get3A_926 : vector<16xf32>
        %add3A_1104 = arith.addf %add3A_1101, %mul3A_1103 : vector<16xf32>
        %mul3A_1105 = vector.broadcast %mul3A_1012 : f32 to vector<16xf32>
        %mul3A_1106 = arith.mulf %mul3A_1105, %get3A_946 : vector<16xf32>
        %add3A_1107 = arith.addf %add3A_1104, %mul3A_1106 : vector<16xf32>
        %mul3A_1108 = vector.broadcast %mul3A_1015 : f32 to vector<16xf32>
        %mul3A_1109 = arith.mulf %mul3A_1108, %get3A_966 : vector<16xf32>
        %add3A_1110 = arith.addf %add3A_1107, %mul3A_1109 : vector<16xf32>
        %max3A_1111 = arith.constant 0.000000e+00 : f32
        %max3A_1112 = vector.broadcast %max3A_1111 : f32 to vector<16xf32>
        %max3A_1113 = arith.maximumf %add3A_1110, %max3A_1112 : vector<16xf32>
        %swap3A_1114 = arith.index_cast %add3A_994 : i32 to index
        %swap3A_1115 = arith.constant 96 : index
        %swap3A_1116 = tpu.vector_load %arg19[%swap3A_1114, %swap3A_1115] {strides = array<i32>} : memref<80x128xf32, #tpu.memory_space<vmem>>, vector<1x16xf32>,
        %swap3A_1117 = vector.shape_cast %swap3A_1116 : vector<1x16xf32> to vector<16xf32>
        %swap3A_1118 = vector.shape_cast %max3A_1113 : vector<16xf32> to vector<1x16xf32>
        tpu.vector_store %arg19[%swap3A_1114, %swap3A_1115], %swap3A_1118 {strides = array<i32>} : memref<80x128xf32, #tpu.memory_space<vmem>>, vector<1x16xf32>,
        %get3A_1119 = arith.index_cast %add3A_994 : i32 to index
        %get3A_1120 = arith.constant 112 : index
        %get3A_1121 = tpu.vector_load %arg15[%get3A_1119, %get3A_1120] {strides = array<i32>} : memref<80x128xf32, #tpu.memory_space<vmem>>, vector<1x16xf32>,
        %get3A_1122 = vector.shape_cast %get3A_1121 : vector<1x16xf32> to vector<16xf32>
        %mul3A_1123 = vector.broadcast %squeeze3A : f32 to vector<16xf32>
        %mul3A_1124 = arith.mulf %mul3A_1123, %get3A_1122 : vector<16xf32>
        %mul3A_1125 = vector.broadcast %mul3A_997 : f32 to vector<16xf32>
        %mul3A_1126 = arith.mulf %mul3A_1125, %get3A_851 : vector<16xf32>
        %add3A_1127 = arith.addf %mul3A_1124, %mul3A_1126 : vector<16xf32>
        %mul3A_1128 = vector.broadcast %mul3A_1000 : f32 to vector<16xf32>
        %mul3A_1129 = arith.mulf %mul3A_1128, %get3A_871 : vector<16xf32>
        %add3A_1130 = arith.addf %add3A_1127, %mul3A_1129 : vector<16xf32>
        %mul3A_1131 = vector.broadcast %mul3A_1003 : f32 to vector<16xf32>
        %mul3A_1132 = arith.mulf %mul3A_1131, %get3A_891 : vector<16xf32>
        %add3A_1133 = arith.addf %add3A_1130, %mul3A_1132 : vector<16xf32>
        %mul3A_1134 = vector.broadcast %mul3A_1006 : f32 to vector<16xf32>
        %mul3A_1135 = arith.mulf %mul3A_1134, %get3A_911 : vector<16xf32>
        %add3A_1136 = arith.addf %add3A_1133, %mul3A_1135 : vector<16xf32>
        %mul3A_1137 = vector.broadcast %mul3A_1009 : f32 to vector<16xf32>
        %mul3A_1138 = arith.mulf %mul3A_1137, %get3A_931 : vector<16xf32>
        %add3A_1139 = arith.addf %add3A_1136, %mul3A_1138 : vector<16xf32>
        %mul3A_1140 = vector.broadcast %mul3A_1012 : f32 to vector<16xf32>
        %mul3A_1141 = arith.mulf %mul3A_1140, %get3A_951 : vector<16xf32>
        %add3A_1142 = arith.addf %add3A_1139, %mul3A_1141 : vector<16xf32>
        %mul3A_1143 = vector.broadcast %mul3A_1015 : f32 to vector<16xf32>
        %mul3A_1144 = arith.mulf %mul3A_1143, %get3A_971 : vector<16xf32>
        %add3A_1145 = arith.addf %add3A_1142, %mul3A_1144 : vector<16xf32>
        %max3A_1146 = arith.constant 0.000000e+00 : f32
        %max3A_1147 = vector.broadcast %max3A_1146 : f32 to vector<16xf32>
        %max3A_1148 = arith.maximumf %add3A_1145, %max3A_1147 : vector<16xf32>
        %swap3A_1149 = arith.index_cast %add3A_994 : i32 to index
        %swap3A_1150 = arith.constant 112 : index
        %swap3A_1151 = tpu.vector_load %arg19[%swap3A_1149, %swap3A_1150] {strides = array<i32>} : memref<80x128xf32, #tpu.memory_space<vmem>>, vector<1x16xf32>,
        %swap3A_1152 = vector.shape_cast %swap3A_1151 : vector<1x16xf32> to vector<16xf32>
        %swap3A_1153 = vector.shape_cast %max3A_1148 : vector<16xf32> to vector<1x16xf32>
        tpu.vector_store %arg19[%swap3A_1149, %swap3A_1150], %swap3A_1153 {strides = array<i32>} : memref<80x128xf32, #tpu.memory_space<vmem>>, vector<1x16xf32>,
        %mul3A_1154 = arith.constant 2 : i32
        %mul3A_1155 = arith.muli %mul3A_1154, %scan3A_985 : i32
        %add3A_1156 = arith.constant 1 : i32
        %add3A_1157 = arith.addi %mul3A_1155, %add3A_1156 : i32
        %slice3A_1158 = vector.extract_strided_slice %get3A_990 {offsets = [15], sizes = [1], strides = [1]} : vector<16xf32> to vector<1xf32>
        %squeeze3A_1159 = vector.extract %slice3A_1158[0] : f32 from vector<1xf32>
        %slice3A_1160 = vector.extract_strided_slice %get3A_990 {offsets = [8], sizes = [1], strides = [1]} : vector<16xf32> to vector<1xf32>
        %squeeze3A_1161 = vector.extract %slice3A_1160[0] : f32 from vector<1xf32>
        %mul3A_1162 = arith.mulf %squeeze3A_1159, %squeeze3A_1161 : f32
        %slice3A_1163 = vector.extract_strided_slice %get3A_990 {offsets = [9], sizes = [1], strides = [1]} : vector<16xf32> to vector<1xf32>
        %squeeze3A_1164 = vector.extract %slice3A_1163[0] : f32 from vector<1xf32>
        %mul3A_1165 = arith.mulf %squeeze3A_1159, %squeeze3A_1164 : f32
        %slice3A_1166 = vector.extract_strided_slice %get3A_990 {offsets = [10], sizes = [1], strides = [1]} : vector<16xf32> to vector<1xf32>
        %squeeze3A_1167 = vector.extract %slice3A_1166[0] : f32 from vector<1xf32>
        %mul3A_1168 = arith.mulf %squeeze3A_1159, %squeeze3A_1167 : f32
        %slice3A_1169 = vector.extract_strided_slice %get3A_990 {offsets = [11], sizes = [1], strides = [1]} : vector<16xf32> to vector<1xf32>
        %squeeze3A_1170 = vector.extract %slice3A_1169[0] : f32 from vector<1xf32>
        %mul3A_1171 = arith.mulf %squeeze3A_1159, %squeeze3A_1170 : f32
        %slice3A_1172 = vector.extract_strided_slice %get3A_990 {offsets = [12], sizes = [1], strides = [1]} : vector<16xf32> to vector<1xf32>
        %squeeze3A_1173 = vector.extract %slice3A_1172[0] : f32 from vector<1xf32>
        %mul3A_1174 = arith.mulf %squeeze3A_1159, %squeeze3A_1173 : f32
        %slice3A_1175 = vector.extract_strided_slice %get3A_990 {offsets = [13], sizes = [1], strides = [1]} : vector<16xf32> to vector<1xf32>
        %squeeze3A_1176 = vector.extract %slice3A_1175[0] : f32 from vector<1xf32>
        %mul3A_1177 = arith.mulf %squeeze3A_1159, %squeeze3A_1176 : f32
        %slice3A_1178 = vector.extract_strided_slice %get3A_990 {offsets = [14], sizes = [1], strides = [1]} : vector<16xf32> to vector<1xf32>
        %squeeze3A_1179 = vector.extract %slice3A_1178[0] : f32 from vector<1xf32>
        %mul3A_1180 = arith.mulf %squeeze3A_1159, %squeeze3A_1179 : f32
        %get3A_1181 = arith.index_cast %add3A_1157 : i32 to index
        %get3A_1182 = arith.constant 64 : index
        %get3A_1183 = tpu.vector_load %arg15[%get3A_1181, %get3A_1182] {strides = array<i32>} : memref<80x128xf32, #tpu.memory_space<vmem>>, vector<1x16xf32>,
        %get3A_1184 = vector.shape_cast %get3A_1183 : vector<1x16xf32> to vector<16xf32>
        %mul3A_1185 = vector.broadcast %squeeze3A_1159 : f32 to vector<16xf32>
        %mul3A_1186 = arith.mulf %mul3A_1185, %get3A_1184 : vector<16xf32>
        %mul3A_1187 = vector.broadcast %mul3A_1162 : f32 to vector<16xf32>
        %mul3A_1188 = arith.mulf %mul3A_1187, %get3A_836 : vector<16xf32>
        %add3A_1189 = arith.addf %mul3A_1186, %mul3A_1188 : vector<16xf32>
        %mul3A_1190 = vector.broadcast %mul3A_1165 : f32 to vector<16xf32>
        %mul3A_1191 = arith.mulf %mul3A_1190, %get3A_856 : vector<16xf32>
        %add3A_1192 = arith.addf %add3A_1189, %mul3A_1191 : vector<16xf32>
        %mul3A_1193 = vector.broadcast %mul3A_1168 : f32 to vector<16xf32>
        %mul3A_1194 = arith.mulf %mul3A_1193, %get3A_876 : vector<16xf32>
        %add3A_1195 = arith.addf %add3A_1192, %mul3A_1194 : vector<16xf32>
        %mul3A_1196 = vector.broadcast %mul3A_1171 : f32 to vector<16xf32>
        %mul3A_1197 = arith.mulf %mul3A_1196, %get3A_896 : vector<16xf32>
        %add3A_1198 = arith.addf %add3A_1195, %mul3A_1197 : vector<16xf32>
        %mul3A_1199 = vector.broadcast %mul3A_1174 : f32 to vector<16xf32>
        %mul3A_1200 = arith.mulf %mul3A_1199, %get3A_916 : vector<16xf32>
        %add3A_1201 = arith.addf %add3A_1198, %mul3A_1200 : vector<16xf32>
        %mul3A_1202 = vector.broadcast %mul3A_1177 : f32 to vector<16xf32>
        %mul3A_1203 = arith.mulf %mul3A_1202, %get3A_936 : vector<16xf32>
        %add3A_1204 = arith.addf %add3A_1201, %mul3A_1203 : vector<16xf32>
        %mul3A_1205 = vector.broadcast %mul3A_1180 : f32 to vector<16xf32>
        %mul3A_1206 = arith.mulf %mul3A_1205, %get3A_956 : vector<16xf32>
        %add3A_1207 = arith.addf %add3A_1204, %mul3A_1206 : vector<16xf32>
        %max3A_1208 = arith.constant 0.000000e+00 : f32
        %max3A_1209 = vector.broadcast %max3A_1208 : f32 to vector<16xf32>
        %max3A_1210 = arith.maximumf %add3A_1207, %max3A_1209 : vector<16xf32>
        %swap3A_1211 = arith.index_cast %add3A_1157 : i32 to index
        %swap3A_1212 = arith.constant 64 : index
        %swap3A_1213 = tpu.vector_load %arg19[%swap3A_1211, %swap3A_1212] {strides = array<i32>} : memref<80x128xf32, #tpu.memory_space<vmem>>, vector<1x16xf32>,
        %swap3A_1214 = vector.shape_cast %swap3A_1213 : vector<1x16xf32> to vector<16xf32>
        %swap3A_1215 = vector.shape_cast %max3A_1210 : vector<16xf32> to vector<1x16xf32>
        tpu.vector_store %arg19[%swap3A_1211, %swap3A_1212], %swap3A_1215 {strides = array<i32>} : memref<80x128xf32, #tpu.memory_space<vmem>>, vector<1x16xf32>,
        %get3A_1216 = arith.index_cast %add3A_1157 : i32 to index
        %get3A_1217 = arith.constant 80 : index
        %get3A_1218 = tpu.vector_load %arg15[%get3A_1216, %get3A_1217] {strides = array<i32>} : memref<80x128xf32, #tpu.memory_space<vmem>>, vector<1x16xf32>,
        %get3A_1219 = vector.shape_cast %get3A_1218 : vector<1x16xf32> to vector<16xf32>
        %mul3A_1220 = vector.broadcast %squeeze3A_1159 : f32 to vector<16xf32>
        %mul3A_1221 = arith.mulf %mul3A_1220, %get3A_1219 : vector<16xf32>
        %mul3A_1222 = vector.broadcast %mul3A_1162 : f32 to vector<16xf32>
        %mul3A_1223 = arith.mulf %mul3A_1222, %get3A_841 : vector<16xf32>
        %add3A_1224 = arith.addf %mul3A_1221, %mul3A_1223 : vector<16xf32>
        %mul3A_1225 = vector.broadcast %mul3A_1165 : f32 to vector<16xf32>
        %mul3A_1226 = arith.mulf %mul3A_1225, %get3A_861 : vector<16xf32>
        %add3A_1227 = arith.addf %add3A_1224, %mul3A_1226 : vector<16xf32>
        %mul3A_1228 = vector.broadcast %mul3A_1168 : f32 to vector<16xf32>
        %mul3A_1229 = arith.mulf %mul3A_1228, %get3A_881 : vector<16xf32>
        %add3A_1230 = arith.addf %add3A_1227, %mul3A_1229 : vector<16xf32>
        %mul3A_1231 = vector.broadcast %mul3A_1171 : f32 to vector<16xf32>
        %mul3A_1232 = arith.mulf %mul3A_1231, %get3A_901 : vector<16xf32>
        %add3A_1233 = arith.addf %add3A_1230, %mul3A_1232 : vector<16xf32>
        %mul3A_1234 = vector.broadcast %mul3A_1174 : f32 to vector<16xf32>
        %mul3A_1235 = arith.mulf %mul3A_1234, %get3A_921 : vector<16xf32>
        %add3A_1236 = arith.addf %add3A_1233, %mul3A_1235 : vector<16xf32>
        %mul3A_1237 = vector.broadcast %mul3A_1177 : f32 to vector<16xf32>
        %mul3A_1238 = arith.mulf %mul3A_1237, %get3A_941 : vector<16xf32>
        %add3A_1239 = arith.addf %add3A_1236, %mul3A_1238 : vector<16xf32>
        %mul3A_1240 = vector.broadcast %mul3A_1180 : f32 to vector<16xf32>
        %mul3A_1241 = arith.mulf %mul3A_1240, %get3A_961 : vector<16xf32>
        %add3A_1242 = arith.addf %add3A_1239, %mul3A_1241 : vector<16xf32>
        %max3A_1243 = arith.constant 0.000000e+00 : f32
        %max3A_1244 = vector.broadcast %max3A_1243 : f32 to vector<16xf32>
        %max3A_1245 = arith.maximumf %add3A_1242, %max3A_1244 : vector<16xf32>
        %swap3A_1246 = arith.index_cast %add3A_1157 : i32 to index
        %swap3A_1247 = arith.constant 80 : index
        %swap3A_1248 = tpu.vector_load %arg19[%swap3A_1246, %swap3A_1247] {strides = array<i32>} : memref<80x128xf32, #tpu.memory_space<vmem>>, vector<1x16xf32>,
        %swap3A_1249 = vector.shape_cast %swap3A_1248 : vector<1x16xf32> to vector<16xf32>
        %swap3A_1250 = vector.shape_cast %max3A_1245 : vector<16xf32> to vector<1x16xf32>
        tpu.vector_store %arg19[%swap3A_1246, %swap3A_1247], %swap3A_1250 {strides = array<i32>} : memref<80x128xf32, #tpu.memory_space<vmem>>, vector<1x16xf32>,
        %get3A_1251 = arith.index_cast %add3A_1157 : i32 to index
        %get3A_1252 = arith.constant 96 : index
        %get3A_1253 = tpu.vector_load %arg15[%get3A_1251, %get3A_1252] {strides = array<i32>} : memref<80x128xf32, #tpu.memory_space<vmem>>, vector<1x16xf32>,
        %get3A_1254 = vector.shape_cast %get3A_1253 : vector<1x16xf32> to vector<16xf32>
        %mul3A_1255 = vector.broadcast %squeeze3A_1159 : f32 to vector<16xf32>
        %mul3A_1256 = arith.mulf %mul3A_1255, %get3A_1254 : vector<16xf32>
        %mul3A_1257 = vector.broadcast %mul3A_1162 : f32 to vector<16xf32>
        %mul3A_1258 = arith.mulf %mul3A_1257, %get3A_846 : vector<16xf32>
        %add3A_1259 = arith.addf %mul3A_1256, %mul3A_1258 : vector<16xf32>
        %mul3A_1260 = vector.broadcast %mul3A_1165 : f32 to vector<16xf32>
        %mul3A_1261 = arith.mulf %mul3A_1260, %get3A_866 : vector<16xf32>
        %add3A_1262 = arith.addf %add3A_1259, %mul3A_1261 : vector<16xf32>
        %mul3A_1263 = vector.broadcast %mul3A_1168 : f32 to vector<16xf32>
        %mul3A_1264 = arith.mulf %mul3A_1263, %get3A_886 : vector<16xf32>
        %add3A_1265 = arith.addf %add3A_1262, %mul3A_1264 : vector<16xf32>
        %mul3A_1266 = vector.broadcast %mul3A_1171 : f32 to vector<16xf32>
        %mul3A_1267 = arith.mulf %mul3A_1266, %get3A_906 : vector<16xf32>
        %add3A_1268 = arith.addf %add3A_1265, %mul3A_1267 : vector<16xf32>
        %mul3A_1269 = vector.broadcast %mul3A_1174 : f32 to vector<16xf32>
        %mul3A_1270 = arith.mulf %mul3A_1269, %get3A_926 : vector<16xf32>
        %add3A_1271 = arith.addf %add3A_1268, %mul3A_1270 : vector<16xf32>
        %mul3A_1272 = vector.broadcast %mul3A_1177 : f32 to vector<16xf32>
        %mul3A_1273 = arith.mulf %mul3A_1272, %get3A_946 : vector<16xf32>
        %add3A_1274 = arith.addf %add3A_1271, %mul3A_1273 : vector<16xf32>
        %mul3A_1275 = vector.broadcast %mul3A_1180 : f32 to vector<16xf32>
        %mul3A_1276 = arith.mulf %mul3A_1275, %get3A_966 : vector<16xf32>
        %add3A_1277 = arith.addf %add3A_1274, %mul3A_1276 : vector<16xf32>
        %max3A_1278 = arith.constant 0.000000e+00 : f32
        %max3A_1279 = vector.broadcast %max3A_1278 : f32 to vector<16xf32>
        %max3A_1280 = arith.maximumf %add3A_1277, %max3A_1279 : vector<16xf32>
        %swap3A_1281 = arith.index_cast %add3A_1157 : i32 to index
        %swap3A_1282 = arith.constant 96 : index
        %swap3A_1283 = tpu.vector_load %arg19[%swap3A_1281, %swap3A_1282] {strides = array<i32>} : memref<80x128xf32, #tpu.memory_space<vmem>>, vector<1x16xf32>,
        %swap3A_1284 = vector.shape_cast %swap3A_1283 : vector<1x16xf32> to vector<16xf32>
        %swap3A_1285 = vector.shape_cast %max3A_1280 : vector<16xf32> to vector<1x16xf32>
        tpu.vector_store %arg19[%swap3A_1281, %swap3A_1282], %swap3A_1285 {strides = array<i32>} : memref<80x128xf32, #tpu.memory_space<vmem>>, vector<1x16xf32>,
        %get3A_1286 = arith.index_cast %add3A_1157 : i32 to index
        %get3A_1287 = arith.constant 112 : index
        %get3A_1288 = tpu.vector_load %arg15[%get3A_1286, %get3A_1287] {strides = array<i32>} : memref<80x128xf32, #tpu.memory_space<vmem>>, vector<1x16xf32>,
        %get3A_1289 = vector.shape_cast %get3A_1288 : vector<1x16xf32> to vector<16xf32>
        %mul3A_1290 = vector.broadcast %squeeze3A_1159 : f32 to vector<16xf32>
        %mul3A_1291 = arith.mulf %mul3A_1290, %get3A_1289 : vector<16xf32>
        %mul3A_1292 = vector.broadcast %mul3A_1162 : f32 to vector<16xf32>
        %mul3A_1293 = arith.mulf %mul3A_1292, %get3A_851 : vector<16xf32>
        %add3A_1294 = arith.addf %mul3A_1291, %mul3A_1293 : vector<16xf32>
        %mul3A_1295 = vector.broadcast %mul3A_1165 : f32 to vector<16xf32>
        %mul3A_1296 = arith.mulf %mul3A_1295, %get3A_871 : vector<16xf32>
        %add3A_1297 = arith.addf %add3A_1294, %mul3A_1296 : vector<16xf32>
        %mul3A_1298 = vector.broadcast %mul3A_1168 : f32 to vector<16xf32>
        %mul3A_1299 = arith.mulf %mul3A_1298, %get3A_891 : vector<16xf32>
        %add3A_1300 = arith.addf %add3A_1297, %mul3A_1299 : vector<16xf32>
        %mul3A_1301 = vector.broadcast %mul3A_1171 : f32 to vector<16xf32>
        %mul3A_1302 = arith.mulf %mul3A_1301, %get3A_911 : vector<16xf32>
        %add3A_1303 = arith.addf %add3A_1300, %mul3A_1302 : vector<16xf32>
        %mul3A_1304 = vector.broadcast %mul3A_1174 : f32 to vector<16xf32>
        %mul3A_1305 = arith.mulf %mul3A_1304, %get3A_931 : vector<16xf32>
        %add3A_1306 = arith.addf %add3A_1303, %mul3A_1305 : vector<16xf32>
        %mul3A_1307 = vector.broadcast %mul3A_1177 : f32 to vector<16xf32>
        %mul3A_1308 = arith.mulf %mul3A_1307, %get3A_951 : vector<16xf32>
        %add3A_1309 = arith.addf %add3A_1306, %mul3A_1308 : vector<16xf32>
        %mul3A_1310 = vector.broadcast %mul3A_1180 : f32 to vector<16xf32>
        %mul3A_1311 = arith.mulf %mul3A_1310, %get3A_971 : vector<16xf32>
        %add3A_1312 = arith.addf %add3A_1309, %mul3A_1311 : vector<16xf32>
        %max3A_1313 = arith.constant 0.000000e+00 : f32
        %max3A_1314 = vector.broadcast %max3A_1313 : f32 to vector<16xf32>
        %max3A_1315 = arith.maximumf %add3A_1312, %max3A_1314 : vector<16xf32>
        %swap3A_1316 = arith.index_cast %add3A_1157 : i32 to index
        %swap3A_1317 = arith.constant 112 : index
        %swap3A_1318 = tpu.vector_load %arg19[%swap3A_1316, %swap3A_1317] {strides = array<i32>} : memref<80x128xf32, #tpu.memory_space<vmem>>, vector<1x16xf32>,
        %swap3A_1319 = vector.shape_cast %swap3A_1318 : vector<1x16xf32> to vector<16xf32>
        %swap3A_1320 = vector.shape_cast %max3A_1315 : vector<16xf32> to vector<1x16xf32>
        tpu.vector_store %arg19[%swap3A_1316, %swap3A_1317], %swap3A_1320 {strides = array<i32>} : memref<80x128xf32, #tpu.memory_space<vmem>>, vector<1x16xf32>,
      }
      %scan3A_977 = arith.constant 40 : i32
      "tpu.region"() ({
        %run_scoped3A = tpu.sem_alloc : memref<!tpu.dma_semaphore, #tpu.memory_space<semaphore_mem>>
        %dma_start3A_985 = arith.constant 0 : i32
        %dma_start3A_986 = arith.constant 0 : i32
        %dma_start3A_987 = tpu.memref_slice %arg9[%dma_start3A_985, %dma_start3A_986] : memref<10000x128xf32, #tpu.memory_space<vmem_shared>> -> memref<10000x128xf32, #tpu.memory_space<vmem_shared>>
        tpu.enqueue_indirect_dma source(%arg19 : memref<80x128xf32, #tpu.memory_space<vmem>>) target(%dma_start3A_987 : memref<10000x128xf32, #tpu.memory_space<vmem_shared>>) offsets(%arg13 : memref<80xi32, #tpu.memory_space<vmem>>) semaphore(%run_scoped3A : memref<!tpu.dma_semaphore, #tpu.memory_space<semaphore_mem>>) {add = true}
        %dma_wait3A_988 = arith.constant 0 : i32
        %dma_wait3A_989 = arith.constant 0 : i32
        %dma_wait3A_990 = tpu.memref_slice %arg9[%dma_wait3A_988, %dma_wait3A_989] : memref<10000x128xf32, #tpu.memory_space<vmem_shared>> -> memref<10000x128xf32, #tpu.memory_space<vmem_shared>>
        tpu.wait_indirect_dma semaphore(%run_scoped3A : memref<!tpu.dma_semaphore, #tpu.memory_space<semaphore_mem>>) src(%arg19 : memref<80x128xf32, #tpu.memory_space<vmem>>) dst(%dma_wait3A_990 : memref<10000x128xf32, #tpu.memory_space<vmem_shared>>)
        tpu.yield
      }) : () -> ()
      %add3A_978 = arith.constant 2 : i32
      %add3A_979 = arith.addi %add3A_675, %add3A_978 : i32
      %lt3A_980 = arith.constant 124 : i32
      %lt3A_981 = arith.cmpi slt, %add3A_979, %lt3A_980 : i32
      %convert_element_type3A_982 = arith.extui %lt3A_981 : i1 to i32
      %cond3A_983 = arith.constant 0 : i32
      %cond3A_984 = arith.cmpi ne, %convert_element_type3A_982, %cond3A_983 : i32
      scf.if %cond3A_984 {
        %add3A_985 = arith.constant 2 : i32
        %add3A_986 = arith.addi %add3A_675, %add3A_985 : i32
        %mul3A_987 = arith.constant 80 : i32
        %mul3A_988 = arith.muli %add3A_986, %mul3A_987 : i32
        %add3A_989 = arith.addi %mul3A_6, %mul3A_988 : i32
        %add3A_990 = arith.addi %mul3A_2, %add3A_989 : i32
        %dma_start3A_991 = tpu.memref_slice %arg6[%add3A_990] : memref<320000xi32, #tpu.memory_space<hbm>> -> memref<80xi32, #tpu.memory_space<hbm>>
        %dma_start3A_992 = tpu.memref_slice %arg6[%add3A_990] : memref<320000xi32, #tpu.memory_space<hbm>> -> memref<80xi32, #tpu.memory_space<hbm>>
        tpu.enqueue_dma source(%dma_start3A_992 : memref<80xi32, #tpu.memory_space<hbm>>) target(%arg11 : memref<80xi32, #tpu.memory_space<vmem>>) target_semaphore(%arg22 : memref<!tpu.dma_semaphore, #tpu.memory_space<semaphore_mem>>)
        %dma_start3A_993 = tpu.memref_slice %arg7[%add3A_989] : memref<160000xi32, #tpu.memory_space<hbm>> -> memref<80xi32, #tpu.memory_space<hbm>>
        %dma_start3A_994 = tpu.memref_slice %arg7[%add3A_989] : memref<160000xi32, #tpu.memory_space<hbm>> -> memref<80xi32, #tpu.memory_space<hbm>>
        tpu.enqueue_dma source(%dma_start3A_994 : memref<80xi32, #tpu.memory_space<hbm>>) target(%arg13 : memref<80xi32, #tpu.memory_space<vmem>>) target_semaphore(%arg22 : memref<!tpu.dma_semaphore, #tpu.memory_space<semaphore_mem>>)
        %mul3A_995 = arith.constant 8 : i32
        %mul3A_996 = arith.muli %add3A_989, %mul3A_995 : i32
        %dma_start3A_997 = tpu.memref_slice %arg5[%mul3A_996] : memref<1280000xf32, #tpu.memory_space<hbm>> -> memref<640xf32, #tpu.memory_space<hbm>>
        %dma_start3A_998 = tpu.memref_slice %arg5[%mul3A_996] : memref<1280000xf32, #tpu.memory_space<hbm>> -> memref<640xf32, #tpu.memory_space<hbm>>
        tpu.enqueue_dma source(%dma_start3A_998 : memref<640xf32, #tpu.memory_space<hbm>>) target(%arg17 : memref<640xf32, #tpu.memory_space<vmem>>) target_semaphore(%arg22 : memref<!tpu.dma_semaphore, #tpu.memory_space<semaphore_mem>>)
      } else {
      }
    }
    %scan3A_49 = arith.constant 62 : i32
    %add3A_50 = arith.constant 9920 : i32
    %add3A_51 = arith.addi %mul3A_6, %add3A_50 : i32
    %add3A_52 = arith.addi %mul3A_2, %add3A_51 : i32
    "tpu.region"() ({
      %run_scoped3A = tpu.sem_alloc : memref<!tpu.dma_semaphore, #tpu.memory_space<semaphore_mem>>
      %dma_start3A_359 = tpu.memref_slice %arg6[%add3A_52] : memref<320000xi32, #tpu.memory_space<hbm>> -> memref<80xi32, #tpu.memory_space<hbm>>
      %dma_start3A_360 = tpu.memref_slice %arg6[%add3A_52] : memref<320000xi32, #tpu.memory_space<hbm>> -> memref<80xi32, #tpu.memory_space<hbm>>
      tpu.enqueue_dma source(%dma_start3A_360 : memref<80xi32, #tpu.memory_space<hbm>>) target(%arg10 : memref<80xi32, #tpu.memory_space<vmem>>) target_semaphore(%run_scoped3A : memref<!tpu.dma_semaphore, #tpu.memory_space<semaphore_mem>>)
      %dma_wait3A_361 = tpu.memref_slice %arg6[%add3A_52] : memref<320000xi32, #tpu.memory_space<hbm>> -> memref<80xi32, #tpu.memory_space<hbm>>
      %dma_wait3A_362 = tpu.memref_slice %arg6[%add3A_52] : memref<320000xi32, #tpu.memory_space<hbm>> -> memref<80xi32, #tpu.memory_space<hbm>>
      tpu.wait_dma2 semaphore(%run_scoped3A : memref<!tpu.dma_semaphore, #tpu.memory_space<semaphore_mem>>) src(%dma_wait3A_362 : memref<80xi32, #tpu.memory_space<hbm>>) dst(%arg10 : memref<80xi32, #tpu.memory_space<vmem>>)
      tpu.yield
    }) : () -> ()
    "tpu.region"() ({
      %run_scoped3A = tpu.sem_alloc : memref<!tpu.dma_semaphore, #tpu.memory_space<semaphore_mem>>
      %dma_start3A_359 = tpu.memref_slice %arg7[%add3A_51] : memref<160000xi32, #tpu.memory_space<hbm>> -> memref<80xi32, #tpu.memory_space<hbm>>
      %dma_start3A_360 = tpu.memref_slice %arg7[%add3A_51] : memref<160000xi32, #tpu.memory_space<hbm>> -> memref<80xi32, #tpu.memory_space<hbm>>
      tpu.enqueue_dma source(%dma_start3A_360 : memref<80xi32, #tpu.memory_space<hbm>>) target(%arg12 : memref<80xi32, #tpu.memory_space<vmem>>) target_semaphore(%run_scoped3A : memref<!tpu.dma_semaphore, #tpu.memory_space<semaphore_mem>>)
      %dma_wait3A_361 = tpu.memref_slice %arg7[%add3A_51] : memref<160000xi32, #tpu.memory_space<hbm>> -> memref<80xi32, #tpu.memory_space<hbm>>
      %dma_wait3A_362 = tpu.memref_slice %arg7[%add3A_51] : memref<160000xi32, #tpu.memory_space<hbm>> -> memref<80xi32, #tpu.memory_space<hbm>>
      tpu.wait_dma2 semaphore(%run_scoped3A : memref<!tpu.dma_semaphore, #tpu.memory_space<semaphore_mem>>) src(%dma_wait3A_362 : memref<80xi32, #tpu.memory_space<hbm>>) dst(%arg12 : memref<80xi32, #tpu.memory_space<vmem>>)
      tpu.yield
    }) : () -> ()
    %mul3A_53 = arith.constant 8 : i32
    %mul3A_54 = arith.muli %add3A_51, %mul3A_53 : i32
    "tpu.region"() ({
      %run_scoped3A = tpu.sem_alloc : memref<!tpu.dma_semaphore, #tpu.memory_space<semaphore_mem>>
      %dma_start3A_359 = tpu.memref_slice %arg5[%mul3A_54] : memref<1280000xf32, #tpu.memory_space<hbm>> -> memref<640xf32, #tpu.memory_space<hbm>>
      %dma_start3A_360 = tpu.memref_slice %arg5[%mul3A_54] : memref<1280000xf32, #tpu.memory_space<hbm>> -> memref<640xf32, #tpu.memory_space<hbm>>
      tpu.enqueue_dma source(%dma_start3A_360 : memref<640xf32, #tpu.memory_space<hbm>>) target(%arg16 : memref<640xf32, #tpu.memory_space<vmem>>) target_semaphore(%run_scoped3A : memref<!tpu.dma_semaphore, #tpu.memory_space<semaphore_mem>>)
      %dma_wait3A_361 = tpu.memref_slice %arg5[%mul3A_54] : memref<1280000xf32, #tpu.memory_space<hbm>> -> memref<640xf32, #tpu.memory_space<hbm>>
      %dma_wait3A_362 = tpu.memref_slice %arg5[%mul3A_54] : memref<1280000xf32, #tpu.memory_space<hbm>> -> memref<640xf32, #tpu.memory_space<hbm>>
      tpu.wait_dma2 semaphore(%run_scoped3A : memref<!tpu.dma_semaphore, #tpu.memory_space<semaphore_mem>>) src(%dma_wait3A_362 : memref<640xf32, #tpu.memory_space<hbm>>) dst(%arg16 : memref<640xf32, #tpu.memory_space<vmem>>)
      tpu.yield
    }) : () -> ()
    %dma_start3A_55 = arith.constant 0 : i32
    %dma_start3A_56 = arith.constant 0 : i32
    %dma_start3A_57 = tpu.memref_slice %arg2[%dma_start3A_55, %dma_start3A_56] : memref<20000x128xf32, #tpu.memory_space<hbm>> -> memref<20000x128xf32, #tpu.memory_space<hbm>>
    tpu.enqueue_indirect_dma source(%dma_start3A_57 : memref<20000x128xf32, #tpu.memory_space<hbm>>) target(%arg14 : memref<80x128xf32, #tpu.memory_space<vmem>>) offsets(%arg10 : memref<80xi32, #tpu.memory_space<vmem>>) semaphore(%arg25 : memref<!tpu.dma_semaphore, #tpu.memory_space<semaphore_mem>>)
    %dma_wait3A_58 = arith.constant 0 : i32
    %dma_wait3A_59 = arith.constant 0 : i32
    %dma_wait3A_60 = tpu.memref_slice %arg2[%dma_wait3A_58, %dma_wait3A_59] : memref<20000x128xf32, #tpu.memory_space<hbm>> -> memref<20000x128xf32, #tpu.memory_space<hbm>>
    tpu.wait_indirect_dma semaphore(%arg25 : memref<!tpu.dma_semaphore, #tpu.memory_space<semaphore_mem>>) src(%dma_wait3A_60 : memref<20000x128xf32, #tpu.memory_space<hbm>>) dst(%arg14 : memref<80x128xf32, #tpu.memory_space<vmem>>)
    %get3A = arith.constant 0 : i32
    %get3A_61 = arith.index_cast %get3A : i32 to index
    %get3A_62 = arith.constant 0 : index
    %get3A_63 = tpu.vector_load %arg20[%get3A_61, %get3A_62] {strides = array<i32>} : memref<8x128xf32, #tpu.memory_space<vmem>>, vector<1x16xf32>,
    %get3A_64 = vector.shape_cast %get3A_63 : vector<1x16xf32> to vector<16xf32>
    %get3A_65 = arith.constant 0 : i32
    %get3A_66 = arith.index_cast %get3A_65 : i32 to index
    %get3A_67 = arith.constant 16 : index
    %get3A_68 = tpu.vector_load %arg20[%get3A_66, %get3A_67] {strides = array<i32>} : memref<8x128xf32, #tpu.memory_space<vmem>>, vector<1x16xf32>,
    %get3A_69 = vector.shape_cast %get3A_68 : vector<1x16xf32> to vector<16xf32>
    %get3A_70 = arith.constant 0 : i32
    %get3A_71 = arith.index_cast %get3A_70 : i32 to index
    %get3A_72 = arith.constant 32 : index
    %get3A_73 = tpu.vector_load %arg20[%get3A_71, %get3A_72] {strides = array<i32>} : memref<8x128xf32, #tpu.memory_space<vmem>>, vector<1x16xf32>,
    %get3A_74 = vector.shape_cast %get3A_73 : vector<1x16xf32> to vector<16xf32>
    %get3A_75 = arith.constant 0 : i32
    %get3A_76 = arith.index_cast %get3A_75 : i32 to index
    %get3A_77 = arith.constant 48 : index
    %get3A_78 = tpu.vector_load %arg20[%get3A_76, %get3A_77] {strides = array<i32>} : memref<8x128xf32, #tpu.memory_space<vmem>>, vector<1x16xf32>,
    %get3A_79 = vector.shape_cast %get3A_78 : vector<1x16xf32> to vector<16xf32>
    %get3A_80 = arith.constant 1 : i32
    %get3A_81 = arith.index_cast %get3A_80 : i32 to index
    %get3A_82 = arith.constant 0 : index
    %get3A_83 = tpu.vector_load %arg20[%get3A_81, %get3A_82] {strides = array<i32>} : memref<8x128xf32, #tpu.memory_space<vmem>>, vector<1x16xf32>,
    %get3A_84 = vector.shape_cast %get3A_83 : vector<1x16xf32> to vector<16xf32>
    %get3A_85 = arith.constant 1 : i32
    %get3A_86 = arith.index_cast %get3A_85 : i32 to index
    %get3A_87 = arith.constant 16 : index
    %get3A_88 = tpu.vector_load %arg20[%get3A_86, %get3A_87] {strides = array<i32>} : memref<8x128xf32, #tpu.memory_space<vmem>>, vector<1x16xf32>,
    %get3A_89 = vector.shape_cast %get3A_88 : vector<1x16xf32> to vector<16xf32>
    %get3A_90 = arith.constant 1 : i32
    %get3A_91 = arith.index_cast %get3A_90 : i32 to index
    %get3A_92 = arith.constant 32 : index
    %get3A_93 = tpu.vector_load %arg20[%get3A_91, %get3A_92] {strides = array<i32>} : memref<8x128xf32, #tpu.memory_space<vmem>>, vector<1x16xf32>,
    %get3A_94 = vector.shape_cast %get3A_93 : vector<1x16xf32> to vector<16xf32>
    %get3A_95 = arith.constant 1 : i32
    %get3A_96 = arith.index_cast %get3A_95 : i32 to index
    %get3A_97 = arith.constant 48 : index
    %get3A_98 = tpu.vector_load %arg20[%get3A_96, %get3A_97] {strides = array<i32>} : memref<8x128xf32, #tpu.memory_space<vmem>>, vector<1x16xf32>,
    %get3A_99 = vector.shape_cast %get3A_98 : vector<1x16xf32> to vector<16xf32>
    %get3A_100 = arith.constant 2 : i32
    %get3A_101 = arith.index_cast %get3A_100 : i32 to index
    %get3A_102 = arith.constant 0 : index
    %get3A_103 = tpu.vector_load %arg20[%get3A_101, %get3A_102] {strides = array<i32>} : memref<8x128xf32, #tpu.memory_space<vmem>>, vector<1x16xf32>,
    %get3A_104 = vector.shape_cast %get3A_103 : vector<1x16xf32> to vector<16xf32>
    %get3A_105 = arith.constant 2 : i32
    %get3A_106 = arith.index_cast %get3A_105 : i32 to index
    %get3A_107 = arith.constant 16 : index
    %get3A_108 = tpu.vector_load %arg20[%get3A_106, %get3A_107] {strides = array<i32>} : memref<8x128xf32, #tpu.memory_space<vmem>>, vector<1x16xf32>,
    %get3A_109 = vector.shape_cast %get3A_108 : vector<1x16xf32> to vector<16xf32>
    %get3A_110 = arith.constant 2 : i32
    %get3A_111 = arith.index_cast %get3A_110 : i32 to index
    %get3A_112 = arith.constant 32 : index
    %get3A_113 = tpu.vector_load %arg20[%get3A_111, %get3A_112] {strides = array<i32>} : memref<8x128xf32, #tpu.memory_space<vmem>>, vector<1x16xf32>,
    %get3A_114 = vector.shape_cast %get3A_113 : vector<1x16xf32> to vector<16xf32>
    %get3A_115 = arith.constant 2 : i32
    %get3A_116 = arith.index_cast %get3A_115 : i32 to index
    %get3A_117 = arith.constant 48 : index
    %get3A_118 = tpu.vector_load %arg20[%get3A_116, %get3A_117] {strides = array<i32>} : memref<8x128xf32, #tpu.memory_space<vmem>>, vector<1x16xf32>,
    %get3A_119 = vector.shape_cast %get3A_118 : vector<1x16xf32> to vector<16xf32>
    %get3A_120 = arith.constant 3 : i32
    %get3A_121 = arith.index_cast %get3A_120 : i32 to index
    %get3A_122 = arith.constant 0 : index
    %get3A_123 = tpu.vector_load %arg20[%get3A_121, %get3A_122] {strides = array<i32>} : memref<8x128xf32, #tpu.memory_space<vmem>>, vector<1x16xf32>,
    %get3A_124 = vector.shape_cast %get3A_123 : vector<1x16xf32> to vector<16xf32>
    %get3A_125 = arith.constant 3 : i32
    %get3A_126 = arith.index_cast %get3A_125 : i32 to index
    %get3A_127 = arith.constant 16 : index
    %get3A_128 = tpu.vector_load %arg20[%get3A_126, %get3A_127] {strides = array<i32>} : memref<8x128xf32, #tpu.memory_space<vmem>>, vector<1x16xf32>,
    %get3A_129 = vector.shape_cast %get3A_128 : vector<1x16xf32> to vector<16xf32>
    %get3A_130 = arith.constant 3 : i32
    %get3A_131 = arith.index_cast %get3A_130 : i32 to index
    %get3A_132 = arith.constant 32 : index
    %get3A_133 = tpu.vector_load %arg20[%get3A_131, %get3A_132] {strides = array<i32>} : memref<8x128xf32, #tpu.memory_space<vmem>>, vector<1x16xf32>,
    %get3A_134 = vector.shape_cast %get3A_133 : vector<1x16xf32> to vector<16xf32>
    %get3A_135 = arith.constant 3 : i32
    %get3A_136 = arith.index_cast %get3A_135 : i32 to index
    %get3A_137 = arith.constant 48 : index
    %get3A_138 = tpu.vector_load %arg20[%get3A_136, %get3A_137] {strides = array<i32>} : memref<8x128xf32, #tpu.memory_space<vmem>>, vector<1x16xf32>,
    %get3A_139 = vector.shape_cast %get3A_138 : vector<1x16xf32> to vector<16xf32>
    %get3A_140 = arith.constant 4 : i32
    %get3A_141 = arith.index_cast %get3A_140 : i32 to index
    %get3A_142 = arith.constant 0 : index
    %get3A_143 = tpu.vector_load %arg20[%get3A_141, %get3A_142] {strides = array<i32>} : memref<8x128xf32, #tpu.memory_space<vmem>>, vector<1x16xf32>,
    %get3A_144 = vector.shape_cast %get3A_143 : vector<1x16xf32> to vector<16xf32>
    %get3A_145 = arith.constant 4 : i32
    %get3A_146 = arith.index_cast %get3A_145 : i32 to index
    %get3A_147 = arith.constant 16 : index
    %get3A_148 = tpu.vector_load %arg20[%get3A_146, %get3A_147] {strides = array<i32>} : memref<8x128xf32, #tpu.memory_space<vmem>>, vector<1x16xf32>,
    %get3A_149 = vector.shape_cast %get3A_148 : vector<1x16xf32> to vector<16xf32>
    %get3A_150 = arith.constant 4 : i32
    %get3A_151 = arith.index_cast %get3A_150 : i32 to index
    %get3A_152 = arith.constant 32 : index
    %get3A_153 = tpu.vector_load %arg20[%get3A_151, %get3A_152] {strides = array<i32>} : memref<8x128xf32, #tpu.memory_space<vmem>>, vector<1x16xf32>,
    %get3A_154 = vector.shape_cast %get3A_153 : vector<1x16xf32> to vector<16xf32>
    %get3A_155 = arith.constant 4 : i32
    %get3A_156 = arith.index_cast %get3A_155 : i32 to index
    %get3A_157 = arith.constant 48 : index
    %get3A_158 = tpu.vector_load %arg20[%get3A_156, %get3A_157] {strides = array<i32>} : memref<8x128xf32, #tpu.memory_space<vmem>>, vector<1x16xf32>,
    %get3A_159 = vector.shape_cast %get3A_158 : vector<1x16xf32> to vector<16xf32>
    %get3A_160 = arith.constant 5 : i32
    %get3A_161 = arith.index_cast %get3A_160 : i32 to index
    %get3A_162 = arith.constant 0 : index
    %get3A_163 = tpu.vector_load %arg20[%get3A_161, %get3A_162] {strides = array<i32>} : memref<8x128xf32, #tpu.memory_space<vmem>>, vector<1x16xf32>,
    %get3A_164 = vector.shape_cast %get3A_163 : vector<1x16xf32> to vector<16xf32>
    %get3A_165 = arith.constant 5 : i32
    %get3A_166 = arith.index_cast %get3A_165 : i32 to index
    %get3A_167 = arith.constant 16 : index
    %get3A_168 = tpu.vector_load %arg20[%get3A_166, %get3A_167] {strides = array<i32>} : memref<8x128xf32, #tpu.memory_space<vmem>>, vector<1x16xf32>,
    %get3A_169 = vector.shape_cast %get3A_168 : vector<1x16xf32> to vector<16xf32>
    %get3A_170 = arith.constant 5 : i32
    %get3A_171 = arith.index_cast %get3A_170 : i32 to index
    %get3A_172 = arith.constant 32 : index
    %get3A_173 = tpu.vector_load %arg20[%get3A_171, %get3A_172] {strides = array<i32>} : memref<8x128xf32, #tpu.memory_space<vmem>>, vector<1x16xf32>,
    %get3A_174 = vector.shape_cast %get3A_173 : vector<1x16xf32> to vector<16xf32>
    %get3A_175 = arith.constant 5 : i32
    %get3A_176 = arith.index_cast %get3A_175 : i32 to index
    %get3A_177 = arith.constant 48 : index
    %get3A_178 = tpu.vector_load %arg20[%get3A_176, %get3A_177] {strides = array<i32>} : memref<8x128xf32, #tpu.memory_space<vmem>>, vector<1x16xf32>,
    %get3A_179 = vector.shape_cast %get3A_178 : vector<1x16xf32> to vector<16xf32>
    %get3A_180 = arith.constant 6 : i32
    %get3A_181 = arith.index_cast %get3A_180 : i32 to index
    %get3A_182 = arith.constant 0 : index
    %get3A_183 = tpu.vector_load %arg20[%get3A_181, %get3A_182] {strides = array<i32>} : memref<8x128xf32, #tpu.memory_space<vmem>>, vector<1x16xf32>,
    %get3A_184 = vector.shape_cast %get3A_183 : vector<1x16xf32> to vector<16xf32>
    %get3A_185 = arith.constant 6 : i32
    %get3A_186 = arith.index_cast %get3A_185 : i32 to index
    %get3A_187 = arith.constant 16 : index
    %get3A_188 = tpu.vector_load %arg20[%get3A_186, %get3A_187] {strides = array<i32>} : memref<8x128xf32, #tpu.memory_space<vmem>>, vector<1x16xf32>,
    %get3A_189 = vector.shape_cast %get3A_188 : vector<1x16xf32> to vector<16xf32>
    %get3A_190 = arith.constant 6 : i32
    %get3A_191 = arith.index_cast %get3A_190 : i32 to index
    %get3A_192 = arith.constant 32 : index
    %get3A_193 = tpu.vector_load %arg20[%get3A_191, %get3A_192] {strides = array<i32>} : memref<8x128xf32, #tpu.memory_space<vmem>>, vector<1x16xf32>,
    %get3A_194 = vector.shape_cast %get3A_193 : vector<1x16xf32> to vector<16xf32>
    %get3A_195 = arith.constant 6 : i32
    %get3A_196 = arith.index_cast %get3A_195 : i32 to index
    %get3A_197 = arith.constant 48 : index
    %get3A_198 = tpu.vector_load %arg20[%get3A_196, %get3A_197] {strides = array<i32>} : memref<8x128xf32, #tpu.memory_space<vmem>>, vector<1x16xf32>,
    %get3A_199 = vector.shape_cast %get3A_198 : vector<1x16xf32> to vector<16xf32>
    %scan3A_200 = arith.constant 0 : i32
    %scan3A_201 = arith.constant 0 : i32
    %scan3A_202 = arith.constant 40 : i32
    %scan3A_203 = arith.addi %scan3A_201, %scan3A_202 : i32
    %scan3A_204 = arith.constant 1 : i32
    scf.for %scan3A_359 = %scan3A_201 to %scan3A_203 step %scan3A_204  : i32 {
      %mul3A_360 = arith.constant 16 : i32
      %mul3A_361 = arith.muli %scan3A_359, %mul3A_360 : i32
      %get3A_362 = arith.index_cast %mul3A_361 : i32 to index
      %get3A_363 = tpu.vector_load %arg16[%get3A_362] {strides = array<i32>} : memref<640xf32, #tpu.memory_space<vmem>>, vector<16xf32>,
      %get3A_364 = vector.shape_cast %get3A_363 : vector<16xf32> to vector<16xf32>
      %mul3A_365 = arith.constant 2 : i32
      %mul3A_366 = arith.muli %mul3A_365, %scan3A_359 : i32
      %add3A_367 = arith.constant 0 : i32
      %add3A_368 = arith.addi %mul3A_366, %add3A_367 : i32
      %slice3A = vector.extract_strided_slice %get3A_364 {offsets = [7], sizes = [1], strides = [1]} : vector<16xf32> to vector<1xf32>
      %squeeze3A = vector.extract %slice3A[0] : f32 from vector<1xf32>
      %slice3A_369 = vector.extract_strided_slice %get3A_364 {offsets = [0], sizes = [1], strides = [1]} : vector<16xf32> to vector<1xf32>
      %squeeze3A_370 = vector.extract %slice3A_369[0] : f32 from vector<1xf32>
      %mul3A_371 = arith.mulf %squeeze3A, %squeeze3A_370 : f32
      %slice3A_372 = vector.extract_strided_slice %get3A_364 {offsets = [1], sizes = [1], strides = [1]} : vector<16xf32> to vector<1xf32>
      %squeeze3A_373 = vector.extract %slice3A_372[0] : f32 from vector<1xf32>
      %mul3A_374 = arith.mulf %squeeze3A, %squeeze3A_373 : f32
      %slice3A_375 = vector.extract_strided_slice %get3A_364 {offsets = [2], sizes = [1], strides = [1]} : vector<16xf32> to vector<1xf32>
      %squeeze3A_376 = vector.extract %slice3A_375[0] : f32 from vector<1xf32>
      %mul3A_377 = arith.mulf %squeeze3A, %squeeze3A_376 : f32
      %slice3A_378 = vector.extract_strided_slice %get3A_364 {offsets = [3], sizes = [1], strides = [1]} : vector<16xf32> to vector<1xf32>
      %squeeze3A_379 = vector.extract %slice3A_378[0] : f32 from vector<1xf32>
      %mul3A_380 = arith.mulf %squeeze3A, %squeeze3A_379 : f32
      %slice3A_381 = vector.extract_strided_slice %get3A_364 {offsets = [4], sizes = [1], strides = [1]} : vector<16xf32> to vector<1xf32>
      %squeeze3A_382 = vector.extract %slice3A_381[0] : f32 from vector<1xf32>
      %mul3A_383 = arith.mulf %squeeze3A, %squeeze3A_382 : f32
      %slice3A_384 = vector.extract_strided_slice %get3A_364 {offsets = [5], sizes = [1], strides = [1]} : vector<16xf32> to vector<1xf32>
      %squeeze3A_385 = vector.extract %slice3A_384[0] : f32 from vector<1xf32>
      %mul3A_386 = arith.mulf %squeeze3A, %squeeze3A_385 : f32
      %slice3A_387 = vector.extract_strided_slice %get3A_364 {offsets = [6], sizes = [1], strides = [1]} : vector<16xf32> to vector<1xf32>
      %squeeze3A_388 = vector.extract %slice3A_387[0] : f32 from vector<1xf32>
      %mul3A_389 = arith.mulf %squeeze3A, %squeeze3A_388 : f32
      %get3A_390 = arith.index_cast %add3A_368 : i32 to index
      %get3A_391 = arith.constant 0 : index
      %get3A_392 = tpu.vector_load %arg14[%get3A_390, %get3A_391] {strides = array<i32>} : memref<80x128xf32, #tpu.memory_space<vmem>>, vector<1x16xf32>,
      %get3A_393 = vector.shape_cast %get3A_392 : vector<1x16xf32> to vector<16xf32>
      %mul3A_394 = vector.broadcast %squeeze3A : f32 to vector<16xf32>
      %mul3A_395 = arith.mulf %mul3A_394, %get3A_393 : vector<16xf32>
      %mul3A_396 = vector.broadcast %mul3A_371 : f32 to vector<16xf32>
      %mul3A_397 = arith.mulf %mul3A_396, %get3A_64 : vector<16xf32>
      %add3A_398 = arith.addf %mul3A_395, %mul3A_397 : vector<16xf32>
      %mul3A_399 = vector.broadcast %mul3A_374 : f32 to vector<16xf32>
      %mul3A_400 = arith.mulf %mul3A_399, %get3A_84 : vector<16xf32>
      %add3A_401 = arith.addf %add3A_398, %mul3A_400 : vector<16xf32>
      %mul3A_402 = vector.broadcast %mul3A_377 : f32 to vector<16xf32>
      %mul3A_403 = arith.mulf %mul3A_402, %get3A_104 : vector<16xf32>
      %add3A_404 = arith.addf %add3A_401, %mul3A_403 : vector<16xf32>
      %mul3A_405 = vector.broadcast %mul3A_380 : f32 to vector<16xf32>
      %mul3A_406 = arith.mulf %mul3A_405, %get3A_124 : vector<16xf32>
      %add3A_407 = arith.addf %add3A_404, %mul3A_406 : vector<16xf32>
      %mul3A_408 = vector.broadcast %mul3A_383 : f32 to vector<16xf32>
      %mul3A_409 = arith.mulf %mul3A_408, %get3A_144 : vector<16xf32>
      %add3A_410 = arith.addf %add3A_407, %mul3A_409 : vector<16xf32>
      %mul3A_411 = vector.broadcast %mul3A_386 : f32 to vector<16xf32>
      %mul3A_412 = arith.mulf %mul3A_411, %get3A_164 : vector<16xf32>
      %add3A_413 = arith.addf %add3A_410, %mul3A_412 : vector<16xf32>
      %mul3A_414 = vector.broadcast %mul3A_389 : f32 to vector<16xf32>
      %mul3A_415 = arith.mulf %mul3A_414, %get3A_184 : vector<16xf32>
      %add3A_416 = arith.addf %add3A_413, %mul3A_415 : vector<16xf32>
      %max3A = arith.constant 0.000000e+00 : f32
      %max3A_417 = vector.broadcast %max3A : f32 to vector<16xf32>
      %max3A_418 = arith.maximumf %add3A_416, %max3A_417 : vector<16xf32>
      %swap3A = arith.index_cast %add3A_368 : i32 to index
      %swap3A_419 = arith.constant 0 : index
      %swap3A_420 = tpu.vector_load %arg18[%swap3A, %swap3A_419] {strides = array<i32>} : memref<80x128xf32, #tpu.memory_space<vmem>>, vector<1x16xf32>,
      %swap3A_421 = vector.shape_cast %swap3A_420 : vector<1x16xf32> to vector<16xf32>
      %swap3A_422 = vector.shape_cast %max3A_418 : vector<16xf32> to vector<1x16xf32>
      tpu.vector_store %arg18[%swap3A, %swap3A_419], %swap3A_422 {strides = array<i32>} : memref<80x128xf32, #tpu.memory_space<vmem>>, vector<1x16xf32>,
      %get3A_423 = arith.index_cast %add3A_368 : i32 to index
      %get3A_424 = arith.constant 16 : index
      %get3A_425 = tpu.vector_load %arg14[%get3A_423, %get3A_424] {strides = array<i32>} : memref<80x128xf32, #tpu.memory_space<vmem>>, vector<1x16xf32>,
      %get3A_426 = vector.shape_cast %get3A_425 : vector<1x16xf32> to vector<16xf32>
      %mul3A_427 = vector.broadcast %squeeze3A : f32 to vector<16xf32>
      %mul3A_428 = arith.mulf %mul3A_427, %get3A_426 : vector<16xf32>
      %mul3A_429 = vector.broadcast %mul3A_371 : f32 to vector<16xf32>
      %mul3A_430 = arith.mulf %mul3A_429, %get3A_69 : vector<16xf32>
      %add3A_431 = arith.addf %mul3A_428, %mul3A_430 : vector<16xf32>
      %mul3A_432 = vector.broadcast %mul3A_374 : f32 to vector<16xf32>
      %mul3A_433 = arith.mulf %mul3A_432, %get3A_89 : vector<16xf32>
      %add3A_434 = arith.addf %add3A_431, %mul3A_433 : vector<16xf32>
      %mul3A_435 = vector.broadcast %mul3A_377 : f32 to vector<16xf32>
      %mul3A_436 = arith.mulf %mul3A_435, %get3A_109 : vector<16xf32>
      %add3A_437 = arith.addf %add3A_434, %mul3A_436 : vector<16xf32>
      %mul3A_438 = vector.broadcast %mul3A_380 : f32 to vector<16xf32>
      %mul3A_439 = arith.mulf %mul3A_438, %get3A_129 : vector<16xf32>
      %add3A_440 = arith.addf %add3A_437, %mul3A_439 : vector<16xf32>
      %mul3A_441 = vector.broadcast %mul3A_383 : f32 to vector<16xf32>
      %mul3A_442 = arith.mulf %mul3A_441, %get3A_149 : vector<16xf32>
      %add3A_443 = arith.addf %add3A_440, %mul3A_442 : vector<16xf32>
      %mul3A_444 = vector.broadcast %mul3A_386 : f32 to vector<16xf32>
      %mul3A_445 = arith.mulf %mul3A_444, %get3A_169 : vector<16xf32>
      %add3A_446 = arith.addf %add3A_443, %mul3A_445 : vector<16xf32>
      %mul3A_447 = vector.broadcast %mul3A_389 : f32 to vector<16xf32>
      %mul3A_448 = arith.mulf %mul3A_447, %get3A_189 : vector<16xf32>
      %add3A_449 = arith.addf %add3A_446, %mul3A_448 : vector<16xf32>
      %max3A_450 = arith.constant 0.000000e+00 : f32
      %max3A_451 = vector.broadcast %max3A_450 : f32 to vector<16xf32>
      %max3A_452 = arith.maximumf %add3A_449, %max3A_451 : vector<16xf32>
      %swap3A_453 = arith.index_cast %add3A_368 : i32 to index
      %swap3A_454 = arith.constant 16 : index
      %swap3A_455 = tpu.vector_load %arg18[%swap3A_453, %swap3A_454] {strides = array<i32>} : memref<80x128xf32, #tpu.memory_space<vmem>>, vector<1x16xf32>,
      %swap3A_456 = vector.shape_cast %swap3A_455 : vector<1x16xf32> to vector<16xf32>
      %swap3A_457 = vector.shape_cast %max3A_452 : vector<16xf32> to vector<1x16xf32>
      tpu.vector_store %arg18[%swap3A_453, %swap3A_454], %swap3A_457 {strides = array<i32>} : memref<80x128xf32, #tpu.memory_space<vmem>>, vector<1x16xf32>,
      %get3A_458 = arith.index_cast %add3A_368 : i32 to index
      %get3A_459 = arith.constant 32 : index
      %get3A_460 = tpu.vector_load %arg14[%get3A_458, %get3A_459] {strides = array<i32>} : memref<80x128xf32, #tpu.memory_space<vmem>>, vector<1x16xf32>,
      %get3A_461 = vector.shape_cast %get3A_460 : vector<1x16xf32> to vector<16xf32>
      %mul3A_462 = vector.broadcast %squeeze3A : f32 to vector<16xf32>
      %mul3A_463 = arith.mulf %mul3A_462, %get3A_461 : vector<16xf32>
      %mul3A_464 = vector.broadcast %mul3A_371 : f32 to vector<16xf32>
      %mul3A_465 = arith.mulf %mul3A_464, %get3A_74 : vector<16xf32>
      %add3A_466 = arith.addf %mul3A_463, %mul3A_465 : vector<16xf32>
      %mul3A_467 = vector.broadcast %mul3A_374 : f32 to vector<16xf32>
      %mul3A_468 = arith.mulf %mul3A_467, %get3A_94 : vector<16xf32>
      %add3A_469 = arith.addf %add3A_466, %mul3A_468 : vector<16xf32>
      %mul3A_470 = vector.broadcast %mul3A_377 : f32 to vector<16xf32>
      %mul3A_471 = arith.mulf %mul3A_470, %get3A_114 : vector<16xf32>
      %add3A_472 = arith.addf %add3A_469, %mul3A_471 : vector<16xf32>
      %mul3A_473 = vector.broadcast %mul3A_380 : f32 to vector<16xf32>
      %mul3A_474 = arith.mulf %mul3A_473, %get3A_134 : vector<16xf32>
      %add3A_475 = arith.addf %add3A_472, %mul3A_474 : vector<16xf32>
      %mul3A_476 = vector.broadcast %mul3A_383 : f32 to vector<16xf32>
      %mul3A_477 = arith.mulf %mul3A_476, %get3A_154 : vector<16xf32>
      %add3A_478 = arith.addf %add3A_475, %mul3A_477 : vector<16xf32>
      %mul3A_479 = vector.broadcast %mul3A_386 : f32 to vector<16xf32>
      %mul3A_480 = arith.mulf %mul3A_479, %get3A_174 : vector<16xf32>
      %add3A_481 = arith.addf %add3A_478, %mul3A_480 : vector<16xf32>
      %mul3A_482 = vector.broadcast %mul3A_389 : f32 to vector<16xf32>
      %mul3A_483 = arith.mulf %mul3A_482, %get3A_194 : vector<16xf32>
      %add3A_484 = arith.addf %add3A_481, %mul3A_483 : vector<16xf32>
      %max3A_485 = arith.constant 0.000000e+00 : f32
      %max3A_486 = vector.broadcast %max3A_485 : f32 to vector<16xf32>
      %max3A_487 = arith.maximumf %add3A_484, %max3A_486 : vector<16xf32>
      %swap3A_488 = arith.index_cast %add3A_368 : i32 to index
      %swap3A_489 = arith.constant 32 : index
      %swap3A_490 = tpu.vector_load %arg18[%swap3A_488, %swap3A_489] {strides = array<i32>} : memref<80x128xf32, #tpu.memory_space<vmem>>, vector<1x16xf32>,
      %swap3A_491 = vector.shape_cast %swap3A_490 : vector<1x16xf32> to vector<16xf32>
      %swap3A_492 = vector.shape_cast %max3A_487 : vector<16xf32> to vector<1x16xf32>
      tpu.vector_store %arg18[%swap3A_488, %swap3A_489], %swap3A_492 {strides = array<i32>} : memref<80x128xf32, #tpu.memory_space<vmem>>, vector<1x16xf32>,
      %get3A_493 = arith.index_cast %add3A_368 : i32 to index
      %get3A_494 = arith.constant 48 : index
      %get3A_495 = tpu.vector_load %arg14[%get3A_493, %get3A_494] {strides = array<i32>} : memref<80x128xf32, #tpu.memory_space<vmem>>, vector<1x16xf32>,
      %get3A_496 = vector.shape_cast %get3A_495 : vector<1x16xf32> to vector<16xf32>
      %mul3A_497 = vector.broadcast %squeeze3A : f32 to vector<16xf32>
      %mul3A_498 = arith.mulf %mul3A_497, %get3A_496 : vector<16xf32>
      %mul3A_499 = vector.broadcast %mul3A_371 : f32 to vector<16xf32>
      %mul3A_500 = arith.mulf %mul3A_499, %get3A_79 : vector<16xf32>
      %add3A_501 = arith.addf %mul3A_498, %mul3A_500 : vector<16xf32>
      %mul3A_502 = vector.broadcast %mul3A_374 : f32 to vector<16xf32>
      %mul3A_503 = arith.mulf %mul3A_502, %get3A_99 : vector<16xf32>
      %add3A_504 = arith.addf %add3A_501, %mul3A_503 : vector<16xf32>
      %mul3A_505 = vector.broadcast %mul3A_377 : f32 to vector<16xf32>
      %mul3A_506 = arith.mulf %mul3A_505, %get3A_119 : vector<16xf32>
      %add3A_507 = arith.addf %add3A_504, %mul3A_506 : vector<16xf32>
      %mul3A_508 = vector.broadcast %mul3A_380 : f32 to vector<16xf32>
      %mul3A_509 = arith.mulf %mul3A_508, %get3A_139 : vector<16xf32>
      %add3A_510 = arith.addf %add3A_507, %mul3A_509 : vector<16xf32>
      %mul3A_511 = vector.broadcast %mul3A_383 : f32 to vector<16xf32>
      %mul3A_512 = arith.mulf %mul3A_511, %get3A_159 : vector<16xf32>
      %add3A_513 = arith.addf %add3A_510, %mul3A_512 : vector<16xf32>
      %mul3A_514 = vector.broadcast %mul3A_386 : f32 to vector<16xf32>
      %mul3A_515 = arith.mulf %mul3A_514, %get3A_179 : vector<16xf32>
      %add3A_516 = arith.addf %add3A_513, %mul3A_515 : vector<16xf32>
      %mul3A_517 = vector.broadcast %mul3A_389 : f32 to vector<16xf32>
      %mul3A_518 = arith.mulf %mul3A_517, %get3A_199 : vector<16xf32>
      %add3A_519 = arith.addf %add3A_516, %mul3A_518 : vector<16xf32>
      %max3A_520 = arith.constant 0.000000e+00 : f32
      %max3A_521 = vector.broadcast %max3A_520 : f32 to vector<16xf32>
      %max3A_522 = arith.maximumf %add3A_519, %max3A_521 : vector<16xf32>
      %swap3A_523 = arith.index_cast %add3A_368 : i32 to index
      %swap3A_524 = arith.constant 48 : index
      %swap3A_525 = tpu.vector_load %arg18[%swap3A_523, %swap3A_524] {strides = array<i32>} : memref<80x128xf32, #tpu.memory_space<vmem>>, vector<1x16xf32>,
      %swap3A_526 = vector.shape_cast %swap3A_525 : vector<1x16xf32> to vector<16xf32>
      %swap3A_527 = vector.shape_cast %max3A_522 : vector<16xf32> to vector<1x16xf32>
      tpu.vector_store %arg18[%swap3A_523, %swap3A_524], %swap3A_527 {strides = array<i32>} : memref<80x128xf32, #tpu.memory_space<vmem>>, vector<1x16xf32>,
      %mul3A_528 = arith.constant 2 : i32
      %mul3A_529 = arith.muli %mul3A_528, %scan3A_359 : i32
      %add3A_530 = arith.constant 1 : i32
      %add3A_531 = arith.addi %mul3A_529, %add3A_530 : i32
      %slice3A_532 = vector.extract_strided_slice %get3A_364 {offsets = [15], sizes = [1], strides = [1]} : vector<16xf32> to vector<1xf32>
      %squeeze3A_533 = vector.extract %slice3A_532[0] : f32 from vector<1xf32>
      %slice3A_534 = vector.extract_strided_slice %get3A_364 {offsets = [8], sizes = [1], strides = [1]} : vector<16xf32> to vector<1xf32>
      %squeeze3A_535 = vector.extract %slice3A_534[0] : f32 from vector<1xf32>
      %mul3A_536 = arith.mulf %squeeze3A_533, %squeeze3A_535 : f32
      %slice3A_537 = vector.extract_strided_slice %get3A_364 {offsets = [9], sizes = [1], strides = [1]} : vector<16xf32> to vector<1xf32>
      %squeeze3A_538 = vector.extract %slice3A_537[0] : f32 from vector<1xf32>
      %mul3A_539 = arith.mulf %squeeze3A_533, %squeeze3A_538 : f32
      %slice3A_540 = vector.extract_strided_slice %get3A_364 {offsets = [10], sizes = [1], strides = [1]} : vector<16xf32> to vector<1xf32>
      %squeeze3A_541 = vector.extract %slice3A_540[0] : f32 from vector<1xf32>
      %mul3A_542 = arith.mulf %squeeze3A_533, %squeeze3A_541 : f32
      %slice3A_543 = vector.extract_strided_slice %get3A_364 {offsets = [11], sizes = [1], strides = [1]} : vector<16xf32> to vector<1xf32>
      %squeeze3A_544 = vector.extract %slice3A_543[0] : f32 from vector<1xf32>
      %mul3A_545 = arith.mulf %squeeze3A_533, %squeeze3A_544 : f32
      %slice3A_546 = vector.extract_strided_slice %get3A_364 {offsets = [12], sizes = [1], strides = [1]} : vector<16xf32> to vector<1xf32>
      %squeeze3A_547 = vector.extract %slice3A_546[0] : f32 from vector<1xf32>
      %mul3A_548 = arith.mulf %squeeze3A_533, %squeeze3A_547 : f32
      %slice3A_549 = vector.extract_strided_slice %get3A_364 {offsets = [13], sizes = [1], strides = [1]} : vector<16xf32> to vector<1xf32>
      %squeeze3A_550 = vector.extract %slice3A_549[0] : f32 from vector<1xf32>
      %mul3A_551 = arith.mulf %squeeze3A_533, %squeeze3A_550 : f32
      %slice3A_552 = vector.extract_strided_slice %get3A_364 {offsets = [14], sizes = [1], strides = [1]} : vector<16xf32> to vector<1xf32>
      %squeeze3A_553 = vector.extract %slice3A_552[0] : f32 from vector<1xf32>
      %mul3A_554 = arith.mulf %squeeze3A_533, %squeeze3A_553 : f32
      %get3A_555 = arith.index_cast %add3A_531 : i32 to index
      %get3A_556 = arith.constant 0 : index
      %get3A_557 = tpu.vector_load %arg14[%get3A_555, %get3A_556] {strides = array<i32>} : memref<80x128xf32, #tpu.memory_space<vmem>>, vector<1x16xf32>,
      %get3A_558 = vector.shape_cast %get3A_557 : vector<1x16xf32> to vector<16xf32>
      %mul3A_559 = vector.broadcast %squeeze3A_533 : f32 to vector<16xf32>
      %mul3A_560 = arith.mulf %mul3A_559, %get3A_558 : vector<16xf32>
      %mul3A_561 = vector.broadcast %mul3A_536 : f32 to vector<16xf32>
      %mul3A_562 = arith.mulf %mul3A_561, %get3A_64 : vector<16xf32>
      %add3A_563 = arith.addf %mul3A_560, %mul3A_562 : vector<16xf32>
      %mul3A_564 = vector.broadcast %mul3A_539 : f32 to vector<16xf32>
      %mul3A_565 = arith.mulf %mul3A_564, %get3A_84 : vector<16xf32>
      %add3A_566 = arith.addf %add3A_563, %mul3A_565 : vector<16xf32>
      %mul3A_567 = vector.broadcast %mul3A_542 : f32 to vector<16xf32>
      %mul3A_568 = arith.mulf %mul3A_567, %get3A_104 : vector<16xf32>
      %add3A_569 = arith.addf %add3A_566, %mul3A_568 : vector<16xf32>
      %mul3A_570 = vector.broadcast %mul3A_545 : f32 to vector<16xf32>
      %mul3A_571 = arith.mulf %mul3A_570, %get3A_124 : vector<16xf32>
      %add3A_572 = arith.addf %add3A_569, %mul3A_571 : vector<16xf32>
      %mul3A_573 = vector.broadcast %mul3A_548 : f32 to vector<16xf32>
      %mul3A_574 = arith.mulf %mul3A_573, %get3A_144 : vector<16xf32>
      %add3A_575 = arith.addf %add3A_572, %mul3A_574 : vector<16xf32>
      %mul3A_576 = vector.broadcast %mul3A_551 : f32 to vector<16xf32>
      %mul3A_577 = arith.mulf %mul3A_576, %get3A_164 : vector<16xf32>
      %add3A_578 = arith.addf %add3A_575, %mul3A_577 : vector<16xf32>
      %mul3A_579 = vector.broadcast %mul3A_554 : f32 to vector<16xf32>
      %mul3A_580 = arith.mulf %mul3A_579, %get3A_184 : vector<16xf32>
      %add3A_581 = arith.addf %add3A_578, %mul3A_580 : vector<16xf32>
      %max3A_582 = arith.constant 0.000000e+00 : f32
      %max3A_583 = vector.broadcast %max3A_582 : f32 to vector<16xf32>
      %max3A_584 = arith.maximumf %add3A_581, %max3A_583 : vector<16xf32>
      %swap3A_585 = arith.index_cast %add3A_531 : i32 to index
      %swap3A_586 = arith.constant 0 : index
      %swap3A_587 = tpu.vector_load %arg18[%swap3A_585, %swap3A_586] {strides = array<i32>} : memref<80x128xf32, #tpu.memory_space<vmem>>, vector<1x16xf32>,
      %swap3A_588 = vector.shape_cast %swap3A_587 : vector<1x16xf32> to vector<16xf32>
      %swap3A_589 = vector.shape_cast %max3A_584 : vector<16xf32> to vector<1x16xf32>
      tpu.vector_store %arg18[%swap3A_585, %swap3A_586], %swap3A_589 {strides = array<i32>} : memref<80x128xf32, #tpu.memory_space<vmem>>, vector<1x16xf32>,
      %get3A_590 = arith.index_cast %add3A_531 : i32 to index
      %get3A_591 = arith.constant 16 : index
      %get3A_592 = tpu.vector_load %arg14[%get3A_590, %get3A_591] {strides = array<i32>} : memref<80x128xf32, #tpu.memory_space<vmem>>, vector<1x16xf32>,
      %get3A_593 = vector.shape_cast %get3A_592 : vector<1x16xf32> to vector<16xf32>
      %mul3A_594 = vector.broadcast %squeeze3A_533 : f32 to vector<16xf32>
      %mul3A_595 = arith.mulf %mul3A_594, %get3A_593 : vector<16xf32>
      %mul3A_596 = vector.broadcast %mul3A_536 : f32 to vector<16xf32>
      %mul3A_597 = arith.mulf %mul3A_596, %get3A_69 : vector<16xf32>
      %add3A_598 = arith.addf %mul3A_595, %mul3A_597 : vector<16xf32>
      %mul3A_599 = vector.broadcast %mul3A_539 : f32 to vector<16xf32>
      %mul3A_600 = arith.mulf %mul3A_599, %get3A_89 : vector<16xf32>
      %add3A_601 = arith.addf %add3A_598, %mul3A_600 : vector<16xf32>
      %mul3A_602 = vector.broadcast %mul3A_542 : f32 to vector<16xf32>
      %mul3A_603 = arith.mulf %mul3A_602, %get3A_109 : vector<16xf32>
      %add3A_604 = arith.addf %add3A_601, %mul3A_603 : vector<16xf32>
      %mul3A_605 = vector.broadcast %mul3A_545 : f32 to vector<16xf32>
      %mul3A_606 = arith.mulf %mul3A_605, %get3A_129 : vector<16xf32>
      %add3A_607 = arith.addf %add3A_604, %mul3A_606 : vector<16xf32>
      %mul3A_608 = vector.broadcast %mul3A_548 : f32 to vector<16xf32>
      %mul3A_609 = arith.mulf %mul3A_608, %get3A_149 : vector<16xf32>
      %add3A_610 = arith.addf %add3A_607, %mul3A_609 : vector<16xf32>
      %mul3A_611 = vector.broadcast %mul3A_551 : f32 to vector<16xf32>
      %mul3A_612 = arith.mulf %mul3A_611, %get3A_169 : vector<16xf32>
      %add3A_613 = arith.addf %add3A_610, %mul3A_612 : vector<16xf32>
      %mul3A_614 = vector.broadcast %mul3A_554 : f32 to vector<16xf32>
      %mul3A_615 = arith.mulf %mul3A_614, %get3A_189 : vector<16xf32>
      %add3A_616 = arith.addf %add3A_613, %mul3A_615 : vector<16xf32>
      %max3A_617 = arith.constant 0.000000e+00 : f32
      %max3A_618 = vector.broadcast %max3A_617 : f32 to vector<16xf32>
      %max3A_619 = arith.maximumf %add3A_616, %max3A_618 : vector<16xf32>
      %swap3A_620 = arith.index_cast %add3A_531 : i32 to index
      %swap3A_621 = arith.constant 16 : index
      %swap3A_622 = tpu.vector_load %arg18[%swap3A_620, %swap3A_621] {strides = array<i32>} : memref<80x128xf32, #tpu.memory_space<vmem>>, vector<1x16xf32>,
      %swap3A_623 = vector.shape_cast %swap3A_622 : vector<1x16xf32> to vector<16xf32>
      %swap3A_624 = vector.shape_cast %max3A_619 : vector<16xf32> to vector<1x16xf32>
      tpu.vector_store %arg18[%swap3A_620, %swap3A_621], %swap3A_624 {strides = array<i32>} : memref<80x128xf32, #tpu.memory_space<vmem>>, vector<1x16xf32>,
      %get3A_625 = arith.index_cast %add3A_531 : i32 to index
      %get3A_626 = arith.constant 32 : index
      %get3A_627 = tpu.vector_load %arg14[%get3A_625, %get3A_626] {strides = array<i32>} : memref<80x128xf32, #tpu.memory_space<vmem>>, vector<1x16xf32>,
      %get3A_628 = vector.shape_cast %get3A_627 : vector<1x16xf32> to vector<16xf32>
      %mul3A_629 = vector.broadcast %squeeze3A_533 : f32 to vector<16xf32>
      %mul3A_630 = arith.mulf %mul3A_629, %get3A_628 : vector<16xf32>
      %mul3A_631 = vector.broadcast %mul3A_536 : f32 to vector<16xf32>
      %mul3A_632 = arith.mulf %mul3A_631, %get3A_74 : vector<16xf32>
      %add3A_633 = arith.addf %mul3A_630, %mul3A_632 : vector<16xf32>
      %mul3A_634 = vector.broadcast %mul3A_539 : f32 to vector<16xf32>
      %mul3A_635 = arith.mulf %mul3A_634, %get3A_94 : vector<16xf32>
      %add3A_636 = arith.addf %add3A_633, %mul3A_635 : vector<16xf32>
      %mul3A_637 = vector.broadcast %mul3A_542 : f32 to vector<16xf32>
      %mul3A_638 = arith.mulf %mul3A_637, %get3A_114 : vector<16xf32>
      %add3A_639 = arith.addf %add3A_636, %mul3A_638 : vector<16xf32>
      %mul3A_640 = vector.broadcast %mul3A_545 : f32 to vector<16xf32>
      %mul3A_641 = arith.mulf %mul3A_640, %get3A_134 : vector<16xf32>
      %add3A_642 = arith.addf %add3A_639, %mul3A_641 : vector<16xf32>
      %mul3A_643 = vector.broadcast %mul3A_548 : f32 to vector<16xf32>
      %mul3A_644 = arith.mulf %mul3A_643, %get3A_154 : vector<16xf32>
      %add3A_645 = arith.addf %add3A_642, %mul3A_644 : vector<16xf32>
      %mul3A_646 = vector.broadcast %mul3A_551 : f32 to vector<16xf32>
      %mul3A_647 = arith.mulf %mul3A_646, %get3A_174 : vector<16xf32>
      %add3A_648 = arith.addf %add3A_645, %mul3A_647 : vector<16xf32>
      %mul3A_649 = vector.broadcast %mul3A_554 : f32 to vector<16xf32>
      %mul3A_650 = arith.mulf %mul3A_649, %get3A_194 : vector<16xf32>
      %add3A_651 = arith.addf %add3A_648, %mul3A_650 : vector<16xf32>
      %max3A_652 = arith.constant 0.000000e+00 : f32
      %max3A_653 = vector.broadcast %max3A_652 : f32 to vector<16xf32>
      %max3A_654 = arith.maximumf %add3A_651, %max3A_653 : vector<16xf32>
      %swap3A_655 = arith.index_cast %add3A_531 : i32 to index
      %swap3A_656 = arith.constant 32 : index
      %swap3A_657 = tpu.vector_load %arg18[%swap3A_655, %swap3A_656] {strides = array<i32>} : memref<80x128xf32, #tpu.memory_space<vmem>>, vector<1x16xf32>,
      %swap3A_658 = vector.shape_cast %swap3A_657 : vector<1x16xf32> to vector<16xf32>
      %swap3A_659 = vector.shape_cast %max3A_654 : vector<16xf32> to vector<1x16xf32>
      tpu.vector_store %arg18[%swap3A_655, %swap3A_656], %swap3A_659 {strides = array<i32>} : memref<80x128xf32, #tpu.memory_space<vmem>>, vector<1x16xf32>,
      %get3A_660 = arith.index_cast %add3A_531 : i32 to index
      %get3A_661 = arith.constant 48 : index
      %get3A_662 = tpu.vector_load %arg14[%get3A_660, %get3A_661] {strides = array<i32>} : memref<80x128xf32, #tpu.memory_space<vmem>>, vector<1x16xf32>,
      %get3A_663 = vector.shape_cast %get3A_662 : vector<1x16xf32> to vector<16xf32>
      %mul3A_664 = vector.broadcast %squeeze3A_533 : f32 to vector<16xf32>
      %mul3A_665 = arith.mulf %mul3A_664, %get3A_663 : vector<16xf32>
      %mul3A_666 = vector.broadcast %mul3A_536 : f32 to vector<16xf32>
      %mul3A_667 = arith.mulf %mul3A_666, %get3A_79 : vector<16xf32>
      %add3A_668 = arith.addf %mul3A_665, %mul3A_667 : vector<16xf32>
      %mul3A_669 = vector.broadcast %mul3A_539 : f32 to vector<16xf32>
      %mul3A_670 = arith.mulf %mul3A_669, %get3A_99 : vector<16xf32>
      %add3A_671 = arith.addf %add3A_668, %mul3A_670 : vector<16xf32>
      %mul3A_672 = vector.broadcast %mul3A_542 : f32 to vector<16xf32>
      %mul3A_673 = arith.mulf %mul3A_672, %get3A_119 : vector<16xf32>
      %add3A_674 = arith.addf %add3A_671, %mul3A_673 : vector<16xf32>
      %mul3A_675 = vector.broadcast %mul3A_545 : f32 to vector<16xf32>
      %mul3A_676 = arith.mulf %mul3A_675, %get3A_139 : vector<16xf32>
      %add3A_677 = arith.addf %add3A_674, %mul3A_676 : vector<16xf32>
      %mul3A_678 = vector.broadcast %mul3A_548 : f32 to vector<16xf32>
      %mul3A_679 = arith.mulf %mul3A_678, %get3A_159 : vector<16xf32>
      %add3A_680 = arith.addf %add3A_677, %mul3A_679 : vector<16xf32>
      %mul3A_681 = vector.broadcast %mul3A_551 : f32 to vector<16xf32>
      %mul3A_682 = arith.mulf %mul3A_681, %get3A_179 : vector<16xf32>
      %add3A_683 = arith.addf %add3A_680, %mul3A_682 : vector<16xf32>
      %mul3A_684 = vector.broadcast %mul3A_554 : f32 to vector<16xf32>
      %mul3A_685 = arith.mulf %mul3A_684, %get3A_199 : vector<16xf32>
      %add3A_686 = arith.addf %add3A_683, %mul3A_685 : vector<16xf32>
      %max3A_687 = arith.constant 0.000000e+00 : f32
      %max3A_688 = vector.broadcast %max3A_687 : f32 to vector<16xf32>
      %max3A_689 = arith.maximumf %add3A_686, %max3A_688 : vector<16xf32>
      %swap3A_690 = arith.index_cast %add3A_531 : i32 to index
      %swap3A_691 = arith.constant 48 : index
      %swap3A_692 = tpu.vector_load %arg18[%swap3A_690, %swap3A_691] {strides = array<i32>} : memref<80x128xf32, #tpu.memory_space<vmem>>, vector<1x16xf32>,
      %swap3A_693 = vector.shape_cast %swap3A_692 : vector<1x16xf32> to vector<16xf32>
      %swap3A_694 = vector.shape_cast %max3A_689 : vector<16xf32> to vector<1x16xf32>
      tpu.vector_store %arg18[%swap3A_690, %swap3A_691], %swap3A_694 {strides = array<i32>} : memref<80x128xf32, #tpu.memory_space<vmem>>, vector<1x16xf32>,
    }
    %scan3A_205 = arith.constant 40 : i32
    %get3A_206 = arith.constant 0 : i32
    %get3A_207 = arith.index_cast %get3A_206 : i32 to index
    %get3A_208 = arith.constant 64 : index
    %get3A_209 = tpu.vector_load %arg20[%get3A_207, %get3A_208] {strides = array<i32>} : memref<8x128xf32, #tpu.memory_space<vmem>>, vector<1x16xf32>,
    %get3A_210 = vector.shape_cast %get3A_209 : vector<1x16xf32> to vector<16xf32>
    %get3A_211 = arith.constant 0 : i32
    %get3A_212 = arith.index_cast %get3A_211 : i32 to index
    %get3A_213 = arith.constant 80 : index
    %get3A_214 = tpu.vector_load %arg20[%get3A_212, %get3A_213] {strides = array<i32>} : memref<8x128xf32, #tpu.memory_space<vmem>>, vector<1x16xf32>,
    %get3A_215 = vector.shape_cast %get3A_214 : vector<1x16xf32> to vector<16xf32>
    %get3A_216 = arith.constant 0 : i32
    %get3A_217 = arith.index_cast %get3A_216 : i32 to index
    %get3A_218 = arith.constant 96 : index
    %get3A_219 = tpu.vector_load %arg20[%get3A_217, %get3A_218] {strides = array<i32>} : memref<8x128xf32, #tpu.memory_space<vmem>>, vector<1x16xf32>,
    %get3A_220 = vector.shape_cast %get3A_219 : vector<1x16xf32> to vector<16xf32>
    %get3A_221 = arith.constant 0 : i32
    %get3A_222 = arith.index_cast %get3A_221 : i32 to index
    %get3A_223 = arith.constant 112 : index
    %get3A_224 = tpu.vector_load %arg20[%get3A_222, %get3A_223] {strides = array<i32>} : memref<8x128xf32, #tpu.memory_space<vmem>>, vector<1x16xf32>,
    %get3A_225 = vector.shape_cast %get3A_224 : vector<1x16xf32> to vector<16xf32>
    %get3A_226 = arith.constant 1 : i32
    %get3A_227 = arith.index_cast %get3A_226 : i32 to index
    %get3A_228 = arith.constant 64 : index
    %get3A_229 = tpu.vector_load %arg20[%get3A_227, %get3A_228] {strides = array<i32>} : memref<8x128xf32, #tpu.memory_space<vmem>>, vector<1x16xf32>,
    %get3A_230 = vector.shape_cast %get3A_229 : vector<1x16xf32> to vector<16xf32>
    %get3A_231 = arith.constant 1 : i32
    %get3A_232 = arith.index_cast %get3A_231 : i32 to index
    %get3A_233 = arith.constant 80 : index
    %get3A_234 = tpu.vector_load %arg20[%get3A_232, %get3A_233] {strides = array<i32>} : memref<8x128xf32, #tpu.memory_space<vmem>>, vector<1x16xf32>,
    %get3A_235 = vector.shape_cast %get3A_234 : vector<1x16xf32> to vector<16xf32>
    %get3A_236 = arith.constant 1 : i32
    %get3A_237 = arith.index_cast %get3A_236 : i32 to index
    %get3A_238 = arith.constant 96 : index
    %get3A_239 = tpu.vector_load %arg20[%get3A_237, %get3A_238] {strides = array<i32>} : memref<8x128xf32, #tpu.memory_space<vmem>>, vector<1x16xf32>,
    %get3A_240 = vector.shape_cast %get3A_239 : vector<1x16xf32> to vector<16xf32>
    %get3A_241 = arith.constant 1 : i32
    %get3A_242 = arith.index_cast %get3A_241 : i32 to index
    %get3A_243 = arith.constant 112 : index
    %get3A_244 = tpu.vector_load %arg20[%get3A_242, %get3A_243] {strides = array<i32>} : memref<8x128xf32, #tpu.memory_space<vmem>>, vector<1x16xf32>,
    %get3A_245 = vector.shape_cast %get3A_244 : vector<1x16xf32> to vector<16xf32>
    %get3A_246 = arith.constant 2 : i32
    %get3A_247 = arith.index_cast %get3A_246 : i32 to index
    %get3A_248 = arith.constant 64 : index
    %get3A_249 = tpu.vector_load %arg20[%get3A_247, %get3A_248] {strides = array<i32>} : memref<8x128xf32, #tpu.memory_space<vmem>>, vector<1x16xf32>,
    %get3A_250 = vector.shape_cast %get3A_249 : vector<1x16xf32> to vector<16xf32>
    %get3A_251 = arith.constant 2 : i32
    %get3A_252 = arith.index_cast %get3A_251 : i32 to index
    %get3A_253 = arith.constant 80 : index
    %get3A_254 = tpu.vector_load %arg20[%get3A_252, %get3A_253] {strides = array<i32>} : memref<8x128xf32, #tpu.memory_space<vmem>>, vector<1x16xf32>,
    %get3A_255 = vector.shape_cast %get3A_254 : vector<1x16xf32> to vector<16xf32>
    %get3A_256 = arith.constant 2 : i32
    %get3A_257 = arith.index_cast %get3A_256 : i32 to index
    %get3A_258 = arith.constant 96 : index
    %get3A_259 = tpu.vector_load %arg20[%get3A_257, %get3A_258] {strides = array<i32>} : memref<8x128xf32, #tpu.memory_space<vmem>>, vector<1x16xf32>,
    %get3A_260 = vector.shape_cast %get3A_259 : vector<1x16xf32> to vector<16xf32>
    %get3A_261 = arith.constant 2 : i32
    %get3A_262 = arith.index_cast %get3A_261 : i32 to index
    %get3A_263 = arith.constant 112 : index
    %get3A_264 = tpu.vector_load %arg20[%get3A_262, %get3A_263] {strides = array<i32>} : memref<8x128xf32, #tpu.memory_space<vmem>>, vector<1x16xf32>,
    %get3A_265 = vector.shape_cast %get3A_264 : vector<1x16xf32> to vector<16xf32>
    %get3A_266 = arith.constant 3 : i32
    %get3A_267 = arith.index_cast %get3A_266 : i32 to index
    %get3A_268 = arith.constant 64 : index
    %get3A_269 = tpu.vector_load %arg20[%get3A_267, %get3A_268] {strides = array<i32>} : memref<8x128xf32, #tpu.memory_space<vmem>>, vector<1x16xf32>,
    %get3A_270 = vector.shape_cast %get3A_269 : vector<1x16xf32> to vector<16xf32>
    %get3A_271 = arith.constant 3 : i32
    %get3A_272 = arith.index_cast %get3A_271 : i32 to index
    %get3A_273 = arith.constant 80 : index
    %get3A_274 = tpu.vector_load %arg20[%get3A_272, %get3A_273] {strides = array<i32>} : memref<8x128xf32, #tpu.memory_space<vmem>>, vector<1x16xf32>,
    %get3A_275 = vector.shape_cast %get3A_274 : vector<1x16xf32> to vector<16xf32>
    %get3A_276 = arith.constant 3 : i32
    %get3A_277 = arith.index_cast %get3A_276 : i32 to index
    %get3A_278 = arith.constant 96 : index
    %get3A_279 = tpu.vector_load %arg20[%get3A_277, %get3A_278] {strides = array<i32>} : memref<8x128xf32, #tpu.memory_space<vmem>>, vector<1x16xf32>,
    %get3A_280 = vector.shape_cast %get3A_279 : vector<1x16xf32> to vector<16xf32>
    %get3A_281 = arith.constant 3 : i32
    %get3A_282 = arith.index_cast %get3A_281 : i32 to index
    %get3A_283 = arith.constant 112 : index
    %get3A_284 = tpu.vector_load %arg20[%get3A_282, %get3A_283] {strides = array<i32>} : memref<8x128xf32, #tpu.memory_space<vmem>>, vector<1x16xf32>,
    %get3A_285 = vector.shape_cast %get3A_284 : vector<1x16xf32> to vector<16xf32>
    %get3A_286 = arith.constant 4 : i32
    %get3A_287 = arith.index_cast %get3A_286 : i32 to index
    %get3A_288 = arith.constant 64 : index
    %get3A_289 = tpu.vector_load %arg20[%get3A_287, %get3A_288] {strides = array<i32>} : memref<8x128xf32, #tpu.memory_space<vmem>>, vector<1x16xf32>,
    %get3A_290 = vector.shape_cast %get3A_289 : vector<1x16xf32> to vector<16xf32>
    %get3A_291 = arith.constant 4 : i32
    %get3A_292 = arith.index_cast %get3A_291 : i32 to index
    %get3A_293 = arith.constant 80 : index
    %get3A_294 = tpu.vector_load %arg20[%get3A_292, %get3A_293] {strides = array<i32>} : memref<8x128xf32, #tpu.memory_space<vmem>>, vector<1x16xf32>,
    %get3A_295 = vector.shape_cast %get3A_294 : vector<1x16xf32> to vector<16xf32>
    %get3A_296 = arith.constant 4 : i32
    %get3A_297 = arith.index_cast %get3A_296 : i32 to index
    %get3A_298 = arith.constant 96 : index
    %get3A_299 = tpu.vector_load %arg20[%get3A_297, %get3A_298] {strides = array<i32>} : memref<8x128xf32, #tpu.memory_space<vmem>>, vector<1x16xf32>,
    %get3A_300 = vector.shape_cast %get3A_299 : vector<1x16xf32> to vector<16xf32>
    %get3A_301 = arith.constant 4 : i32
    %get3A_302 = arith.index_cast %get3A_301 : i32 to index
    %get3A_303 = arith.constant 112 : index
    %get3A_304 = tpu.vector_load %arg20[%get3A_302, %get3A_303] {strides = array<i32>} : memref<8x128xf32, #tpu.memory_space<vmem>>, vector<1x16xf32>,
    %get3A_305 = vector.shape_cast %get3A_304 : vector<1x16xf32> to vector<16xf32>
    %get3A_306 = arith.constant 5 : i32
    %get3A_307 = arith.index_cast %get3A_306 : i32 to index
    %get3A_308 = arith.constant 64 : index
    %get3A_309 = tpu.vector_load %arg20[%get3A_307, %get3A_308] {strides = array<i32>} : memref<8x128xf32, #tpu.memory_space<vmem>>, vector<1x16xf32>,
    %get3A_310 = vector.shape_cast %get3A_309 : vector<1x16xf32> to vector<16xf32>
    %get3A_311 = arith.constant 5 : i32
    %get3A_312 = arith.index_cast %get3A_311 : i32 to index
    %get3A_313 = arith.constant 80 : index
    %get3A_314 = tpu.vector_load %arg20[%get3A_312, %get3A_313] {strides = array<i32>} : memref<8x128xf32, #tpu.memory_space<vmem>>, vector<1x16xf32>,
    %get3A_315 = vector.shape_cast %get3A_314 : vector<1x16xf32> to vector<16xf32>
    %get3A_316 = arith.constant 5 : i32
    %get3A_317 = arith.index_cast %get3A_316 : i32 to index
    %get3A_318 = arith.constant 96 : index
    %get3A_319 = tpu.vector_load %arg20[%get3A_317, %get3A_318] {strides = array<i32>} : memref<8x128xf32, #tpu.memory_space<vmem>>, vector<1x16xf32>,
    %get3A_320 = vector.shape_cast %get3A_319 : vector<1x16xf32> to vector<16xf32>
    %get3A_321 = arith.constant 5 : i32
    %get3A_322 = arith.index_cast %get3A_321 : i32 to index
    %get3A_323 = arith.constant 112 : index
    %get3A_324 = tpu.vector_load %arg20[%get3A_322, %get3A_323] {strides = array<i32>} : memref<8x128xf32, #tpu.memory_space<vmem>>, vector<1x16xf32>,
    %get3A_325 = vector.shape_cast %get3A_324 : vector<1x16xf32> to vector<16xf32>
    %get3A_326 = arith.constant 6 : i32
    %get3A_327 = arith.index_cast %get3A_326 : i32 to index
    %get3A_328 = arith.constant 64 : index
    %get3A_329 = tpu.vector_load %arg20[%get3A_327, %get3A_328] {strides = array<i32>} : memref<8x128xf32, #tpu.memory_space<vmem>>, vector<1x16xf32>,
    %get3A_330 = vector.shape_cast %get3A_329 : vector<1x16xf32> to vector<16xf32>
    %get3A_331 = arith.constant 6 : i32
    %get3A_332 = arith.index_cast %get3A_331 : i32 to index
    %get3A_333 = arith.constant 80 : index
    %get3A_334 = tpu.vector_load %arg20[%get3A_332, %get3A_333] {strides = array<i32>} : memref<8x128xf32, #tpu.memory_space<vmem>>, vector<1x16xf32>,
    %get3A_335 = vector.shape_cast %get3A_334 : vector<1x16xf32> to vector<16xf32>
    %get3A_336 = arith.constant 6 : i32
    %get3A_337 = arith.index_cast %get3A_336 : i32 to index
    %get3A_338 = arith.constant 96 : index
    %get3A_339 = tpu.vector_load %arg20[%get3A_337, %get3A_338] {strides = array<i32>} : memref<8x128xf32, #tpu.memory_space<vmem>>, vector<1x16xf32>,
    %get3A_340 = vector.shape_cast %get3A_339 : vector<1x16xf32> to vector<16xf32>
    %get3A_341 = arith.constant 6 : i32
    %get3A_342 = arith.index_cast %get3A_341 : i32 to index
    %get3A_343 = arith.constant 112 : index
    %get3A_344 = tpu.vector_load %arg20[%get3A_342, %get3A_343] {strides = array<i32>} : memref<8x128xf32, #tpu.memory_space<vmem>>, vector<1x16xf32>,
    %get3A_345 = vector.shape_cast %get3A_344 : vector<1x16xf32> to vector<16xf32>
    %scan3A_346 = arith.constant 0 : i32
    %scan3A_347 = arith.constant 0 : i32
    %scan3A_348 = arith.constant 40 : i32
    %scan3A_349 = arith.addi %scan3A_347, %scan3A_348 : i32
    %scan3A_350 = arith.constant 1 : i32
    scf.for %scan3A_359 = %scan3A_347 to %scan3A_349 step %scan3A_350  : i32 {
      %mul3A_360 = arith.constant 16 : i32
      %mul3A_361 = arith.muli %scan3A_359, %mul3A_360 : i32
      %get3A_362 = arith.index_cast %mul3A_361 : i32 to index
      %get3A_363 = tpu.vector_load %arg16[%get3A_362] {strides = array<i32>} : memref<640xf32, #tpu.memory_space<vmem>>, vector<16xf32>,
      %get3A_364 = vector.shape_cast %get3A_363 : vector<16xf32> to vector<16xf32>
      %mul3A_365 = arith.constant 2 : i32
      %mul3A_366 = arith.muli %mul3A_365, %scan3A_359 : i32
      %add3A_367 = arith.constant 0 : i32
      %add3A_368 = arith.addi %mul3A_366, %add3A_367 : i32
      %slice3A = vector.extract_strided_slice %get3A_364 {offsets = [7], sizes = [1], strides = [1]} : vector<16xf32> to vector<1xf32>
      %squeeze3A = vector.extract %slice3A[0] : f32 from vector<1xf32>
      %slice3A_369 = vector.extract_strided_slice %get3A_364 {offsets = [0], sizes = [1], strides = [1]} : vector<16xf32> to vector<1xf32>
      %squeeze3A_370 = vector.extract %slice3A_369[0] : f32 from vector<1xf32>
      %mul3A_371 = arith.mulf %squeeze3A, %squeeze3A_370 : f32
      %slice3A_372 = vector.extract_strided_slice %get3A_364 {offsets = [1], sizes = [1], strides = [1]} : vector<16xf32> to vector<1xf32>
      %squeeze3A_373 = vector.extract %slice3A_372[0] : f32 from vector<1xf32>
      %mul3A_374 = arith.mulf %squeeze3A, %squeeze3A_373 : f32
      %slice3A_375 = vector.extract_strided_slice %get3A_364 {offsets = [2], sizes = [1], strides = [1]} : vector<16xf32> to vector<1xf32>
      %squeeze3A_376 = vector.extract %slice3A_375[0] : f32 from vector<1xf32>
      %mul3A_377 = arith.mulf %squeeze3A, %squeeze3A_376 : f32
      %slice3A_378 = vector.extract_strided_slice %get3A_364 {offsets = [3], sizes = [1], strides = [1]} : vector<16xf32> to vector<1xf32>
      %squeeze3A_379 = vector.extract %slice3A_378[0] : f32 from vector<1xf32>
      %mul3A_380 = arith.mulf %squeeze3A, %squeeze3A_379 : f32
      %slice3A_381 = vector.extract_strided_slice %get3A_364 {offsets = [4], sizes = [1], strides = [1]} : vector<16xf32> to vector<1xf32>
      %squeeze3A_382 = vector.extract %slice3A_381[0] : f32 from vector<1xf32>
      %mul3A_383 = arith.mulf %squeeze3A, %squeeze3A_382 : f32
      %slice3A_384 = vector.extract_strided_slice %get3A_364 {offsets = [5], sizes = [1], strides = [1]} : vector<16xf32> to vector<1xf32>
      %squeeze3A_385 = vector.extract %slice3A_384[0] : f32 from vector<1xf32>
      %mul3A_386 = arith.mulf %squeeze3A, %squeeze3A_385 : f32
      %slice3A_387 = vector.extract_strided_slice %get3A_364 {offsets = [6], sizes = [1], strides = [1]} : vector<16xf32> to vector<1xf32>
      %squeeze3A_388 = vector.extract %slice3A_387[0] : f32 from vector<1xf32>
      %mul3A_389 = arith.mulf %squeeze3A, %squeeze3A_388 : f32
      %get3A_390 = arith.index_cast %add3A_368 : i32 to index
      %get3A_391 = arith.constant 64 : index
      %get3A_392 = tpu.vector_load %arg14[%get3A_390, %get3A_391] {strides = array<i32>} : memref<80x128xf32, #tpu.memory_space<vmem>>, vector<1x16xf32>,
      %get3A_393 = vector.shape_cast %get3A_392 : vector<1x16xf32> to vector<16xf32>
      %mul3A_394 = vector.broadcast %squeeze3A : f32 to vector<16xf32>
      %mul3A_395 = arith.mulf %mul3A_394, %get3A_393 : vector<16xf32>
      %mul3A_396 = vector.broadcast %mul3A_371 : f32 to vector<16xf32>
      %mul3A_397 = arith.mulf %mul3A_396, %get3A_210 : vector<16xf32>
      %add3A_398 = arith.addf %mul3A_395, %mul3A_397 : vector<16xf32>
      %mul3A_399 = vector.broadcast %mul3A_374 : f32 to vector<16xf32>
      %mul3A_400 = arith.mulf %mul3A_399, %get3A_230 : vector<16xf32>
      %add3A_401 = arith.addf %add3A_398, %mul3A_400 : vector<16xf32>
      %mul3A_402 = vector.broadcast %mul3A_377 : f32 to vector<16xf32>
      %mul3A_403 = arith.mulf %mul3A_402, %get3A_250 : vector<16xf32>
      %add3A_404 = arith.addf %add3A_401, %mul3A_403 : vector<16xf32>
      %mul3A_405 = vector.broadcast %mul3A_380 : f32 to vector<16xf32>
      %mul3A_406 = arith.mulf %mul3A_405, %get3A_270 : vector<16xf32>
      %add3A_407 = arith.addf %add3A_404, %mul3A_406 : vector<16xf32>
      %mul3A_408 = vector.broadcast %mul3A_383 : f32 to vector<16xf32>
      %mul3A_409 = arith.mulf %mul3A_408, %get3A_290 : vector<16xf32>
      %add3A_410 = arith.addf %add3A_407, %mul3A_409 : vector<16xf32>
      %mul3A_411 = vector.broadcast %mul3A_386 : f32 to vector<16xf32>
      %mul3A_412 = arith.mulf %mul3A_411, %get3A_310 : vector<16xf32>
      %add3A_413 = arith.addf %add3A_410, %mul3A_412 : vector<16xf32>
      %mul3A_414 = vector.broadcast %mul3A_389 : f32 to vector<16xf32>
      %mul3A_415 = arith.mulf %mul3A_414, %get3A_330 : vector<16xf32>
      %add3A_416 = arith.addf %add3A_413, %mul3A_415 : vector<16xf32>
      %max3A = arith.constant 0.000000e+00 : f32
      %max3A_417 = vector.broadcast %max3A : f32 to vector<16xf32>
      %max3A_418 = arith.maximumf %add3A_416, %max3A_417 : vector<16xf32>
      %swap3A = arith.index_cast %add3A_368 : i32 to index
      %swap3A_419 = arith.constant 64 : index
      %swap3A_420 = tpu.vector_load %arg18[%swap3A, %swap3A_419] {strides = array<i32>} : memref<80x128xf32, #tpu.memory_space<vmem>>, vector<1x16xf32>,
      %swap3A_421 = vector.shape_cast %swap3A_420 : vector<1x16xf32> to vector<16xf32>
      %swap3A_422 = vector.shape_cast %max3A_418 : vector<16xf32> to vector<1x16xf32>
      tpu.vector_store %arg18[%swap3A, %swap3A_419], %swap3A_422 {strides = array<i32>} : memref<80x128xf32, #tpu.memory_space<vmem>>, vector<1x16xf32>,
      %get3A_423 = arith.index_cast %add3A_368 : i32 to index
      %get3A_424 = arith.constant 80 : index
      %get3A_425 = tpu.vector_load %arg14[%get3A_423, %get3A_424] {strides = array<i32>} : memref<80x128xf32, #tpu.memory_space<vmem>>, vector<1x16xf32>,
      %get3A_426 = vector.shape_cast %get3A_425 : vector<1x16xf32> to vector<16xf32>
      %mul3A_427 = vector.broadcast %squeeze3A : f32 to vector<16xf32>
      %mul3A_428 = arith.mulf %mul3A_427, %get3A_426 : vector<16xf32>
      %mul3A_429 = vector.broadcast %mul3A_371 : f32 to vector<16xf32>
      %mul3A_430 = arith.mulf %mul3A_429, %get3A_215 : vector<16xf32>
      %add3A_431 = arith.addf %mul3A_428, %mul3A_430 : vector<16xf32>
      %mul3A_432 = vector.broadcast %mul3A_374 : f32 to vector<16xf32>
      %mul3A_433 = arith.mulf %mul3A_432, %get3A_235 : vector<16xf32>
      %add3A_434 = arith.addf %add3A_431, %mul3A_433 : vector<16xf32>
      %mul3A_435 = vector.broadcast %mul3A_377 : f32 to vector<16xf32>
      %mul3A_436 = arith.mulf %mul3A_435, %get3A_255 : vector<16xf32>
      %add3A_437 = arith.addf %add3A_434, %mul3A_436 : vector<16xf32>
      %mul3A_438 = vector.broadcast %mul3A_380 : f32 to vector<16xf32>
      %mul3A_439 = arith.mulf %mul3A_438, %get3A_275 : vector<16xf32>
      %add3A_440 = arith.addf %add3A_437, %mul3A_439 : vector<16xf32>
      %mul3A_441 = vector.broadcast %mul3A_383 : f32 to vector<16xf32>
      %mul3A_442 = arith.mulf %mul3A_441, %get3A_295 : vector<16xf32>
      %add3A_443 = arith.addf %add3A_440, %mul3A_442 : vector<16xf32>
      %mul3A_444 = vector.broadcast %mul3A_386 : f32 to vector<16xf32>
      %mul3A_445 = arith.mulf %mul3A_444, %get3A_315 : vector<16xf32>
      %add3A_446 = arith.addf %add3A_443, %mul3A_445 : vector<16xf32>
      %mul3A_447 = vector.broadcast %mul3A_389 : f32 to vector<16xf32>
      %mul3A_448 = arith.mulf %mul3A_447, %get3A_335 : vector<16xf32>
      %add3A_449 = arith.addf %add3A_446, %mul3A_448 : vector<16xf32>
      %max3A_450 = arith.constant 0.000000e+00 : f32
      %max3A_451 = vector.broadcast %max3A_450 : f32 to vector<16xf32>
      %max3A_452 = arith.maximumf %add3A_449, %max3A_451 : vector<16xf32>
      %swap3A_453 = arith.index_cast %add3A_368 : i32 to index
      %swap3A_454 = arith.constant 80 : index
      %swap3A_455 = tpu.vector_load %arg18[%swap3A_453, %swap3A_454] {strides = array<i32>} : memref<80x128xf32, #tpu.memory_space<vmem>>, vector<1x16xf32>,
      %swap3A_456 = vector.shape_cast %swap3A_455 : vector<1x16xf32> to vector<16xf32>
      %swap3A_457 = vector.shape_cast %max3A_452 : vector<16xf32> to vector<1x16xf32>
      tpu.vector_store %arg18[%swap3A_453, %swap3A_454], %swap3A_457 {strides = array<i32>} : memref<80x128xf32, #tpu.memory_space<vmem>>, vector<1x16xf32>,
      %get3A_458 = arith.index_cast %add3A_368 : i32 to index
      %get3A_459 = arith.constant 96 : index
      %get3A_460 = tpu.vector_load %arg14[%get3A_458, %get3A_459] {strides = array<i32>} : memref<80x128xf32, #tpu.memory_space<vmem>>, vector<1x16xf32>,
      %get3A_461 = vector.shape_cast %get3A_460 : vector<1x16xf32> to vector<16xf32>
      %mul3A_462 = vector.broadcast %squeeze3A : f32 to vector<16xf32>
      %mul3A_463 = arith.mulf %mul3A_462, %get3A_461 : vector<16xf32>
      %mul3A_464 = vector.broadcast %mul3A_371 : f32 to vector<16xf32>
      %mul3A_465 = arith.mulf %mul3A_464, %get3A_220 : vector<16xf32>
      %add3A_466 = arith.addf %mul3A_463, %mul3A_465 : vector<16xf32>
      %mul3A_467 = vector.broadcast %mul3A_374 : f32 to vector<16xf32>
      %mul3A_468 = arith.mulf %mul3A_467, %get3A_240 : vector<16xf32>
      %add3A_469 = arith.addf %add3A_466, %mul3A_468 : vector<16xf32>
      %mul3A_470 = vector.broadcast %mul3A_377 : f32 to vector<16xf32>
      %mul3A_471 = arith.mulf %mul3A_470, %get3A_260 : vector<16xf32>
      %add3A_472 = arith.addf %add3A_469, %mul3A_471 : vector<16xf32>
      %mul3A_473 = vector.broadcast %mul3A_380 : f32 to vector<16xf32>
      %mul3A_474 = arith.mulf %mul3A_473, %get3A_280 : vector<16xf32>
      %add3A_475 = arith.addf %add3A_472, %mul3A_474 : vector<16xf32>
      %mul3A_476 = vector.broadcast %mul3A_383 : f32 to vector<16xf32>
      %mul3A_477 = arith.mulf %mul3A_476, %get3A_300 : vector<16xf32>
      %add3A_478 = arith.addf %add3A_475, %mul3A_477 : vector<16xf32>
      %mul3A_479 = vector.broadcast %mul3A_386 : f32 to vector<16xf32>
      %mul3A_480 = arith.mulf %mul3A_479, %get3A_320 : vector<16xf32>
      %add3A_481 = arith.addf %add3A_478, %mul3A_480 : vector<16xf32>
      %mul3A_482 = vector.broadcast %mul3A_389 : f32 to vector<16xf32>
      %mul3A_483 = arith.mulf %mul3A_482, %get3A_340 : vector<16xf32>
      %add3A_484 = arith.addf %add3A_481, %mul3A_483 : vector<16xf32>
      %max3A_485 = arith.constant 0.000000e+00 : f32
      %max3A_486 = vector.broadcast %max3A_485 : f32 to vector<16xf32>
      %max3A_487 = arith.maximumf %add3A_484, %max3A_486 : vector<16xf32>
      %swap3A_488 = arith.index_cast %add3A_368 : i32 to index
      %swap3A_489 = arith.constant 96 : index
      %swap3A_490 = tpu.vector_load %arg18[%swap3A_488, %swap3A_489] {strides = array<i32>} : memref<80x128xf32, #tpu.memory_space<vmem>>, vector<1x16xf32>,
      %swap3A_491 = vector.shape_cast %swap3A_490 : vector<1x16xf32> to vector<16xf32>
      %swap3A_492 = vector.shape_cast %max3A_487 : vector<16xf32> to vector<1x16xf32>
      tpu.vector_store %arg18[%swap3A_488, %swap3A_489], %swap3A_492 {strides = array<i32>} : memref<80x128xf32, #tpu.memory_space<vmem>>, vector<1x16xf32>,
      %get3A_493 = arith.index_cast %add3A_368 : i32 to index
      %get3A_494 = arith.constant 112 : index
      %get3A_495 = tpu.vector_load %arg14[%get3A_493, %get3A_494] {strides = array<i32>} : memref<80x128xf32, #tpu.memory_space<vmem>>, vector<1x16xf32>,
      %get3A_496 = vector.shape_cast %get3A_495 : vector<1x16xf32> to vector<16xf32>
      %mul3A_497 = vector.broadcast %squeeze3A : f32 to vector<16xf32>
      %mul3A_498 = arith.mulf %mul3A_497, %get3A_496 : vector<16xf32>
      %mul3A_499 = vector.broadcast %mul3A_371 : f32 to vector<16xf32>
      %mul3A_500 = arith.mulf %mul3A_499, %get3A_225 : vector<16xf32>
      %add3A_501 = arith.addf %mul3A_498, %mul3A_500 : vector<16xf32>
      %mul3A_502 = vector.broadcast %mul3A_374 : f32 to vector<16xf32>
      %mul3A_503 = arith.mulf %mul3A_502, %get3A_245 : vector<16xf32>
      %add3A_504 = arith.addf %add3A_501, %mul3A_503 : vector<16xf32>
      %mul3A_505 = vector.broadcast %mul3A_377 : f32 to vector<16xf32>
      %mul3A_506 = arith.mulf %mul3A_505, %get3A_265 : vector<16xf32>
      %add3A_507 = arith.addf %add3A_504, %mul3A_506 : vector<16xf32>
      %mul3A_508 = vector.broadcast %mul3A_380 : f32 to vector<16xf32>
      %mul3A_509 = arith.mulf %mul3A_508, %get3A_285 : vector<16xf32>
      %add3A_510 = arith.addf %add3A_507, %mul3A_509 : vector<16xf32>
      %mul3A_511 = vector.broadcast %mul3A_383 : f32 to vector<16xf32>
      %mul3A_512 = arith.mulf %mul3A_511, %get3A_305 : vector<16xf32>
      %add3A_513 = arith.addf %add3A_510, %mul3A_512 : vector<16xf32>
      %mul3A_514 = vector.broadcast %mul3A_386 : f32 to vector<16xf32>
      %mul3A_515 = arith.mulf %mul3A_514, %get3A_325 : vector<16xf32>
      %add3A_516 = arith.addf %add3A_513, %mul3A_515 : vector<16xf32>
      %mul3A_517 = vector.broadcast %mul3A_389 : f32 to vector<16xf32>
      %mul3A_518 = arith.mulf %mul3A_517, %get3A_345 : vector<16xf32>
      %add3A_519 = arith.addf %add3A_516, %mul3A_518 : vector<16xf32>
      %max3A_520 = arith.constant 0.000000e+00 : f32
      %max3A_521 = vector.broadcast %max3A_520 : f32 to vector<16xf32>
      %max3A_522 = arith.maximumf %add3A_519, %max3A_521 : vector<16xf32>
      %swap3A_523 = arith.index_cast %add3A_368 : i32 to index
      %swap3A_524 = arith.constant 112 : index
      %swap3A_525 = tpu.vector_load %arg18[%swap3A_523, %swap3A_524] {strides = array<i32>} : memref<80x128xf32, #tpu.memory_space<vmem>>, vector<1x16xf32>,
      %swap3A_526 = vector.shape_cast %swap3A_525 : vector<1x16xf32> to vector<16xf32>
      %swap3A_527 = vector.shape_cast %max3A_522 : vector<16xf32> to vector<1x16xf32>
      tpu.vector_store %arg18[%swap3A_523, %swap3A_524], %swap3A_527 {strides = array<i32>} : memref<80x128xf32, #tpu.memory_space<vmem>>, vector<1x16xf32>,
      %mul3A_528 = arith.constant 2 : i32
      %mul3A_529 = arith.muli %mul3A_528, %scan3A_359 : i32
      %add3A_530 = arith.constant 1 : i32
      %add3A_531 = arith.addi %mul3A_529, %add3A_530 : i32
      %slice3A_532 = vector.extract_strided_slice %get3A_364 {offsets = [15], sizes = [1], strides = [1]} : vector<16xf32> to vector<1xf32>
      %squeeze3A_533 = vector.extract %slice3A_532[0] : f32 from vector<1xf32>
      %slice3A_534 = vector.extract_strided_slice %get3A_364 {offsets = [8], sizes = [1], strides = [1]} : vector<16xf32> to vector<1xf32>
      %squeeze3A_535 = vector.extract %slice3A_534[0] : f32 from vector<1xf32>
      %mul3A_536 = arith.mulf %squeeze3A_533, %squeeze3A_535 : f32
      %slice3A_537 = vector.extract_strided_slice %get3A_364 {offsets = [9], sizes = [1], strides = [1]} : vector<16xf32> to vector<1xf32>
      %squeeze3A_538 = vector.extract %slice3A_537[0] : f32 from vector<1xf32>
      %mul3A_539 = arith.mulf %squeeze3A_533, %squeeze3A_538 : f32
      %slice3A_540 = vector.extract_strided_slice %get3A_364 {offsets = [10], sizes = [1], strides = [1]} : vector<16xf32> to vector<1xf32>
      %squeeze3A_541 = vector.extract %slice3A_540[0] : f32 from vector<1xf32>
      %mul3A_542 = arith.mulf %squeeze3A_533, %squeeze3A_541 : f32
      %slice3A_543 = vector.extract_strided_slice %get3A_364 {offsets = [11], sizes = [1], strides = [1]} : vector<16xf32> to vector<1xf32>
      %squeeze3A_544 = vector.extract %slice3A_543[0] : f32 from vector<1xf32>
      %mul3A_545 = arith.mulf %squeeze3A_533, %squeeze3A_544 : f32
      %slice3A_546 = vector.extract_strided_slice %get3A_364 {offsets = [12], sizes = [1], strides = [1]} : vector<16xf32> to vector<1xf32>
      %squeeze3A_547 = vector.extract %slice3A_546[0] : f32 from vector<1xf32>
      %mul3A_548 = arith.mulf %squeeze3A_533, %squeeze3A_547 : f32
      %slice3A_549 = vector.extract_strided_slice %get3A_364 {offsets = [13], sizes = [1], strides = [1]} : vector<16xf32> to vector<1xf32>
      %squeeze3A_550 = vector.extract %slice3A_549[0] : f32 from vector<1xf32>
      %mul3A_551 = arith.mulf %squeeze3A_533, %squeeze3A_550 : f32
      %slice3A_552 = vector.extract_strided_slice %get3A_364 {offsets = [14], sizes = [1], strides = [1]} : vector<16xf32> to vector<1xf32>
      %squeeze3A_553 = vector.extract %slice3A_552[0] : f32 from vector<1xf32>
      %mul3A_554 = arith.mulf %squeeze3A_533, %squeeze3A_553 : f32
      %get3A_555 = arith.index_cast %add3A_531 : i32 to index
      %get3A_556 = arith.constant 64 : index
      %get3A_557 = tpu.vector_load %arg14[%get3A_555, %get3A_556] {strides = array<i32>} : memref<80x128xf32, #tpu.memory_space<vmem>>, vector<1x16xf32>,
      %get3A_558 = vector.shape_cast %get3A_557 : vector<1x16xf32> to vector<16xf32>
      %mul3A_559 = vector.broadcast %squeeze3A_533 : f32 to vector<16xf32>
      %mul3A_560 = arith.mulf %mul3A_559, %get3A_558 : vector<16xf32>
      %mul3A_561 = vector.broadcast %mul3A_536 : f32 to vector<16xf32>
      %mul3A_562 = arith.mulf %mul3A_561, %get3A_210 : vector<16xf32>
      %add3A_563 = arith.addf %mul3A_560, %mul3A_562 : vector<16xf32>
      %mul3A_564 = vector.broadcast %mul3A_539 : f32 to vector<16xf32>
      %mul3A_565 = arith.mulf %mul3A_564, %get3A_230 : vector<16xf32>
      %add3A_566 = arith.addf %add3A_563, %mul3A_565 : vector<16xf32>
      %mul3A_567 = vector.broadcast %mul3A_542 : f32 to vector<16xf32>
      %mul3A_568 = arith.mulf %mul3A_567, %get3A_250 : vector<16xf32>
      %add3A_569 = arith.addf %add3A_566, %mul3A_568 : vector<16xf32>
      %mul3A_570 = vector.broadcast %mul3A_545 : f32 to vector<16xf32>
      %mul3A_571 = arith.mulf %mul3A_570, %get3A_270 : vector<16xf32>
      %add3A_572 = arith.addf %add3A_569, %mul3A_571 : vector<16xf32>
      %mul3A_573 = vector.broadcast %mul3A_548 : f32 to vector<16xf32>
      %mul3A_574 = arith.mulf %mul3A_573, %get3A_290 : vector<16xf32>
      %add3A_575 = arith.addf %add3A_572, %mul3A_574 : vector<16xf32>
      %mul3A_576 = vector.broadcast %mul3A_551 : f32 to vector<16xf32>
      %mul3A_577 = arith.mulf %mul3A_576, %get3A_310 : vector<16xf32>
      %add3A_578 = arith.addf %add3A_575, %mul3A_577 : vector<16xf32>
      %mul3A_579 = vector.broadcast %mul3A_554 : f32 to vector<16xf32>
      %mul3A_580 = arith.mulf %mul3A_579, %get3A_330 : vector<16xf32>
      %add3A_581 = arith.addf %add3A_578, %mul3A_580 : vector<16xf32>
      %max3A_582 = arith.constant 0.000000e+00 : f32
      %max3A_583 = vector.broadcast %max3A_582 : f32 to vector<16xf32>
      %max3A_584 = arith.maximumf %add3A_581, %max3A_583 : vector<16xf32>
      %swap3A_585 = arith.index_cast %add3A_531 : i32 to index
      %swap3A_586 = arith.constant 64 : index
      %swap3A_587 = tpu.vector_load %arg18[%swap3A_585, %swap3A_586] {strides = array<i32>} : memref<80x128xf32, #tpu.memory_space<vmem>>, vector<1x16xf32>,
      %swap3A_588 = vector.shape_cast %swap3A_587 : vector<1x16xf32> to vector<16xf32>
      %swap3A_589 = vector.shape_cast %max3A_584 : vector<16xf32> to vector<1x16xf32>
      tpu.vector_store %arg18[%swap3A_585, %swap3A_586], %swap3A_589 {strides = array<i32>} : memref<80x128xf32, #tpu.memory_space<vmem>>, vector<1x16xf32>,
      %get3A_590 = arith.index_cast %add3A_531 : i32 to index
      %get3A_591 = arith.constant 80 : index
      %get3A_592 = tpu.vector_load %arg14[%get3A_590, %get3A_591] {strides = array<i32>} : memref<80x128xf32, #tpu.memory_space<vmem>>, vector<1x16xf32>,
      %get3A_593 = vector.shape_cast %get3A_592 : vector<1x16xf32> to vector<16xf32>
      %mul3A_594 = vector.broadcast %squeeze3A_533 : f32 to vector<16xf32>
      %mul3A_595 = arith.mulf %mul3A_594, %get3A_593 : vector<16xf32>
      %mul3A_596 = vector.broadcast %mul3A_536 : f32 to vector<16xf32>
      %mul3A_597 = arith.mulf %mul3A_596, %get3A_215 : vector<16xf32>
      %add3A_598 = arith.addf %mul3A_595, %mul3A_597 : vector<16xf32>
      %mul3A_599 = vector.broadcast %mul3A_539 : f32 to vector<16xf32>
      %mul3A_600 = arith.mulf %mul3A_599, %get3A_235 : vector<16xf32>
      %add3A_601 = arith.addf %add3A_598, %mul3A_600 : vector<16xf32>
      %mul3A_602 = vector.broadcast %mul3A_542 : f32 to vector<16xf32>
      %mul3A_603 = arith.mulf %mul3A_602, %get3A_255 : vector<16xf32>
      %add3A_604 = arith.addf %add3A_601, %mul3A_603 : vector<16xf32>
      %mul3A_605 = vector.broadcast %mul3A_545 : f32 to vector<16xf32>
      %mul3A_606 = arith.mulf %mul3A_605, %get3A_275 : vector<16xf32>
      %add3A_607 = arith.addf %add3A_604, %mul3A_606 : vector<16xf32>
      %mul3A_608 = vector.broadcast %mul3A_548 : f32 to vector<16xf32>
      %mul3A_609 = arith.mulf %mul3A_608, %get3A_295 : vector<16xf32>
      %add3A_610 = arith.addf %add3A_607, %mul3A_609 : vector<16xf32>
      %mul3A_611 = vector.broadcast %mul3A_551 : f32 to vector<16xf32>
      %mul3A_612 = arith.mulf %mul3A_611, %get3A_315 : vector<16xf32>
      %add3A_613 = arith.addf %add3A_610, %mul3A_612 : vector<16xf32>
      %mul3A_614 = vector.broadcast %mul3A_554 : f32 to vector<16xf32>
      %mul3A_615 = arith.mulf %mul3A_614, %get3A_335 : vector<16xf32>
      %add3A_616 = arith.addf %add3A_613, %mul3A_615 : vector<16xf32>
      %max3A_617 = arith.constant 0.000000e+00 : f32
      %max3A_618 = vector.broadcast %max3A_617 : f32 to vector<16xf32>
      %max3A_619 = arith.maximumf %add3A_616, %max3A_618 : vector<16xf32>
      %swap3A_620 = arith.index_cast %add3A_531 : i32 to index
      %swap3A_621 = arith.constant 80 : index
      %swap3A_622 = tpu.vector_load %arg18[%swap3A_620, %swap3A_621] {strides = array<i32>} : memref<80x128xf32, #tpu.memory_space<vmem>>, vector<1x16xf32>,
      %swap3A_623 = vector.shape_cast %swap3A_622 : vector<1x16xf32> to vector<16xf32>
      %swap3A_624 = vector.shape_cast %max3A_619 : vector<16xf32> to vector<1x16xf32>
      tpu.vector_store %arg18[%swap3A_620, %swap3A_621], %swap3A_624 {strides = array<i32>} : memref<80x128xf32, #tpu.memory_space<vmem>>, vector<1x16xf32>,
      %get3A_625 = arith.index_cast %add3A_531 : i32 to index
      %get3A_626 = arith.constant 96 : index
      %get3A_627 = tpu.vector_load %arg14[%get3A_625, %get3A_626] {strides = array<i32>} : memref<80x128xf32, #tpu.memory_space<vmem>>, vector<1x16xf32>,
      %get3A_628 = vector.shape_cast %get3A_627 : vector<1x16xf32> to vector<16xf32>
      %mul3A_629 = vector.broadcast %squeeze3A_533 : f32 to vector<16xf32>
      %mul3A_630 = arith.mulf %mul3A_629, %get3A_628 : vector<16xf32>
      %mul3A_631 = vector.broadcast %mul3A_536 : f32 to vector<16xf32>
      %mul3A_632 = arith.mulf %mul3A_631, %get3A_220 : vector<16xf32>
      %add3A_633 = arith.addf %mul3A_630, %mul3A_632 : vector<16xf32>
      %mul3A_634 = vector.broadcast %mul3A_539 : f32 to vector<16xf32>
      %mul3A_635 = arith.mulf %mul3A_634, %get3A_240 : vector<16xf32>
      %add3A_636 = arith.addf %add3A_633, %mul3A_635 : vector<16xf32>
      %mul3A_637 = vector.broadcast %mul3A_542 : f32 to vector<16xf32>
      %mul3A_638 = arith.mulf %mul3A_637, %get3A_260 : vector<16xf32>
      %add3A_639 = arith.addf %add3A_636, %mul3A_638 : vector<16xf32>
      %mul3A_640 = vector.broadcast %mul3A_545 : f32 to vector<16xf32>
      %mul3A_641 = arith.mulf %mul3A_640, %get3A_280 : vector<16xf32>
      %add3A_642 = arith.addf %add3A_639, %mul3A_641 : vector<16xf32>
      %mul3A_643 = vector.broadcast %mul3A_548 : f32 to vector<16xf32>
      %mul3A_644 = arith.mulf %mul3A_643, %get3A_300 : vector<16xf32>
      %add3A_645 = arith.addf %add3A_642, %mul3A_644 : vector<16xf32>
      %mul3A_646 = vector.broadcast %mul3A_551 : f32 to vector<16xf32>
      %mul3A_647 = arith.mulf %mul3A_646, %get3A_320 : vector<16xf32>
      %add3A_648 = arith.addf %add3A_645, %mul3A_647 : vector<16xf32>
      %mul3A_649 = vector.broadcast %mul3A_554 : f32 to vector<16xf32>
      %mul3A_650 = arith.mulf %mul3A_649, %get3A_340 : vector<16xf32>
      %add3A_651 = arith.addf %add3A_648, %mul3A_650 : vector<16xf32>
      %max3A_652 = arith.constant 0.000000e+00 : f32
      %max3A_653 = vector.broadcast %max3A_652 : f32 to vector<16xf32>
      %max3A_654 = arith.maximumf %add3A_651, %max3A_653 : vector<16xf32>
      %swap3A_655 = arith.index_cast %add3A_531 : i32 to index
      %swap3A_656 = arith.constant 96 : index
      %swap3A_657 = tpu.vector_load %arg18[%swap3A_655, %swap3A_656] {strides = array<i32>} : memref<80x128xf32, #tpu.memory_space<vmem>>, vector<1x16xf32>,
      %swap3A_658 = vector.shape_cast %swap3A_657 : vector<1x16xf32> to vector<16xf32>
      %swap3A_659 = vector.shape_cast %max3A_654 : vector<16xf32> to vector<1x16xf32>
      tpu.vector_store %arg18[%swap3A_655, %swap3A_656], %swap3A_659 {strides = array<i32>} : memref<80x128xf32, #tpu.memory_space<vmem>>, vector<1x16xf32>,
      %get3A_660 = arith.index_cast %add3A_531 : i32 to index
      %get3A_661 = arith.constant 112 : index
      %get3A_662 = tpu.vector_load %arg14[%get3A_660, %get3A_661] {strides = array<i32>} : memref<80x128xf32, #tpu.memory_space<vmem>>, vector<1x16xf32>,
      %get3A_663 = vector.shape_cast %get3A_662 : vector<1x16xf32> to vector<16xf32>
      %mul3A_664 = vector.broadcast %squeeze3A_533 : f32 to vector<16xf32>
      %mul3A_665 = arith.mulf %mul3A_664, %get3A_663 : vector<16xf32>
      %mul3A_666 = vector.broadcast %mul3A_536 : f32 to vector<16xf32>
      %mul3A_667 = arith.mulf %mul3A_666, %get3A_225 : vector<16xf32>
      %add3A_668 = arith.addf %mul3A_665, %mul3A_667 : vector<16xf32>
      %mul3A_669 = vector.broadcast %mul3A_539 : f32 to vector<16xf32>
      %mul3A_670 = arith.mulf %mul3A_669, %get3A_245 : vector<16xf32>
      %add3A_671 = arith.addf %add3A_668, %mul3A_670 : vector<16xf32>
      %mul3A_672 = vector.broadcast %mul3A_542 : f32 to vector<16xf32>
      %mul3A_673 = arith.mulf %mul3A_672, %get3A_265 : vector<16xf32>
      %add3A_674 = arith.addf %add3A_671, %mul3A_673 : vector<16xf32>
      %mul3A_675 = vector.broadcast %mul3A_545 : f32 to vector<16xf32>
      %mul3A_676 = arith.mulf %mul3A_675, %get3A_285 : vector<16xf32>
      %add3A_677 = arith.addf %add3A_674, %mul3A_676 : vector<16xf32>
      %mul3A_678 = vector.broadcast %mul3A_548 : f32 to vector<16xf32>
      %mul3A_679 = arith.mulf %mul3A_678, %get3A_305 : vector<16xf32>
      %add3A_680 = arith.addf %add3A_677, %mul3A_679 : vector<16xf32>
      %mul3A_681 = vector.broadcast %mul3A_551 : f32 to vector<16xf32>
      %mul3A_682 = arith.mulf %mul3A_681, %get3A_325 : vector<16xf32>
      %add3A_683 = arith.addf %add3A_680, %mul3A_682 : vector<16xf32>
      %mul3A_684 = vector.broadcast %mul3A_554 : f32 to vector<16xf32>
      %mul3A_685 = arith.mulf %mul3A_684, %get3A_345 : vector<16xf32>
      %add3A_686 = arith.addf %add3A_683, %mul3A_685 : vector<16xf32>
      %max3A_687 = arith.constant 0.000000e+00 : f32
      %max3A_688 = vector.broadcast %max3A_687 : f32 to vector<16xf32>
      %max3A_689 = arith.maximumf %add3A_686, %max3A_688 : vector<16xf32>
      %swap3A_690 = arith.index_cast %add3A_531 : i32 to index
      %swap3A_691 = arith.constant 112 : index
      %swap3A_692 = tpu.vector_load %arg18[%swap3A_690, %swap3A_691] {strides = array<i32>} : memref<80x128xf32, #tpu.memory_space<vmem>>, vector<1x16xf32>,
      %swap3A_693 = vector.shape_cast %swap3A_692 : vector<1x16xf32> to vector<16xf32>
      %swap3A_694 = vector.shape_cast %max3A_689 : vector<16xf32> to vector<1x16xf32>
      tpu.vector_store %arg18[%swap3A_690, %swap3A_691], %swap3A_694 {strides = array<i32>} : memref<80x128xf32, #tpu.memory_space<vmem>>, vector<1x16xf32>,
    }
    %scan3A_351 = arith.constant 40 : i32
    "tpu.region"() ({
      %run_scoped3A = tpu.sem_alloc : memref<!tpu.dma_semaphore, #tpu.memory_space<semaphore_mem>>
      %dma_start3A_359 = arith.constant 0 : i32
      %dma_start3A_360 = arith.constant 0 : i32
      %dma_start3A_361 = tpu.memref_slice %arg9[%dma_start3A_359, %dma_start3A_360] : memref<10000x128xf32, #tpu.memory_space<vmem_shared>> -> memref<10000x128xf32, #tpu.memory_space<vmem_shared>>
      tpu.enqueue_indirect_dma source(%arg18 : memref<80x128xf32, #tpu.memory_space<vmem>>) target(%dma_start3A_361 : memref<10000x128xf32, #tpu.memory_space<vmem_shared>>) offsets(%arg12 : memref<80xi32, #tpu.memory_space<vmem>>) semaphore(%run_scoped3A : memref<!tpu.dma_semaphore, #tpu.memory_space<semaphore_mem>>) {add = true}
      %dma_wait3A_362 = arith.constant 0 : i32
      %dma_wait3A_363 = arith.constant 0 : i32
      %dma_wait3A_364 = tpu.memref_slice %arg9[%dma_wait3A_362, %dma_wait3A_363] : memref<10000x128xf32, #tpu.memory_space<vmem_shared>> -> memref<10000x128xf32, #tpu.memory_space<vmem_shared>>
      tpu.wait_indirect_dma semaphore(%run_scoped3A : memref<!tpu.dma_semaphore, #tpu.memory_space<semaphore_mem>>) src(%arg18 : memref<80x128xf32, #tpu.memory_space<vmem>>) dst(%dma_wait3A_364 : memref<10000x128xf32, #tpu.memory_space<vmem_shared>>)
      tpu.yield
    }) : () -> ()
    %barrier3A_352 = arith.constant 0 : index
    tpu.barrier barrier_id(%barrier3A_352)
    %add3A_353 = arith.addi %mul3A_0, %mul3A_4 : i32
    "tpu.region"() ({
      %run_scoped3A = tpu.sem_alloc : memref<!tpu.dma_semaphore, #tpu.memory_space<semaphore_mem>>
      %dma_start3A_359 = arith.constant 0 : i32
      %dma_start3A_360 = tpu.memref_slice %arg8[%add3A_353, %dma_start3A_359] : memref<20000x128xf32, #tpu.memory_space<hbm>> -> memref<624x128xf32, #tpu.memory_space<hbm>>
      %dma_start3A_361 = arith.constant 0 : i32
      %dma_start3A_362 = tpu.memref_slice %arg9[%mul3A_4, %dma_start3A_361] : memref<10000x128xf32, #tpu.memory_space<vmem_shared>> -> memref<624x128xf32, #tpu.memory_space<vmem_shared>>
      tpu.enqueue_dma source(%dma_start3A_362 : memref<624x128xf32, #tpu.memory_space<vmem_shared>>) target(%dma_start3A_360 : memref<624x128xf32, #tpu.memory_space<hbm>>) target_semaphore(%run_scoped3A : memref<!tpu.dma_semaphore, #tpu.memory_space<semaphore_mem>>)
      %dma_wait3A_363 = arith.constant 0 : i32
      %dma_wait3A_364 = tpu.memref_slice %arg8[%add3A_353, %dma_wait3A_363] : memref<20000x128xf32, #tpu.memory_space<hbm>> -> memref<624x128xf32, #tpu.memory_space<hbm>>
      %dma_wait3A_365 = arith.constant 0 : i32
      %dma_wait3A_366 = tpu.memref_slice %arg9[%mul3A_4, %dma_wait3A_365] : memref<10000x128xf32, #tpu.memory_space<vmem_shared>> -> memref<624x128xf32, #tpu.memory_space<vmem_shared>>
      tpu.wait_dma2 semaphore(%run_scoped3A : memref<!tpu.dma_semaphore, #tpu.memory_space<semaphore_mem>>) src(%dma_wait3A_366 : memref<624x128xf32, #tpu.memory_space<vmem_shared>>) dst(%dma_wait3A_364 : memref<624x128xf32, #tpu.memory_space<hbm>>)
      tpu.yield
    }) : () -> ()
    %eq3A_354 = arith.constant 0 : i32
    %eq3A_355 = arith.cmpi eq, %arg1, %eq3A_354 : i32
    %convert_element_type3A_356 = arith.extui %eq3A_355 : i1 to i32
    %cond3A_357 = arith.constant 0 : i32
    %cond3A_358 = arith.cmpi ne, %convert_element_type3A_356, %cond3A_357 : i32
    scf.if %cond3A_358 {
      %add3A_359 = arith.constant 9984 : i32
      %add3A_360 = arith.addi %mul3A_0, %add3A_359 : i32
      "tpu.region"() ({
        %run_scoped3A = tpu.sem_alloc : memref<!tpu.dma_semaphore, #tpu.memory_space<semaphore_mem>>
        %dma_start3A_361 = arith.constant 0 : i32
        %dma_start3A_362 = tpu.memref_slice %arg8[%add3A_360, %dma_start3A_361] : memref<20000x128xf32, #tpu.memory_space<hbm>> -> memref<16x128xf32, #tpu.memory_space<hbm>>
        %dma_start3A_363 = arith.constant 9984 : i32
        %dma_start3A_364 = arith.constant 0 : i32
        %dma_start3A_365 = tpu.memref_slice %arg9[%dma_start3A_363, %dma_start3A_364] : memref<10000x128xf32, #tpu.memory_space<vmem_shared>> -> memref<16x128xf32, #tpu.memory_space<vmem_shared>>
        tpu.enqueue_dma source(%dma_start3A_365 : memref<16x128xf32, #tpu.memory_space<vmem_shared>>) target(%dma_start3A_362 : memref<16x128xf32, #tpu.memory_space<hbm>>) target_semaphore(%run_scoped3A : memref<!tpu.dma_semaphore, #tpu.memory_space<semaphore_mem>>)
        %dma_wait3A_366 = arith.constant 0 : i32
        %dma_wait3A_367 = tpu.memref_slice %arg8[%add3A_360, %dma_wait3A_366] : memref<20000x128xf32, #tpu.memory_space<hbm>> -> memref<16x128xf32, #tpu.memory_space<hbm>>
        %dma_wait3A_368 = arith.constant 9984 : i32
        %dma_wait3A_369 = arith.constant 0 : i32
        %dma_wait3A_370 = tpu.memref_slice %arg9[%dma_wait3A_368, %dma_wait3A_369] : memref<10000x128xf32, #tpu.memory_space<vmem_shared>> -> memref<16x128xf32, #tpu.memory_space<vmem_shared>>
        tpu.wait_dma2 semaphore(%run_scoped3A : memref<!tpu.dma_semaphore, #tpu.memory_space<semaphore_mem>>) src(%dma_wait3A_370 : memref<16x128xf32, #tpu.memory_space<vmem_shared>>) dst(%dma_wait3A_367 : memref<16x128xf32, #tpu.memory_space<hbm>>)
        tpu.yield
      }) : () -> ()
    } else {
    }
    return
  }
}

module attributes {stable_mosaic.version = 14 : i64} {
  func.func @_tc_node_body(%arg0: i32, %arg1: i32, %arg2: memref<2000x256xf32, #tpu.memory_space<vmem>>, %arg3: memref<256x128xf32, #tpu.memory_space<vmem>>, %arg4: memref<1x128xf32, #tpu.memory_space<vmem>>, %arg5: memref<1x128xf32, #tpu.memory_space<vmem>>, %arg6: memref<1x128xf32, #tpu.memory_space<vmem>>, %arg7: memref<2000x1xf32, #tpu.memory_space<vmem>>, %arg8: memref<2000x128xf32, #tpu.memory_space<vmem>>, %arg9: memref<2000x128xf32, #tpu.memory_space<vmem>>) attributes {dimension_semantics = [#tpu.dimension_semantics<arbitrary>, #tpu.dimension_semantics<arbitrary>], iteration_bounds = array<i64: 2, 5>, scalar_prefetch = 0 : i64, scratch_operands = 0 : i64, tpu.core_type = #tpu.core_type<tc>, window_params = [{transform_indices = @transform_0, window_bounds = array<i64: 2000, 256>}, {transform_indices = @transform_1, window_bounds = array<i64: 256, 128>}, {transform_indices = @transform_2, window_bounds = array<i64: 1, 128>}, {transform_indices = @transform_3, window_bounds = array<i64: 1, 128>}, {transform_indices = @transform_4, window_bounds = array<i64: 1, 128>}, {transform_indices = @transform_5, window_bounds = array<i64: 2000, 1>}, {transform_indices = @transform_6, window_bounds = array<i64: 2000, 128>}, {transform_indices = @transform_7, window_bounds = array<i64: 2000, 128>}]} {
    %get3A = arith.constant 0 : index
    %get3A_0 = arith.constant 0 : index
    %get3A_1 = vector.load %arg2[%get3A, %get3A_0] : memref<2000x256xf32, #tpu.memory_space<vmem>>, vector<2000x256xf32>
    %get3A_2 = arith.constant 0 : index
    %get3A_3 = arith.constant 0 : index
    %get3A_4 = vector.load %arg3[%get3A_2, %get3A_3] : memref<256x128xf32, #tpu.memory_space<vmem>>, vector<256x128xf32>
    %dot_general3A = arith.constant dense<0.000000e+00> : vector<2000x128xf32>
    %dot_general3A_5 = tpu.matmul %get3A_1, %get3A_4, %dot_general3A {dimension_numbers = #tpu.dot_dimension_numbers<[1], [0], [0], [1], [0, 0, 1, 1], [], []>, transpose_lhs_hint = false} : vector<2000x256xf32>, vector<256x128xf32>, vector<2000x128xf32> -> vector<2000x128xf32>
    %get3A_6 = arith.constant 0 : index
    %get3A_7 = arith.constant 0 : index
    %get3A_8 = vector.load %arg4[%get3A_6, %get3A_7] : memref<1x128xf32, #tpu.memory_space<vmem>>, vector<1x128xf32>
    %add3A = vector.broadcast %get3A_8 : vector<1x128xf32> to vector<2000x128xf32>
    %add3A_9 = arith.addf %dot_general3A_5, %add3A : vector<2000x128xf32>
    %get3A_10 = arith.constant 0 : index
    %get3A_11 = arith.constant 0 : index
    %get3A_12 = vector.load %arg5[%get3A_10, %get3A_11] : memref<1x128xf32, #tpu.memory_space<vmem>>, vector<1x128xf32>
    %add3A_13 = vector.broadcast %get3A_12 : vector<1x128xf32> to vector<2000x128xf32>
    %add3A_14 = arith.addf %add3A_9, %add3A_13 : vector<2000x128xf32>
    %swap3A = arith.constant 0 : index
    %swap3A_15 = arith.constant 0 : index
    %swap3A_16 = vector.load %arg8[%swap3A, %swap3A_15] : memref<2000x128xf32, #tpu.memory_space<vmem>>, vector<2000x128xf32>
    tpu.vector_store %arg8[%swap3A, %swap3A_15], %add3A_14 {strides = array<i32>} : memref<2000x128xf32, #tpu.memory_space<vmem>>, vector<2000x128xf32>,
    %get3A_17 = arith.constant 0 : index
    %get3A_18 = arith.constant 0 : index
    %get3A_19 = vector.load %arg6[%get3A_17, %get3A_18] : memref<1x128xf32, #tpu.memory_space<vmem>>, vector<1x128xf32>
    %add3A_20 = vector.broadcast %get3A_19 : vector<1x128xf32> to vector<2000x128xf32>
    %add3A_21 = arith.addf %add3A_9, %add3A_20 : vector<2000x128xf32>
    %max3A = arith.constant 0.000000e+00 : f32
    %max3A_22 = vector.broadcast %max3A : f32 to vector<2000x128xf32>
    %max3A_23 = arith.maximumf %add3A_21, %max3A_22 : vector<2000x128xf32>
    %get3A_24 = arith.constant 0 : index
    %get3A_25 = arith.constant 0 : index
    %get3A_26 = vector.load %arg7[%get3A_24, %get3A_25] : memref<2000x1xf32, #tpu.memory_space<vmem>>, vector<2000x1xf32>
    %div3A = vector.broadcast %get3A_26 : vector<2000x1xf32> to vector<2000x128xf32>
    %div3A_27 = arith.divf %max3A_23, %div3A : vector<2000x128xf32>
    %swap3A_28 = arith.constant 0 : index
    %swap3A_29 = arith.constant 0 : index
    %swap3A_30 = vector.load %arg9[%swap3A_28, %swap3A_29] : memref<2000x128xf32, #tpu.memory_space<vmem>>, vector<2000x128xf32>
    tpu.vector_store %arg9[%swap3A_28, %swap3A_29], %div3A_27 {strides = array<i32>} : memref<2000x128xf32, #tpu.memory_space<vmem>>, vector<2000x128xf32>,
    return
  }
  func.func @transform_0(%arg0: i32, %arg1: i32) -> (i32, i32) {
    %c0_i32 = arith.constant 0 : i32
    %c0_i32_0 = arith.constant 0 : i32
    return %arg1, %c0_i32 : i32, i32
  }
  func.func @transform_1(%arg0: i32, %arg1: i32) -> (i32, i32) {
    %c0_i32 = arith.constant 0 : i32
    %c0_i32_0 = arith.constant 0 : i32
    return %c0_i32, %arg0 : i32, i32
  }
  func.func @transform_2(%arg0: i32, %arg1: i32) -> (i32, i32) {
    %c0_i32 = arith.constant 0 : i32
    %c0_i32_0 = arith.constant 0 : i32
    return %c0_i32, %arg0 : i32, i32
  }
  func.func @transform_3(%arg0: i32, %arg1: i32) -> (i32, i32) {
    %c0_i32 = arith.constant 0 : i32
    %c0_i32_0 = arith.constant 0 : i32
    return %c0_i32, %arg0 : i32, i32
  }
  func.func @transform_4(%arg0: i32, %arg1: i32) -> (i32, i32) {
    %c0_i32 = arith.constant 0 : i32
    %c0_i32_0 = arith.constant 0 : i32
    return %c0_i32, %arg0 : i32, i32
  }
  func.func @transform_5(%arg0: i32, %arg1: i32) -> (i32, i32) {
    %c0_i32 = arith.constant 0 : i32
    %c0_i32_0 = arith.constant 0 : i32
    return %arg1, %c0_i32 : i32, i32
  }
  func.func @transform_6(%arg0: i32, %arg1: i32) -> (i32, i32) {
    %mul3A = arith.constant 5 : i32
    %mul3A_0 = arith.muli %arg0, %mul3A : i32
    %add3A = arith.addi %mul3A_0, %arg1 : i32
    %c0_i32 = arith.constant 0 : i32
    %c0_i32_1 = arith.constant 0 : i32
    return %add3A, %c0_i32 : i32, i32
  }
  func.func @transform_7(%arg0: i32, %arg1: i32) -> (i32, i32) {
    %mul3A = arith.constant 5 : i32
    %mul3A_0 = arith.muli %arg0, %mul3A : i32
    %add3A = arith.addi %mul3A_0, %arg1 : i32
    %c0_i32 = arith.constant 0 : i32
    %c0_i32_1 = arith.constant 0 : i32
    return %add3A, %c0_i32 : i32, i32
  }
}

</mosaic_0001>

<sc_bundles>
// kernel: kernel.4.cloned.1.call-start
scs
__scs_entry_jumppad:
0x0: {  	(pc) =	sbr.rel $0x88, $3  }
0x1: {  	(tag) =	ssettag $0x0;
	lr =	simm.s32 $0x1  }
0x2: {  	[smem:$0x3F97] =	sst lr;
	_ =	strace $0xD0000000  }
0x3: {  	_ = 	snop  }
0x4: {  	_ = 	snop  }
0x5: {  	_ = 	snop  }
0x6: {  	_ = 	snop  }
0x7: {  	_ = 	snop  }
__scs_overlays_trampoline_lowered:
0x8: {  	[smem:$0x3FA6] =	sst s0  }
0x9: {  	[smem:$0x3FA7] =	sst s1  }
0xa: {  	[smem:$0x3FA8] =	sst s2  }
0xb: {  	[smem:$0x3FA9] =	sst s3  }
0xc: {  	[smem:$0x3FAA] =	sst s4  }
0xd: {  	[smem:$0x3FAB] =	sst s5  }
0xe: {  	[smem:$0x3FAC] =	sst s6  }
0xf: {  	[smem:$0x3FAD] =	sst s7  }
0x10: {  	[smem:$0x3FAE] =	sst s8  }
0x11: {  	[smem:$0x3FAF] =	sst s9;
	s0 =	simm.s32 @!p0 $0x0  }
0x12: {  	s1 =	sld [smem:$0x3F95];
	s0 =	simm.s32 @p0 $0x1  }
0x13: {  	[smem:$0x3FB0] =	sst s0;
	s0 =	simm.s32 @!p1 $0x0  }
0x14: {  	s2 =	sld [smem:$0x3F94];
	s0 =	simm.s32 @p1 $0x1  }
0x15: {  	[smem:$0x3FB1] =	sst s0;
	s0 =	simm.s32 @!p2 $0x0  }
0x16: {  	s3 =	sld [smem:$0x3FDB];
	s0 =	simm.s32 @p2 $0x1  }
0x17: {  	s4 =	simm.s32 $0x1BF5;
	[smem:$0x3FB3] =	sst s0  }
0x18: {  	s0 =	sld [smem:$0x3F96];
	_ =	swait.ge [sflag:s4], $0x0  }
0x19: {  	s7 =	sld [smem:$0x3F97]  }
0x1a: {  	s8 =	sadd.s32 $0xFFFFE003, lr  }
0x1b: {  	s9 =	sadd.s32 $0xFFFFFEF7, lr;
	s5 =	simm.s32 $0xFFFFFFFF;
	p2 =	slt.u32 s8, $0xFFFFF086  }
0x1c: {  	p1 =	slt.u32 s9, $0xF7A;
	s5 =	simm.s32 @!p2 $0x0  }
0x1d: {  	s5 =	simm.s32 @p1 $0x1;
	p0 =	seq.s32 s7, s2  }
0x1e: {  	s7 =	smul.u32 @!p0 $0xF7A, s2;
	p2 =	seq.s32 @!p0 s5, $0x0  }
0x1f: {  	s9 =	smul.u32 $0xF7A, s1;
	s8 =	simm.s32 @!p0 $0x1BF5;
	p2 =	por !p2, p0  }
0x20: {  	[sflag:s8] =	ssyncset.s32 @!p0 $0xFFFFF086;
	s6 =	sadd.s32 @!p0 s3, s7;
	s7 =	simm.s32 @!p0 $0x108  }
0x21: {  	s3 =	sadd.s32 s3, s9;
	s6 =	sadd.s32 @!p0 $0x88, s6;
	s7 =	simm.s32 @p2 $0x1082  }
0x22: {  	[simem:s7], [sflag:s8] =	dma.local @!p0 [hbm:s6], $0xF7A  }
0x23: {  	s9 =	sor.u32 $0xD0000000, s2;
	s6 =	simm.s32 $0x108;
	_ =	swait.ge @!p0 [sflag:s8], $0x0  }
0x24: {  	s3 =	sadd.s32 $0x88, s3;
	s6 =	simm.s32 @!p1 $0x1082;
	[sflag:s4] =	ssyncset.s32 $0xFFFFF086  }
0x25: {  	[simem:s6], [sflag:s4] =	dma.local [hbm:s3], $0xF7A  }
0x26: {  	[smem:$0x3F97] =	sst s1;
	(tag) =	ssettag s2;
	_ =	strace s9  }
0x27: {  	s1 =	sld [smem:$0x3FA7]  }
0x28: {  	s2 =	sld [smem:$0x3FA8]  }
0x29: {  	s4 =	sld [smem:$0x3FAA]  }
0x2a: {  	p0 =	seq.s32 s5, $0x0;
	s5 =	sld [smem:$0x3FAB]  }
0x2b: {  	s6 =	sld [smem:$0x3FAC]  }
0x2c: {  	s7 =	sld [smem:$0x3FAD]  }
0x2d: {  	s3 =	simm.s32 $0x108;
	s8 =	sld [smem:$0x3FAE]  }
0x2e: {  	s3 =	simm.s32 @!p0 $0x1082;
	s9 =	sld [smem:$0x3FAF]  }
0x2f: {  	lr =	sadd.s32 s0, s3;
	s0 =	sld [smem:$0x3FA6]  }
0x30: {  	s3 =	sld [smem:$0x3FA9]  }
0x31: {  	[smem:$0x3FB2] =	sst s10  }
0x32: {  	s10 =	sld [smem:$0x3FB0];
	_ =	sdelay $0x3  }
0x33: {  	p0 =	seq.s32 s10, $0x1;
	s10 =	sld [smem:$0x3FB2];
	_ =	sdelay $0x3  }
0x34: {  	[smem:$0x3FB2] =	sst s10  }
0x35: {  	s10 =	sld [smem:$0x3FB1];
	_ =	sdelay $0x3  }
0x36: {  	p1 =	seq.s32 s10, $0x1;
	s10 =	sld [smem:$0x3FB2];
	_ =	sdelay $0x3  }
0x37: {  	[smem:$0x3FB2] =	sst s10  }
0x38: {  	s10 =	sld [smem:$0x3FB3]  }
0x39: {  	_ = 	snop;
	(pc) =	sbr.ind lr, $3  }
0x3a: {  	_ = 	snop  }
0x3b: {  	_ = 	snop  }
0x3c: {  	p2 =	seq.s32 s10, $0x1;
	s10 =	sld [smem:$0x3FB2]  }
0x3d: {  	_ =	shalt  }
0x3e: {  	_ =	shalt  }
0x3f: {  	_ =	shalt  }
0x40: {  	_ =	shalt  }
0x41: {  	_ =	shalt  }
0x42: {  	_ =	shalt  }
0x43: {  	_ =	shalt  }
0x44: {  	_ =	shalt  }
0x45: {  	_ =	shalt  }
0x46: {  	_ =	shalt  }
0x47: {  	_ =	shalt  }
0x48: {  	_ =	shalt  }
0x49: {  	_ =	shalt  }
0x4a: {  	_ =	shalt  }
0x4b: {  	_ =	shalt  }
0x4c: {  	_ =	shalt  }
0x4d: {  	_ =	shalt  }
0x4e: {  	_ =	shalt  }
0x4f: {  	_ =	shalt  }
0x50: {  	_ =	shalt  }
0x51: {  	_ =	shalt  }
0x52: {  	_ =	shalt  }
0x53: {  	_ =	shalt  }
0x54: {  	_ =	shalt  }
0x55: {  	_ =	shalt  }
0x56: {  	_ =	shalt  }
0x57: {  	_ =	shalt  }
0x58: {  	_ =	shalt  }
0x59: {  	_ =	shalt  }
0x5a: {  	_ =	shalt  }
0x5b: {  	_ =	shalt  }
0x5c: {  	_ =	shalt  }
0x5d: {  	_ =	shalt  }
0x5e: {  	_ =	shalt  }
0x5f: {  	_ =	shalt  }
0x60: {  	_ =	shalt  }
0x61: {  	_ =	shalt  }
0x62: {  	_ =	shalt  }
0x63: {  	_ =	shalt  }
0x64: {  	_ =	shalt  }
0x65: {  	_ =	shalt  }
0x66: {  	_ =	shalt  }
0x67: {  	_ =	shalt  }
0x68: {  	_ =	shalt  }
0x69: {  	_ =	shalt  }
0x6a: {  	_ =	shalt  }
0x6b: {  	_ =	shalt  }
0x6c: {  	_ =	shalt  }
0x6d: {  	_ =	shalt  }
0x6e: {  	_ =	shalt  }
0x6f: {  	_ =	shalt  }
0x70: {  	_ =	shalt  }
0x71: {  	_ =	shalt  }
0x72: {  	_ =	shalt  }
0x73: {  	_ =	shalt  }
0x74: {  	_ =	shalt  }
0x75: {  	_ =	shalt  }
0x76: {  	_ =	shalt  }
0x77: {  	_ =	shalt  }
0x78: {  	_ =	shalt  }
0x79: {  	_ =	shalt  }
0x7a: {  	_ =	shalt  }
0x7b: {  	_ =	shalt  }
0x7c: {  	_ =	shalt  }
0x7d: {  	_ =	shalt  }
0x7e: {  	_ =	shalt  }
0x7f: {  	_ =	shalt  }
0x80: {  	_ =	shalt  }
0x81: {  	_ =	shalt  }
0x82: {  	_ =	shalt  }
0x83: {  	_ =	shalt  }
0x84: {  	_ =	shalt  }
0x85: {  	_ =	shalt  }
0x86: {  	_ =	shalt  }
0x87: {  	_ =	shalt  }
.Lfunc_end0:
.L_simem_size_0:
called_computation_lowered:
.L_overlay_start_0:
0x88: {  	s2 =	sld [smem:$0x3FD9]  }
0x89: {  	s3 =	sld [smem:$0x3FFE];
	_ =	sdelay $0x1  }
0x8a: {  	s1 =	srdreg.scid  }
0x8b: {  	s0 =	sand.u32 $0x1, s1  }
0x8c: {  	s17 =	sshll.u32 s0, $0xA;
	s2 =	sadd.s32 s3, s2  }
0x8d: {  	s2 =	sadd.s32 s2, s17  }
0x8e: {  	[smem:$0x3FBE] =	sst s2  }
0x8f: {  	_ = 	snop  }
0x90: {  	s2 =	sld [smem:$0x3FD0];
	(tm) =	ssettm $0x1  }
0x91: {  	s18 =	sld [smem:$0x3FFB];
	_ =	sdelay $0x3  }
0x92: {  	_ =	strace s18  }
0x93: {  	s3 =	sld [smem:$0x3FFC];
	_ =	sdelay $0x3  }
0x94: {  	_ =	strace s3  }
0x95: {  	s3 =	sld [smem:$0x3FFD];
	_ =	sdelay $0x3  }
0x96: {  	_ =	strace s3  }
0x97: {  	_ =	strace $0x8FFFFFFF  }
0x98: {  	s19 =	sld [smem:$0x3FDB];
	_ =	sdelay $0x1  }
0x99: {  	s4 =	simm.s32 $_scs_section_size  }
0x9a: {  	s5 =	simm.s32 $_size__tile_overlayer_lowered;
	s6 =	simm.s32 $_tile_overlayer_lowered  }
0x9b: {  	s22 =	simm.s32 $0x1BFF;
	s21 =	sshll.u32 s6, $0x1;
	s3 =	sadd.s32 s4, s19  }
0x9c: {  	s7 =	simm.s32 $0x0;
	s20 =	sshll.u32 s5, $0x1;
	s5 =	sadd.s32 s21, s3  }
0x9d: {  	[timem:s7], [sflag:s22] =	dma.local [hbm:s5], s20  }
0x9e: {  	_ =	swait.ge [sflag:s22], s20  }
0x9f: {  	s4 =	ssub.s32 $0x0, s20;
	[sflag:s22] =	ssyncset.done $0x0  }
0xa0: {  	[sflag:s22] =	ssyncadd.s32 s4;
	_ =	sdelay $0x1  }
0xa1: {  	s23 =	simm.s32 $0x1B8B  }
0xa2: {  	_ =	swait.ge [sflag:s23], $0x1  }
0xa3: {  	[sflag:s23] =	ssyncset.done $0x0  }
0xa4: {  	s25 =	simm.s32 $0x1B8E;
	s24 =	sld [smem:$0x3FFE];
	[sflag:s23] =	ssyncadd.s32 $0xFFFFFFFF  }
0xa5: {  	s26 =	simm.s32 $execute0_lowered;
	[smem:$0x3FD2] =	sst s25  }
0xa6: {  	s5 =	sshll.u32 s26, $0x1;
	_ =	strace $0x80000046;
	[dreg:$0x1] =	wrdreg $0xFFFFFFFF  }
0xa7: {  	s28 =	simm.s32 $_size_execute0_lowered;
	s3 =	sadd.s32 s3, s5;
	[dreg:$0x0] =	wrdreg $0x0  }
0xa8: {  	s5 =	sshll.u32 s28, $0x1;
	[dreg:$0x2] =	wrdreg s3  }
0xa9: {  	[dreg:$0x3] =	wrdreg s5  }
0xaa: {  	[dreg:$0x4] =	wrdreg $0xC0  }
0xab: {  	_ =	task [dreg:s7], $0x5FFFF  }
0xac: {  	[dreg:$0x1] =	wrdreg $0xFFFFFFFF  }
0xad: {  	[dreg:$0x0] =	wrdreg $0x60  }
0xae: {  	[dreg:$0x2] =	wrdreg s24  }
0xaf: {  	[dreg:$0x3] =	wrdreg s2  }
0xb0: {  	[dreg:$0x4] =	wrdreg $0x0  }
0xb1: {  	[dreg:$0x5] =	wrdreg $0x9  }
0xb2: {  	_ =	task.clear_ibuf [dreg:s7], $0x6FFFF;
	_ =	strace $0x90000046  }
0xb3: {  	s29 =	simm.s32 $0x9;
	_ =	strace $0x80000048  }
0xb4: {  	_ =	swait.ge [sflag:s29], $0x1  }
0xb5: {  	[sflag:s29] =	ssyncadd.s32 $0xFFFFFFFF  }
0xb6: {  	_ =	strace $0x90000048  }
0xb7: {  	_ =	sfence  }
0xb8: {  	s30 =	sld [smem:$0x0];
	_ =	sdelay $0x2  }
0xb9: {  	s31 =	sshll.u32 s1, $0xD;
	s1 =	sshrl.u32 s1, $0x2  }
0xba: {  	s3 =	sand.u32 $0x4000, s31;
	s1 =	sadd.s32 s1, s30  }
0xbb: {  	s0 =	sor.u32 s3, s0;
	s1 =	sshll.u32 s1, $0x11  }
0xbc: {  	s0 =	sor.u32 s1, s0  }
0xbd: {  	s0 =	sadd.s32 $0x8F2B, s0  }
0xbe: {  	[sflag:s0] =	ssyncadd.remote.s32 $0x1  }
0xbf: {  	_ =	sfence.sel $0xFFFF  }
0xc0: {  	[dreg:$0x0] =	wrdreg $0xFFFFFFFF;
	(pc) =	sbr.abs _section_cstart, $3  }
0xc1: {  	[dreg:$0x1] =	wrdreg $0xFFFFFFFF  }
0xc2: {  	_ =	task.clear_ibuf [dreg:s7], $0x2FFFF;
	_ =	strace $0x9FFFFFFF  }
0xc3: {  	(tm) =	ssettm $0x7FFFFFFF  }
tec
execute0_lowered:
.L_overlay_start_1:
0x0: {  	(tag) =	ssettag $0x1  }
0x1: {  	s0 =	rddreg [dreg:$0x0]  }
0x2: {  	s3 =	rddreg [dreg:$0x1]  }
0x3: {  	s21 =	rddreg [dreg:$0x2]  }
0x4: {  	s2 =	simm.s32 $0x0;
	s4 =	srdreg.scid;
	s1 =	stileid.u32  }
0x5: {  	s30 =	simm.s32 $0x6;
	s31 =	simm.s32 $0x13880;
	[smem:$0x7FF] =	sst s2  }
0x6: {  	s9 =	sand.u32 $0x1, s4;
	s5 =	sadd.s32 $0x10200, s0;
	s11 =	smul.u32 $0x4E000, s1  }
0x7: {  	s7 =	sadd.s32 $0x6200, s0;
	s8 =	sadd.s32 $0x1200, s0;
	s14 =	smul.u32 $0x270, s1  }
0x8: {  	p0 =	sne.s32 s1, $0x0;
	_ =	strace $0x80000047;
	s4 =	smul.u32 $0x27100, s9  }
0x9: {  	s6 =	sshll.u32 s9, $0x7;
	s12 =	smul.u32 $0x2710, s9;
	s13 =	ssub.s32 $0x2, s9  }
0xa: {  	s9 =	smul.u32 $0x138800, s9;
	s10 =	sadd.s32 s6, s0;
	s6 =	sadd.s32 $0x272200, s0  }
0xb: {  	s0 =	sadd.s32 $0x5E400, s0;
	s15 =	sshrl.u32 s13, $0x1;
	s20 =	sshrl.u32 s11, $0x2  }
0xc: {  	s13 =	ssub.s32 s13, s15;
	s15 =	smul.u32 $0x2710, s1;
	s10 =	sadd.s32 $0x10000, s10  }
0xd: {  	s22 =	sadd.s32 s14, s12;
	s9 =	sshrl.u32 s9, $0x3;
	s12 =	simm.s32 $0x2  }
0xe: {  	[dreg:$0x4] =	wrdreg s10;
	s10 =	sadd.s32 s20, s21;
	s23 =	sshll.u32 s22, $0x4  }
0xf: {  	s9 =	sadd.s32 $0x27000, s9;
	[dreg:$0x5] =	wrdreg s10;
	s11 =	sadd.s32 s3, s23  }
0x10: {  	s3 =	sadd.s32 s3, s9;
	s24 =	sadd.s32 s15, s4;
	[dreg:$0x6] =	wrdreg s11  }
0x11: {  	s25 =	sshrl.u32 s15, $0x3;
	s14 =	sadd.s32 s6, s15;
	[dreg:$0x7] =	wrdreg s3  }
0x12: {  	s26 =	sadd.s32 $0x50, s15;
	s10 =	sadd.s32 s0, s23;
	[dreg:$0xa] =	wrdreg s14  }
0x13: {  	s18 =	sadd.s32 $0x26C0, s15;
	s0 =	sadd.s32 s0, s9;
	[dreg:$0xe] =	wrdreg s10  }
0x14: {  	s22 =	sadd.s32 $0xA0, s15;
	s9 =	simm.s32 $0x13980;
	[dreg:$0xf] =	wrdreg s0  }
0x15: {  	s3 =	sshrl.u32 s24, $0x3;
	s28 =	sadd.s32 s8, s25;
	[dreg:$0x10] =	wrdreg s22  }
0x16: {  	s29 =	sadd.s32 s4, s26;
	s19 =	sadd.s32 s6, s26;
	[dreg:$0x9] =	wrdreg s28  }
0x17: {  	s16 =	sshrl.u32 s26, $0x3;
	s24 =	sadd.s32 $0xF0, s15;
	[dreg:$0xd] =	wrdreg s19  }
0x18: {  	s20 =	sadd.s32 s4, s18;
	s26 =	sadd.s32 s6, s18;
	[dreg:$0x11] =	wrdreg s24  }
0x19: {  	s25 =	sshrl.u32 s18, $0x3;
	s3 =	sadd.s32 s7, s3;
	[dreg:$0x14] =	wrdreg s26  }
0x1a: {  	s10 =	simm.s32 $0x13900;
	s17 =	sadd.s32 s8, s16;
	[dreg:$0x8] =	wrdreg s3  }
0x1b: {  	s23 =	sshrl.u32 s20, $0x3;
	s28 =	smax.u32 s13, $0x1;
	[dreg:$0xc] =	wrdreg s17  }
0x1c: {  	s11 =	simm.s32 $0x50;
	s0 =	sadd.s32 s7, s23;
	[dreg:$0x15] =	wrdreg s28  }
0x1d: {  	s3 =	sshrl.u32 s29, $0x3;
	s29 =	sadd.s32 $0x138000, s21;
	[dreg:$0x12] =	wrdreg s0  }
0x1e: {  	s14 =	simm.s32 $0x3;
	s3 =	sadd.s32 s7, s3;
	[dreg:$0x16] =	wrdreg s29  }
0x1f: {  	s16 =	simm.s32 $0x4;
	s0 =	sadd.s32 s8, s25;
	[dreg:$0xb] =	wrdreg s3  }
0x20: {  	s13 =	simm.s32 $0x0;
	[dreg:$0x13] =	wrdreg s0;
	s3 =	simm.s32 $0x13A00  }
.LBB2_1:
0x21: {  	[dreg:$0x17] =	wrdreg s13  }
0x22: {  	s0 =	rddreg [dreg:$0x4];
	s1 =	simm.s32 $0x1DF80  }
0x23: {  	[tilespmem:s1], [sflag:$0x6] =	stream.linear.gather [hbm4b:s0+s2], $0x400, $0x38;
	[tilespmem:$0x1E380] =	vst v63  }
0x24: {  	s1 =	stileid.u32;
	_ =	swait.ge [sflag:s30], $0x400  }
0x25: {  	s0 =	sshll.u32 s1, $0x6;
	s13 =	rddreg [dreg:$0x5]  }
0x26: {  	[sflag:s30] =	ssyncset.done $0x0;
	s17 =	rddreg [dreg:$0x6];
	s15 =	sshrl.u32 s13, $0x3  }
0x27: {  	s1 =	sor.u32 $0x1C06, s0;
	[sflag:s30] =	ssyncadd.s32 $0xFFFFFC00;
	[dreg:$0x19] =	wrdreg s15  }
0x28: {  	[spmem:s15], [sflag:s1] =	dma.local [hbm:s17], $0x2700  }
0x29: {  	_ =	swait.ge [sflag:s30], $0x2700;
	[dreg:$0x18] =	wrdreg s1  }
0x2a: {  	s0 =	rddreg [dreg:$0x16]  }
0x2b: {  	[sflag:s30] =	ssyncset.done $0x0;
	s13 =	sshrl.u32 @!p0 s0, $0x3;
	s0 =	rddreg [dreg:$0x7]  }
0x2c: {  	[sflag:s30] =	ssyncadd.s32 $0xFFFFD900;
	[dreg:$0x1a] =	wrdreg s13  }
0x2d: {  	[spmem:s13], [sflag:s1] =	dma.local @!p0 [hbm:s0], $0x100  }
0x2e: {  	s0 =	simm.s32 @!p0 $0x6  }
0x2f: {  	_ =	swait.ge @!p0 [sflag:s0], $0x100  }
0x30: {  	[sflag:s0] =	ssyncset.done @!p0 $0x0  }
0x31: {  	[sflag:s0] =	ssyncadd.s32 @!p0 $0xFFFFFF00  }
0x32: {  	[bflag:$0x0] =	sbarrier.arrive $0xFFFF  }
0x33: {  	s18 =	rddreg [dreg:$0x8]  }
0x34: {  	[tilespmem:s31], [sflag:$0x1] =	stream.linear.gather [hbm4b:s18+s2], $0x50, $0x38;
	[tilespmem:$0x1E380] =	vst v63  }
0x35: {  	s19 =	rddreg [dreg:$0x9]  }
0x36: {  	[tilespmem:s9], [sflag:$0x1] =	stream.linear.gather [hbm4b:s19+s2], $0x50, $0x38;
	[tilespmem:$0x1E380] =	vst v63  }
0x37: {  	s29 =	smov.u32 s21;
	s21 =	simm.s32 $0x18A80;
	s20 =	rddreg [dreg:$0xa]  }
0x38: {  	[tilespmem:s21], [sflag:$0x1] =	stream.linear.gather [hbm4b:s20+s2], $0x280, $0x38;
	[tilespmem:$0x1E380] =	vst v63  }
0x39: {  	s22 =	rddreg [dreg:$0xb]  }
0x3a: {  	[tilespmem:s10], [sflag:$0x2] =	stream.linear.gather [hbm4b:s22+s2], $0x50, $0x38;
	[tilespmem:$0x1E380] =	vst v63  }
0x3b: {  	s23 =	rddreg [dreg:$0xc]  }
0x3c: {  	[tilespmem:s3], [sflag:$0x2] =	stream.linear.gather [hbm4b:s23+s2], $0x50, $0x38;
	[tilespmem:$0x1E380] =	vst v63  }
0x3d: {  	s25 =	simm.s32 $0x18D00;
	s26 =	simm.s32 $0x1;
	s24 =	rddreg [dreg:$0xd]  }
0x3e: {  	[tilespmem:s25], [sflag:$0x2] =	stream.linear.gather [hbm4b:s24+s2], $0x280, $0x38;
	[tilespmem:$0x1E380] =	vst v63  }
0x3f: {  	_ =	swait.ge [sflag:s26], $0x50  }
0x40: {  	[sflag:s26] =	ssyncset.done $0x0  }
0x41: {  	[sflag:s26] =	ssyncadd.s32 $0xFFFFFFB0  }
0x42: {  	_ =	swait.ge [sflag:s26], $0x50  }
0x43: {  	[sflag:s26] =	ssyncset.done $0x0  }
0x44: {  	[sflag:s26] =	ssyncadd.s32 $0xFFFFFFB0  }
0x45: {  	_ =	swait.ge [sflag:s26], $0x280  }
0x46: {  	[sflag:s26] =	ssyncset.done $0x0  }
0x47: {  	s28 =	simm.s32 $0x13A80;
	s25 =	simm.s32 $0x0;
	[sflag:s26] =	ssyncadd.s32 $0xFFFFFD80  }
0x48: {  	[tilespmem:s28], [sflag:$0x3] =	stream.indirect.gather [hbm4b:s5+s11], $0x80, s31, s11, $0xb8;
	[tilespmem:$0x1E380] =	vst v63  }
.LBB2_2:
0x49: {  	_ =	swait.ge [sflag:s12], $0x50  }
0x4a: {  	[sflag:s12] =	ssyncset.done $0x0  }
0x4b: {  	[sflag:s12] =	ssyncadd.s32 $0xFFFFFFB0  }
0x4c: {  	_ =	swait.ge [sflag:s12], $0x50  }
0x4d: {  	[sflag:s12] =	ssyncset.done $0x0  }
0x4e: {  	[sflag:s12] =	ssyncadd.s32 $0xFFFFFFB0  }
0x4f: {  	_ =	swait.ge [sflag:s12], $0x280  }
0x50: {  	[sflag:s12] =	ssyncset.done $0x0  }
0x51: {  	s0 =	simm.s32 $0x16280;
	[sflag:s12] =	ssyncadd.s32 $0xFFFFFD80  }
0x52: {  	[tilespmem:s0], [sflag:$0x4] =	stream.indirect.gather [hbm4b:s5+s11], $0x80, s10, s11, $0xb8;
	[tilespmem:$0x1E380] =	vst v63  }
0x53: {  	_ =	swait.ge [sflag:s14], $0x2800  }
0x54: {  	[sflag:s14] =	ssyncset.done $0x0  }
0x55: {  	s28 =	simm.s32 $0x18A80;
	[sflag:s14] =	ssyncadd.s32 $0xFFFFD800  }
0x56: {  	v8 =	vld [tilespmem:s28+$0x0];
	_ =	sdelay $0x4  }
0x57: {  	v1 =	vld [tilespmem:$0x1DF80];
	(v2sf) =	vpush v8, $0x1  }
0x58: {  	v2 =	vld [tilespmem:$0x1DF90];
	(v2sf) =	vpush v8, $0x8  }
0x59: {  	v3 =	vld [tilespmem:$0x1DFA0];
	(v2sf) =	vpush v8, $0x7  }
0x5a: {  	v4 =	vld [tilespmem:$0x1DFB0]  }
0x5b: {  	v5 =	vld [tilespmem:$0x1E000];
	(v2sf) =	vpush v8, $0xF  }
0x5c: {  	v0 =	vld [tilespmem:$0x1E010];
	(v2sf) =	vpush v8, $0x0  }
0x5d: {  	v6 =	vld [tilespmem:$0x1E020];
	(v2sf) =	vpush v8, $0x9  }
0x5e: {  	s26 =	simm.s32 $0xB0;
	v7 =	vld [tilespmem:$0x1E030];
	(v2sf) =	vpush v8, $0x2  }
0x5f: {  	v9 =	vld [tilespmem:s26+$0x13A00];
	(v2sf) =	vpush v8, $0xA  }
0x60: {  	v12 =	vld [tilespmem:s26+$0x13A80];
	(v2sf) =	vpush v8, $0x3  }
0x61: {  	v13 =	vld [tilespmem:s26+$0x139F0];
	(v2sf) =	vpush v8, $0xB  }
0x62: {  	v15 =	vld [tilespmem:s26+$0x139D0];
	(v2sf) =	vpush v8, $0x4  }
0x63: {  	v16 =	vld [tilespmem:s26+$0x13A50];
	(v2sf) =	vpush v8, $0x5  }
0x64: {  	v17 =	vld [tilespmem:s26+$0x13A60];
	(v2sf) =	vpush v8, $0x6  }
0x65: {  	v19 =	vld [tilespmem:s26+$0x139E0];
	v18 =	vbroadcast v8, $0x7;
	(v2sf) =	vpush v8, $0xC  }
0x66: {  	v10 =	vld [tilespmem:s26+$0x13A70];
	(v2sf) =	vpush v8, $0xD;
	s9 =	spop (v2sf)  }
0x67: {  	v11 =	vld [tilespmem:$0x1E080];
	v20 =	vbroadcast v8, $0xF;
	v28 =	vmul.f32 v9, v18;
	(v2sf) =	vpush v8, $0xE;
	s19 =	spop (v2sf)  }
0x68: {  	v14 =	vld [tilespmem:$0x1E090];
	v29 =	vmul.f32 v15, v18;
	v32 =	vmul.f32 v13, v18;
	s0 =	spop (v2sf)  }
0x69: {  	v21 =	vld [tilespmem:$0x1E180];
	v23 =	vmul.f32 v16, v20;
	v24 =	vmul.f32 v17, v20;
	s13 =	smul.f32 s9, s0  }
0x6a: {  	v22 =	vld [tilespmem:$0x1E1A0];
	v25 =	vmul.f32 v12, v20;
	v13 =	vmul.f32 v19, v18;
	s9 =	spop (v2sf)  }
0x6b: {  	v9 =	vld [tilespmem:$0x1E0A0];
	v12 =	vmul.f32 v10, v20;
	s15 =	smul.f32 s19, s9;
	s20 =	spop (v2sf);
	v33 =	vmul.f32 s13, v5  }
0x6c: {  	v17 =	vld [tilespmem:$0x1E100];
	v30 =	vmul.f32 s13, v6;
	s17 =	spop (v2sf);
	v20 =	vmul.f32 s13, v0;
	s18 =	smul.f32 s20, s0  }
0x6d: {  	v18 =	vld [tilespmem:$0x1E110];
	v35 =	vmul.f32 s13, v7;
	s24 =	smul.f32 s17, s9;
	v16 =	vmul.f32 s15, v3;
	s21 =	spop (v2sf)  }
0x6e: {  	v15 =	vld [tilespmem:$0x1E120];
	v19 =	vmul.f32 s15, v2;
	v26 =	vmul.f32 s15, v1;
	s22 =	spop (v2sf)  }
0x6f: {  	v10 =	vld [tilespmem:$0x1E130];
	v31 =	vmul.f32 s18, v2;
	v16 =	vadd.f32 v12, v16;
	v27 =	vmul.f32 s24, v6;
	s23 =	spop (v2sf)  }
0x70: {  	v8 =	vld [tilespmem:$0x1E0B0];
	v34 =	vmul.f32 s15, v4;
	s10 =	smul.f32 s21, s0;
	v46 =	vmul.f32 s18, v1;
	s1 =	spop (v2sf)  }
0x71: {  	v49 =	vmul.f32 s18, v3;
	v12 =	vld [tilespmem:$0x1E190];
	s13 =	smul.f32 s22, s9;
	v43 =	vadd.f32 v16, v27;
	s19 =	spop (v2sf);
	v27 =	vadd.f32 v31, v13  }
0x72: {  	v48 =	vmul.f32 s18, v4;
	v42 =	vmul.f32 s24, v7;
	v39 =	vadd.f32 v24, v19;
	v19 =	vld [tilespmem:$0x1E280];
	s23 =	smul.f32 s23, s0;
	s21 =	spop (v2sf)  }
0x73: {  	v44 =	vadd.f32 v25, v34;
	v16 =	vld [tilespmem:$0x1E1B0];
	s15 =	smul.f32 s1, s9;
	s1 =	spop (v2sf);
	v24 =	vadd.f32 v27, v20;
	v27 =	vmul.f32 s10, v14  }
0x74: {  	v23 =	vadd.f32 v23, v26;
	v37 =	vmul.f32 s10, v9;
	v13 =	vld [tilespmem:$0x1E210];
	v31 =	vmul.f32 s24, v5;
	s20 =	smul.f32 s19, s0;
	s19 =	spop (v2sf)  }
0x75: {  	v45 =	vmul.f32 s10, v11;
	v20 =	vld [tilespmem:$0x1E230];
	s17 =	smul.f32 s19, s9;
	s22 =	spop (v2sf);
	v24 =	vadd.f32 v24, v27;
	v27 =	vmul.f32 s23, v18  }
0x76: {  	v25 =	vld [tilespmem:$0x1E200];
	v41 =	vmul.f32 s13, v8;
	v40 =	vmul.f32 s13, v11;
	v31 =	vadd.f32 v23, v31;
	s22 =	smul.f32 s22, s9;
	s19 =	spop (v2sf)  }
0x77: {  	v50 =	vmul.f32 s15, v15;
	v52 =	vmul.f32 s15, v17;
	s31 =	smul.f32 s19, s9;
	v47 =	vadd.f32 v24, v27;
	v27 =	vld [tilespmem:$0x1E2A0]  }
0x78: {  	v26 =	vld [tilespmem:$0x1E220];
	v38 =	vmul.f32 s20, v12;
	v36 =	vmul.f32 s17, v16  }
0x79: {  	v23 =	vld [tilespmem:$0x1E290];
	v51 =	vadd.f32 v31, v40;
	s19 =	smul.f32 s21, s0;
	v34 =	vmul.f32 s22, v13;
	v31 =	vmul.f32 s31, v19  }
0x7a: {  	s18 =	simm.s32 $0x6C0;
	v24 =	vld [tilespmem:$0x1E2B0];
	s9 =	smul.f32 s1, s0;
	v40 =	vadd.f32 v47, v38;
	v47 =	vmul.f32 s13, v14;
	v38 =	vmul.f32 s22, v20  }
.LBB2_3:
0x7b: {  	p1 =	sne.s32 s18, $0x9EC0  }
0x7c: {  	v32 =	vadd.f32 v32, v49;
	v49 =	vmul.f32 s31, v27;
	v53 =	vmul.f32 s15, v10;
	s28 =	sadd.s32 $0x10, s28;
	s0 =	smov.u32 s18;
	s18 =	sadd.s32 $0x400, s18  }
0x7d: {  	v29 =	vadd.f32 v46, v29;
	v46 =	vmul.f32 s23, v17;
	v54 =	vmul.f32 s22, v26  }
0x7e: {  	v28 =	vadd.f32 v28, v48;
	v48 =	vmul.f32 s22, v25;
	v55 =	vmul.f32 s15, v18  }
0x7f: {  	v56 =	vmul.f32 s17, v22;
	v29 =	vadd.f32 v29, v33;
	v33 =	vmul.f32 s20, v21  }
0x80: {  	v57 =	vmul.f32 s13, v9;
	v28 =	vadd.f32 v28, v35;
	v35 =	vmul.f32 s17, v21  }
0x81: {  	v58 =	vmul.f32 s24, v0;
	v30 =	vadd.f32 v32, v30;
	v32 =	vmul.f32 s9, v24  }
0x82: {  	v59 =	vmul.f32 s23, v15;
	v42 =	vadd.f32 v44, v42;
	v43 =	vadd.f32 v43, v57  }
0x83: {  	v44 =	vadd.f32 v51, v52;
	v30 =	vadd.f32 v30, v37;
	v37 =	vmul.f32 s10, v8  }
0x84: {  	v51 =	vmul.f32 s20, v22;
	v41 =	vadd.f32 v42, v41;
	v43 =	vadd.f32 v43, v50  }
0x85: {  	v42 =	vmul.f32 s19, v25;
	v29 =	vadd.f32 v29, v45;
	v30 =	vadd.f32 v30, v59  }
0x86: {  	v45 =	vmul.f32 s19, v26;
	v28 =	vadd.f32 v28, v37;
	v37 =	vadd.f32 v39, v58  }
0x87: {  	v29 =	vadd.f32 v29, v46;
	v39 =	vmul.f32 s23, v10;
	v30 =	vadd.f32 v30, v51  }
0x88: {  	v46 =	vmul.f32 s9, v27;
	v43 =	vadd.f32 v43, v56;
	v37 =	vadd.f32 v37, v47  }
0x89: {  	v41 =	vadd.f32 v41, v53;
	v30 =	vadd.f32 v30, v45;
	v45 =	vmul.f32 s17, v12  }
0x8a: {  	v29 =	vadd.f32 v29, v33;
	v33 =	vmul.f32 s20, v16;
	v43 =	vadd.f32 v43, v54  }
0x8b: {  	v47 =	vmul.f32 s9, v19;
	v37 =	vadd.f32 v37, v55;
	v30 =	vadd.f32 v30, v46  }
0x8c: {  	v35 =	vadd.f32 v44, v35;
	v43 =	vadd.f32 v43, v49;
	v46 =	vmul.f32 s19, v20  }
0x8d: {  	v28 =	vadd.f32 v28, v39;
	v30 =	vmax.f32 v30, $0.0e+00  }
0x8e: {  	v29 =	vadd.f32 v29, v42;
	[tilespmem:s26+$0x18EF0] =	vst v30;
	v30 =	vadd.f32 v37, v45;
	v37 =	vmax.f32 v43, $0.0e+00  }
0x8f: {  	v35 =	vadd.f32 v35, v48;
	v36 =	vadd.f32 v41, v36;
	v39 =	vmul.f32 s19, v13;
	[tilespmem:s26+$0x18F70] =	vst v37  }
0x90: {  	v28 =	vadd.f32 v28, v33;
	v37 =	vmul.f32 s9, v23;
	v30 =	vadd.f32 v30, v34  }
0x91: {  	v33 =	vadd.f32 v40, v39;
	v34 =	vadd.f32 v36, v38;
	v36 =	vmul.f32 s31, v24  }
0x92: {  	v29 =	vadd.f32 v29, v47;
	v28 =	vadd.f32 v28, v46;
	v38 =	vmul.f32 s31, v23  }
0x93: {  	v33 =	vadd.f32 v33, v37;
	v34 =	vadd.f32 v34, v36  }
0x94: {  	v29 =	vmax.f32 v29, $0.0e+00;
	v28 =	vadd.f32 v28, v32;
	v30 =	vadd.f32 v30, v38  }
0x95: {  	v31 =	vadd.f32 v35, v31;
	v32 =	vmax.f32 v34, $0.0e+00;
	[tilespmem:s26+$0x18ED0] =	vst v29;
	v29 =	vmax.f32 v33, $0.0e+00  }
0x96: {  	v28 =	vmax.f32 v28, $0.0e+00;
	[tilespmem:s26+$0x18EE0] =	vst v29;
	v29 =	vmax.f32 v30, $0.0e+00  }
0x97: {  	v30 =	vmax.f32 v31, $0.0e+00;
	[tilespmem:s26+$0x18F60] =	vst v29  }
0x98: {  	[tilespmem:s26+$0x18F50] =	vst v30  }
0x99: {  	[tilespmem:s26+$0x18F00] =	vst v28  }
0x9a: {  	[tilespmem:s26+$0x18F80] =	vst v32  }
0x9b: {  	v29 =	vld [tilespmem:s28+$0x0]  }
0x9c: {  	s26 =	sshra.s32 s0, $0x2  }
0x9d: {  	v28 =	vld [tilespmem:s26+$0x13A00];
	_ =	sdelay $0x2  }
0x9e: {  	v30 =	vbroadcast v29, $0x7;
	v31 =	vbroadcast v29, $0xF;
	(v2sf) =	vpush v29, $0x1  }
0x9f: {  	(v2sf) =	vpush v29, $0x8  }
0xa0: {  	v28 =	vmul.f32 v28, v30;
	(v2sf) =	vpush v29, $0x7  }
0xa1: {  	(v2sf) =	vpush v29, $0xF  }
0xa2: {  	(v2sf) =	vpush v29, $0x0  }
0xa3: {  	(v2sf) =	vpush v29, $0x9  }
0xa4: {  	(v2sf) =	vpush v29, $0x2  }
0xa5: {  	(v2sf) =	vpush v29, $0xA  }
0xa6: {  	v33 =	vld [tilespmem:s26+$0x13A70];
	(v2sf) =	vpush v29, $0x3  }
0xa7: {  	v34 =	vld [tilespmem:s26+$0x13A80];
	(v2sf) =	vpush v29, $0xB  }
0xa8: {  	v32 =	vld [tilespmem:s26+$0x139F0];
	(v2sf) =	vpush v29, $0x4  }
0xa9: {  	v35 =	vld [tilespmem:s26+$0x139D0];
	(v2sf) =	vpush v29, $0x5  }
0xaa: {  	v36 =	vld [tilespmem:s26+$0x13A50];
	(v2sf) =	vpush v29, $0x6  }
0xab: {  	v37 =	vld [tilespmem:s26+$0x13A60];
	(v2sf) =	vpush v29, $0xC  }
0xac: {  	v38 =	vld [tilespmem:s26+$0x139E0];
	(v2sf) =	vpush v29, $0xD  }
0xad: {  	s0 =	spop (v2sf);
	(v2sf) =	vpush v29, $0xE  }
0xae: {  	v29 =	vmul.f32 v35, v30;
	s1 =	spop (v2sf)  }
0xaf: {  	v32 =	vmul.f32 v32, v30;
	v36 =	vmul.f32 v36, v31;
	s9 =	spop (v2sf)  }
0xb0: {  	v34 =	vmul.f32 v34, v31;
	s13 =	smul.f32 s0, s9;
	v39 =	vmul.f32 v37, v31;
	s0 =	spop (v2sf)  }
0xb1: {  	v31 =	vmul.f32 v33, v31;
	v38 =	vmul.f32 v38, v30;
	s1 =	smul.f32 s1, s0;
	s10 =	spop (v2sf)  }
0xb2: {  	s17 =	smul.f32 s10, s9;
	v33 =	vmul.f32 s13, v5;
	v30 =	vmul.f32 s13, v6;
	s10 =	spop (v2sf)  }
0xb3: {  	v40 =	vmul.f32 s13, v0;
	s24 =	smul.f32 s10, s0;
	v37 =	vmul.f32 s1, v3;
	s10 =	spop (v2sf)  }
0xb4: {  	v35 =	vmul.f32 s13, v7;
	v44 =	vmul.f32 s1, v2;
	s10 =	smul.f32 s10, s9;
	s13 =	spop (v2sf)  }
0xb5: {  	v47 =	vmul.f32 s1, v1;
	s13 =	smul.f32 s13, s0;
	v31 =	vadd.f32 v31, v37;
	v41 =	vmul.f32 s24, v6;
	s15 =	spop (v2sf)  }
0xb6: {  	v48 =	vmul.f32 s1, v4;
	v45 =	vmul.f32 s17, v2;
	s23 =	smul.f32 s15, s9;
	s1 =	spop (v2sf)  }
0xb7: {  	v42 =	vmul.f32 s24, v7;
	v37 =	vmul.f32 s10, v9;
	s15 =	smul.f32 s1, s0;
	v43 =	vadd.f32 v31, v41;
	s1 =	spop (v2sf)  }
0xb8: {  	v46 =	vmul.f32 s17, v1;
	v31 =	vadd.f32 v45, v38;
	v41 =	vmul.f32 s13, v8;
	s20 =	smul.f32 s1, s9;
	s1 =	spop (v2sf)  }
0xb9: {  	v49 =	vmul.f32 s17, v3;
	v39 =	vadd.f32 v39, v44;
	v44 =	vadd.f32 v34, v48;
	s19 =	smul.f32 s1, s9;
	s1 =	spop (v2sf)  }
0xba: {  	v48 =	vmul.f32 s17, v4;
	v34 =	vmul.f32 s10, v14;
	v31 =	vadd.f32 v31, v40;
	s9 =	smul.f32 s1, s9;
	s1 =	spop (v2sf)  }
0xbb: {  	s17 =	smul.f32 s1, s0;
	s1 =	spop (v2sf)  }
0xbc: {  	v36 =	vadd.f32 v36, v47;
	v45 =	vmul.f32 s10, v11;
	v38 =	vmul.f32 s24, v5;
	s22 =	smul.f32 s1, s0  }
.Ltmp0:
0xbd: {  	v40 =	vmul.f32 s20, v12;
	v31 =	vadd.f32 v31, v34;
	v34 =	vmul.f32 s23, v18;
	s1 =	spop (v2sf);
	(pc) =	sbr.rel @p1 .LBB2_3-.Ltmp0, $4  }
0xbe: {  	v47 =	vmul.f32 s13, v11;
	v38 =	vadd.f32 v36, v38;
	s31 =	smul.f32 s1, s0;
	v36 =	vmul.f32 s17, v16  }
0xbf: {  	v50 =	vmul.f32 s15, v15;
	v53 =	vadd.f32 v31, v34;
	v34 =	vmul.f32 s22, v13  }
0xc0: {  	v52 =	vmul.f32 s15, v17;
	v51 =	vadd.f32 v38, v47;
	v31 =	vmul.f32 s31, v19  }
0xc1: {  	v47 =	vmul.f32 s13, v14;
	v38 =	vmul.f32 s22, v20;
	v40 =	vadd.f32 v53, v40  }
0xc2: {  	v1 =	vmul.f32 s31, v27  }
0xc3: {  	v2 =	vadd.f32 v32, v49;
	v3 =	vmul.f32 s15, v10;
	v4 =	vmul.f32 s23, v17  }
0xc4: {  	v5 =	vadd.f32 v46, v29;
	v6 =	vmul.f32 s22, v26;
	v7 =	vmul.f32 s22, v25  }
0xc5: {  	v11 =	vadd.f32 v28, v48;
	v14 =	vmul.f32 s15, v18;
	v17 =	vmul.f32 s20, v21  }
0xc6: {  	v18 =	vmul.f32 s17, v22;
	v9 =	vmul.f32 s13, v9;
	v29 =	vadd.f32 v44, v42  }
0xc7: {  	v21 =	vmul.f32 s17, v21;
	v5 =	vadd.f32 v5, v33;
	v11 =	vadd.f32 v11, v35  }
0xc8: {  	v0 =	vmul.f32 s24, v0;
	v2 =	vadd.f32 v2, v30;
	v9 =	vadd.f32 v43, v9  }
0xc9: {  	v28 =	vmul.f32 s9, v24;
	v30 =	vadd.f32 v51, v52;
	v29 =	vadd.f32 v29, v41  }
0xca: {  	v8 =	vmul.f32 s10, v8;
	v0 =	vadd.f32 v39, v0;
	v2 =	vadd.f32 v2, v37  }
0xcb: {  	v15 =	vmul.f32 s23, v15;
	v9 =	vadd.f32 v9, v50;
	v5 =	vadd.f32 v5, v45  }
0xcc: {  	v22 =	vmul.f32 s20, v22;
	v8 =	vadd.f32 v11, v8;
	v0 =	vadd.f32 v0, v47  }
0xcd: {  	v11 =	vmul.f32 s17, v12;
	v3 =	vadd.f32 v29, v3;
	v2 =	vadd.f32 v2, v15  }
0xce: {  	v15 =	vmul.f32 s19, v25;
	v4 =	vadd.f32 v5, v4;
	v9 =	vadd.f32 v9, v18  }
0xcf: {  	v5 =	vmul.f32 s23, v10;
	v0 =	vadd.f32 v0, v14;
	v3 =	vadd.f32 v3, v36  }
0xd0: {  	v25 =	vmul.f32 s19, v26;
	v2 =	vadd.f32 v2, v22;
	v4 =	vadd.f32 v4, v17  }
0xd1: {  	v12 =	vmul.f32 s20, v16;
	v6 =	vadd.f32 v9, v6;
	v5 =	vadd.f32 v8, v5  }
0xd2: {  	v10 =	vmul.f32 s9, v27;
	v0 =	vadd.f32 v0, v11;
	v2 =	vadd.f32 v2, v25  }
0xd3: {  	v14 =	vmul.f32 s19, v20;
	v1 =	vadd.f32 v6, v1;
	v4 =	vadd.f32 v4, v15  }
0xd4: {  	v9 =	vmul.f32 s9, v19;
	v5 =	vadd.f32 v5, v12;
	v0 =	vadd.f32 v0, v34  }
0xd5: {  	v6 =	vmul.f32 s19, v13;
	v2 =	vadd.f32 v2, v10;
	v10 =	vadd.f32 v30, v21  }
0xd6: {  	v4 =	vadd.f32 v4, v9;
	v9 =	vmul.f32 s31, v23;
	v1 =	vmax.f32 v1, $0.0e+00  }
0xd7: {  	v8 =	vmul.f32 s9, v23;
	v6 =	vadd.f32 v40, v6;
	[tilespmem:s26+$0x18F70] =	vst v1;
	v1 =	vadd.f32 v5, v14  }
0xd8: {  	v2 =	vmax.f32 v2, $0.0e+00;
	v7 =	vadd.f32 v10, v7;
	v0 =	vadd.f32 v0, v9  }
0xd9: {  	v4 =	vmax.f32 v4, $0.0e+00;
	[tilespmem:s26+$0x18EF0] =	vst v2;
	v2 =	vadd.f32 v3, v38;
	v3 =	vadd.f32 v6, v8  }
0xda: {  	v5 =	vmul.f32 s31, v24;
	[tilespmem:s26+$0x18ED0] =	vst v4;
	v1 =	vadd.f32 v1, v28;
	v0 =	vmax.f32 v0, $0.0e+00  }
0xdb: {  	v4 =	vadd.f32 v7, v31;
	v3 =	vmax.f32 v3, $0.0e+00;
	[tilespmem:s26+$0x18F60] =	vst v0  }
0xdc: {  	v2 =	vadd.f32 v2, v5;
	v0 =	vmax.f32 v1, $0.0e+00;
	[tilespmem:s26+$0x18EE0] =	vst v3  }
0xdd: {  	v3 =	vmax.f32 v4, $0.0e+00;
	[tilespmem:s26+$0x18F00] =	vst v0  }
0xde: {  	[tilespmem:s26+$0x18F50] =	vst v3;
	v1 =	vmax.f32 v2, $0.0e+00  }
0xdf: {  	s28 =	simm.s32 $0x18A80;
	[tilespmem:s26+$0x18F80] =	vst v1  }
0xe0: {  	v8 =	vld [tilespmem:s28+$0x0];
	_ =	sdelay $0x4  }
0xe1: {  	v1 =	vld [tilespmem:$0x1DFC0];
	(v2sf) =	vpush v8, $0x1  }
0xe2: {  	v2 =	vld [tilespmem:$0x1DFD0];
	(v2sf) =	vpush v8, $0x8  }
0xe3: {  	v3 =	vld [tilespmem:$0x1DFE0];
	(v2sf) =	vpush v8, $0x7  }
0xe4: {  	v4 =	vld [tilespmem:$0x1DFF0]  }
0xe5: {  	v5 =	vld [tilespmem:$0x1E040];
	(v2sf) =	vpush v8, $0xF  }
0xe6: {  	v0 =	vld [tilespmem:$0x1E050];
	(v2sf) =	vpush v8, $0x0  }
0xe7: {  	v6 =	vld [tilespmem:$0x1E060];
	(v2sf) =	vpush v8, $0x9  }
0xe8: {  	s26 =	simm.s32 $0xF0;
	v7 =	vld [tilespmem:$0x1E070]  }
0xe9: {  	v9 =	vld [tilespmem:s26+$0x13A00];
	(v2sf) =	vpush v8, $0x2  }
0xea: {  	v12 =	vld [tilespmem:s26+$0x13A80];
	(v2sf) =	vpush v8, $0xA  }
0xeb: {  	v13 =	vld [tilespmem:s26+$0x139F0];
	(v2sf) =	vpush v8, $0x3  }
0xec: {  	v15 =	vld [tilespmem:s26+$0x139D0];
	(v2sf) =	vpush v8, $0xB  }
0xed: {  	v16 =	vld [tilespmem:s26+$0x13A50];
	(v2sf) =	vpush v8, $0x4  }
0xee: {  	v17 =	vld [tilespmem:s26+$0x13A60];
	(v2sf) =	vpush v8, $0x5  }
0xef: {  	v19 =	vld [tilespmem:s26+$0x139E0];
	v18 =	vbroadcast v8, $0x7;
	(v2sf) =	vpush v8, $0x6  }
0xf0: {  	v10 =	vld [tilespmem:s26+$0x13A70];
	(v2sf) =	vpush v8, $0xC;
	s1 =	spop (v2sf)  }
0xf1: {  	v11 =	vld [tilespmem:$0x1E0C0];
	v20 =	vbroadcast v8, $0xF;
	v28 =	vmul.f32 v9, v18;
	(v2sf) =	vpush v8, $0xD;
	s15 =	spop (v2sf)  }
0xf2: {  	v14 =	vld [tilespmem:$0x1E0D0];
	v29 =	vmul.f32 v15, v18;
	v32 =	vmul.f32 v13, v18;
	(v2sf) =	vpush v8, $0xE;
	s0 =	spop (v2sf)  }
0xf3: {  	v21 =	vld [tilespmem:$0x1E1C0];
	v23 =	vmul.f32 v16, v20;
	v24 =	vmul.f32 v17, v20;
	s1 =	smul.f32 s1, s0  }
0xf4: {  	v22 =	vld [tilespmem:$0x1E1E0];
	v25 =	vmul.f32 v12, v20;
	v13 =	vmul.f32 v19, v18;
	s9 =	spop (v2sf)  }
0xf5: {  	v9 =	vld [tilespmem:$0x1E0E0];
	v12 =	vmul.f32 v10, v20;
	s17 =	smul.f32 s15, s9;
	s19 =	spop (v2sf);
	v33 =	vmul.f32 s1, v5  }
0xf6: {  	v17 =	vld [tilespmem:$0x1E140];
	v30 =	vmul.f32 s1, v6;
	s20 =	spop (v2sf);
	v20 =	vmul.f32 s1, v0;
	s22 =	smul.f32 s19, s0  }
0xf7: {  	v18 =	vld [tilespmem:$0x1E150];
	v35 =	vmul.f32 s1, v7;
	s24 =	smul.f32 s20, s9;
	v16 =	vmul.f32 s17, v3  }
0xf8: {  	v15 =	vld [tilespmem:$0x1E160];
	s21 =	spop (v2sf);
	v19 =	vmul.f32 s17, v2;
	v26 =	vmul.f32 s17, v1  }
0xf9: {  	v8 =	vld [tilespmem:$0x1E0F0];
	s23 =	spop (v2sf);
	v31 =	vmul.f32 s22, v2;
	v16 =	vadd.f32 v12, v16;
	v27 =	vmul.f32 s24, v6  }
0xfa: {  	v10 =	vld [tilespmem:$0x1E170];
	v60 =	vmul.f32 s17, v4;
	v46 =	vmul.f32 s22, v1;
	s18 =	spop (v2sf)  }
0xfb: {  	s10 =	smul.f32 s21, s0;
	v49 =	vmul.f32 s22, v3;
	v12 =	vld [tilespmem:$0x1E1D0];
	s19 =	spop (v2sf);
	v43 =	vadd.f32 v16, v27;
	v27 =	vadd.f32 v31, v13  }
0xfc: {  	v48 =	vmul.f32 s22, v4;
	s13 =	smul.f32 s23, s9;
	v42 =	vmul.f32 s24, v7;
	v39 =	vadd.f32 v24, v19;
	v19 =	vld [tilespmem:$0x1E2C0];
	s20 =	spop (v2sf)  }
0xfd: {  	v37 =	vmul.f32 s10, v9;
	s23 =	smul.f32 s18, s0;
	v16 =	vld [tilespmem:$0x1E1F0];
	s18 =	spop (v2sf);
	v24 =	vadd.f32 v27, v20;
	v27 =	vmul.f32 s10, v14  }
0xfe: {  	v23 =	vadd.f32 v23, v26;
	v45 =	vmul.f32 s10, v11;
	v41 =	vmul.f32 s13, v8;
	v13 =	vld [tilespmem:$0x1E250];
	s15 =	smul.f32 s19, s9;
	s1 =	spop (v2sf)  }
0xff: {  	v31 =	vmul.f32 s24, v5;
	s20 =	smul.f32 s20, s0;
	v20 =	vld [tilespmem:$0x1E270];
	s21 =	spop (v2sf);
	v24 =	vadd.f32 v24, v27;
	v27 =	vmul.f32 s23, v18  }
0x100: {  	v44 =	vadd.f32 v25, v60;
	v25 =	vld [tilespmem:$0x1E240];
	v62 =	vmul.f32 s13, v11;
	v47 =	vmul.f32 s13, v14;
	s17 =	smul.f32 s21, s9;
	s22 =	spop (v2sf)  }
0x101: {  	v31 =	vadd.f32 v23, v31;
	v50 =	vmul.f32 s15, v15;
	s22 =	smul.f32 s22, s9;
	s21 =	spop (v2sf);
	v63 =	vadd.f32 v24, v27;
	v27 =	vld [tilespmem:$0x1E2E0]  }
0x102: {  	v26 =	vld [tilespmem:$0x1E260];
	v52 =	vmul.f32 s15, v17;
	v61 =	vmul.f32 s20, v12;
	s31 =	smul.f32 s21, s9  }
0x103: {  	v23 =	vld [tilespmem:$0x1E2D0];
	s19 =	smul.f32 s18, s0;
	v51 =	vadd.f32 v31, v62;
	v36 =	vmul.f32 s17, v16;
	v34 =	vmul.f32 s22, v13  }
0x104: {  	s18 =	simm.s32 $0x7C0;
	v24 =	vld [tilespmem:$0x1E2F0];
	s9 =	smul.f32 s1, s0;
	s21 =	smov.u32 s29;
	v38 =	vmul.f32 s22, v20;
	v31 =	vmul.f32 s31, v19;
	v40 =	vadd.f32 v63, v61  }
.LBB2_5:
0x105: {  	p1 =	sne.s32 s18, $0x9FC0  }
0x106: {  	v32 =	vadd.f32 v32, v49;
	v49 =	vmul.f32 s31, v27;
	v53 =	vmul.f32 s15, v10;
	s28 =	sadd.s32 $0x10, s28;
	s0 =	smov.u32 s18;
	s18 =	sadd.s32 $0x400, s18  }
0x107: {  	v29 =	vadd.f32 v46, v29;
	v46 =	vmul.f32 s23, v17;
	v54 =	vmul.f32 s22, v26  }
0x108: {  	v28 =	vadd.f32 v28, v48;
	v48 =	vmul.f32 s22, v25;
	v55 =	vmul.f32 s15, v18  }
0x109: {  	v56 =	vmul.f32 s17, v22;
	v29 =	vadd.f32 v29, v33;
	v33 =	vmul.f32 s20, v21  }
0x10a: {  	v57 =	vmul.f32 s13, v9;
	v28 =	vadd.f32 v28, v35;
	v35 =	vmul.f32 s17, v21  }
0x10b: {  	v58 =	vmul.f32 s24, v0;
	v30 =	vadd.f32 v32, v30;
	v32 =	vmul.f32 s9, v24  }
0x10c: {  	v59 =	vmul.f32 s23, v15;
	v42 =	vadd.f32 v44, v42;
	v43 =	vadd.f32 v43, v57  }
0x10d: {  	v44 =	vadd.f32 v51, v52;
	v30 =	vadd.f32 v30, v37;
	v37 =	vmul.f32 s10, v8  }
0x10e: {  	v51 =	vmul.f32 s20, v22;
	v41 =	vadd.f32 v42, v41;
	v43 =	vadd.f32 v43, v50  }
0x10f: {  	v42 =	vmul.f32 s19, v25;
	v29 =	vadd.f32 v29, v45;
	v30 =	vadd.f32 v30, v59  }
0x110: {  	v45 =	vmul.f32 s19, v26;
	v28 =	vadd.f32 v28, v37;
	v37 =	vadd.f32 v39, v58  }
0x111: {  	v29 =	vadd.f32 v29, v46;
	v39 =	vmul.f32 s23, v10;
	v30 =	vadd.f32 v30, v51  }
0x112: {  	v46 =	vmul.f32 s9, v27;
	v43 =	vadd.f32 v43, v56;
	v37 =	vadd.f32 v37, v47  }
0x113: {  	v41 =	vadd.f32 v41, v53;
	v30 =	vadd.f32 v30, v45;
	v45 =	vmul.f32 s17, v12  }
0x114: {  	v29 =	vadd.f32 v29, v33;
	v33 =	vmul.f32 s20, v16;
	v43 =	vadd.f32 v43, v54  }
0x115: {  	v47 =	vmul.f32 s9, v19;
	v37 =	vadd.f32 v37, v55;
	v30 =	vadd.f32 v30, v46  }
0x116: {  	v35 =	vadd.f32 v44, v35;
	v43 =	vadd.f32 v43, v49;
	v46 =	vmul.f32 s19, v20  }
0x117: {  	v28 =	vadd.f32 v28, v39;
	v30 =	vmax.f32 v30, $0.0e+00  }
0x118: {  	v29 =	vadd.f32 v29, v42;
	[tilespmem:s26+$0x18EF0] =	vst v30;
	v30 =	vadd.f32 v37, v45;
	v37 =	vmax.f32 v43, $0.0e+00  }
0x119: {  	v35 =	vadd.f32 v35, v48;
	v36 =	vadd.f32 v41, v36;
	v39 =	vmul.f32 s19, v13;
	[tilespmem:s26+$0x18F70] =	vst v37  }
0x11a: {  	v28 =	vadd.f32 v28, v33;
	v37 =	vmul.f32 s9, v23;
	v30 =	vadd.f32 v30, v34  }
0x11b: {  	v33 =	vadd.f32 v40, v39;
	v34 =	vadd.f32 v36, v38;
	v36 =	vmul.f32 s31, v24  }
0x11c: {  	v29 =	vadd.f32 v29, v47;
	v28 =	vadd.f32 v28, v46;
	v38 =	vmul.f32 s31, v23  }
0x11d: {  	v33 =	vadd.f32 v33, v37;
	v34 =	vadd.f32 v34, v36  }
0x11e: {  	v29 =	vmax.f32 v29, $0.0e+00;
	v28 =	vadd.f32 v28, v32;
	v30 =	vadd.f32 v30, v38  }
0x11f: {  	v31 =	vadd.f32 v35, v31;
	v32 =	vmax.f32 v34, $0.0e+00;
	[tilespmem:s26+$0x18ED0] =	vst v29;
	v29 =	vmax.f32 v33, $0.0e+00  }
0x120: {  	v28 =	vmax.f32 v28, $0.0e+00;
	[tilespmem:s26+$0x18EE0] =	vst v29;
	v29 =	vmax.f32 v30, $0.0e+00  }
0x121: {  	v30 =	vmax.f32 v31, $0.0e+00;
	[tilespmem:s26+$0x18F60] =	vst v29  }
0x122: {  	[tilespmem:s26+$0x18F50] =	vst v30  }
0x123: {  	[tilespmem:s26+$0x18F00] =	vst v28  }
0x124: {  	[tilespmem:s26+$0x18F80] =	vst v32  }
0x125: {  	v29 =	vld [tilespmem:s28+$0x0]  }
0x126: {  	s26 =	sshra.s32 s0, $0x2  }
0x127: {  	v28 =	vld [tilespmem:s26+$0x13A00];
	_ =	sdelay $0x2  }
0x128: {  	v30 =	vbroadcast v29, $0x7;
	v31 =	vbroadcast v29, $0xF;
	(v2sf) =	vpush v29, $0x1  }
0x129: {  	(v2sf) =	vpush v29, $0x8  }
0x12a: {  	v28 =	vmul.f32 v28, v30;
	(v2sf) =	vpush v29, $0x7  }
0x12b: {  	(v2sf) =	vpush v29, $0xF  }
0x12c: {  	(v2sf) =	vpush v29, $0x0  }
0x12d: {  	(v2sf) =	vpush v29, $0x9  }
0x12e: {  	(v2sf) =	vpush v29, $0x2  }
0x12f: {  	(v2sf) =	vpush v29, $0xA  }
0x130: {  	v33 =	vld [tilespmem:s26+$0x13A70];
	(v2sf) =	vpush v29, $0x3  }
0x131: {  	v34 =	vld [tilespmem:s26+$0x13A80];
	(v2sf) =	vpush v29, $0xB  }
0x132: {  	v32 =	vld [tilespmem:s26+$0x139F0];
	(v2sf) =	vpush v29, $0x4  }
0x133: {  	v35 =	vld [tilespmem:s26+$0x139D0];
	(v2sf) =	vpush v29, $0x5  }
0x134: {  	v36 =	vld [tilespmem:s26+$0x13A50];
	(v2sf) =	vpush v29, $0x6  }
0x135: {  	v37 =	vld [tilespmem:s26+$0x13A60];
	(v2sf) =	vpush v29, $0xC  }
0x136: {  	v38 =	vld [tilespmem:s26+$0x139E0];
	(v2sf) =	vpush v29, $0xD  }
0x137: {  	s0 =	spop (v2sf);
	(v2sf) =	vpush v29, $0xE  }
0x138: {  	v29 =	vmul.f32 v35, v30;
	s1 =	spop (v2sf)  }
0x139: {  	v32 =	vmul.f32 v32, v30;
	v36 =	vmul.f32 v36, v31;
	s9 =	spop (v2sf)  }
0x13a: {  	v34 =	vmul.f32 v34, v31;
	s13 =	smul.f32 s0, s9;
	v39 =	vmul.f32 v37, v31;
	s0 =	spop (v2sf)  }
0x13b: {  	v31 =	vmul.f32 v33, v31;
	v38 =	vmul.f32 v38, v30;
	s1 =	smul.f32 s1, s0;
	s10 =	spop (v2sf)  }
0x13c: {  	s17 =	smul.f32 s10, s9;
	v33 =	vmul.f32 s13, v5;
	v30 =	vmul.f32 s13, v6;
	s10 =	spop (v2sf)  }
0x13d: {  	v40 =	vmul.f32 s13, v0;
	s24 =	smul.f32 s10, s0;
	v37 =	vmul.f32 s1, v3;
	s10 =	spop (v2sf)  }
0x13e: {  	v35 =	vmul.f32 s13, v7;
	v44 =	vmul.f32 s1, v2;
	s10 =	smul.f32 s10, s9;
	s13 =	spop (v2sf)  }
0x13f: {  	v47 =	vmul.f32 s1, v1;
	s13 =	smul.f32 s13, s0;
	v31 =	vadd.f32 v31, v37;
	v41 =	vmul.f32 s24, v6;
	s15 =	spop (v2sf)  }
0x140: {  	v48 =	vmul.f32 s1, v4;
	v45 =	vmul.f32 s17, v2;
	s23 =	smul.f32 s15, s9;
	s1 =	spop (v2sf)  }
0x141: {  	v42 =	vmul.f32 s24, v7;
	v37 =	vmul.f32 s10, v9;
	s15 =	smul.f32 s1, s0;
	v43 =	vadd.f32 v31, v41;
	s1 =	spop (v2sf)  }
0x142: {  	v46 =	vmul.f32 s17, v1;
	v31 =	vadd.f32 v45, v38;
	v41 =	vmul.f32 s13, v8;
	s20 =	smul.f32 s1, s9;
	s1 =	spop (v2sf)  }
0x143: {  	v49 =	vmul.f32 s17, v3;
	v39 =	vadd.f32 v39, v44;
	v44 =	vadd.f32 v34, v48;
	s19 =	smul.f32 s1, s9;
	s1 =	spop (v2sf)  }
0x144: {  	v48 =	vmul.f32 s17, v4;
	v34 =	vmul.f32 s10, v14;
	v31 =	vadd.f32 v31, v40;
	s9 =	smul.f32 s1, s9;
	s1 =	spop (v2sf)  }
0x145: {  	s17 =	smul.f32 s1, s0;
	s1 =	spop (v2sf)  }
0x146: {  	v36 =	vadd.f32 v36, v47;
	v45 =	vmul.f32 s10, v11;
	v38 =	vmul.f32 s24, v5;
	s22 =	smul.f32 s1, s0  }
.Ltmp1:
0x147: {  	v40 =	vmul.f32 s20, v12;
	v31 =	vadd.f32 v31, v34;
	v34 =	vmul.f32 s23, v18;
	s1 =	spop (v2sf);
	(pc) =	sbr.rel @p1 .LBB2_5-.Ltmp1, $4  }
0x148: {  	v47 =	vmul.f32 s13, v11;
	v38 =	vadd.f32 v36, v38;
	s31 =	smul.f32 s1, s0;
	v36 =	vmul.f32 s17, v16  }
0x149: {  	v50 =	vmul.f32 s15, v15;
	v53 =	vadd.f32 v31, v34;
	v34 =	vmul.f32 s22, v13  }
0x14a: {  	v52 =	vmul.f32 s15, v17;
	v51 =	vadd.f32 v38, v47;
	v31 =	vmul.f32 s31, v19  }
0x14b: {  	v47 =	vmul.f32 s13, v14;
	v38 =	vmul.f32 s22, v20;
	v40 =	vadd.f32 v53, v40  }
0x14c: {  	v1 =	vmul.f32 s31, v27  }
0x14d: {  	v2 =	vadd.f32 v32, v49;
	v3 =	vmul.f32 s15, v10;
	v4 =	vmul.f32 s23, v17  }
0x14e: {  	v5 =	vadd.f32 v46, v29;
	v6 =	vmul.f32 s22, v26;
	v7 =	vmul.f32 s22, v25  }
0x14f: {  	v11 =	vadd.f32 v28, v48;
	v14 =	vmul.f32 s15, v18;
	v17 =	vmul.f32 s20, v21  }
0x150: {  	v18 =	vmul.f32 s17, v22;
	v9 =	vmul.f32 s13, v9;
	v29 =	vadd.f32 v44, v42  }
0x151: {  	v21 =	vmul.f32 s17, v21;
	v5 =	vadd.f32 v5, v33;
	v11 =	vadd.f32 v11, v35  }
0x152: {  	v0 =	vmul.f32 s24, v0;
	v2 =	vadd.f32 v2, v30;
	v9 =	vadd.f32 v43, v9  }
0x153: {  	v28 =	vmul.f32 s9, v24;
	v30 =	vadd.f32 v51, v52;
	v29 =	vadd.f32 v29, v41  }
0x154: {  	v8 =	vmul.f32 s10, v8;
	v0 =	vadd.f32 v39, v0;
	v2 =	vadd.f32 v2, v37  }
0x155: {  	v15 =	vmul.f32 s23, v15;
	v9 =	vadd.f32 v9, v50;
	v5 =	vadd.f32 v5, v45  }
0x156: {  	v22 =	vmul.f32 s20, v22;
	v8 =	vadd.f32 v11, v8;
	v0 =	vadd.f32 v0, v47  }
0x157: {  	v11 =	vmul.f32 s17, v12;
	v3 =	vadd.f32 v29, v3;
	v2 =	vadd.f32 v2, v15  }
0x158: {  	v15 =	vmul.f32 s19, v25;
	v4 =	vadd.f32 v5, v4;
	v9 =	vadd.f32 v9, v18  }
0x159: {  	v5 =	vmul.f32 s23, v10;
	v0 =	vadd.f32 v0, v14;
	v3 =	vadd.f32 v3, v36  }
0x15a: {  	v25 =	vmul.f32 s19, v26;
	v2 =	vadd.f32 v2, v22;
	v4 =	vadd.f32 v4, v17  }
0x15b: {  	v12 =	vmul.f32 s20, v16;
	v6 =	vadd.f32 v9, v6;
	v5 =	vadd.f32 v8, v5  }
0x15c: {  	v10 =	vmul.f32 s9, v27;
	v0 =	vadd.f32 v0, v11;
	v2 =	vadd.f32 v2, v25  }
0x15d: {  	v14 =	vmul.f32 s19, v20;
	v1 =	vadd.f32 v6, v1;
	v4 =	vadd.f32 v4, v15  }
0x15e: {  	v9 =	vmul.f32 s9, v19;
	v5 =	vadd.f32 v5, v12;
	v0 =	vadd.f32 v0, v34  }
0x15f: {  	v6 =	vmul.f32 s19, v13;
	v2 =	vadd.f32 v2, v10;
	v10 =	vadd.f32 v30, v21  }
0x160: {  	v4 =	vadd.f32 v4, v9;
	v9 =	vmul.f32 s31, v23;
	v1 =	vmax.f32 v1, $0.0e+00  }
0x161: {  	v8 =	vmul.f32 s9, v23;
	v6 =	vadd.f32 v40, v6;
	[tilespmem:s26+$0x18F70] =	vst v1;
	v1 =	vadd.f32 v5, v14  }
0x162: {  	v2 =	vmax.f32 v2, $0.0e+00;
	v7 =	vadd.f32 v10, v7;
	v0 =	vadd.f32 v0, v9  }
0x163: {  	v4 =	vmax.f32 v4, $0.0e+00;
	[tilespmem:s26+$0x18EF0] =	vst v2;
	v2 =	vadd.f32 v3, v38;
	v3 =	vadd.f32 v6, v8  }
0x164: {  	v5 =	vmul.f32 s31, v24;
	[tilespmem:s26+$0x18ED0] =	vst v4;
	v1 =	vadd.f32 v1, v28;
	v0 =	vmax.f32 v0, $0.0e+00  }
0x165: {  	v4 =	vadd.f32 v7, v31;
	v3 =	vmax.f32 v3, $0.0e+00;
	[tilespmem:s26+$0x18F60] =	vst v0  }
0x166: {  	v2 =	vadd.f32 v2, v5;
	v0 =	vmax.f32 v1, $0.0e+00;
	[tilespmem:s26+$0x18EE0] =	vst v3  }
0x167: {  	v3 =	vmax.f32 v4, $0.0e+00;
	[tilespmem:s26+$0x18F00] =	vst v0  }
0x168: {  	[tilespmem:s26+$0x18F50] =	vst v3;
	v1 =	vmax.f32 v2, $0.0e+00  }
0x169: {  	p1 =	seq.s32 s25, $0x3D;
	s1 =	simm.s32 $0x13980;
	s18 =	simm.s32 $0x18F80;
	[tilespmem:s26+$0x18F80] =	vst v1  }
0x16a: {  	[spmem:s21] =	stream.indirect.scatter.add.f32 [tilespmem:s18], [sflag:$0x6], $0x80, s1, s11, $0xb8;
	[tilespmem:$0x1E380] =	vst v63  }
0x16b: {  	s0 =	smul.u32 @!p1 $0xA0, s25;
	_ =	swait.ge [sflag:s30], $0x2800  }
0x16c: {  	s1 =	rddreg [dreg:$0x10]  }
0x16d: {  	s0 =	sadd.s32 @!p1 s0, s1  }
0x16e: {  	s1 =	sadd.s32 @!p1 s4, s0  }
0x16f: {  	s10 =	simm.s32 @!p1 $0x13880;
	[sflag:s30] =	ssyncset.done $0x0;
	s1 =	sshrl.u32 @!p1 s1, $0x3  }
0x170: {  	s9 =	simm.s32 @!p1 $0x0;
	[sflag:s30] =	ssyncadd.s32 $0xFFFFD800;
	s1 =	sadd.s32 @!p1 s7, s1  }
0x171: {  	[tilespmem:s10], [sflag:$0x1] =	stream.linear.gather @!p1 [hbm4b:s1+s9], $0x50, $0x38;
	[tilespmem:$0x1E380] =	vst v63  }
0x172: {  	s1 =	sshrl.u32 @!p1 s0, $0x3  }
0x173: {  	s13 =	simm.s32 @!p1 $0x13980;
	s1 =	sadd.s32 @!p1 s8, s1  }
0x174: {  	[tilespmem:s13], [sflag:$0x1] =	stream.linear.gather @!p1 [hbm4b:s1+s9], $0x50, $0x38;
	[tilespmem:$0x1E380] =	vst v63  }
0x175: {  	s0 =	sadd.s32 @!p1 s6, s0;
	s1 =	simm.s32 @!p1 $0x18A80  }
0x176: {  	[tilespmem:s1], [sflag:$0x1] =	stream.linear.gather @!p1 [hbm4b:s0+s9], $0x280, $0x38;
	[tilespmem:$0x1E380] =	vst v63  }
0x177: {  	s0 =	simm.s32 @!p1 $0x1  }
0x178: {  	_ =	swait.ge @!p1 [sflag:s0], $0x50  }
0x179: {  	[sflag:s0] =	ssyncset.done @!p1 $0x0  }
0x17a: {  	[sflag:s0] =	ssyncadd.s32 @!p1 $0xFFFFFFB0  }
0x17b: {  	_ =	swait.ge @!p1 [sflag:s0], $0x50  }
0x17c: {  	[sflag:s0] =	ssyncset.done @!p1 $0x0  }
0x17d: {  	[sflag:s0] =	ssyncadd.s32 @!p1 $0xFFFFFFB0  }
0x17e: {  	_ =	swait.ge @!p1 [sflag:s0], $0x280  }
0x17f: {  	[sflag:s0] =	ssyncset.done @!p1 $0x0  }
0x180: {  	s1 =	simm.s32 @!p1 $0x13A80;
	[sflag:s0] =	ssyncadd.s32 @!p1 $0xFFFFFD80;
	s0 =	simm.s32 @!p1 $0x50  }
0x181: {  	[tilespmem:s1], [sflag:$0x3] =	stream.indirect.gather @!p1 [hbm4b:s5+s0], $0x80, s10, s0, $0xb8;
	[tilespmem:$0x1E380] =	vst v63  }
0x182: {  	_ =	swait.ge [sflag:s16], $0x2800  }
0x183: {  	[sflag:s16] =	ssyncset.done $0x0  }
0x184: {  	s28 =	simm.s32 $0x18D00;
	[sflag:s16] =	ssyncadd.s32 $0xFFFFD800  }
0x185: {  	v8 =	vld [tilespmem:s28+$0x0];
	_ =	sdelay $0x4  }
0x186: {  	v1 =	vld [tilespmem:$0x1DF80];
	(v2sf) =	vpush v8, $0x1  }
0x187: {  	v2 =	vld [tilespmem:$0x1DF90];
	(v2sf) =	vpush v8, $0x8  }
0x188: {  	v3 =	vld [tilespmem:$0x1DFA0];
	(v2sf) =	vpush v8, $0x7  }
0x189: {  	v4 =	vld [tilespmem:$0x1DFB0];
	(v2sf) =	vpush v8, $0xF  }
0x18a: {  	v5 =	vld [tilespmem:$0x1E000];
	(v2sf) =	vpush v8, $0x0  }
0x18b: {  	v0 =	vld [tilespmem:$0x1E010];
	(v2sf) =	vpush v8, $0x9  }
0x18c: {  	v6 =	vld [tilespmem:$0x1E020]  }
0x18d: {  	s26 =	simm.s32 $0xB0;
	v7 =	vld [tilespmem:$0x1E030]  }
0x18e: {  	v9 =	vld [tilespmem:s26+$0x16200];
	(v2sf) =	vpush v8, $0x2  }
0x18f: {  	v12 =	vld [tilespmem:s26+$0x16280];
	(v2sf) =	vpush v8, $0xA  }
0x190: {  	v13 =	vld [tilespmem:s26+$0x161F0];
	(v2sf) =	vpush v8, $0x3  }
0x191: {  	v15 =	vld [tilespmem:s26+$0x161D0];
	(v2sf) =	vpush v8, $0xB  }
0x192: {  	v16 =	vld [tilespmem:s26+$0x16250];
	(v2sf) =	vpush v8, $0x4  }
0x193: {  	v17 =	vld [tilespmem:s26+$0x16260];
	(v2sf) =	vpush v8, $0x5  }
0x194: {  	v19 =	vld [tilespmem:s26+$0x161E0];
	v18 =	vbroadcast v8, $0x7;
	(v2sf) =	vpush v8, $0x6  }
0x195: {  	v10 =	vld [tilespmem:s26+$0x16270];
	(v2sf) =	vpush v8, $0xC;
	s19 =	spop (v2sf)  }
0x196: {  	v11 =	vld [tilespmem:$0x1E080];
	v20 =	vbroadcast v8, $0xF;
	v28 =	vmul.f32 v9, v18;
	(v2sf) =	vpush v8, $0xD;
	s20 =	spop (v2sf)  }
0x197: {  	v14 =	vld [tilespmem:$0x1E090];
	v29 =	vmul.f32 v15, v18;
	v32 =	vmul.f32 v13, v18;
	(v2sf) =	vpush v8, $0xE;
	s0 =	spop (v2sf)  }
0x198: {  	v21 =	vld [tilespmem:$0x1E180];
	v23 =	vmul.f32 v16, v20;
	v24 =	vmul.f32 v17, v20;
	s1 =	smul.f32 s19, s0;
	s9 =	spop (v2sf)  }
0x199: {  	v22 =	vld [tilespmem:$0x1E1A0];
	v25 =	vmul.f32 v12, v20;
	v13 =	vmul.f32 v19, v18;
	s23 =	spop (v2sf)  }
0x19a: {  	v9 =	vld [tilespmem:$0x1E0A0];
	v12 =	vmul.f32 v10, v20;
	s22 =	smul.f32 s20, s9;
	v33 =	vmul.f32 s1, v5;
	s17 =	spop (v2sf)  }
0x19b: {  	v17 =	vld [tilespmem:$0x1E100];
	v30 =	vmul.f32 s1, v6;
	v20 =	vmul.f32 s1, v0;
	s24 =	smul.f32 s17, s9  }
0x19c: {  	v18 =	vld [tilespmem:$0x1E110];
	v35 =	vmul.f32 s1, v7;
	v16 =	vmul.f32 s22, v3;
	s17 =	smul.f32 s23, s0  }
0x19d: {  	v15 =	vld [tilespmem:$0x1E120];
	s18 =	spop (v2sf);
	v19 =	vmul.f32 s22, v2;
	v26 =	vmul.f32 s22, v1  }
0x19e: {  	v8 =	vld [tilespmem:$0x1E0B0];
	s19 =	spop (v2sf);
	v16 =	vadd.f32 v12, v16;
	v27 =	vmul.f32 s24, v6;
	v31 =	vmul.f32 s17, v2  }
0x19f: {  	v10 =	vld [tilespmem:$0x1E130];
	v60 =	vmul.f32 s22, v4;
	s10 =	smul.f32 s18, s0;
	s18 =	spop (v2sf);
	v42 =	vmul.f32 s24, v7  }
0x1a0: {  	v12 =	vld [tilespmem:$0x1E190];
	v46 =	vmul.f32 s17, v1;
	s20 =	spop (v2sf);
	v43 =	vadd.f32 v16, v27;
	v27 =	vadd.f32 v31, v13  }
0x1a1: {  	s13 =	smul.f32 s19, s9;
	v49 =	vmul.f32 s17, v3;
	v39 =	vadd.f32 v24, v19;
	v19 =	vld [tilespmem:$0x1E280];
	v48 =	vmul.f32 s17, v4;
	s22 =	spop (v2sf)  }
0x1a2: {  	v37 =	vmul.f32 s10, v9;
	s23 =	smul.f32 s18, s0;
	v16 =	vld [tilespmem:$0x1E1B0];
	s18 =	spop (v2sf);
	v24 =	vadd.f32 v27, v20;
	v27 =	vmul.f32 s10, v14  }
0x1a3: {  	v23 =	vadd.f32 v23, v26;
	v45 =	vmul.f32 s10, v11;
	v41 =	vmul.f32 s13, v8;
	v13 =	vld [tilespmem:$0x1E210];
	s15 =	smul.f32 s20, s9;
	s1 =	spop (v2sf)  }
0x1a4: {  	v31 =	vmul.f32 s24, v5;
	s20 =	smul.f32 s22, s0;
	v20 =	vld [tilespmem:$0x1E230];
	s19 =	spop (v2sf);
	v24 =	vadd.f32 v24, v27;
	v27 =	vmul.f32 s23, v18  }
0x1a5: {  	v44 =	vadd.f32 v25, v60;
	v25 =	vld [tilespmem:$0x1E200];
	v62 =	vmul.f32 s13, v11;
	v47 =	vmul.f32 s13, v14;
	s17 =	smul.f32 s19, s9;
	s22 =	spop (v2sf)  }
0x1a6: {  	v31 =	vadd.f32 v23, v31;
	v50 =	vmul.f32 s15, v15;
	s22 =	smul.f32 s22, s9;
	s19 =	spop (v2sf);
	v63 =	vadd.f32 v24, v27;
	v27 =	vld [tilespmem:$0x1E2A0]  }
0x1a7: {  	v26 =	vld [tilespmem:$0x1E220];
	v52 =	vmul.f32 s15, v17;
	v61 =	vmul.f32 s20, v12;
	s31 =	smul.f32 s19, s9  }
0x1a8: {  	v23 =	vld [tilespmem:$0x1E290];
	v51 =	vadd.f32 v31, v62;
	v36 =	vmul.f32 s17, v16;
	s19 =	smul.f32 s18, s0;
	v34 =	vmul.f32 s22, v13  }
0x1a9: {  	v24 =	vld [tilespmem:$0x1E2B0];
	s9 =	smul.f32 s1, s0;
	s18 =	simm.s32 $0x6C0;
	v38 =	vmul.f32 s22, v20;
	v31 =	vmul.f32 s31, v19;
	v40 =	vadd.f32 v63, v61  }
.LBB2_7:
0x1aa: {  	p2 =	sne.s32 s18, $0x9EC0  }
0x1ab: {  	v32 =	vadd.f32 v32, v49;
	v49 =	vmul.f32 s31, v27;
	v53 =	vmul.f32 s15, v10;
	s28 =	sadd.s32 $0x10, s28;
	s0 =	smov.u32 s18;
	s18 =	sadd.s32 $0x400, s18  }
0x1ac: {  	v29 =	vadd.f32 v46, v29;
	v46 =	vmul.f32 s23, v17;
	v54 =	vmul.f32 s22, v26  }
0x1ad: {  	v28 =	vadd.f32 v28, v48;
	v48 =	vmul.f32 s22, v25;
	v55 =	vmul.f32 s15, v18  }
0x1ae: {  	v56 =	vmul.f32 s17, v22;
	v29 =	vadd.f32 v29, v33;
	v33 =	vmul.f32 s20, v21  }
0x1af: {  	v57 =	vmul.f32 s13, v9;
	v28 =	vadd.f32 v28, v35;
	v35 =	vmul.f32 s17, v21  }
0x1b0: {  	v58 =	vmul.f32 s24, v0;
	v30 =	vadd.f32 v32, v30;
	v32 =	vmul.f32 s9, v24  }
0x1b1: {  	v59 =	vmul.f32 s23, v15;
	v42 =	vadd.f32 v44, v42;
	v43 =	vadd.f32 v43, v57  }
0x1b2: {  	v44 =	vadd.f32 v51, v52;
	v30 =	vadd.f32 v30, v37;
	v37 =	vmul.f32 s10, v8  }
0x1b3: {  	v51 =	vmul.f32 s20, v22;
	v41 =	vadd.f32 v42, v41;
	v43 =	vadd.f32 v43, v50  }
0x1b4: {  	v42 =	vmul.f32 s19, v25;
	v29 =	vadd.f32 v29, v45;
	v30 =	vadd.f32 v30, v59  }
0x1b5: {  	v45 =	vmul.f32 s19, v26;
	v28 =	vadd.f32 v28, v37;
	v37 =	vadd.f32 v39, v58  }
0x1b6: {  	v29 =	vadd.f32 v29, v46;
	v39 =	vmul.f32 s23, v10;
	v30 =	vadd.f32 v30, v51  }
0x1b7: {  	v46 =	vmul.f32 s9, v27;
	v43 =	vadd.f32 v43, v56;
	v37 =	vadd.f32 v37, v47  }
0x1b8: {  	v41 =	vadd.f32 v41, v53;
	v30 =	vadd.f32 v30, v45;
	v45 =	vmul.f32 s17, v12  }
0x1b9: {  	v29 =	vadd.f32 v29, v33;
	v33 =	vmul.f32 s20, v16;
	v43 =	vadd.f32 v43, v54  }
0x1ba: {  	v47 =	vmul.f32 s9, v19;
	v37 =	vadd.f32 v37, v55;
	v30 =	vadd.f32 v30, v46  }
0x1bb: {  	v35 =	vadd.f32 v44, v35;
	v43 =	vadd.f32 v43, v49;
	v46 =	vmul.f32 s19, v20  }
0x1bc: {  	v28 =	vadd.f32 v28, v39;
	v30 =	vmax.f32 v30, $0.0e+00  }
0x1bd: {  	v29 =	vadd.f32 v29, v42;
	[tilespmem:s26+$0x1B6F0] =	vst v30;
	v30 =	vadd.f32 v37, v45;
	v37 =	vmax.f32 v43, $0.0e+00  }
0x1be: {  	v35 =	vadd.f32 v35, v48;
	v36 =	vadd.f32 v41, v36;
	v39 =	vmul.f32 s19, v13;
	[tilespmem:s26+$0x1B770] =	vst v37  }
0x1bf: {  	v28 =	vadd.f32 v28, v33;
	v37 =	vmul.f32 s9, v23;
	v30 =	vadd.f32 v30, v34  }
0x1c0: {  	v33 =	vadd.f32 v40, v39;
	v34 =	vadd.f32 v36, v38;
	v36 =	vmul.f32 s31, v24  }
0x1c1: {  	v29 =	vadd.f32 v29, v47;
	v28 =	vadd.f32 v28, v46;
	v38 =	vmul.f32 s31, v23  }
0x1c2: {  	v33 =	vadd.f32 v33, v37;
	v34 =	vadd.f32 v34, v36  }
0x1c3: {  	v29 =	vmax.f32 v29, $0.0e+00;
	v28 =	vadd.f32 v28, v32;
	v30 =	vadd.f32 v30, v38  }
0x1c4: {  	v31 =	vadd.f32 v35, v31;
	v32 =	vmax.f32 v34, $0.0e+00;
	[tilespmem:s26+$0x1B6D0] =	vst v29;
	v29 =	vmax.f32 v33, $0.0e+00  }
0x1c5: {  	v28 =	vmax.f32 v28, $0.0e+00;
	[tilespmem:s26+$0x1B6E0] =	vst v29;
	v29 =	vmax.f32 v30, $0.0e+00  }
0x1c6: {  	v30 =	vmax.f32 v31, $0.0e+00;
	[tilespmem:s26+$0x1B760] =	vst v29  }
0x1c7: {  	[tilespmem:s26+$0x1B750] =	vst v30  }
0x1c8: {  	[tilespmem:s26+$0x1B700] =	vst v28  }
0x1c9: {  	[tilespmem:s26+$0x1B780] =	vst v32  }
0x1ca: {  	v29 =	vld [tilespmem:s28+$0x0]  }
0x1cb: {  	s26 =	sshra.s32 s0, $0x2  }
0x1cc: {  	v28 =	vld [tilespmem:s26+$0x16200];
	_ =	sdelay $0x2  }
0x1cd: {  	v30 =	vbroadcast v29, $0x7;
	v31 =	vbroadcast v29, $0xF;
	(v2sf) =	vpush v29, $0x1  }
0x1ce: {  	(v2sf) =	vpush v29, $0x8  }
0x1cf: {  	v28 =	vmul.f32 v28, v30;
	(v2sf) =	vpush v29, $0x7  }
0x1d0: {  	(v2sf) =	vpush v29, $0xF  }
0x1d1: {  	(v2sf) =	vpush v29, $0x0  }
0x1d2: {  	(v2sf) =	vpush v29, $0x9  }
0x1d3: {  	(v2sf) =	vpush v29, $0x2  }
0x1d4: {  	(v2sf) =	vpush v29, $0xA  }
0x1d5: {  	v33 =	vld [tilespmem:s26+$0x16270];
	(v2sf) =	vpush v29, $0x3  }
0x1d6: {  	v34 =	vld [tilespmem:s26+$0x16280];
	(v2sf) =	vpush v29, $0xB  }
0x1d7: {  	v32 =	vld [tilespmem:s26+$0x161F0];
	(v2sf) =	vpush v29, $0x4  }
0x1d8: {  	v35 =	vld [tilespmem:s26+$0x161D0];
	(v2sf) =	vpush v29, $0x5  }
0x1d9: {  	v36 =	vld [tilespmem:s26+$0x16250];
	(v2sf) =	vpush v29, $0x6  }
0x1da: {  	v37 =	vld [tilespmem:s26+$0x16260];
	(v2sf) =	vpush v29, $0xC  }
0x1db: {  	v38 =	vld [tilespmem:s26+$0x161E0];
	(v2sf) =	vpush v29, $0xD  }
0x1dc: {  	s0 =	spop (v2sf);
	(v2sf) =	vpush v29, $0xE  }
0x1dd: {  	v29 =	vmul.f32 v35, v30;
	s1 =	spop (v2sf)  }
0x1de: {  	v32 =	vmul.f32 v32, v30;
	v36 =	vmul.f32 v36, v31;
	s9 =	spop (v2sf)  }
0x1df: {  	v34 =	vmul.f32 v34, v31;
	s13 =	smul.f32 s0, s9;
	v39 =	vmul.f32 v37, v31;
	s0 =	spop (v2sf)  }
0x1e0: {  	v31 =	vmul.f32 v33, v31;
	v38 =	vmul.f32 v38, v30;
	s1 =	smul.f32 s1, s0;
	s10 =	spop (v2sf)  }
0x1e1: {  	s17 =	smul.f32 s10, s9;
	v33 =	vmul.f32 s13, v5;
	v30 =	vmul.f32 s13, v6;
	s10 =	spop (v2sf)  }
0x1e2: {  	v40 =	vmul.f32 s13, v0;
	s24 =	smul.f32 s10, s0;
	v37 =	vmul.f32 s1, v3;
	s10 =	spop (v2sf)  }
0x1e3: {  	v35 =	vmul.f32 s13, v7;
	v44 =	vmul.f32 s1, v2;
	s10 =	smul.f32 s10, s9;
	s13 =	spop (v2sf)  }
0x1e4: {  	v47 =	vmul.f32 s1, v1;
	s13 =	smul.f32 s13, s0;
	v31 =	vadd.f32 v31, v37;
	v41 =	vmul.f32 s24, v6;
	s15 =	spop (v2sf)  }
0x1e5: {  	v48 =	vmul.f32 s1, v4;
	v45 =	vmul.f32 s17, v2;
	s23 =	smul.f32 s15, s9;
	s1 =	spop (v2sf)  }
0x1e6: {  	v42 =	vmul.f32 s24, v7;
	v37 =	vmul.f32 s10, v9;
	s15 =	smul.f32 s1, s0;
	v43 =	vadd.f32 v31, v41;
	s1 =	spop (v2sf)  }
0x1e7: {  	v46 =	vmul.f32 s17, v1;
	v31 =	vadd.f32 v45, v38;
	v41 =	vmul.f32 s13, v8;
	s20 =	smul.f32 s1, s9;
	s1 =	spop (v2sf)  }
0x1e8: {  	v49 =	vmul.f32 s17, v3;
	v39 =	vadd.f32 v39, v44;
	v44 =	vadd.f32 v34, v48;
	s19 =	smul.f32 s1, s9;
	s1 =	spop (v2sf)  }
0x1e9: {  	v48 =	vmul.f32 s17, v4;
	v34 =	vmul.f32 s10, v14;
	v31 =	vadd.f32 v31, v40;
	s9 =	smul.f32 s1, s9;
	s1 =	spop (v2sf)  }
0x1ea: {  	s17 =	smul.f32 s1, s0;
	s1 =	spop (v2sf)  }
0x1eb: {  	v36 =	vadd.f32 v36, v47;
	v45 =	vmul.f32 s10, v11;
	v38 =	vmul.f32 s24, v5;
	s22 =	smul.f32 s1, s0  }
.Ltmp2:
0x1ec: {  	v40 =	vmul.f32 s20, v12;
	v31 =	vadd.f32 v31, v34;
	v34 =	vmul.f32 s23, v18;
	s1 =	spop (v2sf);
	(pc) =	sbr.rel @p2 .LBB2_7-.Ltmp2, $4  }
0x1ed: {  	v47 =	vmul.f32 s13, v11;
	v38 =	vadd.f32 v36, v38;
	s31 =	smul.f32 s1, s0;
	v36 =	vmul.f32 s17, v16  }
0x1ee: {  	v50 =	vmul.f32 s15, v15;
	v53 =	vadd.f32 v31, v34;
	v34 =	vmul.f32 s22, v13  }
0x1ef: {  	v52 =	vmul.f32 s15, v17;
	v51 =	vadd.f32 v38, v47;
	v31 =	vmul.f32 s31, v19  }
0x1f0: {  	v47 =	vmul.f32 s13, v14;
	v38 =	vmul.f32 s22, v20;
	v40 =	vadd.f32 v53, v40  }
0x1f1: {  	v1 =	vmul.f32 s31, v27  }
0x1f2: {  	v2 =	vadd.f32 v32, v49;
	v3 =	vmul.f32 s15, v10;
	v4 =	vmul.f32 s23, v17  }
0x1f3: {  	v5 =	vadd.f32 v46, v29;
	v6 =	vmul.f32 s22, v26;
	v7 =	vmul.f32 s22, v25  }
0x1f4: {  	v11 =	vadd.f32 v28, v48;
	v14 =	vmul.f32 s15, v18;
	v17 =	vmul.f32 s20, v21  }
0x1f5: {  	v18 =	vmul.f32 s17, v22;
	v9 =	vmul.f32 s13, v9;
	v29 =	vadd.f32 v44, v42  }
0x1f6: {  	v21 =	vmul.f32 s17, v21;
	v5 =	vadd.f32 v5, v33;
	v11 =	vadd.f32 v11, v35  }
0x1f7: {  	v0 =	vmul.f32 s24, v0;
	v2 =	vadd.f32 v2, v30;
	v9 =	vadd.f32 v43, v9  }
0x1f8: {  	v28 =	vmul.f32 s9, v24;
	v30 =	vadd.f32 v51, v52;
	v29 =	vadd.f32 v29, v41  }
0x1f9: {  	v8 =	vmul.f32 s10, v8;
	v0 =	vadd.f32 v39, v0;
	v2 =	vadd.f32 v2, v37  }
0x1fa: {  	v15 =	vmul.f32 s23, v15;
	v9 =	vadd.f32 v9, v50;
	v5 =	vadd.f32 v5, v45  }
0x1fb: {  	v22 =	vmul.f32 s20, v22;
	v8 =	vadd.f32 v11, v8;
	v0 =	vadd.f32 v0, v47  }
0x1fc: {  	v11 =	vmul.f32 s17, v12;
	v3 =	vadd.f32 v29, v3;
	v2 =	vadd.f32 v2, v15  }
0x1fd: {  	v15 =	vmul.f32 s19, v25;
	v4 =	vadd.f32 v5, v4;
	v9 =	vadd.f32 v9, v18  }
0x1fe: {  	v5 =	vmul.f32 s23, v10;
	v0 =	vadd.f32 v0, v14;
	v3 =	vadd.f32 v3, v36  }
0x1ff: {  	v25 =	vmul.f32 s19, v26;
	v2 =	vadd.f32 v2, v22;
	v4 =	vadd.f32 v4, v17  }
0x200: {  	v12 =	vmul.f32 s20, v16;
	v6 =	vadd.f32 v9, v6;
	v5 =	vadd.f32 v8, v5  }
0x201: {  	v10 =	vmul.f32 s9, v27;
	v0 =	vadd.f32 v0, v11;
	v2 =	vadd.f32 v2, v25  }
0x202: {  	v14 =	vmul.f32 s19, v20;
	v1 =	vadd.f32 v6, v1;
	v4 =	vadd.f32 v4, v15  }
0x203: {  	v9 =	vmul.f32 s9, v19;
	v5 =	vadd.f32 v5, v12;
	v0 =	vadd.f32 v0, v34  }
0x204: {  	v6 =	vmul.f32 s19, v13;
	v2 =	vadd.f32 v2, v10;
	v10 =	vadd.f32 v30, v21  }
0x205: {  	v4 =	vadd.f32 v4, v9;
	v9 =	vmul.f32 s31, v23;
	v1 =	vmax.f32 v1, $0.0e+00  }
0x206: {  	v8 =	vmul.f32 s9, v23;
	v6 =	vadd.f32 v40, v6;
	[tilespmem:s26+$0x1B770] =	vst v1;
	v1 =	vadd.f32 v5, v14  }
0x207: {  	v2 =	vmax.f32 v2, $0.0e+00;
	v7 =	vadd.f32 v10, v7;
	v0 =	vadd.f32 v0, v9  }
0x208: {  	v4 =	vmax.f32 v4, $0.0e+00;
	[tilespmem:s26+$0x1B6F0] =	vst v2;
	v2 =	vadd.f32 v3, v38;
	v3 =	vadd.f32 v6, v8  }
0x209: {  	v5 =	vmul.f32 s31, v24;
	[tilespmem:s26+$0x1B6D0] =	vst v4;
	v1 =	vadd.f32 v1, v28;
	v0 =	vmax.f32 v0, $0.0e+00  }
0x20a: {  	v4 =	vadd.f32 v7, v31;
	v3 =	vmax.f32 v3, $0.0e+00;
	[tilespmem:s26+$0x1B760] =	vst v0  }
0x20b: {  	v2 =	vadd.f32 v2, v5;
	v0 =	vmax.f32 v1, $0.0e+00;
	[tilespmem:s26+$0x1B6E0] =	vst v3  }
0x20c: {  	v3 =	vmax.f32 v4, $0.0e+00;
	[tilespmem:s26+$0x1B700] =	vst v0  }
0x20d: {  	[tilespmem:s26+$0x1B750] =	vst v3;
	v1 =	vmax.f32 v2, $0.0e+00  }
0x20e: {  	s28 =	simm.s32 $0x18D00;
	[tilespmem:s26+$0x1B780] =	vst v1  }
0x20f: {  	v8 =	vld [tilespmem:s28+$0x0];
	_ =	sdelay $0x4  }
0x210: {  	v1 =	vld [tilespmem:$0x1DFC0];
	(v2sf) =	vpush v8, $0x1  }
0x211: {  	v2 =	vld [tilespmem:$0x1DFD0];
	(v2sf) =	vpush v8, $0x8  }
0x212: {  	v3 =	vld [tilespmem:$0x1DFE0];
	(v2sf) =	vpush v8, $0x7  }
0x213: {  	v4 =	vld [tilespmem:$0x1DFF0];
	(v2sf) =	vpush v8, $0xF  }
0x214: {  	v5 =	vld [tilespmem:$0x1E040];
	(v2sf) =	vpush v8, $0x0  }
0x215: {  	v0 =	vld [tilespmem:$0x1E050];
	(v2sf) =	vpush v8, $0x9  }
0x216: {  	v6 =	vld [tilespmem:$0x1E060]  }
0x217: {  	s26 =	simm.s32 $0xF0;
	v7 =	vld [tilespmem:$0x1E070]  }
0x218: {  	v9 =	vld [tilespmem:s26+$0x16200];
	(v2sf) =	vpush v8, $0x2  }
0x219: {  	v12 =	vld [tilespmem:s26+$0x16280];
	(v2sf) =	vpush v8, $0xA  }
0x21a: {  	v13 =	vld [tilespmem:s26+$0x161F0];
	(v2sf) =	vpush v8, $0x3  }
0x21b: {  	v15 =	vld [tilespmem:s26+$0x161D0];
	(v2sf) =	vpush v8, $0xB  }
0x21c: {  	v16 =	vld [tilespmem:s26+$0x16250];
	(v2sf) =	vpush v8, $0x4  }
0x21d: {  	v17 =	vld [tilespmem:s26+$0x16260];
	(v2sf) =	vpush v8, $0x5  }
0x21e: {  	v19 =	vld [tilespmem:s26+$0x161E0];
	v18 =	vbroadcast v8, $0x7;
	(v2sf) =	vpush v8, $0x6  }
0x21f: {  	v10 =	vld [tilespmem:s26+$0x16270];
	(v2sf) =	vpush v8, $0xC;
	s1 =	spop (v2sf)  }
0x220: {  	v11 =	vld [tilespmem:$0x1E0C0];
	v20 =	vbroadcast v8, $0xF;
	v28 =	vmul.f32 v9, v18;
	(v2sf) =	vpush v8, $0xD;
	s20 =	spop (v2sf)  }
0x221: {  	v14 =	vld [tilespmem:$0x1E0D0];
	v29 =	vmul.f32 v15, v18;
	v32 =	vmul.f32 v13, v18;
	(v2sf) =	vpush v8, $0xE;
	s0 =	spop (v2sf)  }
0x222: {  	v21 =	vld [tilespmem:$0x1E1C0];
	v23 =	vmul.f32 v16, v20;
	v24 =	vmul.f32 v17, v20;
	s1 =	smul.f32 s1, s0;
	s9 =	spop (v2sf)  }
0x223: {  	v22 =	vld [tilespmem:$0x1E1E0];
	v25 =	vmul.f32 v12, v20;
	v13 =	vmul.f32 v19, v18;
	s23 =	spop (v2sf)  }
0x224: {  	v9 =	vld [tilespmem:$0x1E0E0];
	v12 =	vmul.f32 v10, v20;
	s22 =	smul.f32 s20, s9;
	v33 =	vmul.f32 s1, v5;
	s17 =	spop (v2sf)  }
0x225: {  	v17 =	vld [tilespmem:$0x1E140];
	v30 =	vmul.f32 s1, v6;
	v20 =	vmul.f32 s1, v0;
	s24 =	smul.f32 s17, s9  }
0x226: {  	v18 =	vld [tilespmem:$0x1E150];
	v35 =	vmul.f32 s1, v7;
	v16 =	vmul.f32 s22, v3;
	s17 =	smul.f32 s23, s0  }
0x227: {  	v15 =	vld [tilespmem:$0x1E160];
	s18 =	spop (v2sf);
	v19 =	vmul.f32 s22, v2;
	v26 =	vmul.f32 s22, v1  }
0x228: {  	v8 =	vld [tilespmem:$0x1E0F0];
	s19 =	spop (v2sf);
	v16 =	vadd.f32 v12, v16;
	v27 =	vmul.f32 s24, v6;
	v31 =	vmul.f32 s17, v2  }
0x229: {  	v10 =	vld [tilespmem:$0x1E170];
	v60 =	vmul.f32 s22, v4;
	s10 =	smul.f32 s18, s0;
	s18 =	spop (v2sf);
	v42 =	vmul.f32 s24, v7  }
0x22a: {  	v12 =	vld [tilespmem:$0x1E1D0];
	v46 =	vmul.f32 s17, v1;
	s20 =	spop (v2sf);
	v43 =	vadd.f32 v16, v27;
	v27 =	vadd.f32 v31, v13  }
0x22b: {  	s13 =	smul.f32 s19, s9;
	v49 =	vmul.f32 s17, v3;
	v39 =	vadd.f32 v24, v19;
	v19 =	vld [tilespmem:$0x1E2C0];
	v48 =	vmul.f32 s17, v4;
	s22 =	spop (v2sf)  }
0x22c: {  	v37 =	vmul.f32 s10, v9;
	s23 =	smul.f32 s18, s0;
	v16 =	vld [tilespmem:$0x1E1F0];
	s18 =	spop (v2sf);
	v24 =	vadd.f32 v27, v20;
	v27 =	vmul.f32 s10, v14  }
0x22d: {  	v23 =	vadd.f32 v23, v26;
	v45 =	vmul.f32 s10, v11;
	v41 =	vmul.f32 s13, v8;
	v13 =	vld [tilespmem:$0x1E250];
	s15 =	smul.f32 s20, s9;
	s1 =	spop (v2sf)  }
0x22e: {  	v31 =	vmul.f32 s24, v5;
	s20 =	smul.f32 s22, s0;
	v20 =	vld [tilespmem:$0x1E270];
	s19 =	spop (v2sf);
	v24 =	vadd.f32 v24, v27;
	v27 =	vmul.f32 s23, v18  }
0x22f: {  	v44 =	vadd.f32 v25, v60;
	v25 =	vld [tilespmem:$0x1E240];
	v62 =	vmul.f32 s13, v11;
	v47 =	vmul.f32 s13, v14;
	s17 =	smul.f32 s19, s9;
	s22 =	spop (v2sf)  }
0x230: {  	v31 =	vadd.f32 v23, v31;
	v50 =	vmul.f32 s15, v15;
	s22 =	smul.f32 s22, s9;
	s19 =	spop (v2sf);
	v63 =	vadd.f32 v24, v27;
	v27 =	vld [tilespmem:$0x1E2E0]  }
0x231: {  	v26 =	vld [tilespmem:$0x1E260];
	v52 =	vmul.f32 s15, v17;
	v61 =	vmul.f32 s20, v12;
	s31 =	smul.f32 s19, s9  }
0x232: {  	v23 =	vld [tilespmem:$0x1E2D0];
	v51 =	vadd.f32 v31, v62;
	v36 =	vmul.f32 s17, v16;
	s19 =	smul.f32 s18, s0;
	v34 =	vmul.f32 s22, v13  }
0x233: {  	v24 =	vld [tilespmem:$0x1E2F0];
	s18 =	simm.s32 $0x7C0;
	s9 =	smul.f32 s1, s0;
	v38 =	vmul.f32 s22, v20;
	v31 =	vmul.f32 s31, v19;
	v40 =	vadd.f32 v63, v61  }
.LBB2_9:
0x234: {  	p2 =	sne.s32 s18, $0x9FC0  }
0x235: {  	v32 =	vadd.f32 v32, v49;
	v49 =	vmul.f32 s31, v27;
	v53 =	vmul.f32 s15, v10;
	s28 =	sadd.s32 $0x10, s28;
	s0 =	smov.u32 s18;
	s18 =	sadd.s32 $0x400, s18  }
0x236: {  	v29 =	vadd.f32 v46, v29;
	v46 =	vmul.f32 s23, v17;
	v54 =	vmul.f32 s22, v26  }
0x237: {  	v28 =	vadd.f32 v28, v48;
	v48 =	vmul.f32 s22, v25;
	v55 =	vmul.f32 s15, v18  }
0x238: {  	v56 =	vmul.f32 s17, v22;
	v29 =	vadd.f32 v29, v33;
	v33 =	vmul.f32 s20, v21  }
0x239: {  	v57 =	vmul.f32 s13, v9;
	v28 =	vadd.f32 v28, v35;
	v35 =	vmul.f32 s17, v21  }
0x23a: {  	v58 =	vmul.f32 s24, v0;
	v30 =	vadd.f32 v32, v30;
	v32 =	vmul.f32 s9, v24  }
0x23b: {  	v59 =	vmul.f32 s23, v15;
	v42 =	vadd.f32 v44, v42;
	v43 =	vadd.f32 v43, v57  }
0x23c: {  	v44 =	vadd.f32 v51, v52;
	v30 =	vadd.f32 v30, v37;
	v37 =	vmul.f32 s10, v8  }
0x23d: {  	v51 =	vmul.f32 s20, v22;
	v41 =	vadd.f32 v42, v41;
	v43 =	vadd.f32 v43, v50  }
0x23e: {  	v42 =	vmul.f32 s19, v25;
	v29 =	vadd.f32 v29, v45;
	v30 =	vadd.f32 v30, v59  }
0x23f: {  	v45 =	vmul.f32 s19, v26;
	v28 =	vadd.f32 v28, v37;
	v37 =	vadd.f32 v39, v58  }
0x240: {  	v29 =	vadd.f32 v29, v46;
	v39 =	vmul.f32 s23, v10;
	v30 =	vadd.f32 v30, v51  }
0x241: {  	v46 =	vmul.f32 s9, v27;
	v43 =	vadd.f32 v43, v56;
	v37 =	vadd.f32 v37, v47  }
0x242: {  	v41 =	vadd.f32 v41, v53;
	v30 =	vadd.f32 v30, v45;
	v45 =	vmul.f32 s17, v12  }
0x243: {  	v29 =	vadd.f32 v29, v33;
	v33 =	vmul.f32 s20, v16;
	v43 =	vadd.f32 v43, v54  }
0x244: {  	v47 =	vmul.f32 s9, v19;
	v37 =	vadd.f32 v37, v55;
	v30 =	vadd.f32 v30, v46  }
0x245: {  	v35 =	vadd.f32 v44, v35;
	v43 =	vadd.f32 v43, v49;
	v46 =	vmul.f32 s19, v20  }
0x246: {  	v28 =	vadd.f32 v28, v39;
	v30 =	vmax.f32 v30, $0.0e+00  }
0x247: {  	v29 =	vadd.f32 v29, v42;
	[tilespmem:s26+$0x1B6F0] =	vst v30;
	v30 =	vadd.f32 v37, v45;
	v37 =	vmax.f32 v43, $0.0e+00  }
0x248: {  	v35 =	vadd.f32 v35, v48;
	v36 =	vadd.f32 v41, v36;
	v39 =	vmul.f32 s19, v13;
	[tilespmem:s26+$0x1B770] =	vst v37  }
0x249: {  	v28 =	vadd.f32 v28, v33;
	v37 =	vmul.f32 s9, v23;
	v30 =	vadd.f32 v30, v34  }
0x24a: {  	v33 =	vadd.f32 v40, v39;
	v34 =	vadd.f32 v36, v38;
	v36 =	vmul.f32 s31, v24  }
0x24b: {  	v29 =	vadd.f32 v29, v47;
	v28 =	vadd.f32 v28, v46;
	v38 =	vmul.f32 s31, v23  }
0x24c: {  	v33 =	vadd.f32 v33, v37;
	v34 =	vadd.f32 v34, v36  }
0x24d: {  	v29 =	vmax.f32 v29, $0.0e+00;
	v28 =	vadd.f32 v28, v32;
	v30 =	vadd.f32 v30, v38  }
0x24e: {  	v31 =	vadd.f32 v35, v31;
	v32 =	vmax.f32 v34, $0.0e+00;
	[tilespmem:s26+$0x1B6D0] =	vst v29;
	v29 =	vmax.f32 v33, $0.0e+00  }
0x24f: {  	v28 =	vmax.f32 v28, $0.0e+00;
	[tilespmem:s26+$0x1B6E0] =	vst v29;
	v29 =	vmax.f32 v30, $0.0e+00  }
0x250: {  	v30 =	vmax.f32 v31, $0.0e+00;
	[tilespmem:s26+$0x1B760] =	vst v29  }
0x251: {  	[tilespmem:s26+$0x1B750] =	vst v30  }
0x252: {  	[tilespmem:s26+$0x1B700] =	vst v28  }
0x253: {  	[tilespmem:s26+$0x1B780] =	vst v32  }
0x254: {  	v29 =	vld [tilespmem:s28+$0x0]  }
0x255: {  	s26 =	sshra.s32 s0, $0x2  }
0x256: {  	v28 =	vld [tilespmem:s26+$0x16200];
	_ =	sdelay $0x2  }
0x257: {  	v30 =	vbroadcast v29, $0x7;
	v31 =	vbroadcast v29, $0xF;
	(v2sf) =	vpush v29, $0x1  }
0x258: {  	(v2sf) =	vpush v29, $0x8  }
0x259: {  	v28 =	vmul.f32 v28, v30;
	(v2sf) =	vpush v29, $0x7  }
0x25a: {  	(v2sf) =	vpush v29, $0xF  }
0x25b: {  	(v2sf) =	vpush v29, $0x0  }
0x25c: {  	(v2sf) =	vpush v29, $0x9  }
0x25d: {  	(v2sf) =	vpush v29, $0x2  }
0x25e: {  	(v2sf) =	vpush v29, $0xA  }
0x25f: {  	v33 =	vld [tilespmem:s26+$0x16270];
	(v2sf) =	vpush v29, $0x3  }
0x260: {  	v34 =	vld [tilespmem:s26+$0x16280];
	(v2sf) =	vpush v29, $0xB  }
0x261: {  	v32 =	vld [tilespmem:s26+$0x161F0];
	(v2sf) =	vpush v29, $0x4  }
0x262: {  	v35 =	vld [tilespmem:s26+$0x161D0];
	(v2sf) =	vpush v29, $0x5  }
0x263: {  	v36 =	vld [tilespmem:s26+$0x16250];
	(v2sf) =	vpush v29, $0x6  }
0x264: {  	v37 =	vld [tilespmem:s26+$0x16260];
	(v2sf) =	vpush v29, $0xC  }
0x265: {  	v38 =	vld [tilespmem:s26+$0x161E0];
	(v2sf) =	vpush v29, $0xD  }
0x266: {  	s0 =	spop (v2sf);
	(v2sf) =	vpush v29, $0xE  }
0x267: {  	v29 =	vmul.f32 v35, v30;
	s1 =	spop (v2sf)  }
0x268: {  	v32 =	vmul.f32 v32, v30;
	v36 =	vmul.f32 v36, v31;
	s9 =	spop (v2sf)  }
0x269: {  	v34 =	vmul.f32 v34, v31;
	s13 =	smul.f32 s0, s9;
	v39 =	vmul.f32 v37, v31;
	s0 =	spop (v2sf)  }
0x26a: {  	v31 =	vmul.f32 v33, v31;
	v38 =	vmul.f32 v38, v30;
	s1 =	smul.f32 s1, s0;
	s10 =	spop (v2sf)  }
0x26b: {  	s17 =	smul.f32 s10, s9;
	v33 =	vmul.f32 s13, v5;
	v30 =	vmul.f32 s13, v6;
	s10 =	spop (v2sf)  }
0x26c: {  	v40 =	vmul.f32 s13, v0;
	s24 =	smul.f32 s10, s0;
	v37 =	vmul.f32 s1, v3;
	s10 =	spop (v2sf)  }
0x26d: {  	v35 =	vmul.f32 s13, v7;
	v44 =	vmul.f32 s1, v2;
	s10 =	smul.f32 s10, s9;
	s13 =	spop (v2sf)  }
0x26e: {  	v47 =	vmul.f32 s1, v1;
	s13 =	smul.f32 s13, s0;
	v31 =	vadd.f32 v31, v37;
	v41 =	vmul.f32 s24, v6;
	s15 =	spop (v2sf)  }
0x26f: {  	v48 =	vmul.f32 s1, v4;
	v45 =	vmul.f32 s17, v2;
	s23 =	smul.f32 s15, s9;
	s1 =	spop (v2sf)  }
0x270: {  	v42 =	vmul.f32 s24, v7;
	v37 =	vmul.f32 s10, v9;
	s15 =	smul.f32 s1, s0;
	v43 =	vadd.f32 v31, v41;
	s1 =	spop (v2sf)  }
0x271: {  	v46 =	vmul.f32 s17, v1;
	v31 =	vadd.f32 v45, v38;
	v41 =	vmul.f32 s13, v8;
	s20 =	smul.f32 s1, s9;
	s1 =	spop (v2sf)  }
0x272: {  	v49 =	vmul.f32 s17, v3;
	v39 =	vadd.f32 v39, v44;
	v44 =	vadd.f32 v34, v48;
	s19 =	smul.f32 s1, s9;
	s1 =	spop (v2sf)  }
0x273: {  	v48 =	vmul.f32 s17, v4;
	v34 =	vmul.f32 s10, v14;
	v31 =	vadd.f32 v31, v40;
	s9 =	smul.f32 s1, s9;
	s1 =	spop (v2sf)  }
0x274: {  	s17 =	smul.f32 s1, s0;
	s1 =	spop (v2sf)  }
0x275: {  	v36 =	vadd.f32 v36, v47;
	v45 =	vmul.f32 s10, v11;
	v38 =	vmul.f32 s24, v5;
	s22 =	smul.f32 s1, s0  }
.Ltmp3:
0x276: {  	v40 =	vmul.f32 s20, v12;
	v31 =	vadd.f32 v31, v34;
	v34 =	vmul.f32 s23, v18;
	s1 =	spop (v2sf);
	(pc) =	sbr.rel @p2 .LBB2_9-.Ltmp3, $4  }
0x277: {  	v47 =	vmul.f32 s13, v11;
	v38 =	vadd.f32 v36, v38;
	s31 =	smul.f32 s1, s0;
	v36 =	vmul.f32 s17, v16  }
0x278: {  	v50 =	vmul.f32 s15, v15;
	v53 =	vadd.f32 v31, v34;
	v34 =	vmul.f32 s22, v13  }
0x279: {  	v52 =	vmul.f32 s15, v17;
	v51 =	vadd.f32 v38, v47;
	v31 =	vmul.f32 s31, v19  }
0x27a: {  	v47 =	vmul.f32 s13, v14;
	v38 =	vmul.f32 s22, v20;
	v40 =	vadd.f32 v53, v40  }
0x27b: {  	v1 =	vmul.f32 s31, v27;
	v3 =	vmul.f32 s15, v10  }
0x27c: {  	v4 =	vmul.f32 s23, v17;
	v6 =	vmul.f32 s22, v26  }
0x27d: {  	v2 =	vadd.f32 v32, v49;
	v7 =	vmul.f32 s22, v25;
	v14 =	vmul.f32 s15, v18  }
0x27e: {  	v5 =	vadd.f32 v46, v29;
	v61 =	vmul.f32 s20, v21;
	v62 =	vmul.f32 s17, v22  }
0x27f: {  	v11 =	vadd.f32 v28, v48;
	v9 =	vmul.f32 s13, v9;
	v63 =	vmul.f32 s17, v21  }
0x280: {  	v0 =	vmul.f32 s24, v0;
	v15 =	vmul.f32 s23, v15;
	v5 =	vadd.f32 v5, v33  }
0x281: {  	v8 =	vmul.f32 s10, v8;
	v11 =	vadd.f32 v11, v35;
	v2 =	vadd.f32 v2, v30  }
0x282: {  	v46 =	vmul.f32 s23, v10;
	v9 =	vadd.f32 v43, v9;
	v35 =	vadd.f32 v44, v42  }
0x283: {  	v48 =	vmul.f32 s17, v12;
	v42 =	vadd.f32 v51, v52;
	v0 =	vadd.f32 v39, v0  }
0x284: {  	v49 =	vmul.f32 s20, v16;
	v2 =	vadd.f32 v2, v37;
	v9 =	vadd.f32 v9, v50  }
0x285: {  	v53 =	vmul.f32 s19, v13;
	v29 =	vadd.f32 v35, v41;
	v5 =	vadd.f32 v5, v45  }
0x286: {  	v54 =	vmul.f32 s9, v23;
	v8 =	vadd.f32 v11, v8;
	v0 =	vadd.f32 v0, v47  }
0x287: {  	v55 =	vmul.f32 s31, v23;
	v51 =	vadd.f32 v42, v63;
	v2 =	vadd.f32 v2, v15  }
0x288: {  	v59 =	vmul.f32 s31, v24;
	v4 =	vadd.f32 v5, v4;
	v9 =	vadd.f32 v9, v62  }
0x289: {  	v43 =	vmul.f32 s20, v22;
	v3 =	vadd.f32 v29, v3;
	v0 =	vadd.f32 v0, v14  }
0x28a: {  	v33 =	vmul.f32 s9, v24;
	v5 =	vadd.f32 v8, v46;
	v7 =	vadd.f32 v51, v7  }
0x28b: {  	v44 =	vmul.f32 s19, v25;
	v2 =	vadd.f32 v2, v43;
	v4 =	vadd.f32 v4, v61  }
0x28c: {  	v45 =	vmul.f32 s19, v26;
	v6 =	vadd.f32 v9, v6;
	v0 =	vadd.f32 v0, v48  }
0x28d: {  	v52 =	vmul.f32 s19, v20;
	v3 =	vadd.f32 v3, v36;
	v5 =	vadd.f32 v5, v49  }
0x28e: {  	v47 =	vmul.f32 s9, v27;
	v60 =	vadd.f32 v7, v31;
	v2 =	vadd.f32 v2, v45  }
0x28f: {  	v50 =	vmul.f32 s9, v19;
	v1 =	vadd.f32 v6, v1;
	v4 =	vadd.f32 v4, v44  }
0x290: {  	v6 =	vadd.f32 v40, v53;
	v61 =	vmax.f32 v60, $0.0e+00;
	v2 =	vadd.f32 v2, v47  }
0x291: {  	v0 =	vadd.f32 v0, v34;
	[tilespmem:s26+$0x1B750] =	vst v61;
	v4 =	vadd.f32 v4, v50;
	v1 =	vmax.f32 v1, $0.0e+00  }
0x292: {  	v58 =	vadd.f32 v5, v52;
	v57 =	vadd.f32 v6, v54;
	[tilespmem:s26+$0x1B770] =	vst v1;
	v2 =	vmax.f32 v2, $0.0e+00  }
0x293: {  	v56 =	vadd.f32 v3, v38;
	v0 =	vadd.f32 v0, v55;
	v4 =	vmax.f32 v4, $0.0e+00;
	[tilespmem:s26+$0x1B6F0] =	vst v2  }
0x294: {  	v1 =	vadd.f32 v58, v33;
	v3 =	vmax.f32 v57, $0.0e+00;
	[tilespmem:s26+$0x1B6D0] =	vst v4  }
0x295: {  	v0 =	vmax.f32 v0, $0.0e+00;
	[tilespmem:s26+$0x1B6E0] =	vst v3;
	v2 =	vadd.f32 v56, v59  }
0x296: {  	[tilespmem:s26+$0x1B760] =	vst v0;
	v62 =	vmax.f32 v1, $0.0e+00  }
0x297: {  	[tilespmem:s26+$0x1B700] =	vst v62;
	v63 =	vmax.f32 v2, $0.0e+00  }
.Ltmp4:
0x298: {  	s0 =	simm.s32 $0x1B780;
	[tilespmem:s26+$0x1B780] =	vst v63;
	(pc) =	sbr.rel @p1 .LBB2_12-.Ltmp4, $4  }
0x299: {  	[spmem:s21] =	stream.indirect.scatter.add.f32 [tilespmem:s0], [sflag:$0x6], $0x80, s3, s11, $0xb8;
	[tilespmem:$0x1E380] =	vst v63  }
0x29a: {  	_ =	swait.ge [sflag:s30], $0x2800  }
0x29b: {  	[sflag:s30] =	ssyncset.done $0x0  }
0x29c: {  	[sflag:s30] =	ssyncadd.s32 $0xFFFFD800  }
0x29d: {  	s0 =	smul.u32 $0xA0, s25  }
0x29e: {  	s1 =	rddreg [dreg:$0x11]  }
0x29f: {  	s0 =	sadd.s32 s0, s1  }
0x2a0: {  	s1 =	sadd.s32 s4, s0  }
0x2a1: {  	s1 =	sshrl.u32 s1, $0x3  }
0x2a2: {  	s10 =	simm.s32 $0x13900;
	s1 =	sadd.s32 s7, s1  }
0x2a3: {  	[tilespmem:s10], [sflag:$0x2] =	stream.linear.gather [hbm4b:s1+s2], $0x50, $0x38;
	[tilespmem:$0x1E380] =	vst v63  }
.Ltmp5:
0x2a4: {  	s28 =	sshrl.u32 s0, $0x3;
	(pc) =	sbr.rel .LBB2_2-.Ltmp5, $4  }
0x2a5: {  	s1 =	sadd.s32 s8, s28  }
0x2a6: {  	[tilespmem:s3], [sflag:$0x2] =	stream.linear.gather [hbm4b:s1+s2], $0x50, $0x38;
	[tilespmem:$0x1E380] =	vst v63  }
0x2a7: {  	s31 =	simm.s32 $0x18D00;
	s25 =	sadd.s32 $0x1, s25;
	s0 =	sadd.s32 s6, s0  }
0x2a8: {  	[tilespmem:s31], [sflag:$0x2] =	stream.linear.gather [hbm4b:s0+s2], $0x280, $0x38;
	[tilespmem:$0x1E380] =	vst v63  }
.LBB2_12:
0x2a9: {  	s0 =	rddreg [dreg:$0x12];
	s31 =	simm.s32 $0x13880  }
0x2aa: {  	[tilespmem:s31], [sflag:$0x6] =	stream.linear.gather [hbm4b:s0+s2], $0x50, $0x38;
	[tilespmem:$0x1E380] =	vst v63  }
0x2ab: {  	_ =	swait.ge [sflag:s30], $0x50  }
0x2ac: {  	[sflag:s30] =	ssyncset.done $0x0  }
0x2ad: {  	s1 =	simm.s32 $0x13980;
	s15 =	rddreg [dreg:$0x13];
	[sflag:s30] =	ssyncadd.s32 $0xFFFFFFB0  }
0x2ae: {  	[tilespmem:s1], [sflag:$0x6] =	stream.linear.gather [hbm4b:s15+s2], $0x50, $0x38;
	[tilespmem:$0x1E380] =	vst v63  }
0x2af: {  	_ =	swait.ge [sflag:s30], $0x50  }
0x2b0: {  	[sflag:s30] =	ssyncset.done $0x0  }
0x2b1: {  	s26 =	simm.s32 $0x18A80;
	s17 =	rddreg [dreg:$0x14];
	[sflag:s30] =	ssyncadd.s32 $0xFFFFFFB0  }
0x2b2: {  	[tilespmem:s26], [sflag:$0x6] =	stream.linear.gather [hbm4b:s17+s2], $0x280, $0x38;
	[tilespmem:$0x1E380] =	vst v63  }
0x2b3: {  	_ =	swait.ge [sflag:s30], $0x280  }
0x2b4: {  	[sflag:s30] =	ssyncset.done $0x0  }
0x2b5: {  	s18 =	simm.s32 $0x13A80;
	s19 =	simm.s32 $0x5;
	[sflag:s30] =	ssyncadd.s32 $0xFFFFFD80  }
0x2b6: {  	[tilespmem:s18], [sflag:$0x5] =	stream.indirect.gather [hbm4b:s5+s11], $0x80, s31, s11, $0xb8;
	[tilespmem:$0x1E380] =	vst v63  }
0x2b7: {  	_ =	swait.ge [sflag:s19], $0x2800  }
0x2b8: {  	[sflag:s19] =	ssyncset.done $0x0  }
0x2b9: {  	[sflag:s19] =	ssyncadd.s32 $0xFFFFD800  }
0x2ba: {  	v8 =	vld [tilespmem:s26+$0x0];
	_ =	sdelay $0x4  }
0x2bb: {  	v1 =	vld [tilespmem:$0x1DF80];
	(v2sf) =	vpush v8, $0x1  }
0x2bc: {  	v2 =	vld [tilespmem:$0x1DF90];
	(v2sf) =	vpush v8, $0x8  }
0x2bd: {  	v3 =	vld [tilespmem:$0x1DFA0];
	(v2sf) =	vpush v8, $0x7  }
0x2be: {  	v4 =	vld [tilespmem:$0x1DFB0]  }
0x2bf: {  	v5 =	vld [tilespmem:$0x1E000];
	(v2sf) =	vpush v8, $0xF  }
0x2c0: {  	v0 =	vld [tilespmem:$0x1E010];
	(v2sf) =	vpush v8, $0x0  }
0x2c1: {  	v6 =	vld [tilespmem:$0x1E020];
	(v2sf) =	vpush v8, $0x9  }
0x2c2: {  	s25 =	simm.s32 $0xB0;
	v7 =	vld [tilespmem:$0x1E030];
	(v2sf) =	vpush v8, $0x2  }
0x2c3: {  	v9 =	vld [tilespmem:s25+$0x13A00];
	(v2sf) =	vpush v8, $0xA  }
0x2c4: {  	v12 =	vld [tilespmem:s25+$0x13A80];
	(v2sf) =	vpush v8, $0x3  }
0x2c5: {  	v13 =	vld [tilespmem:s25+$0x139F0];
	(v2sf) =	vpush v8, $0xB  }
0x2c6: {  	v15 =	vld [tilespmem:s25+$0x139D0];
	(v2sf) =	vpush v8, $0x4  }
0x2c7: {  	v16 =	vld [tilespmem:s25+$0x13A50];
	(v2sf) =	vpush v8, $0x5  }
0x2c8: {  	v17 =	vld [tilespmem:s25+$0x13A60];
	(v2sf) =	vpush v8, $0x6  }
0x2c9: {  	v19 =	vld [tilespmem:s25+$0x139E0];
	v18 =	vbroadcast v8, $0x7;
	(v2sf) =	vpush v8, $0xC  }
0x2ca: {  	v10 =	vld [tilespmem:s25+$0x13A70];
	(v2sf) =	vpush v8, $0xD;
	s20 =	spop (v2sf)  }
0x2cb: {  	v11 =	vld [tilespmem:$0x1E080];
	v20 =	vbroadcast v8, $0xF;
	v28 =	vmul.f32 v9, v18;
	(v2sf) =	vpush v8, $0xE;
	s10 =	spop (v2sf)  }
0x2cc: {  	v14 =	vld [tilespmem:$0x1E090];
	v29 =	vmul.f32 v15, v18;
	v32 =	vmul.f32 v13, v18;
	s0 =	spop (v2sf)  }
0x2cd: {  	v21 =	vld [tilespmem:$0x1E180];
	v23 =	vmul.f32 v16, v20;
	v24 =	vmul.f32 v17, v20;
	s1 =	smul.f32 s20, s0  }
0x2ce: {  	v22 =	vld [tilespmem:$0x1E1A0];
	v25 =	vmul.f32 v12, v20;
	v13 =	vmul.f32 v19, v18;
	s9 =	spop (v2sf)  }
0x2cf: {  	v9 =	vld [tilespmem:$0x1E0A0];
	v12 =	vmul.f32 v10, v20;
	s15 =	smul.f32 s10, s9;
	s22 =	spop (v2sf);
	v33 =	vmul.f32 s1, v5  }
0x2d0: {  	v17 =	vld [tilespmem:$0x1E100];
	v30 =	vmul.f32 s1, v6;
	s13 =	spop (v2sf);
	v20 =	vmul.f32 s1, v0;
	s17 =	smul.f32 s22, s0  }
0x2d1: {  	v18 =	vld [tilespmem:$0x1E110];
	v35 =	vmul.f32 s1, v7;
	s24 =	smul.f32 s13, s9;
	v16 =	vmul.f32 s15, v3;
	s23 =	spop (v2sf)  }
0x2d2: {  	v15 =	vld [tilespmem:$0x1E120];
	v19 =	vmul.f32 s15, v2;
	v26 =	vmul.f32 s15, v1;
	s29 =	spop (v2sf)  }
0x2d3: {  	v10 =	vld [tilespmem:$0x1E130];
	v31 =	vmul.f32 s17, v2;
	v16 =	vadd.f32 v12, v16;
	v27 =	vmul.f32 s24, v6;
	s18 =	spop (v2sf)  }
0x2d4: {  	v8 =	vld [tilespmem:$0x1E0B0];
	v34 =	vmul.f32 s15, v4;
	s10 =	smul.f32 s23, s0;
	v46 =	vmul.f32 s17, v1;
	s15 =	spop (v2sf)  }
0x2d5: {  	v49 =	vmul.f32 s17, v3;
	v12 =	vld [tilespmem:$0x1E190];
	s13 =	smul.f32 s29, s9;
	v43 =	vadd.f32 v16, v27;
	s19 =	spop (v2sf);
	v27 =	vadd.f32 v31, v13  }
0x2d6: {  	v48 =	vmul.f32 s17, v4;
	v42 =	vmul.f32 s24, v7;
	v39 =	vadd.f32 v24, v19;
	v19 =	vld [tilespmem:$0x1E280];
	s23 =	smul.f32 s18, s0;
	s18 =	spop (v2sf)  }
0x2d7: {  	v44 =	vadd.f32 v25, v34;
	v16 =	vld [tilespmem:$0x1E1B0];
	s15 =	smul.f32 s15, s9;
	s1 =	spop (v2sf);
	v24 =	vadd.f32 v27, v20;
	v27 =	vmul.f32 s10, v14  }
0x2d8: {  	v23 =	vadd.f32 v23, v26;
	v37 =	vmul.f32 s10, v9;
	v13 =	vld [tilespmem:$0x1E210];
	v31 =	vmul.f32 s24, v5;
	s20 =	smul.f32 s19, s0;
	s19 =	spop (v2sf)  }
0x2d9: {  	v45 =	vmul.f32 s10, v11;
	v20 =	vld [tilespmem:$0x1E230];
	s17 =	smul.f32 s19, s9;
	s22 =	spop (v2sf);
	v24 =	vadd.f32 v24, v27;
	v27 =	vmul.f32 s23, v18  }
0x2da: {  	v25 =	vld [tilespmem:$0x1E200];
	v41 =	vmul.f32 s13, v8;
	v40 =	vmul.f32 s13, v11;
	v31 =	vadd.f32 v23, v31;
	s22 =	smul.f32 s22, s9;
	s29 =	spop (v2sf)  }
0x2db: {  	v50 =	vmul.f32 s15, v15;
	v52 =	vmul.f32 s15, v17;
	s28 =	smul.f32 s29, s9;
	v47 =	vadd.f32 v24, v27;
	v27 =	vld [tilespmem:$0x1E2A0]  }
0x2dc: {  	v26 =	vld [tilespmem:$0x1E220];
	v38 =	vmul.f32 s20, v12;
	v36 =	vmul.f32 s17, v16  }
0x2dd: {  	v23 =	vld [tilespmem:$0x1E290];
	s19 =	smul.f32 s18, s0;
	v51 =	vadd.f32 v31, v40;
	v34 =	vmul.f32 s22, v13;
	v31 =	vmul.f32 s28, v19  }
0x2de: {  	s18 =	simm.s32 $0x6C0;
	v24 =	vld [tilespmem:$0x1E2B0];
	s9 =	smul.f32 s1, s0;
	v40 =	vadd.f32 v47, v38;
	v47 =	vmul.f32 s13, v14;
	v38 =	vmul.f32 s22, v20  }
.LBB2_13:
0x2df: {  	p1 =	sne.s32 s18, $0x9EC0  }
0x2e0: {  	v32 =	vadd.f32 v32, v49;
	v49 =	vmul.f32 s28, v27;
	v53 =	vmul.f32 s15, v10;
	s26 =	sadd.s32 $0x10, s26;
	s0 =	smov.u32 s18;
	s18 =	sadd.s32 $0x400, s18  }
0x2e1: {  	v29 =	vadd.f32 v46, v29;
	v46 =	vmul.f32 s23, v17;
	v54 =	vmul.f32 s22, v26  }
0x2e2: {  	v28 =	vadd.f32 v28, v48;
	v48 =	vmul.f32 s22, v25;
	v55 =	vmul.f32 s15, v18  }
0x2e3: {  	v56 =	vmul.f32 s17, v22;
	v29 =	vadd.f32 v29, v33;
	v33 =	vmul.f32 s20, v21  }
0x2e4: {  	v57 =	vmul.f32 s13, v9;
	v28 =	vadd.f32 v28, v35;
	v35 =	vmul.f32 s17, v21  }
0x2e5: {  	v58 =	vmul.f32 s24, v0;
	v30 =	vadd.f32 v32, v30;
	v32 =	vmul.f32 s9, v24  }
0x2e6: {  	v59 =	vmul.f32 s23, v15;
	v42 =	vadd.f32 v44, v42;
	v43 =	vadd.f32 v43, v57  }
0x2e7: {  	v44 =	vadd.f32 v51, v52;
	v30 =	vadd.f32 v30, v37;
	v37 =	vmul.f32 s10, v8  }
0x2e8: {  	v51 =	vmul.f32 s20, v22;
	v41 =	vadd.f32 v42, v41;
	v43 =	vadd.f32 v43, v50  }
0x2e9: {  	v42 =	vmul.f32 s19, v25;
	v29 =	vadd.f32 v29, v45;
	v30 =	vadd.f32 v30, v59  }
0x2ea: {  	v45 =	vmul.f32 s19, v26;
	v28 =	vadd.f32 v28, v37;
	v37 =	vadd.f32 v39, v58  }
0x2eb: {  	v29 =	vadd.f32 v29, v46;
	v39 =	vmul.f32 s23, v10;
	v30 =	vadd.f32 v30, v51  }
0x2ec: {  	v46 =	vmul.f32 s9, v27;
	v43 =	vadd.f32 v43, v56;
	v37 =	vadd.f32 v37, v47  }
0x2ed: {  	v41 =	vadd.f32 v41, v53;
	v30 =	vadd.f32 v30, v45;
	v45 =	vmul.f32 s17, v12  }
0x2ee: {  	v29 =	vadd.f32 v29, v33;
	v33 =	vmul.f32 s20, v16;
	v43 =	vadd.f32 v43, v54  }
0x2ef: {  	v47 =	vmul.f32 s9, v19;
	v37 =	vadd.f32 v37, v55;
	v30 =	vadd.f32 v30, v46  }
0x2f0: {  	v35 =	vadd.f32 v44, v35;
	v43 =	vadd.f32 v43, v49;
	v46 =	vmul.f32 s19, v20  }
0x2f1: {  	v28 =	vadd.f32 v28, v39;
	v30 =	vmax.f32 v30, $0.0e+00  }
0x2f2: {  	v29 =	vadd.f32 v29, v42;
	[tilespmem:s25+$0x18EF0] =	vst v30;
	v30 =	vadd.f32 v37, v45;
	v37 =	vmax.f32 v43, $0.0e+00  }
0x2f3: {  	v35 =	vadd.f32 v35, v48;
	v36 =	vadd.f32 v41, v36;
	v39 =	vmul.f32 s19, v13;
	[tilespmem:s25+$0x18F70] =	vst v37  }
0x2f4: {  	v28 =	vadd.f32 v28, v33;
	v37 =	vmul.f32 s9, v23;
	v30 =	vadd.f32 v30, v34  }
0x2f5: {  	v33 =	vadd.f32 v40, v39;
	v34 =	vadd.f32 v36, v38;
	v36 =	vmul.f32 s28, v24  }
0x2f6: {  	v29 =	vadd.f32 v29, v47;
	v28 =	vadd.f32 v28, v46;
	v38 =	vmul.f32 s28, v23  }
0x2f7: {  	v33 =	vadd.f32 v33, v37;
	v34 =	vadd.f32 v34, v36  }
0x2f8: {  	v29 =	vmax.f32 v29, $0.0e+00;
	v28 =	vadd.f32 v28, v32;
	v30 =	vadd.f32 v30, v38  }
0x2f9: {  	v31 =	vadd.f32 v35, v31;
	v32 =	vmax.f32 v34, $0.0e+00;
	[tilespmem:s25+$0x18ED0] =	vst v29;
	v29 =	vmax.f32 v33, $0.0e+00  }
0x2fa: {  	v28 =	vmax.f32 v28, $0.0e+00;
	[tilespmem:s25+$0x18EE0] =	vst v29;
	v29 =	vmax.f32 v30, $0.0e+00  }
0x2fb: {  	v30 =	vmax.f32 v31, $0.0e+00;
	[tilespmem:s25+$0x18F60] =	vst v29  }
0x2fc: {  	[tilespmem:s25+$0x18F50] =	vst v30  }
0x2fd: {  	[tilespmem:s25+$0x18F00] =	vst v28  }
0x2fe: {  	[tilespmem:s25+$0x18F80] =	vst v32  }
0x2ff: {  	v29 =	vld [tilespmem:s26+$0x0]  }
0x300: {  	s25 =	sshra.s32 s0, $0x2  }
0x301: {  	v28 =	vld [tilespmem:s25+$0x13A00];
	_ =	sdelay $0x2  }
0x302: {  	v30 =	vbroadcast v29, $0x7;
	v31 =	vbroadcast v29, $0xF;
	(v2sf) =	vpush v29, $0x1  }
0x303: {  	(v2sf) =	vpush v29, $0x8  }
0x304: {  	v28 =	vmul.f32 v28, v30;
	(v2sf) =	vpush v29, $0x7  }
0x305: {  	(v2sf) =	vpush v29, $0xF  }
0x306: {  	(v2sf) =	vpush v29, $0x0  }
0x307: {  	(v2sf) =	vpush v29, $0x9  }
0x308: {  	(v2sf) =	vpush v29, $0x2  }
0x309: {  	(v2sf) =	vpush v29, $0xA  }
0x30a: {  	v33 =	vld [tilespmem:s25+$0x13A70];
	(v2sf) =	vpush v29, $0x3  }
0x30b: {  	v34 =	vld [tilespmem:s25+$0x13A80];
	(v2sf) =	vpush v29, $0xB  }
0x30c: {  	v32 =	vld [tilespmem:s25+$0x139F0];
	(v2sf) =	vpush v29, $0x4  }
0x30d: {  	v35 =	vld [tilespmem:s25+$0x139D0];
	(v2sf) =	vpush v29, $0x5  }
0x30e: {  	v36 =	vld [tilespmem:s25+$0x13A50];
	(v2sf) =	vpush v29, $0x6  }
0x30f: {  	v37 =	vld [tilespmem:s25+$0x13A60];
	(v2sf) =	vpush v29, $0xC  }
0x310: {  	v38 =	vld [tilespmem:s25+$0x139E0];
	(v2sf) =	vpush v29, $0xD  }
0x311: {  	s0 =	spop (v2sf);
	(v2sf) =	vpush v29, $0xE  }
0x312: {  	v29 =	vmul.f32 v35, v30;
	s1 =	spop (v2sf)  }
0x313: {  	v32 =	vmul.f32 v32, v30;
	v36 =	vmul.f32 v36, v31;
	s9 =	spop (v2sf)  }
0x314: {  	v34 =	vmul.f32 v34, v31;
	s13 =	smul.f32 s0, s9;
	v39 =	vmul.f32 v37, v31;
	s0 =	spop (v2sf)  }
0x315: {  	v31 =	vmul.f32 v33, v31;
	v38 =	vmul.f32 v38, v30;
	s1 =	smul.f32 s1, s0;
	s10 =	spop (v2sf)  }
0x316: {  	s17 =	smul.f32 s10, s9;
	v33 =	vmul.f32 s13, v5;
	v30 =	vmul.f32 s13, v6;
	s10 =	spop (v2sf)  }
0x317: {  	v40 =	vmul.f32 s13, v0;
	s24 =	smul.f32 s10, s0;
	v37 =	vmul.f32 s1, v3;
	s10 =	spop (v2sf)  }
0x318: {  	v35 =	vmul.f32 s13, v7;
	v44 =	vmul.f32 s1, v2;
	s10 =	smul.f32 s10, s9;
	s13 =	spop (v2sf)  }
0x319: {  	v47 =	vmul.f32 s1, v1;
	s13 =	smul.f32 s13, s0;
	v31 =	vadd.f32 v31, v37;
	v41 =	vmul.f32 s24, v6;
	s15 =	spop (v2sf)  }
0x31a: {  	v48 =	vmul.f32 s1, v4;
	v45 =	vmul.f32 s17, v2;
	s23 =	smul.f32 s15, s9;
	s1 =	spop (v2sf)  }
0x31b: {  	v42 =	vmul.f32 s24, v7;
	v37 =	vmul.f32 s10, v9;
	s15 =	smul.f32 s1, s0;
	v43 =	vadd.f32 v31, v41;
	s1 =	spop (v2sf)  }
0x31c: {  	v46 =	vmul.f32 s17, v1;
	v31 =	vadd.f32 v45, v38;
	v41 =	vmul.f32 s13, v8;
	s20 =	smul.f32 s1, s9;
	s1 =	spop (v2sf)  }
0x31d: {  	v49 =	vmul.f32 s17, v3;
	v39 =	vadd.f32 v39, v44;
	v44 =	vadd.f32 v34, v48;
	s19 =	smul.f32 s1, s9;
	s1 =	spop (v2sf)  }
0x31e: {  	v48 =	vmul.f32 s17, v4;
	v34 =	vmul.f32 s10, v14;
	v31 =	vadd.f32 v31, v40;
	s9 =	smul.f32 s1, s9;
	s1 =	spop (v2sf)  }
0x31f: {  	s17 =	smul.f32 s1, s0;
	s1 =	spop (v2sf)  }
0x320: {  	v36 =	vadd.f32 v36, v47;
	v45 =	vmul.f32 s10, v11;
	v38 =	vmul.f32 s24, v5;
	s22 =	smul.f32 s1, s0  }
.Ltmp6:
0x321: {  	v40 =	vmul.f32 s20, v12;
	v31 =	vadd.f32 v31, v34;
	v34 =	vmul.f32 s23, v18;
	s1 =	spop (v2sf);
	(pc) =	sbr.rel @p1 .LBB2_13-.Ltmp6, $4  }
0x322: {  	v47 =	vmul.f32 s13, v11;
	v38 =	vadd.f32 v36, v38;
	s28 =	smul.f32 s1, s0;
	v36 =	vmul.f32 s17, v16  }
0x323: {  	v50 =	vmul.f32 s15, v15;
	v53 =	vadd.f32 v31, v34;
	v34 =	vmul.f32 s22, v13  }
0x324: {  	v52 =	vmul.f32 s15, v17;
	v51 =	vadd.f32 v38, v47;
	v31 =	vmul.f32 s28, v19  }
0x325: {  	v47 =	vmul.f32 s13, v14;
	v38 =	vmul.f32 s22, v20;
	v40 =	vadd.f32 v53, v40  }
0x326: {  	v1 =	vmul.f32 s28, v27  }
0x327: {  	v2 =	vadd.f32 v32, v49;
	v3 =	vmul.f32 s15, v10;
	v4 =	vmul.f32 s23, v17  }
0x328: {  	v5 =	vadd.f32 v46, v29;
	v6 =	vmul.f32 s22, v26;
	v7 =	vmul.f32 s22, v25  }
0x329: {  	v11 =	vadd.f32 v28, v48;
	v14 =	vmul.f32 s15, v18;
	v17 =	vmul.f32 s20, v21  }
0x32a: {  	v18 =	vmul.f32 s17, v22;
	v9 =	vmul.f32 s13, v9;
	v29 =	vadd.f32 v44, v42  }
0x32b: {  	v21 =	vmul.f32 s17, v21;
	v5 =	vadd.f32 v5, v33;
	v11 =	vadd.f32 v11, v35  }
0x32c: {  	v0 =	vmul.f32 s24, v0;
	v2 =	vadd.f32 v2, v30;
	v9 =	vadd.f32 v43, v9  }
0x32d: {  	v28 =	vmul.f32 s9, v24;
	v30 =	vadd.f32 v51, v52;
	v29 =	vadd.f32 v29, v41  }
0x32e: {  	v8 =	vmul.f32 s10, v8;
	v0 =	vadd.f32 v39, v0;
	v2 =	vadd.f32 v2, v37  }
0x32f: {  	v15 =	vmul.f32 s23, v15;
	v9 =	vadd.f32 v9, v50;
	v5 =	vadd.f32 v5, v45  }
0x330: {  	v22 =	vmul.f32 s20, v22;
	v8 =	vadd.f32 v11, v8;
	v0 =	vadd.f32 v0, v47  }
0x331: {  	v11 =	vmul.f32 s17, v12;
	v3 =	vadd.f32 v29, v3;
	v2 =	vadd.f32 v2, v15  }
0x332: {  	v15 =	vmul.f32 s19, v25;
	v4 =	vadd.f32 v5, v4;
	v9 =	vadd.f32 v9, v18  }
0x333: {  	v5 =	vmul.f32 s23, v10;
	v0 =	vadd.f32 v0, v14;
	v3 =	vadd.f32 v3, v36  }
0x334: {  	v25 =	vmul.f32 s19, v26;
	v2 =	vadd.f32 v2, v22;
	v4 =	vadd.f32 v4, v17  }
0x335: {  	v12 =	vmul.f32 s20, v16;
	v6 =	vadd.f32 v9, v6;
	v5 =	vadd.f32 v8, v5  }
0x336: {  	v10 =	vmul.f32 s9, v27;
	v0 =	vadd.f32 v0, v11;
	v2 =	vadd.f32 v2, v25  }
0x337: {  	v14 =	vmul.f32 s19, v20;
	v1 =	vadd.f32 v6, v1;
	v4 =	vadd.f32 v4, v15  }
0x338: {  	v9 =	vmul.f32 s9, v19;
	v5 =	vadd.f32 v5, v12;
	v0 =	vadd.f32 v0, v34  }
0x339: {  	v6 =	vmul.f32 s19, v13;
	v2 =	vadd.f32 v2, v10;
	v10 =	vadd.f32 v30, v21  }
0x33a: {  	v4 =	vadd.f32 v4, v9;
	v9 =	vmul.f32 s28, v23;
	v1 =	vmax.f32 v1, $0.0e+00  }
0x33b: {  	v8 =	vmul.f32 s9, v23;
	v6 =	vadd.f32 v40, v6;
	[tilespmem:s25+$0x18F70] =	vst v1;
	v1 =	vadd.f32 v5, v14  }
0x33c: {  	v2 =	vmax.f32 v2, $0.0e+00;
	v7 =	vadd.f32 v10, v7;
	v0 =	vadd.f32 v0, v9  }
0x33d: {  	v4 =	vmax.f32 v4, $0.0e+00;
	[tilespmem:s25+$0x18EF0] =	vst v2;
	v2 =	vadd.f32 v3, v38;
	v3 =	vadd.f32 v6, v8  }
0x33e: {  	v5 =	vmul.f32 s28, v24;
	[tilespmem:s25+$0x18ED0] =	vst v4;
	v1 =	vadd.f32 v1, v28;
	v0 =	vmax.f32 v0, $0.0e+00  }
0x33f: {  	v4 =	vadd.f32 v7, v31;
	v3 =	vmax.f32 v3, $0.0e+00;
	[tilespmem:s25+$0x18F60] =	vst v0  }
0x340: {  	v2 =	vadd.f32 v2, v5;
	v0 =	vmax.f32 v1, $0.0e+00;
	[tilespmem:s25+$0x18EE0] =	vst v3  }
0x341: {  	v3 =	vmax.f32 v4, $0.0e+00;
	[tilespmem:s25+$0x18F00] =	vst v0  }
0x342: {  	[tilespmem:s25+$0x18F50] =	vst v3;
	v1 =	vmax.f32 v2, $0.0e+00  }
0x343: {  	s26 =	simm.s32 $0x18A80;
	[tilespmem:s25+$0x18F80] =	vst v1  }
0x344: {  	v8 =	vld [tilespmem:s26+$0x0];
	_ =	sdelay $0x4  }
0x345: {  	v1 =	vld [tilespmem:$0x1DFC0];
	(v2sf) =	vpush v8, $0x1  }
0x346: {  	v2 =	vld [tilespmem:$0x1DFD0];
	(v2sf) =	vpush v8, $0x8  }
0x347: {  	v3 =	vld [tilespmem:$0x1DFE0];
	(v2sf) =	vpush v8, $0x7  }
0x348: {  	v4 =	vld [tilespmem:$0x1DFF0]  }
0x349: {  	v5 =	vld [tilespmem:$0x1E040];
	(v2sf) =	vpush v8, $0xF  }
0x34a: {  	v0 =	vld [tilespmem:$0x1E050];
	(v2sf) =	vpush v8, $0x0  }
0x34b: {  	v6 =	vld [tilespmem:$0x1E060];
	(v2sf) =	vpush v8, $0x9  }
0x34c: {  	s25 =	simm.s32 $0xF0;
	v7 =	vld [tilespmem:$0x1E070]  }
0x34d: {  	v9 =	vld [tilespmem:s25+$0x13A00];
	(v2sf) =	vpush v8, $0x2  }
0x34e: {  	v12 =	vld [tilespmem:s25+$0x13A80];
	(v2sf) =	vpush v8, $0xA  }
0x34f: {  	v13 =	vld [tilespmem:s25+$0x139F0];
	(v2sf) =	vpush v8, $0x3  }
0x350: {  	v15 =	vld [tilespmem:s25+$0x139D0];
	(v2sf) =	vpush v8, $0xB  }
0x351: {  	v16 =	vld [tilespmem:s25+$0x13A50];
	(v2sf) =	vpush v8, $0x4  }
0x352: {  	v17 =	vld [tilespmem:s25+$0x13A60];
	(v2sf) =	vpush v8, $0x5  }
0x353: {  	v19 =	vld [tilespmem:s25+$0x139E0];
	v18 =	vbroadcast v8, $0x7;
	(v2sf) =	vpush v8, $0x6  }
0x354: {  	v10 =	vld [tilespmem:s25+$0x13A70];
	(v2sf) =	vpush v8, $0xC;
	s1 =	spop (v2sf)  }
0x355: {  	v11 =	vld [tilespmem:$0x1E0C0];
	v20 =	vbroadcast v8, $0xF;
	v28 =	vmul.f32 v9, v18;
	(v2sf) =	vpush v8, $0xD;
	s24 =	spop (v2sf)  }
0x356: {  	v14 =	vld [tilespmem:$0x1E0D0];
	v29 =	vmul.f32 v15, v18;
	v32 =	vmul.f32 v13, v18;
	(v2sf) =	vpush v8, $0xE;
	s0 =	spop (v2sf)  }
0x357: {  	v21 =	vld [tilespmem:$0x1E1C0];
	v23 =	vmul.f32 v16, v20;
	v24 =	vmul.f32 v17, v20;
	s1 =	smul.f32 s1, s0  }
0x358: {  	v22 =	vld [tilespmem:$0x1E1E0];
	v25 =	vmul.f32 v12, v20;
	v13 =	vmul.f32 v19, v18;
	s9 =	spop (v2sf)  }
0x359: {  	v9 =	vld [tilespmem:$0x1E0E0];
	v12 =	vmul.f32 v10, v20;
	s29 =	smul.f32 s24, s9;
	s17 =	spop (v2sf);
	v33 =	vmul.f32 s1, v5  }
0x35a: {  	v17 =	vld [tilespmem:$0x1E140];
	v30 =	vmul.f32 s1, v6;
	s18 =	spop (v2sf);
	v20 =	vmul.f32 s1, v0;
	s17 =	smul.f32 s17, s0  }
0x35b: {  	v18 =	vld [tilespmem:$0x1E150];
	v35 =	vmul.f32 s1, v7;
	s24 =	smul.f32 s18, s9;
	v16 =	vmul.f32 s29, v3  }
0x35c: {  	v15 =	vld [tilespmem:$0x1E160];
	s19 =	spop (v2sf);
	v19 =	vmul.f32 s29, v2;
	v26 =	vmul.f32 s29, v1  }
0x35d: {  	v8 =	vld [tilespmem:$0x1E0F0];
	s20 =	spop (v2sf);
	v31 =	vmul.f32 s17, v2;
	v16 =	vadd.f32 v12, v16;
	v27 =	vmul.f32 s24, v6  }
0x35e: {  	v10 =	vld [tilespmem:$0x1E170];
	v60 =	vmul.f32 s29, v4;
	v46 =	vmul.f32 s17, v1;
	s18 =	spop (v2sf)  }
0x35f: {  	s10 =	smul.f32 s19, s0;
	v49 =	vmul.f32 s17, v3;
	v12 =	vld [tilespmem:$0x1E1D0];
	s22 =	spop (v2sf);
	v43 =	vadd.f32 v16, v27;
	v27 =	vadd.f32 v31, v13  }
0x360: {  	v48 =	vmul.f32 s17, v4;
	s13 =	smul.f32 s20, s9;
	v42 =	vmul.f32 s24, v7;
	v39 =	vadd.f32 v24, v19;
	v19 =	vld [tilespmem:$0x1E2C0];
	s29 =	spop (v2sf)  }
0x361: {  	v37 =	vmul.f32 s10, v9;
	s23 =	smul.f32 s18, s0;
	v16 =	vld [tilespmem:$0x1E1F0];
	s18 =	spop (v2sf);
	v24 =	vadd.f32 v27, v20;
	v27 =	vmul.f32 s10, v14  }
0x362: {  	v23 =	vadd.f32 v23, v26;
	v45 =	vmul.f32 s10, v11;
	v41 =	vmul.f32 s13, v8;
	v13 =	vld [tilespmem:$0x1E250];
	s15 =	smul.f32 s22, s9;
	s1 =	spop (v2sf)  }
0x363: {  	v31 =	vmul.f32 s24, v5;
	s20 =	smul.f32 s29, s0;
	v20 =	vld [tilespmem:$0x1E270];
	s19 =	spop (v2sf);
	v24 =	vadd.f32 v24, v27;
	v27 =	vmul.f32 s23, v18  }
0x364: {  	v44 =	vadd.f32 v25, v60;
	v25 =	vld [tilespmem:$0x1E240];
	v62 =	vmul.f32 s13, v11;
	v47 =	vmul.f32 s13, v14;
	s17 =	smul.f32 s19, s9;
	s22 =	spop (v2sf)  }
0x365: {  	v31 =	vadd.f32 v23, v31;
	v50 =	vmul.f32 s15, v15;
	s22 =	smul.f32 s22, s9;
	s29 =	spop (v2sf);
	v63 =	vadd.f32 v24, v27;
	v27 =	vld [tilespmem:$0x1E2E0]  }
0x366: {  	v26 =	vld [tilespmem:$0x1E260];
	v52 =	vmul.f32 s15, v17;
	v61 =	vmul.f32 s20, v12;
	s28 =	smul.f32 s29, s9  }
0x367: {  	v23 =	vld [tilespmem:$0x1E2D0];
	s19 =	smul.f32 s18, s0;
	v51 =	vadd.f32 v31, v62;
	v36 =	vmul.f32 s17, v16;
	v34 =	vmul.f32 s22, v13  }
0x368: {  	s18 =	simm.s32 $0x7C0;
	v24 =	vld [tilespmem:$0x1E2F0];
	s9 =	smul.f32 s1, s0;
	v38 =	vmul.f32 s22, v20;
	v31 =	vmul.f32 s28, v19;
	v40 =	vadd.f32 v63, v61  }
.LBB2_15:
0x369: {  	p1 =	sne.s32 s18, $0x9FC0  }
0x36a: {  	v32 =	vadd.f32 v32, v49;
	v49 =	vmul.f32 s28, v27;
	v53 =	vmul.f32 s15, v10;
	s26 =	sadd.s32 $0x10, s26;
	s0 =	smov.u32 s18;
	s18 =	sadd.s32 $0x400, s18  }
0x36b: {  	v29 =	vadd.f32 v46, v29;
	v46 =	vmul.f32 s23, v17;
	v54 =	vmul.f32 s22, v26  }
0x36c: {  	v28 =	vadd.f32 v28, v48;
	v48 =	vmul.f32 s22, v25;
	v55 =	vmul.f32 s15, v18  }
0x36d: {  	v56 =	vmul.f32 s17, v22;
	v29 =	vadd.f32 v29, v33;
	v33 =	vmul.f32 s20, v21  }
0x36e: {  	v57 =	vmul.f32 s13, v9;
	v28 =	vadd.f32 v28, v35;
	v35 =	vmul.f32 s17, v21  }
0x36f: {  	v58 =	vmul.f32 s24, v0;
	v30 =	vadd.f32 v32, v30;
	v32 =	vmul.f32 s9, v24  }
0x370: {  	v59 =	vmul.f32 s23, v15;
	v42 =	vadd.f32 v44, v42;
	v43 =	vadd.f32 v43, v57  }
0x371: {  	v44 =	vadd.f32 v51, v52;
	v30 =	vadd.f32 v30, v37;
	v37 =	vmul.f32 s10, v8  }
0x372: {  	v51 =	vmul.f32 s20, v22;
	v41 =	vadd.f32 v42, v41;
	v43 =	vadd.f32 v43, v50  }
0x373: {  	v42 =	vmul.f32 s19, v25;
	v29 =	vadd.f32 v29, v45;
	v30 =	vadd.f32 v30, v59  }
0x374: {  	v45 =	vmul.f32 s19, v26;
	v28 =	vadd.f32 v28, v37;
	v37 =	vadd.f32 v39, v58  }
0x375: {  	v29 =	vadd.f32 v29, v46;
	v39 =	vmul.f32 s23, v10;
	v30 =	vadd.f32 v30, v51  }
0x376: {  	v46 =	vmul.f32 s9, v27;
	v43 =	vadd.f32 v43, v56;
	v37 =	vadd.f32 v37, v47  }
0x377: {  	v41 =	vadd.f32 v41, v53;
	v30 =	vadd.f32 v30, v45;
	v45 =	vmul.f32 s17, v12  }
0x378: {  	v29 =	vadd.f32 v29, v33;
	v33 =	vmul.f32 s20, v16;
	v43 =	vadd.f32 v43, v54  }
0x379: {  	v47 =	vmul.f32 s9, v19;
	v37 =	vadd.f32 v37, v55;
	v30 =	vadd.f32 v30, v46  }
0x37a: {  	v35 =	vadd.f32 v44, v35;
	v43 =	vadd.f32 v43, v49;
	v46 =	vmul.f32 s19, v20  }
0x37b: {  	v28 =	vadd.f32 v28, v39;
	v30 =	vmax.f32 v30, $0.0e+00  }
0x37c: {  	v29 =	vadd.f32 v29, v42;
	[tilespmem:s25+$0x18EF0] =	vst v30;
	v30 =	vadd.f32 v37, v45;
	v37 =	vmax.f32 v43, $0.0e+00  }
0x37d: {  	v35 =	vadd.f32 v35, v48;
	v36 =	vadd.f32 v41, v36;
	v39 =	vmul.f32 s19, v13;
	[tilespmem:s25+$0x18F70] =	vst v37  }
0x37e: {  	v28 =	vadd.f32 v28, v33;
	v37 =	vmul.f32 s9, v23;
	v30 =	vadd.f32 v30, v34  }
0x37f: {  	v33 =	vadd.f32 v40, v39;
	v34 =	vadd.f32 v36, v38;
	v36 =	vmul.f32 s28, v24  }
0x380: {  	v29 =	vadd.f32 v29, v47;
	v28 =	vadd.f32 v28, v46;
	v38 =	vmul.f32 s28, v23  }
0x381: {  	v33 =	vadd.f32 v33, v37;
	v34 =	vadd.f32 v34, v36  }
0x382: {  	v29 =	vmax.f32 v29, $0.0e+00;
	v28 =	vadd.f32 v28, v32;
	v30 =	vadd.f32 v30, v38  }
0x383: {  	v31 =	vadd.f32 v35, v31;
	v32 =	vmax.f32 v34, $0.0e+00;
	[tilespmem:s25+$0x18ED0] =	vst v29;
	v29 =	vmax.f32 v33, $0.0e+00  }
0x384: {  	v28 =	vmax.f32 v28, $0.0e+00;
	[tilespmem:s25+$0x18EE0] =	vst v29;
	v29 =	vmax.f32 v30, $0.0e+00  }
0x385: {  	v30 =	vmax.f32 v31, $0.0e+00;
	[tilespmem:s25+$0x18F60] =	vst v29  }
0x386: {  	[tilespmem:s25+$0x18F50] =	vst v30  }
0x387: {  	[tilespmem:s25+$0x18F00] =	vst v28  }
0x388: {  	[tilespmem:s25+$0x18F80] =	vst v32  }
0x389: {  	v29 =	vld [tilespmem:s26+$0x0]  }
0x38a: {  	s25 =	sshra.s32 s0, $0x2  }
0x38b: {  	v28 =	vld [tilespmem:s25+$0x13A00];
	_ =	sdelay $0x2  }
0x38c: {  	v30 =	vbroadcast v29, $0x7;
	v31 =	vbroadcast v29, $0xF;
	(v2sf) =	vpush v29, $0x1  }
0x38d: {  	(v2sf) =	vpush v29, $0x8  }
0x38e: {  	v28 =	vmul.f32 v28, v30;
	(v2sf) =	vpush v29, $0x7  }
0x38f: {  	(v2sf) =	vpush v29, $0xF  }
0x390: {  	(v2sf) =	vpush v29, $0x0  }
0x391: {  	(v2sf) =	vpush v29, $0x9  }
0x392: {  	(v2sf) =	vpush v29, $0x2  }
0x393: {  	(v2sf) =	vpush v29, $0xA  }
0x394: {  	v33 =	vld [tilespmem:s25+$0x13A70];
	(v2sf) =	vpush v29, $0x3  }
0x395: {  	v34 =	vld [tilespmem:s25+$0x13A80];
	(v2sf) =	vpush v29, $0xB  }
0x396: {  	v32 =	vld [tilespmem:s25+$0x139F0];
	(v2sf) =	vpush v29, $0x4  }
0x397: {  	v35 =	vld [tilespmem:s25+$0x139D0];
	(v2sf) =	vpush v29, $0x5  }
0x398: {  	v36 =	vld [tilespmem:s25+$0x13A50];
	(v2sf) =	vpush v29, $0x6  }
0x399: {  	v37 =	vld [tilespmem:s25+$0x13A60];
	(v2sf) =	vpush v29, $0xC  }
0x39a: {  	v38 =	vld [tilespmem:s25+$0x139E0];
	(v2sf) =	vpush v29, $0xD  }
0x39b: {  	s0 =	spop (v2sf);
	(v2sf) =	vpush v29, $0xE  }
0x39c: {  	v29 =	vmul.f32 v35, v30;
	s1 =	spop (v2sf)  }
0x39d: {  	v32 =	vmul.f32 v32, v30;
	v36 =	vmul.f32 v36, v31;
	s9 =	spop (v2sf)  }
0x39e: {  	v34 =	vmul.f32 v34, v31;
	s13 =	smul.f32 s0, s9;
	v39 =	vmul.f32 v37, v31;
	s0 =	spop (v2sf)  }
0x39f: {  	v31 =	vmul.f32 v33, v31;
	v38 =	vmul.f32 v38, v30;
	s1 =	smul.f32 s1, s0;
	s10 =	spop (v2sf)  }
0x3a0: {  	s17 =	smul.f32 s10, s9;
	v33 =	vmul.f32 s13, v5;
	v30 =	vmul.f32 s13, v6;
	s10 =	spop (v2sf)  }
0x3a1: {  	v40 =	vmul.f32 s13, v0;
	s24 =	smul.f32 s10, s0;
	v37 =	vmul.f32 s1, v3;
	s10 =	spop (v2sf)  }
0x3a2: {  	v35 =	vmul.f32 s13, v7;
	v44 =	vmul.f32 s1, v2;
	s10 =	smul.f32 s10, s9;
	s13 =	spop (v2sf)  }
0x3a3: {  	v47 =	vmul.f32 s1, v1;
	s13 =	smul.f32 s13, s0;
	v31 =	vadd.f32 v31, v37;
	v41 =	vmul.f32 s24, v6;
	s15 =	spop (v2sf)  }
0x3a4: {  	v48 =	vmul.f32 s1, v4;
	v45 =	vmul.f32 s17, v2;
	s23 =	smul.f32 s15, s9;
	s1 =	spop (v2sf)  }
0x3a5: {  	v42 =	vmul.f32 s24, v7;
	v37 =	vmul.f32 s10, v9;
	s15 =	smul.f32 s1, s0;
	v43 =	vadd.f32 v31, v41;
	s1 =	spop (v2sf)  }
0x3a6: {  	v46 =	vmul.f32 s17, v1;
	v31 =	vadd.f32 v45, v38;
	v41 =	vmul.f32 s13, v8;
	s20 =	smul.f32 s1, s9;
	s1 =	spop (v2sf)  }
0x3a7: {  	v49 =	vmul.f32 s17, v3;
	v39 =	vadd.f32 v39, v44;
	v44 =	vadd.f32 v34, v48;
	s19 =	smul.f32 s1, s9;
	s1 =	spop (v2sf)  }
0x3a8: {  	v48 =	vmul.f32 s17, v4;
	v34 =	vmul.f32 s10, v14;
	v31 =	vadd.f32 v31, v40;
	s9 =	smul.f32 s1, s9;
	s1 =	spop (v2sf)  }
0x3a9: {  	s17 =	smul.f32 s1, s0;
	s1 =	spop (v2sf)  }
0x3aa: {  	v36 =	vadd.f32 v36, v47;
	v45 =	vmul.f32 s10, v11;
	v38 =	vmul.f32 s24, v5;
	s22 =	smul.f32 s1, s0  }
.Ltmp7:
0x3ab: {  	v40 =	vmul.f32 s20, v12;
	v31 =	vadd.f32 v31, v34;
	v34 =	vmul.f32 s23, v18;
	s1 =	spop (v2sf);
	(pc) =	sbr.rel @p1 .LBB2_15-.Ltmp7, $4  }
0x3ac: {  	v47 =	vmul.f32 s13, v11;
	v38 =	vadd.f32 v36, v38;
	s28 =	smul.f32 s1, s0;
	v36 =	vmul.f32 s17, v16  }
0x3ad: {  	v50 =	vmul.f32 s15, v15;
	v53 =	vadd.f32 v31, v34;
	v34 =	vmul.f32 s22, v13  }
0x3ae: {  	v52 =	vmul.f32 s15, v17;
	v51 =	vadd.f32 v38, v47;
	v31 =	vmul.f32 s28, v19  }
0x3af: {  	v47 =	vmul.f32 s13, v14;
	v38 =	vmul.f32 s22, v20;
	v40 =	vadd.f32 v53, v40  }
0x3b0: {  	v1 =	vmul.f32 s28, v27;
	v3 =	vmul.f32 s15, v10  }
0x3b1: {  	v4 =	vmul.f32 s23, v17;
	v6 =	vmul.f32 s22, v26  }
0x3b2: {  	v2 =	vadd.f32 v32, v49;
	v7 =	vmul.f32 s22, v25;
	v14 =	vmul.f32 s15, v18  }
0x3b3: {  	v5 =	vadd.f32 v46, v29;
	v61 =	vmul.f32 s20, v21;
	v62 =	vmul.f32 s17, v22  }
0x3b4: {  	v11 =	vadd.f32 v28, v48;
	v9 =	vmul.f32 s13, v9;
	v63 =	vmul.f32 s17, v21  }
0x3b5: {  	v0 =	vmul.f32 s24, v0;
	v15 =	vmul.f32 s23, v15;
	v5 =	vadd.f32 v5, v33  }
0x3b6: {  	v8 =	vmul.f32 s10, v8;
	v11 =	vadd.f32 v11, v35;
	v2 =	vadd.f32 v2, v30  }
0x3b7: {  	v46 =	vmul.f32 s23, v10;
	v9 =	vadd.f32 v43, v9;
	v35 =	vadd.f32 v44, v42  }
0x3b8: {  	v48 =	vmul.f32 s17, v12;
	v42 =	vadd.f32 v51, v52;
	v0 =	vadd.f32 v39, v0  }
0x3b9: {  	v49 =	vmul.f32 s20, v16;
	v2 =	vadd.f32 v2, v37;
	v9 =	vadd.f32 v9, v50  }
0x3ba: {  	v53 =	vmul.f32 s19, v13;
	v29 =	vadd.f32 v35, v41;
	v5 =	vadd.f32 v5, v45  }
0x3bb: {  	v54 =	vmul.f32 s9, v23;
	v8 =	vadd.f32 v11, v8;
	v0 =	vadd.f32 v0, v47  }
0x3bc: {  	v55 =	vmul.f32 s28, v23;
	v51 =	vadd.f32 v42, v63;
	v2 =	vadd.f32 v2, v15  }
0x3bd: {  	v59 =	vmul.f32 s28, v24;
	v4 =	vadd.f32 v5, v4;
	v9 =	vadd.f32 v9, v62  }
0x3be: {  	v43 =	vmul.f32 s20, v22;
	v3 =	vadd.f32 v29, v3;
	v0 =	vadd.f32 v0, v14  }
0x3bf: {  	v33 =	vmul.f32 s9, v24;
	v5 =	vadd.f32 v8, v46;
	v7 =	vadd.f32 v51, v7  }
0x3c0: {  	v44 =	vmul.f32 s19, v25;
	v2 =	vadd.f32 v2, v43;
	v4 =	vadd.f32 v4, v61  }
0x3c1: {  	v45 =	vmul.f32 s19, v26;
	v6 =	vadd.f32 v9, v6;
	v0 =	vadd.f32 v0, v48  }
0x3c2: {  	v52 =	vmul.f32 s19, v20;
	v3 =	vadd.f32 v3, v36;
	v5 =	vadd.f32 v5, v49  }
0x3c3: {  	v47 =	vmul.f32 s9, v27;
	v60 =	vadd.f32 v7, v31;
	v2 =	vadd.f32 v2, v45  }
0x3c4: {  	v50 =	vmul.f32 s9, v19;
	v1 =	vadd.f32 v6, v1;
	v4 =	vadd.f32 v4, v44  }
0x3c5: {  	v6 =	vadd.f32 v40, v53;
	v61 =	vmax.f32 v60, $0.0e+00;
	v2 =	vadd.f32 v2, v47  }
0x3c6: {  	v0 =	vadd.f32 v0, v34;
	[tilespmem:s25+$0x18F50] =	vst v61;
	v4 =	vadd.f32 v4, v50;
	v1 =	vmax.f32 v1, $0.0e+00  }
0x3c7: {  	v58 =	vadd.f32 v5, v52;
	v57 =	vadd.f32 v6, v54;
	[tilespmem:s25+$0x18F70] =	vst v1;
	v2 =	vmax.f32 v2, $0.0e+00  }
0x3c8: {  	v56 =	vadd.f32 v3, v38;
	v0 =	vadd.f32 v0, v55;
	v4 =	vmax.f32 v4, $0.0e+00;
	[tilespmem:s25+$0x18EF0] =	vst v2  }
0x3c9: {  	v1 =	vadd.f32 v58, v33;
	v3 =	vmax.f32 v57, $0.0e+00;
	[tilespmem:s25+$0x18ED0] =	vst v4  }
0x3ca: {  	v0 =	vmax.f32 v0, $0.0e+00;
	[tilespmem:s25+$0x18EE0] =	vst v3;
	v2 =	vadd.f32 v56, v59  }
0x3cb: {  	[tilespmem:s25+$0x18F60] =	vst v0;
	v62 =	vmax.f32 v1, $0.0e+00  }
0x3cc: {  	[tilespmem:s25+$0x18F00] =	vst v62;
	v63 =	vmax.f32 v2, $0.0e+00  }
0x3cd: {  	s0 =	simm.s32 $0x18F80;
	s9 =	simm.s32 $0x13980;
	[tilespmem:s25+$0x18F80] =	vst v63  }
0x3ce: {  	[spmem:s21] =	stream.indirect.scatter.add.f32 [tilespmem:s0], [sflag:$0x6], $0x80, s9, s11, $0xb8;
	[tilespmem:$0x1E380] =	vst v63  }
0x3cf: {  	_ =	swait.ge [sflag:s30], $0x2800  }
0x3d0: {  	[sflag:s30] =	ssyncset.done $0x0  }
0x3d1: {  	[sflag:s30] =	ssyncadd.s32 $0xFFFFD800  }
0x3d2: {  	[bflag:$0x0] =	sbarrier.arrive $0xFFFF  }
0x3d3: {  	s25 =	rddreg [dreg:$0xe]  }
0x3d4: {  	s1 =	rddreg [dreg:$0x18]  }
0x3d5: {  	s26 =	rddreg [dreg:$0x19]  }
0x3d6: {  	[hbm:s25], [sflag:s1] =	dma.local [spmem:s26], $0x2700  }
0x3d7: {  	_ =	swait.ge [sflag:s30], $0x2700  }
0x3d8: {  	[sflag:s30] =	ssyncset.done $0x0;
	s0 =	rddreg [dreg:$0xf]  }
0x3d9: {  	s10 =	rddreg [dreg:$0x1a];
	[sflag:s30] =	ssyncadd.s32 $0xFFFFD900  }
0x3da: {  	[hbm:s0], [sflag:s1] =	dma.local @!p0 [spmem:s10], $0x100  }
0x3db: {  	s0 =	simm.s32 @!p0 $0x6  }
0x3dc: {  	_ =	swait.ge @!p0 [sflag:s0], $0x100  }
0x3dd: {  	s28 =	rddreg [dreg:$0x17]  }
0x3de: {  	s29 =	rddreg [dreg:$0x15];
	s13 =	sadd.s32 $0x1, s28  }
0x3df: {  	p1 =	sne.s32 s13, s29  }
.Ltmp8:
0x3e0: {  	_ = 	snop;
	(pc) =	sbr.rel @p1 .LBB2_1-.Ltmp8, $3  }
0x3e1: {  	_ =	sdelay $0x1  }
0x3e2: {  	[sflag:s0] =	ssyncset.done @!p0 $0x0  }
0x3e3: {  	s10 =	simm.s32 $0x13900;
	[sflag:s0] =	ssyncadd.s32 @!p0 $0xFFFFFF00  }
0x3e4: {  	_ =	sfence.sel $0x180000  }
0x3e5: {  	[bflag:$0x0] =	sbarrier.arrive $0xFFFF  }
0x3e6: {  	_ =	strace $0x90000047  }
0x3e7: {  	[bflag:$0x2] =	sbarrier.arrive $0xFFFF  }
0x3e8: {  	s0 =	rddreg [dreg:$0x3]  }
0x3e9: {  	s0 =	sadd.s32 @!p0 $0x100000, s0  }
0x3ea: {  	[sflag:s0] =	ssyncadd.tile.s32 @!p0 $0x1;
	_ =	shalt  }
.Lfunc_end2:
_tile_overlayer_lowered:
.L_overlay_start_2:
0x3eb: {  	(tag) =	ssettag $0x2  }
0x3ec: {  	s0 =	rddreg [dreg:$0x0];
	s2 =	stileid.u32  }
0x3ed: {  	s1 =	rddreg [dreg:$0x1];
	p0 =	sne.s32 s2, $0x0  }
0x3ee: {  	s3 =	rddreg [dreg:$0x2];
	[bflag:$0x3] =	sbarrier.arrive $0xFFFF;
	s2 =	simm.s32 @!p0 $0x1C06  }
0x3ef: {  	[timem:s3], [sflag:s2] =	dma.local @!p0 [hbm:s0], s1  }
0x3f0: {  	s0 =	simm.s32 @!p0 $0x6  }
0x3f1: {  	_ =	swait.ge @!p0 [sflag:s0], s1  }
0x3f2: {  	s1 =	ssub.s32 @!p0 $0x0, s1;
	[sflag:s0] =	ssyncset.done @!p0 $0x0  }
0x3f3: {  	[sflag:s0] =	ssyncadd.s32 @!p0 s1  }
0x3f4: {  	[bflag:$0x3] =	sbarrier.arrive $0xFFFF  }
0x3f5: {  	_ =	shalt  }

</sc_bundles>
